<compile_context>
chip_gen: v7x
topology: tpu7x:2x2x1
jax: 0.10.2.dev20260603
libtpu: 0.0.44.dev20260713+nightly
codegen_flags: <defaults>
</compile_context>

<pallas_src>
import functools

import jax
import jax.numpy as jnp
from jax import lax
from jax.experimental import pallas as pl
from jax.experimental.pallas import tpu as pltpu
from jax.experimental.pallas import tpu_sc as plsc

N = 10000
E = 320000
NP = 10240
NC = 2
NS = 16
NW = NC * NS
EPT = E // NW
CH = 80
TCH = EPT // CH
RPT = NP // NS

_f32 = jnp.float32
_i32 = jnp.int32



def _sc_mesh():
    return plsc.VectorSubcoreMesh(core_axis_name="c", subcore_axis_name="s")


DW = 16


def _make_count():
    @functools.partial(
        pl.kernel,
        out_type=[jax.ShapeDtypeStruct((NC, NP, DW), _f32),
                  jax.ShapeDtypeStruct((NC, NP, DW), _f32)],
        mesh=_sc_mesh(),
        scratch_types=[
            pltpu.VMEM((TCH, CH), _i32),
            pltpu.VMEM((TCH, CH), _i32),
            pltpu.VMEM((CH, DW), _f32),
            pltpu.VMEM((RPT, DW), _f32),
            pltpu.VMEM_SHARED((NP, DW), _f32),
            pltpu.VMEM_SHARED((NP, DW), _f32),
        ],
        compiler_params=pltpu.CompilerParams(use_tc_tiling_on_sc=False),
    )
    def cnt(srcs, dsts, ones_h, zeros_h, out_s, out_d,
            src_v, dst_v, ones_v, zv, acc_s, acc_d):
        c = lax.axis_index("c")
        s = lax.axis_index("s")
        w = c * NS + s
        pltpu.sync_copy(srcs.at[w], src_v)
        pltpu.sync_copy(dsts.at[w], dst_v)
        pltpu.sync_copy(ones_h, ones_v)
        pltpu.sync_copy(zeros_h, zv)
        pltpu.sync_copy(zv, acc_s.at[pl.ds(s * RPT, RPT)])
        pltpu.sync_copy(zv, acc_d.at[pl.ds(s * RPT, RPT)])
        plsc.subcore_barrier()

        def body(j, carry):
            pltpu.sync_copy(ones_v, acc_s.at[src_v.at[j]], add=True)
            pltpu.sync_copy(ones_v, acc_d.at[dst_v.at[j]], add=True)
            return carry

        lax.fori_loop(0, TCH, body, 0)
        plsc.subcore_barrier()
        pltpu.sync_copy(acc_s.at[pl.ds(s * RPT, RPT)],
                        out_s.at[c, pl.ds(s * RPT, RPT)])
        pltpu.sync_copy(acc_d.at[pl.ds(s * RPT, RPT)],
                        out_d.at[c, pl.ds(s * RPT, RPT)])

    return cnt


def _make_propagate(width, depth):
    rem = TCH % depth

    @functools.partial(
        pl.kernel,
        out_type=jax.ShapeDtypeStruct((NC, NP, width), _f32),
        mesh=_sc_mesh(),
        scratch_types=[
            pltpu.VMEM((depth, CH, width), _f32),
            pltpu.VMEM((TCH, CH), _i32),
            pltpu.VMEM((TCH, CH), _i32),
            pltpu.VMEM_SHARED((NP, width), _f32),
        ] + [pltpu.SemaphoreType.DMA] * (2 * depth),
        compiler_params=pltpu.CompilerParams(use_tc_tiling_on_sc=False),
    )
    def prop(table, srcs, dsts, zrows, out, rows_v, src_v, dst_v, acc,
             *sems):
        c = lax.axis_index("c")
        s = lax.axis_index("s")
        w = c * NS + s
        pltpu.sync_copy(srcs.at[w], src_v)
        pltpu.sync_copy(dsts.at[w], dst_v)
        pltpu.sync_copy(zrows.at[pl.ds(0, CH)], rows_v.at[0])
        for t in range(RPT // CH):
            pltpu.sync_copy(rows_v.at[0],
                            acc.at[pl.ds(s * RPT + t * CH, CH)])
        plsc.subcore_barrier()

        def body(i, carry):
            j = i * depth
            for t in range(depth):
                @pl.when(i > 0)
                def _drain(t=t):
                    pltpu.make_async_copy(
                        rows_v.at[t], acc.at[dst_v.at[j - depth + t]],
                        sems[depth + t]).wait()
            gh = [pltpu.async_copy(table.at[src_v.at[j + t]], rows_v.at[t],
                                   sems[t])
                  for t in range(depth)]
            for t in range(depth):
                gh[t].wait()
                pltpu.async_copy(rows_v.at[t], acc.at[dst_v.at[j + t]],
                                 sems[depth + t], add=True)
            return carry

        nit = TCH // depth
        lax.fori_loop(0, nit, body, 0)
        for t in range(depth):
            pltpu.make_async_copy(
                rows_v.at[t], acc.at[dst_v.at[(nit - 1) * depth + t]],
                sems[depth + t]).wait()
        for r in range(rem):
            j = TCH - rem + r
            pltpu.async_copy(table.at[src_v.at[j]], rows_v.at[0],
                             sems[0]).wait()
            pltpu.sync_copy(rows_v.at[0], acc.at[dst_v.at[j]], add=True)
        plsc.subcore_barrier()
        pltpu.sync_copy(acc.at[pl.ds(s * RPT, RPT)],
                        out.at[c, pl.ds(s * RPT, RPT)])

    return prop


def _make_propagate2(width, depth):
    rem = TCH % depth

    @functools.partial(
        pl.kernel,
        out_type=[jax.ShapeDtypeStruct((NC, NP, width), _f32),
                  jax.ShapeDtypeStruct((NC, NP, width), _f32)],
        mesh=_sc_mesh(),
        scratch_types=[
            pltpu.VMEM((depth, CH, width), _f32),
            pltpu.VMEM((TCH, CH), _i32),
            pltpu.VMEM((TCH, CH), _i32),
            pltpu.VMEM_SHARED((NP, width), _f32),
        ] + [pltpu.SemaphoreType.DMA] * (2 * depth),
        compiler_params=pltpu.CompilerParams(use_tc_tiling_on_sc=False),
    )
    def prop2(ta, tb, srcs, dsts, zrows, out_a, out_b,
              rows_v, src_v, dst_v, acc, *sems):
        c = lax.axis_index("c")
        s = lax.axis_index("s")
        w = c * NS + s
        pltpu.sync_copy(srcs.at[w], src_v)
        pltpu.sync_copy(dsts.at[w], dst_v)

        def zero_acc():
            pltpu.sync_copy(zrows.at[pl.ds(0, CH)], rows_v.at[0])
            for t in range(RPT // CH):
                pltpu.sync_copy(rows_v.at[0],
                                acc.at[pl.ds(s * RPT + t * CH, CH)])

        def one_pass(table, out):
            def body(i, carry):
                j = i * depth
                for t in range(depth):
                    @pl.when(i > 0)
                    def _drain(t=t):
                        pltpu.make_async_copy(
                            rows_v.at[t], acc.at[dst_v.at[j - depth + t]],
                            sems[depth + t]).wait()
                gh = [pltpu.async_copy(table.at[src_v.at[j + t]],
                                       rows_v.at[t], sems[t])
                      for t in range(depth)]
                for t in range(depth):
                    gh[t].wait()
                    pltpu.async_copy(rows_v.at[t], acc.at[dst_v.at[j + t]],
                                     sems[depth + t], add=True)
                return carry

            nit = TCH // depth
            lax.fori_loop(0, nit, body, 0)
            for t in range(depth):
                pltpu.make_async_copy(
                    rows_v.at[t], acc.at[dst_v.at[(nit - 1) * depth + t]],
                    sems[depth + t]).wait()
            for r in range(rem):
                j = TCH - rem + r
                pltpu.async_copy(table.at[src_v.at[j]], rows_v.at[0],
                                 sems[0]).wait()
                pltpu.sync_copy(rows_v.at[0], acc.at[dst_v.at[j]], add=True)
            plsc.subcore_barrier()
            pltpu.sync_copy(acc.at[pl.ds(s * RPT, RPT)],
                            out.at[c, pl.ds(s * RPT, RPT)])

        zero_acc()
        plsc.subcore_barrier()
        one_pass(ta, out_a)
        plsc.subcore_barrier()
        zero_acc()
        plsc.subcore_barrier()
        one_pass(tb, out_b)

    return prop2



_R = 512
_G = NP // _R


def _ln(r):
    mu = jnp.mean(r, axis=1, keepdims=True)
    var = jnp.mean((r - mu) ** 2, axis=1, keepdims=True)
    return (r - mu) * lax.rsqrt(var + 1e-5)


def _row_spec(width):
    return pl.BlockSpec((_R, width), lambda i: (i, 0))


def _pair_spec(width):
    return pl.BlockSpec((NC, _R, width), lambda i: (0, i, 0))


def _full_spec(shape):
    return pl.BlockSpec(shape, lambda i: tuple(0 for _ in shape))


def _dn(cnt_ref):
    deg = jnp.maximum(cnt_ref[0] + cnt_ref[1], 1.0)
    return lax.rsqrt(deg[:, 0:1])


def _tc_scale(x, cs):
    def body(x_ref, cs_ref, o_ref):
        o_ref[...] = x_ref[...] * _dn(cs_ref)

    return pl.pallas_call(
        body,
        grid=(_G,),
        in_specs=[_row_spec(128), _pair_spec(DW)],
        out_specs=_row_spec(128),
        out_shape=jax.ShapeDtypeStruct((NP, 128), _f32),
    )(x, cs)


def _tc_layer1(p1, cs, cd, W1, b1):
    def body(p_ref, cs_ref, cd_ref, w_ref, b_ref, oa, ob):
        agg = (p_ref[0] + p_ref[1]) * _dn(cd_ref)
        t = jnp.dot(agg, w_ref[...], preferred_element_type=_f32)
        t = t + b_ref[0:1, :]
        h = _ln(jnp.maximum(t, 0.0))
        dob = _dn(cs_ref)
        oa[...] = h[:, :128] * dob
        ob[...] = h[:, 128:] * dob

    return pl.pallas_call(
        body,
        grid=(_G,),
        in_specs=[_pair_spec(128), _pair_spec(DW), _pair_spec(DW),
                  _full_spec((128, 256)), _full_spec((8, 256))],
        out_specs=[_row_spec(128), _row_spec(128)],
        out_shape=[jax.ShapeDtypeStruct((NP, 128), _f32),
                   jax.ShapeDtypeStruct((NP, 128), _f32)],
    )(p1, cs, cd, W1, b1)


def _tc_layer2(pa, pb, cs, cd, W2, b2, W3):
    def body(pa_ref, pb_ref, cs_ref, cd_ref, w2_ref, bias_ref, w3_ref, og):
        dib = _dn(cd_ref)
        agg_lo = (pa_ref[0] + pa_ref[1]) * dib
        agg_hi = (pb_ref[0] + pb_ref[1]) * dib
        t = (jnp.dot(agg_lo, w2_ref[:128, :], preferred_element_type=_f32)
             + jnp.dot(agg_hi, w2_ref[128:, :], preferred_element_type=_f32))
        t = t + bias_ref[0:1, :]
        h = _ln(jnp.maximum(t, 0.0))
        dob = _dn(cs_ref)
        hs_lo = h[:, :128] * dob
        hs_hi = h[:, 128:] * dob
        og[...] = (jnp.dot(hs_lo, w3_ref[:128, :], preferred_element_type=_f32)
                   + jnp.dot(hs_hi, w3_ref[128:, :],
                             preferred_element_type=_f32))

    return pl.pallas_call(
        body,
        grid=(_G,),
        in_specs=[_pair_spec(128), _pair_spec(128), _pair_spec(DW),
                  _pair_spec(DW), _full_spec((256, 256)),
                  _full_spec((8, 256)), _full_spec((256, 64))],
        out_specs=_row_spec(64),
        out_shape=jax.ShapeDtypeStruct((NP, 64), _f32),
    )(pa, pb, cs, cd, W2, b2, W3)


def _tc_layer3(q, cd, b3):
    def body(q_ref, cd_ref, bias_ref, oy):
        agg = (q_ref[0] + q_ref[1]) * _dn(cd_ref)
        t = agg + bias_ref[0:1, :]
        oy[...] = _ln(jnp.maximum(t, 0.0))

    return pl.pallas_call(
        body,
        grid=(_G,),
        in_specs=[_pair_spec(64), _pair_spec(DW), _full_spec((8, 64))],
        out_specs=_row_spec(64),
        out_shape=jax.ShapeDtypeStruct((NP, 64), _f32),
    )(q, cd, b3)



def kernel(features, edge_index, W1, b1, W2, b2, W3, b3):
    src = edge_index[0].astype(_i32).reshape(NW, TCH, CH)
    dst = edge_index[1].astype(_i32).reshape(NW, TCH, CH)

    feats_p = jnp.pad(features, ((0, NP - N), (0, 0)))
    ones_h = jnp.ones((CH, DW), _f32)
    zeros_dw = jnp.zeros((RPT, DW), _f32)
    zeros_128 = jnp.zeros((128, 128), _f32)
    zeros_64 = jnp.zeros((128, 64), _f32)

    b1_p = jnp.broadcast_to(b1[None, :], (8, 256))
    b2_p = jnp.broadcast_to(b2[None, :], (8, 256))
    b3_p = jnp.broadcast_to(b3[None, :], (8, 64))

    prop128 = _make_propagate(128, 2)
    prop2x128 = _make_propagate2(128, 2)
    prop64 = _make_propagate(64, 5)

    cs, cd = _make_count()(src, dst, ones_h, zeros_dw)

    h0s = _tc_scale(feats_p, cs)
    p1 = prop128(h0s, src, dst, zeros_128)
    h1a, h1b = _tc_layer1(p1, cs, cd, W1, b1_p)

    pa, pb = prop2x128(h1a, h1b, src, dst, zeros_128)
    g = _tc_layer2(pa, pb, cs, cd, W2, b2_p, W3)

    q = prop64(g, src, dst, zeros_64)
    y = _tc_layer3(q, cd, b3_p)
    return y[:N]

# --- scband reference (transcript-rebuilt; emitter-appended) ---
"""Pipeline reference for scband-graph-gcn-25108378812488 (READ-ONLY COPY).

The authoritative reference and input builder live on the scoring server;
editing this copy changes nothing except your own understanding.
"""

import jax, jax.numpy as jnp
import numpy as np

N = 10000
E = 320000
IN_FEATS = 128
N_HIDDEN = 256
N_CLASSES = 64


def setup_inputs(seed: int = 0) -> dict:
    key = jax.random.key(seed)
    ks = jax.random.split(key, 10)
    features = jax.random.normal(ks[0], (N, IN_FEATS), dtype=jnp.float32)
    edge_index = jax.random.randint(ks[1], (2, E), 0, N, dtype=jnp.int64)
    # Glorot-ish init for GraphConv weights
    W1 = jax.random.normal(ks[2], (IN_FEATS, N_HIDDEN), dtype=jnp.float32) * (1.0 / np.sqrt(IN_FEATS))
    b1 = jnp.zeros((N_HIDDEN,), dtype=jnp.float32)
    W2 = jax.random.normal(ks[3], (N_HIDDEN, N_HIDDEN), dtype=jnp.float32) * (1.0 / np.sqrt(N_HIDDEN))
    b2 = jnp.zeros((N_HIDDEN,), dtype=jnp.float32)
    W3 = jax.random.normal(ks[4], (N_HIDDEN, N_CLASSES), dtype=jnp.float32) * (1.0 / np.sqrt(N_HIDDEN))
    b3 = jnp.zeros((N_CLASSES,), dtype=jnp.float32)
    return {"features": features, "edge_index": edge_index, "W1": W1, "b1": b1, "W2": W2, "b2": b2, "W3": W3, "b3": b3}


def _graph_conv(x, src, dst, deg_out_norm, deg_in_norm, W, b):
    # DGL GraphConv with norm='both': D_dst^{-1/2} A D_src^{-1/2} X W + b, then relu
    h = x * deg_out_norm[:, None]
    msgs = jnp.take(h, src, axis=0)
    agg = jax.ops.segment_sum(msgs, dst, num_segments=N)
    agg = agg * deg_in_norm[:, None]
    out = agg @ W + b
    return jax.nn.relu(out)


def _layer_norm(h):
    mu = jnp.mean(h, axis=-1, keepdims=True)
    var = jnp.var(h, axis=-1, keepdims=True)
    return (h - mu) / jnp.sqrt(var + 1e-5)


def reference(features, edge_index, W1, b1, W2, b2, W3, b3):
    src = edge_index[0]
    dst = edge_index[1]
    deg_out = jnp.clip(jnp.bincount(src, length=N).astype(jnp.float32), 1.0, None)
    deg_in = jnp.clip(jnp.bincount(dst, length=N).astype(jnp.float32), 1.0, None)
    deg_out_norm = deg_out ** -0.5
    deg_in_norm = deg_in ** -0.5
    h = features
    h = _layer_norm(_graph_conv(h, src, dst, deg_out_norm, deg_in_norm, W1, b1))
    h = _layer_norm(_graph_conv(h, src, dst, deg_out_norm, deg_in_norm, W2, b2))
    h = _layer_norm(_graph_conv(h, src, dst, deg_out_norm, deg_in_norm, W3, b3))
    return h

if __name__ == "__main__":
    import jax
    _d = setup_inputs()
    print(jax.jit(kernel)(*tuple(_d.values())))

</pallas_src>

<mosaic_0001>
#map = affine_map<(d0, d1) -> (0, 0)>
#map1 = affine_map<(d0, d1) -> (0, 0, 0)>
module attributes {stable_mosaic.version = 14 : i64} {
  func.func @prop2(%arg0: i32, %arg1: i32, %arg2: memref<10240x128xf32, #tpu.memory_space<hbm>>, %arg3: memref<10240x128xf32, #tpu.memory_space<hbm>>, %arg4: memref<32x125x80xi32, #tpu.memory_space<hbm>>, %arg5: memref<32x125x80xi32, #tpu.memory_space<hbm>>, %arg6: memref<128x128xf32, #tpu.memory_space<hbm>>, %arg7: memref<2x10240x128xf32, #tpu.memory_space<hbm>>, %arg8: memref<2x10240x128xf32, #tpu.memory_space<hbm>>, %arg9: memref<2x80x128xf32, #tpu.memory_space<vmem>>, %arg10: memref<125x80xi32, #tpu.memory_space<vmem>>, %arg11: memref<125x80xi32, #tpu.memory_space<vmem>>, %arg12: memref<10240x128xf32, #tpu.memory_space<vmem_shared>>, %arg13: memref<!tpu.dma_semaphore, #tpu.memory_space<semaphore_mem>>, %arg14: memref<!tpu.dma_semaphore, #tpu.memory_space<semaphore_mem>>, %arg15: memref<!tpu.dma_semaphore, #tpu.memory_space<semaphore_mem>>, %arg16: memref<!tpu.dma_semaphore, #tpu.memory_space<semaphore_mem>>) attributes {dimension_semantics = [#tpu.dimension_semantics<core_parallel>, #tpu.dimension_semantics<subcore_parallel>], iteration_bounds = array<i64: 2, 16>, scalar_prefetch = 0 : i64, scratch_operands = 8 : i64, tpu.core_type = #tpu.core_type<sc_vector_subcore>, window_params = [{transform_indices = #map}, {transform_indices = #map}, {transform_indices = #map1}, {transform_indices = #map1}, {transform_indices = #map}, {transform_indices = #map1}, {transform_indices = #map1}]} {
    %mul3A = arith.constant 16 : i32
    %mul3A_0 = arith.muli %arg0, %mul3A : i32
    %add3A = arith.addi %mul3A_0, %arg1 : i32
    "tpu.region"() ({
      %run_scoped3A_203 = tpu.sem_alloc : memref<!tpu.dma_semaphore, #tpu.memory_space<semaphore_mem>>
      %dma_start3A_204 = arith.constant 0 : i32
      %dma_start3A_205 = arith.constant 0 : i32
      %dma_start3A_206 = tpu.memref_slice %arg4[%add3A, %dma_start3A_204, %dma_start3A_205] : memref<32x125x80xi32, #tpu.memory_space<hbm>> -> memref<1x125x80xi32, #tpu.memory_space<hbm>>
      %dma_start3A_207 = tpu.memref_squeeze %dma_start3A_206 : memref<1x125x80xi32, #tpu.memory_space<hbm>> -> memref<125x80xi32, #tpu.memory_space<hbm>>
      %dma_start3A_208 = arith.constant 0 : i32
      %dma_start3A_209 = arith.constant 0 : i32
      %dma_start3A_210 = tpu.memref_slice %arg4[%add3A, %dma_start3A_208, %dma_start3A_209] : memref<32x125x80xi32, #tpu.memory_space<hbm>> -> memref<1x125x80xi32, #tpu.memory_space<hbm>>
      %dma_start3A_211 = tpu.memref_squeeze %dma_start3A_210 : memref<1x125x80xi32, #tpu.memory_space<hbm>> -> memref<125x80xi32, #tpu.memory_space<hbm>>
      tpu.enqueue_dma source(%dma_start3A_211 : memref<125x80xi32, #tpu.memory_space<hbm>>) target(%arg10 : memref<125x80xi32, #tpu.memory_space<vmem>>) target_semaphore(%run_scoped3A_203 : memref<!tpu.dma_semaphore, #tpu.memory_space<semaphore_mem>>)
      %dma_wait3A_212 = arith.constant 0 : i32
      %dma_wait3A_213 = arith.constant 0 : i32
      %dma_wait3A_214 = tpu.memref_slice %arg4[%add3A, %dma_wait3A_212, %dma_wait3A_213] : memref<32x125x80xi32, #tpu.memory_space<hbm>> -> memref<1x125x80xi32, #tpu.memory_space<hbm>>
      %dma_wait3A_215 = tpu.memref_squeeze %dma_wait3A_214 : memref<1x125x80xi32, #tpu.memory_space<hbm>> -> memref<125x80xi32, #tpu.memory_space<hbm>>
      %dma_wait3A_216 = arith.constant 0 : i32
      %dma_wait3A_217 = arith.constant 0 : i32
      %dma_wait3A_218 = tpu.memref_slice %arg4[%add3A, %dma_wait3A_216, %dma_wait3A_217] : memref<32x125x80xi32, #tpu.memory_space<hbm>> -> memref<1x125x80xi32, #tpu.memory_space<hbm>>
      %dma_wait3A_219 = tpu.memref_squeeze %dma_wait3A_218 : memref<1x125x80xi32, #tpu.memory_space<hbm>> -> memref<125x80xi32, #tpu.memory_space<hbm>>
      tpu.wait_dma2 semaphore(%run_scoped3A_203 : memref<!tpu.dma_semaphore, #tpu.memory_space<semaphore_mem>>) src(%dma_wait3A_219 : memref<125x80xi32, #tpu.memory_space<hbm>>) dst(%arg10 : memref<125x80xi32, #tpu.memory_space<vmem>>)
      tpu.yield
    }) : () -> ()
    "tpu.region"() ({
      %run_scoped3A_203 = tpu.sem_alloc : memref<!tpu.dma_semaphore, #tpu.memory_space<semaphore_mem>>
      %dma_start3A_204 = arith.constant 0 : i32
      %dma_start3A_205 = arith.constant 0 : i32
      %dma_start3A_206 = tpu.memref_slice %arg5[%add3A, %dma_start3A_204, %dma_start3A_205] : memref<32x125x80xi32, #tpu.memory_space<hbm>> -> memref<1x125x80xi32, #tpu.memory_space<hbm>>
      %dma_start3A_207 = tpu.memref_squeeze %dma_start3A_206 : memref<1x125x80xi32, #tpu.memory_space<hbm>> -> memref<125x80xi32, #tpu.memory_space<hbm>>
      %dma_start3A_208 = arith.constant 0 : i32
      %dma_start3A_209 = arith.constant 0 : i32
      %dma_start3A_210 = tpu.memref_slice %arg5[%add3A, %dma_start3A_208, %dma_start3A_209] : memref<32x125x80xi32, #tpu.memory_space<hbm>> -> memref<1x125x80xi32, #tpu.memory_space<hbm>>
      %dma_start3A_211 = tpu.memref_squeeze %dma_start3A_210 : memref<1x125x80xi32, #tpu.memory_space<hbm>> -> memref<125x80xi32, #tpu.memory_space<hbm>>
      tpu.enqueue_dma source(%dma_start3A_211 : memref<125x80xi32, #tpu.memory_space<hbm>>) target(%arg11 : memref<125x80xi32, #tpu.memory_space<vmem>>) target_semaphore(%run_scoped3A_203 : memref<!tpu.dma_semaphore, #tpu.memory_space<semaphore_mem>>)
      %dma_wait3A_212 = arith.constant 0 : i32
      %dma_wait3A_213 = arith.constant 0 : i32
      %dma_wait3A_214 = tpu.memref_slice %arg5[%add3A, %dma_wait3A_212, %dma_wait3A_213] : memref<32x125x80xi32, #tpu.memory_space<hbm>> -> memref<1x125x80xi32, #tpu.memory_space<hbm>>
      %dma_wait3A_215 = tpu.memref_squeeze %dma_wait3A_214 : memref<1x125x80xi32, #tpu.memory_space<hbm>> -> memref<125x80xi32, #tpu.memory_space<hbm>>
      %dma_wait3A_216 = arith.constant 0 : i32
      %dma_wait3A_217 = arith.constant 0 : i32
      %dma_wait3A_218 = tpu.memref_slice %arg5[%add3A, %dma_wait3A_216, %dma_wait3A_217] : memref<32x125x80xi32, #tpu.memory_space<hbm>> -> memref<1x125x80xi32, #tpu.memory_space<hbm>>
      %dma_wait3A_219 = tpu.memref_squeeze %dma_wait3A_218 : memref<1x125x80xi32, #tpu.memory_space<hbm>> -> memref<125x80xi32, #tpu.memory_space<hbm>>
      tpu.wait_dma2 semaphore(%run_scoped3A_203 : memref<!tpu.dma_semaphore, #tpu.memory_space<semaphore_mem>>) src(%dma_wait3A_219 : memref<125x80xi32, #tpu.memory_space<hbm>>) dst(%arg11 : memref<125x80xi32, #tpu.memory_space<vmem>>)
      tpu.yield
    }) : () -> ()
    %run_scoped3A = arith.constant 0 : i32
    "tpu.region"() ({
      %run_scoped3A_203 = tpu.sem_alloc : memref<!tpu.dma_semaphore, #tpu.memory_space<semaphore_mem>>
      %dma_start3A_204 = arith.constant 0 : i32
      %dma_start3A_205 = arith.constant 0 : i32
      %dma_start3A_206 = tpu.memref_slice %arg9[%run_scoped3A, %dma_start3A_204, %dma_start3A_205] : memref<2x80x128xf32, #tpu.memory_space<vmem>> -> memref<1x80x128xf32, #tpu.memory_space<vmem>>
      %dma_start3A_207 = tpu.memref_squeeze %dma_start3A_206 : memref<1x80x128xf32, #tpu.memory_space<vmem>> -> memref<80x128xf32, #tpu.memory_space<vmem>>
      %dma_start3A_208 = arith.constant 0 : i32
      %dma_start3A_209 = arith.constant 0 : i32
      %dma_start3A_210 = tpu.memref_slice %arg6[%dma_start3A_208, %dma_start3A_209] : memref<128x128xf32, #tpu.memory_space<hbm>> -> memref<80x128xf32, #tpu.memory_space<hbm>>
      %dma_start3A_211 = arith.constant 0 : i32
      %dma_start3A_212 = arith.constant 0 : i32
      %dma_start3A_213 = tpu.memref_slice %arg9[%run_scoped3A, %dma_start3A_211, %dma_start3A_212] : memref<2x80x128xf32, #tpu.memory_space<vmem>> -> memref<1x80x128xf32, #tpu.memory_space<vmem>>
      %dma_start3A_214 = tpu.memref_squeeze %dma_start3A_213 : memref<1x80x128xf32, #tpu.memory_space<vmem>> -> memref<80x128xf32, #tpu.memory_space<vmem>>
      %dma_start3A_215 = arith.constant 0 : i32
      %dma_start3A_216 = arith.constant 0 : i32
      %dma_start3A_217 = tpu.memref_slice %arg6[%dma_start3A_215, %dma_start3A_216] : memref<128x128xf32, #tpu.memory_space<hbm>> -> memref<80x128xf32, #tpu.memory_space<hbm>>
      tpu.enqueue_dma source(%dma_start3A_217 : memref<80x128xf32, #tpu.memory_space<hbm>>) target(%dma_start3A_214 : memref<80x128xf32, #tpu.memory_space<vmem>>) target_semaphore(%run_scoped3A_203 : memref<!tpu.dma_semaphore, #tpu.memory_space<semaphore_mem>>)
      %dma_wait3A_218 = arith.constant 0 : i32
      %dma_wait3A_219 = arith.constant 0 : i32
      %dma_wait3A_220 = tpu.memref_slice %arg9[%run_scoped3A, %dma_wait3A_218, %dma_wait3A_219] : memref<2x80x128xf32, #tpu.memory_space<vmem>> -> memref<1x80x128xf32, #tpu.memory_space<vmem>>
      %dma_wait3A_221 = tpu.memref_squeeze %dma_wait3A_220 : memref<1x80x128xf32, #tpu.memory_space<vmem>> -> memref<80x128xf32, #tpu.memory_space<vmem>>
      %dma_wait3A_222 = arith.constant 0 : i32
      %dma_wait3A_223 = arith.constant 0 : i32
      %dma_wait3A_224 = tpu.memref_slice %arg6[%dma_wait3A_222, %dma_wait3A_223] : memref<128x128xf32, #tpu.memory_space<hbm>> -> memref<80x128xf32, #tpu.memory_space<hbm>>
      %dma_wait3A_225 = arith.constant 0 : i32
      %dma_wait3A_226 = arith.constant 0 : i32
      %dma_wait3A_227 = tpu.memref_slice %arg9[%run_scoped3A, %dma_wait3A_225, %dma_wait3A_226] : memref<2x80x128xf32, #tpu.memory_space<vmem>> -> memref<1x80x128xf32, #tpu.memory_space<vmem>>
      %dma_wait3A_228 = tpu.memref_squeeze %dma_wait3A_227 : memref<1x80x128xf32, #tpu.memory_space<vmem>> -> memref<80x128xf32, #tpu.memory_space<vmem>>
      %dma_wait3A_229 = arith.constant 0 : i32
      %dma_wait3A_230 = arith.constant 0 : i32
      %dma_wait3A_231 = tpu.memref_slice %arg6[%dma_wait3A_229, %dma_wait3A_230] : memref<128x128xf32, #tpu.memory_space<hbm>> -> memref<80x128xf32, #tpu.memory_space<hbm>>
      tpu.wait_dma2 semaphore(%run_scoped3A_203 : memref<!tpu.dma_semaphore, #tpu.memory_space<semaphore_mem>>) src(%dma_wait3A_231 : memref<80x128xf32, #tpu.memory_space<hbm>>) dst(%dma_wait3A_228 : memref<80x128xf32, #tpu.memory_space<vmem>>)
      tpu.yield
    }) : () -> ()
    %mul3A_1 = arith.constant 640 : i32
    %mul3A_2 = arith.muli %arg1, %mul3A_1 : i32
    %add3A_3 = arith.constant 0 : i32
    %add3A_4 = arith.addi %mul3A_2, %add3A_3 : i32
    %run_scoped3A_5 = arith.constant 0 : i32
    "tpu.region"() ({
      %run_scoped3A_203 = tpu.sem_alloc : memref<!tpu.dma_semaphore, #tpu.memory_space<semaphore_mem>>
      %dma_start3A_204 = arith.constant 0 : i32
      %dma_start3A_205 = arith.constant 0 : i32
      %dma_start3A_206 = tpu.memref_slice %arg9[%run_scoped3A_5, %dma_start3A_204, %dma_start3A_205] : memref<2x80x128xf32, #tpu.memory_space<vmem>> -> memref<1x80x128xf32, #tpu.memory_space<vmem>>
      %dma_start3A_207 = tpu.memref_squeeze %dma_start3A_206 : memref<1x80x128xf32, #tpu.memory_space<vmem>> -> memref<80x128xf32, #tpu.memory_space<vmem>>
      %dma_start3A_208 = arith.constant 0 : i32
      %dma_start3A_209 = tpu.memref_slice %arg12[%add3A_4, %dma_start3A_208] : memref<10240x128xf32, #tpu.memory_space<vmem_shared>> -> memref<80x128xf32, #tpu.memory_space<vmem_shared>>
      %dma_start3A_210 = arith.constant 0 : i32
      %dma_start3A_211 = tpu.memref_slice %arg12[%add3A_4, %dma_start3A_210] : memref<10240x128xf32, #tpu.memory_space<vmem_shared>> -> memref<80x128xf32, #tpu.memory_space<vmem_shared>>
      %dma_start3A_212 = arith.constant 0 : i32
      %dma_start3A_213 = arith.constant 0 : i32
      %dma_start3A_214 = tpu.memref_slice %arg9[%run_scoped3A_5, %dma_start3A_212, %dma_start3A_213] : memref<2x80x128xf32, #tpu.memory_space<vmem>> -> memref<1x80x128xf32, #tpu.memory_space<vmem>>
      %dma_start3A_215 = tpu.memref_squeeze %dma_start3A_214 : memref<1x80x128xf32, #tpu.memory_space<vmem>> -> memref<80x128xf32, #tpu.memory_space<vmem>>
      tpu.enqueue_dma source(%dma_start3A_215 : memref<80x128xf32, #tpu.memory_space<vmem>>) target(%dma_start3A_211 : memref<80x128xf32, #tpu.memory_space<vmem_shared>>) target_semaphore(%run_scoped3A_203 : memref<!tpu.dma_semaphore, #tpu.memory_space<semaphore_mem>>)
      %dma_wait3A_216 = arith.constant 0 : i32
      %dma_wait3A_217 = arith.constant 0 : i32
      %dma_wait3A_218 = tpu.memref_slice %arg9[%run_scoped3A_5, %dma_wait3A_216, %dma_wait3A_217] : memref<2x80x128xf32, #tpu.memory_space<vmem>> -> memref<1x80x128xf32, #tpu.memory_space<vmem>>
      %dma_wait3A_219 = tpu.memref_squeeze %dma_wait3A_218 : memref<1x80x128xf32, #tpu.memory_space<vmem>> -> memref<80x128xf32, #tpu.memory_space<vmem>>
      %dma_wait3A_220 = arith.constant 0 : i32
      %dma_wait3A_221 = tpu.memref_slice %arg12[%add3A_4, %dma_wait3A_220] : memref<10240x128xf32, #tpu.memory_space<vmem_shared>> -> memref<80x128xf32, #tpu.memory_space<vmem_shared>>
      %dma_wait3A_222 = arith.constant 0 : i32
      %dma_wait3A_223 = tpu.memref_slice %arg12[%add3A_4, %dma_wait3A_222] : memref<10240x128xf32, #tpu.memory_space<vmem_shared>> -> memref<80x128xf32, #tpu.memory_space<vmem_shared>>
      %dma_wait3A_224 = arith.constant 0 : i32
      %dma_wait3A_225 = arith.constant 0 : i32
      %dma_wait3A_226 = tpu.memref_slice %arg9[%run_scoped3A_5, %dma_wait3A_224, %dma_wait3A_225] : memref<2x80x128xf32, #tpu.memory_space<vmem>> -> memref<1x80x128xf32, #tpu.memory_space<vmem>>
      %dma_wait3A_227 = tpu.memref_squeeze %dma_wait3A_226 : memref<1x80x128xf32, #tpu.memory_space<vmem>> -> memref<80x128xf32, #tpu.memory_space<vmem>>
      tpu.wait_dma2 semaphore(%run_scoped3A_203 : memref<!tpu.dma_semaphore, #tpu.memory_space<semaphore_mem>>) src(%dma_wait3A_227 : memref<80x128xf32, #tpu.memory_space<vmem>>) dst(%dma_wait3A_223 : memref<80x128xf32, #tpu.memory_space<vmem_shared>>)
      tpu.yield
    }) : () -> ()
    %mul3A_6 = arith.constant 640 : i32
    %mul3A_7 = arith.muli %arg1, %mul3A_6 : i32
    %add3A_8 = arith.constant 80 : i32
    %add3A_9 = arith.addi %mul3A_7, %add3A_8 : i32
    %run_scoped3A_10 = arith.constant 0 : i32
    "tpu.region"() ({
      %run_scoped3A_203 = tpu.sem_alloc : memref<!tpu.dma_semaphore, #tpu.memory_space<semaphore_mem>>
      %dma_start3A_204 = arith.constant 0 : i32
      %dma_start3A_205 = arith.constant 0 : i32
      %dma_start3A_206 = tpu.memref_slice %arg9[%run_scoped3A_10, %dma_start3A_204, %dma_start3A_205] : memref<2x80x128xf32, #tpu.memory_space<vmem>> -> memref<1x80x128xf32, #tpu.memory_space<vmem>>
      %dma_start3A_207 = tpu.memref_squeeze %dma_start3A_206 : memref<1x80x128xf32, #tpu.memory_space<vmem>> -> memref<80x128xf32, #tpu.memory_space<vmem>>
      %dma_start3A_208 = arith.constant 0 : i32
      %dma_start3A_209 = tpu.memref_slice %arg12[%add3A_9, %dma_start3A_208] : memref<10240x128xf32, #tpu.memory_space<vmem_shared>> -> memref<80x128xf32, #tpu.memory_space<vmem_shared>>
      %dma_start3A_210 = arith.constant 0 : i32
      %dma_start3A_211 = tpu.memref_slice %arg12[%add3A_9, %dma_start3A_210] : memref<10240x128xf32, #tpu.memory_space<vmem_shared>> -> memref<80x128xf32, #tpu.memory_space<vmem_shared>>
      %dma_start3A_212 = arith.constant 0 : i32
      %dma_start3A_213 = arith.constant 0 : i32
      %dma_start3A_214 = tpu.memref_slice %arg9[%run_scoped3A_10, %dma_start3A_212, %dma_start3A_213] : memref<2x80x128xf32, #tpu.memory_space<vmem>> -> memref<1x80x128xf32, #tpu.memory_space<vmem>>
      %dma_start3A_215 = tpu.memref_squeeze %dma_start3A_214 : memref<1x80x128xf32, #tpu.memory_space<vmem>> -> memref<80x128xf32, #tpu.memory_space<vmem>>
      tpu.enqueue_dma source(%dma_start3A_215 : memref<80x128xf32, #tpu.memory_space<vmem>>) target(%dma_start3A_211 : memref<80x128xf32, #tpu.memory_space<vmem_shared>>) target_semaphore(%run_scoped3A_203 : memref<!tpu.dma_semaphore, #tpu.memory_space<semaphore_mem>>)
      %dma_wait3A_216 = arith.constant 0 : i32
      %dma_wait3A_217 = arith.constant 0 : i32
      %dma_wait3A_218 = tpu.memref_slice %arg9[%run_scoped3A_10, %dma_wait3A_216, %dma_wait3A_217] : memref<2x80x128xf32, #tpu.memory_space<vmem>> -> memref<1x80x128xf32, #tpu.memory_space<vmem>>
      %dma_wait3A_219 = tpu.memref_squeeze %dma_wait3A_218 : memref<1x80x128xf32, #tpu.memory_space<vmem>> -> memref<80x128xf32, #tpu.memory_space<vmem>>
      %dma_wait3A_220 = arith.constant 0 : i32
      %dma_wait3A_221 = tpu.memref_slice %arg12[%add3A_9, %dma_wait3A_220] : memref<10240x128xf32, #tpu.memory_space<vmem_shared>> -> memref<80x128xf32, #tpu.memory_space<vmem_shared>>
      %dma_wait3A_222 = arith.constant 0 : i32
      %dma_wait3A_223 = tpu.memref_slice %arg12[%add3A_9, %dma_wait3A_222] : memref<10240x128xf32, #tpu.memory_space<vmem_shared>> -> memref<80x128xf32, #tpu.memory_space<vmem_shared>>
      %dma_wait3A_224 = arith.constant 0 : i32
      %dma_wait3A_225 = arith.constant 0 : i32
      %dma_wait3A_226 = tpu.memref_slice %arg9[%run_scoped3A_10, %dma_wait3A_224, %dma_wait3A_225] : memref<2x80x128xf32, #tpu.memory_space<vmem>> -> memref<1x80x128xf32, #tpu.memory_space<vmem>>
      %dma_wait3A_227 = tpu.memref_squeeze %dma_wait3A_226 : memref<1x80x128xf32, #tpu.memory_space<vmem>> -> memref<80x128xf32, #tpu.memory_space<vmem>>
      tpu.wait_dma2 semaphore(%run_scoped3A_203 : memref<!tpu.dma_semaphore, #tpu.memory_space<semaphore_mem>>) src(%dma_wait3A_227 : memref<80x128xf32, #tpu.memory_space<vmem>>) dst(%dma_wait3A_223 : memref<80x128xf32, #tpu.memory_space<vmem_shared>>)
      tpu.yield
    }) : () -> ()
    %mul3A_11 = arith.constant 640 : i32
    %mul3A_12 = arith.muli %arg1, %mul3A_11 : i32
    %add3A_13 = arith.constant 160 : i32
    %add3A_14 = arith.addi %mul3A_12, %add3A_13 : i32
    %run_scoped3A_15 = arith.constant 0 : i32
    "tpu.region"() ({
      %run_scoped3A_203 = tpu.sem_alloc : memref<!tpu.dma_semaphore, #tpu.memory_space<semaphore_mem>>
      %dma_start3A_204 = arith.constant 0 : i32
      %dma_start3A_205 = arith.constant 0 : i32
      %dma_start3A_206 = tpu.memref_slice %arg9[%run_scoped3A_15, %dma_start3A_204, %dma_start3A_205] : memref<2x80x128xf32, #tpu.memory_space<vmem>> -> memref<1x80x128xf32, #tpu.memory_space<vmem>>
      %dma_start3A_207 = tpu.memref_squeeze %dma_start3A_206 : memref<1x80x128xf32, #tpu.memory_space<vmem>> -> memref<80x128xf32, #tpu.memory_space<vmem>>
      %dma_start3A_208 = arith.constant 0 : i32
      %dma_start3A_209 = tpu.memref_slice %arg12[%add3A_14, %dma_start3A_208] : memref<10240x128xf32, #tpu.memory_space<vmem_shared>> -> memref<80x128xf32, #tpu.memory_space<vmem_shared>>
      %dma_start3A_210 = arith.constant 0 : i32
      %dma_start3A_211 = tpu.memref_slice %arg12[%add3A_14, %dma_start3A_210] : memref<10240x128xf32, #tpu.memory_space<vmem_shared>> -> memref<80x128xf32, #tpu.memory_space<vmem_shared>>
      %dma_start3A_212 = arith.constant 0 : i32
      %dma_start3A_213 = arith.constant 0 : i32
      %dma_start3A_214 = tpu.memref_slice %arg9[%run_scoped3A_15, %dma_start3A_212, %dma_start3A_213] : memref<2x80x128xf32, #tpu.memory_space<vmem>> -> memref<1x80x128xf32, #tpu.memory_space<vmem>>
      %dma_start3A_215 = tpu.memref_squeeze %dma_start3A_214 : memref<1x80x128xf32, #tpu.memory_space<vmem>> -> memref<80x128xf32, #tpu.memory_space<vmem>>
      tpu.enqueue_dma source(%dma_start3A_215 : memref<80x128xf32, #tpu.memory_space<vmem>>) target(%dma_start3A_211 : memref<80x128xf32, #tpu.memory_space<vmem_shared>>) target_semaphore(%run_scoped3A_203 : memref<!tpu.dma_semaphore, #tpu.memory_space<semaphore_mem>>)
      %dma_wait3A_216 = arith.constant 0 : i32
      %dma_wait3A_217 = arith.constant 0 : i32
      %dma_wait3A_218 = tpu.memref_slice %arg9[%run_scoped3A_15, %dma_wait3A_216, %dma_wait3A_217] : memref<2x80x128xf32, #tpu.memory_space<vmem>> -> memref<1x80x128xf32, #tpu.memory_space<vmem>>
      %dma_wait3A_219 = tpu.memref_squeeze %dma_wait3A_218 : memref<1x80x128xf32, #tpu.memory_space<vmem>> -> memref<80x128xf32, #tpu.memory_space<vmem>>
      %dma_wait3A_220 = arith.constant 0 : i32
      %dma_wait3A_221 = tpu.memref_slice %arg12[%add3A_14, %dma_wait3A_220] : memref<10240x128xf32, #tpu.memory_space<vmem_shared>> -> memref<80x128xf32, #tpu.memory_space<vmem_shared>>
      %dma_wait3A_222 = arith.constant 0 : i32
      %dma_wait3A_223 = tpu.memref_slice %arg12[%add3A_14, %dma_wait3A_222] : memref<10240x128xf32, #tpu.memory_space<vmem_shared>> -> memref<80x128xf32, #tpu.memory_space<vmem_shared>>
      %dma_wait3A_224 = arith.constant 0 : i32
      %dma_wait3A_225 = arith.constant 0 : i32
      %dma_wait3A_226 = tpu.memref_slice %arg9[%run_scoped3A_15, %dma_wait3A_224, %dma_wait3A_225] : memref<2x80x128xf32, #tpu.memory_space<vmem>> -> memref<1x80x128xf32, #tpu.memory_space<vmem>>
      %dma_wait3A_227 = tpu.memref_squeeze %dma_wait3A_226 : memref<1x80x128xf32, #tpu.memory_space<vmem>> -> memref<80x128xf32, #tpu.memory_space<vmem>>
      tpu.wait_dma2 semaphore(%run_scoped3A_203 : memref<!tpu.dma_semaphore, #tpu.memory_space<semaphore_mem>>) src(%dma_wait3A_227 : memref<80x128xf32, #tpu.memory_space<vmem>>) dst(%dma_wait3A_223 : memref<80x128xf32, #tpu.memory_space<vmem_shared>>)
      tpu.yield
    }) : () -> ()
    %mul3A_16 = arith.constant 640 : i32
    %mul3A_17 = arith.muli %arg1, %mul3A_16 : i32
    %add3A_18 = arith.constant 240 : i32
    %add3A_19 = arith.addi %mul3A_17, %add3A_18 : i32
    %run_scoped3A_20 = arith.constant 0 : i32
    "tpu.region"() ({
      %run_scoped3A_203 = tpu.sem_alloc : memref<!tpu.dma_semaphore, #tpu.memory_space<semaphore_mem>>
      %dma_start3A_204 = arith.constant 0 : i32
      %dma_start3A_205 = arith.constant 0 : i32
      %dma_start3A_206 = tpu.memref_slice %arg9[%run_scoped3A_20, %dma_start3A_204, %dma_start3A_205] : memref<2x80x128xf32, #tpu.memory_space<vmem>> -> memref<1x80x128xf32, #tpu.memory_space<vmem>>
      %dma_start3A_207 = tpu.memref_squeeze %dma_start3A_206 : memref<1x80x128xf32, #tpu.memory_space<vmem>> -> memref<80x128xf32, #tpu.memory_space<vmem>>
      %dma_start3A_208 = arith.constant 0 : i32
      %dma_start3A_209 = tpu.memref_slice %arg12[%add3A_19, %dma_start3A_208] : memref<10240x128xf32, #tpu.memory_space<vmem_shared>> -> memref<80x128xf32, #tpu.memory_space<vmem_shared>>
      %dma_start3A_210 = arith.constant 0 : i32
      %dma_start3A_211 = tpu.memref_slice %arg12[%add3A_19, %dma_start3A_210] : memref<10240x128xf32, #tpu.memory_space<vmem_shared>> -> memref<80x128xf32, #tpu.memory_space<vmem_shared>>
      %dma_start3A_212 = arith.constant 0 : i32
      %dma_start3A_213 = arith.constant 0 : i32
      %dma_start3A_214 = tpu.memref_slice %arg9[%run_scoped3A_20, %dma_start3A_212, %dma_start3A_213] : memref<2x80x128xf32, #tpu.memory_space<vmem>> -> memref<1x80x128xf32, #tpu.memory_space<vmem>>
      %dma_start3A_215 = tpu.memref_squeeze %dma_start3A_214 : memref<1x80x128xf32, #tpu.memory_space<vmem>> -> memref<80x128xf32, #tpu.memory_space<vmem>>
      tpu.enqueue_dma source(%dma_start3A_215 : memref<80x128xf32, #tpu.memory_space<vmem>>) target(%dma_start3A_211 : memref<80x128xf32, #tpu.memory_space<vmem_shared>>) target_semaphore(%run_scoped3A_203 : memref<!tpu.dma_semaphore, #tpu.memory_space<semaphore_mem>>)
      %dma_wait3A_216 = arith.constant 0 : i32
      %dma_wait3A_217 = arith.constant 0 : i32
      %dma_wait3A_218 = tpu.memref_slice %arg9[%run_scoped3A_20, %dma_wait3A_216, %dma_wait3A_217] : memref<2x80x128xf32, #tpu.memory_space<vmem>> -> memref<1x80x128xf32, #tpu.memory_space<vmem>>
      %dma_wait3A_219 = tpu.memref_squeeze %dma_wait3A_218 : memref<1x80x128xf32, #tpu.memory_space<vmem>> -> memref<80x128xf32, #tpu.memory_space<vmem>>
      %dma_wait3A_220 = arith.constant 0 : i32
      %dma_wait3A_221 = tpu.memref_slice %arg12[%add3A_19, %dma_wait3A_220] : memref<10240x128xf32, #tpu.memory_space<vmem_shared>> -> memref<80x128xf32, #tpu.memory_space<vmem_shared>>
      %dma_wait3A_222 = arith.constant 0 : i32
      %dma_wait3A_223 = tpu.memref_slice %arg12[%add3A_19, %dma_wait3A_222] : memref<10240x128xf32, #tpu.memory_space<vmem_shared>> -> memref<80x128xf32, #tpu.memory_space<vmem_shared>>
      %dma_wait3A_224 = arith.constant 0 : i32
      %dma_wait3A_225 = arith.constant 0 : i32
      %dma_wait3A_226 = tpu.memref_slice %arg9[%run_scoped3A_20, %dma_wait3A_224, %dma_wait3A_225] : memref<2x80x128xf32, #tpu.memory_space<vmem>> -> memref<1x80x128xf32, #tpu.memory_space<vmem>>
      %dma_wait3A_227 = tpu.memref_squeeze %dma_wait3A_226 : memref<1x80x128xf32, #tpu.memory_space<vmem>> -> memref<80x128xf32, #tpu.memory_space<vmem>>
      tpu.wait_dma2 semaphore(%run_scoped3A_203 : memref<!tpu.dma_semaphore, #tpu.memory_space<semaphore_mem>>) src(%dma_wait3A_227 : memref<80x128xf32, #tpu.memory_space<vmem>>) dst(%dma_wait3A_223 : memref<80x128xf32, #tpu.memory_space<vmem_shared>>)
      tpu.yield
    }) : () -> ()
    %mul3A_21 = arith.constant 640 : i32
    %mul3A_22 = arith.muli %arg1, %mul3A_21 : i32
    %add3A_23 = arith.constant 320 : i32
    %add3A_24 = arith.addi %mul3A_22, %add3A_23 : i32
    %run_scoped3A_25 = arith.constant 0 : i32
    "tpu.region"() ({
      %run_scoped3A_203 = tpu.sem_alloc : memref<!tpu.dma_semaphore, #tpu.memory_space<semaphore_mem>>
      %dma_start3A_204 = arith.constant 0 : i32
      %dma_start3A_205 = arith.constant 0 : i32
      %dma_start3A_206 = tpu.memref_slice %arg9[%run_scoped3A_25, %dma_start3A_204, %dma_start3A_205] : memref<2x80x128xf32, #tpu.memory_space<vmem>> -> memref<1x80x128xf32, #tpu.memory_space<vmem>>
      %dma_start3A_207 = tpu.memref_squeeze %dma_start3A_206 : memref<1x80x128xf32, #tpu.memory_space<vmem>> -> memref<80x128xf32, #tpu.memory_space<vmem>>
      %dma_start3A_208 = arith.constant 0 : i32
      %dma_start3A_209 = tpu.memref_slice %arg12[%add3A_24, %dma_start3A_208] : memref<10240x128xf32, #tpu.memory_space<vmem_shared>> -> memref<80x128xf32, #tpu.memory_space<vmem_shared>>
      %dma_start3A_210 = arith.constant 0 : i32
      %dma_start3A_211 = tpu.memref_slice %arg12[%add3A_24, %dma_start3A_210] : memref<10240x128xf32, #tpu.memory_space<vmem_shared>> -> memref<80x128xf32, #tpu.memory_space<vmem_shared>>
      %dma_start3A_212 = arith.constant 0 : i32
      %dma_start3A_213 = arith.constant 0 : i32
      %dma_start3A_214 = tpu.memref_slice %arg9[%run_scoped3A_25, %dma_start3A_212, %dma_start3A_213] : memref<2x80x128xf32, #tpu.memory_space<vmem>> -> memref<1x80x128xf32, #tpu.memory_space<vmem>>
      %dma_start3A_215 = tpu.memref_squeeze %dma_start3A_214 : memref<1x80x128xf32, #tpu.memory_space<vmem>> -> memref<80x128xf32, #tpu.memory_space<vmem>>
      tpu.enqueue_dma source(%dma_start3A_215 : memref<80x128xf32, #tpu.memory_space<vmem>>) target(%dma_start3A_211 : memref<80x128xf32, #tpu.memory_space<vmem_shared>>) target_semaphore(%run_scoped3A_203 : memref<!tpu.dma_semaphore, #tpu.memory_space<semaphore_mem>>)
      %dma_wait3A_216 = arith.constant 0 : i32
      %dma_wait3A_217 = arith.constant 0 : i32
      %dma_wait3A_218 = tpu.memref_slice %arg9[%run_scoped3A_25, %dma_wait3A_216, %dma_wait3A_217] : memref<2x80x128xf32, #tpu.memory_space<vmem>> -> memref<1x80x128xf32, #tpu.memory_space<vmem>>
      %dma_wait3A_219 = tpu.memref_squeeze %dma_wait3A_218 : memref<1x80x128xf32, #tpu.memory_space<vmem>> -> memref<80x128xf32, #tpu.memory_space<vmem>>
      %dma_wait3A_220 = arith.constant 0 : i32
      %dma_wait3A_221 = tpu.memref_slice %arg12[%add3A_24, %dma_wait3A_220] : memref<10240x128xf32, #tpu.memory_space<vmem_shared>> -> memref<80x128xf32, #tpu.memory_space<vmem_shared>>
      %dma_wait3A_222 = arith.constant 0 : i32
      %dma_wait3A_223 = tpu.memref_slice %arg12[%add3A_24, %dma_wait3A_222] : memref<10240x128xf32, #tpu.memory_space<vmem_shared>> -> memref<80x128xf32, #tpu.memory_space<vmem_shared>>
      %dma_wait3A_224 = arith.constant 0 : i32
      %dma_wait3A_225 = arith.constant 0 : i32
      %dma_wait3A_226 = tpu.memref_slice %arg9[%run_scoped3A_25, %dma_wait3A_224, %dma_wait3A_225] : memref<2x80x128xf32, #tpu.memory_space<vmem>> -> memref<1x80x128xf32, #tpu.memory_space<vmem>>
      %dma_wait3A_227 = tpu.memref_squeeze %dma_wait3A_226 : memref<1x80x128xf32, #tpu.memory_space<vmem>> -> memref<80x128xf32, #tpu.memory_space<vmem>>
      tpu.wait_dma2 semaphore(%run_scoped3A_203 : memref<!tpu.dma_semaphore, #tpu.memory_space<semaphore_mem>>) src(%dma_wait3A_227 : memref<80x128xf32, #tpu.memory_space<vmem>>) dst(%dma_wait3A_223 : memref<80x128xf32, #tpu.memory_space<vmem_shared>>)
      tpu.yield
    }) : () -> ()
    %mul3A_26 = arith.constant 640 : i32
    %mul3A_27 = arith.muli %arg1, %mul3A_26 : i32
    %add3A_28 = arith.constant 400 : i32
    %add3A_29 = arith.addi %mul3A_27, %add3A_28 : i32
    %run_scoped3A_30 = arith.constant 0 : i32
    "tpu.region"() ({
      %run_scoped3A_203 = tpu.sem_alloc : memref<!tpu.dma_semaphore, #tpu.memory_space<semaphore_mem>>
      %dma_start3A_204 = arith.constant 0 : i32
      %dma_start3A_205 = arith.constant 0 : i32
      %dma_start3A_206 = tpu.memref_slice %arg9[%run_scoped3A_30, %dma_start3A_204, %dma_start3A_205] : memref<2x80x128xf32, #tpu.memory_space<vmem>> -> memref<1x80x128xf32, #tpu.memory_space<vmem>>
      %dma_start3A_207 = tpu.memref_squeeze %dma_start3A_206 : memref<1x80x128xf32, #tpu.memory_space<vmem>> -> memref<80x128xf32, #tpu.memory_space<vmem>>
      %dma_start3A_208 = arith.constant 0 : i32
      %dma_start3A_209 = tpu.memref_slice %arg12[%add3A_29, %dma_start3A_208] : memref<10240x128xf32, #tpu.memory_space<vmem_shared>> -> memref<80x128xf32, #tpu.memory_space<vmem_shared>>
      %dma_start3A_210 = arith.constant 0 : i32
      %dma_start3A_211 = tpu.memref_slice %arg12[%add3A_29, %dma_start3A_210] : memref<10240x128xf32, #tpu.memory_space<vmem_shared>> -> memref<80x128xf32, #tpu.memory_space<vmem_shared>>
      %dma_start3A_212 = arith.constant 0 : i32
      %dma_start3A_213 = arith.constant 0 : i32
      %dma_start3A_214 = tpu.memref_slice %arg9[%run_scoped3A_30, %dma_start3A_212, %dma_start3A_213] : memref<2x80x128xf32, #tpu.memory_space<vmem>> -> memref<1x80x128xf32, #tpu.memory_space<vmem>>
      %dma_start3A_215 = tpu.memref_squeeze %dma_start3A_214 : memref<1x80x128xf32, #tpu.memory_space<vmem>> -> memref<80x128xf32, #tpu.memory_space<vmem>>
      tpu.enqueue_dma source(%dma_start3A_215 : memref<80x128xf32, #tpu.memory_space<vmem>>) target(%dma_start3A_211 : memref<80x128xf32, #tpu.memory_space<vmem_shared>>) target_semaphore(%run_scoped3A_203 : memref<!tpu.dma_semaphore, #tpu.memory_space<semaphore_mem>>)
      %dma_wait3A_216 = arith.constant 0 : i32
      %dma_wait3A_217 = arith.constant 0 : i32
      %dma_wait3A_218 = tpu.memref_slice %arg9[%run_scoped3A_30, %dma_wait3A_216, %dma_wait3A_217] : memref<2x80x128xf32, #tpu.memory_space<vmem>> -> memref<1x80x128xf32, #tpu.memory_space<vmem>>
      %dma_wait3A_219 = tpu.memref_squeeze %dma_wait3A_218 : memref<1x80x128xf32, #tpu.memory_space<vmem>> -> memref<80x128xf32, #tpu.memory_space<vmem>>
      %dma_wait3A_220 = arith.constant 0 : i32
      %dma_wait3A_221 = tpu.memref_slice %arg12[%add3A_29, %dma_wait3A_220] : memref<10240x128xf32, #tpu.memory_space<vmem_shared>> -> memref<80x128xf32, #tpu.memory_space<vmem_shared>>
      %dma_wait3A_222 = arith.constant 0 : i32
      %dma_wait3A_223 = tpu.memref_slice %arg12[%add3A_29, %dma_wait3A_222] : memref<10240x128xf32, #tpu.memory_space<vmem_shared>> -> memref<80x128xf32, #tpu.memory_space<vmem_shared>>
      %dma_wait3A_224 = arith.constant 0 : i32
      %dma_wait3A_225 = arith.constant 0 : i32
      %dma_wait3A_226 = tpu.memref_slice %arg9[%run_scoped3A_30, %dma_wait3A_224, %dma_wait3A_225] : memref<2x80x128xf32, #tpu.memory_space<vmem>> -> memref<1x80x128xf32, #tpu.memory_space<vmem>>
      %dma_wait3A_227 = tpu.memref_squeeze %dma_wait3A_226 : memref<1x80x128xf32, #tpu.memory_space<vmem>> -> memref<80x128xf32, #tpu.memory_space<vmem>>
      tpu.wait_dma2 semaphore(%run_scoped3A_203 : memref<!tpu.dma_semaphore, #tpu.memory_space<semaphore_mem>>) src(%dma_wait3A_227 : memref<80x128xf32, #tpu.memory_space<vmem>>) dst(%dma_wait3A_223 : memref<80x128xf32, #tpu.memory_space<vmem_shared>>)
      tpu.yield
    }) : () -> ()
    %mul3A_31 = arith.constant 640 : i32
    %mul3A_32 = arith.muli %arg1, %mul3A_31 : i32
    %add3A_33 = arith.constant 480 : i32
    %add3A_34 = arith.addi %mul3A_32, %add3A_33 : i32
    %run_scoped3A_35 = arith.constant 0 : i32
    "tpu.region"() ({
      %run_scoped3A_203 = tpu.sem_alloc : memref<!tpu.dma_semaphore, #tpu.memory_space<semaphore_mem>>
      %dma_start3A_204 = arith.constant 0 : i32
      %dma_start3A_205 = arith.constant 0 : i32
      %dma_start3A_206 = tpu.memref_slice %arg9[%run_scoped3A_35, %dma_start3A_204, %dma_start3A_205] : memref<2x80x128xf32, #tpu.memory_space<vmem>> -> memref<1x80x128xf32, #tpu.memory_space<vmem>>
      %dma_start3A_207 = tpu.memref_squeeze %dma_start3A_206 : memref<1x80x128xf32, #tpu.memory_space<vmem>> -> memref<80x128xf32, #tpu.memory_space<vmem>>
      %dma_start3A_208 = arith.constant 0 : i32
      %dma_start3A_209 = tpu.memref_slice %arg12[%add3A_34, %dma_start3A_208] : memref<10240x128xf32, #tpu.memory_space<vmem_shared>> -> memref<80x128xf32, #tpu.memory_space<vmem_shared>>
      %dma_start3A_210 = arith.constant 0 : i32
      %dma_start3A_211 = tpu.memref_slice %arg12[%add3A_34, %dma_start3A_210] : memref<10240x128xf32, #tpu.memory_space<vmem_shared>> -> memref<80x128xf32, #tpu.memory_space<vmem_shared>>
      %dma_start3A_212 = arith.constant 0 : i32
      %dma_start3A_213 = arith.constant 0 : i32
      %dma_start3A_214 = tpu.memref_slice %arg9[%run_scoped3A_35, %dma_start3A_212, %dma_start3A_213] : memref<2x80x128xf32, #tpu.memory_space<vmem>> -> memref<1x80x128xf32, #tpu.memory_space<vmem>>
      %dma_start3A_215 = tpu.memref_squeeze %dma_start3A_214 : memref<1x80x128xf32, #tpu.memory_space<vmem>> -> memref<80x128xf32, #tpu.memory_space<vmem>>
      tpu.enqueue_dma source(%dma_start3A_215 : memref<80x128xf32, #tpu.memory_space<vmem>>) target(%dma_start3A_211 : memref<80x128xf32, #tpu.memory_space<vmem_shared>>) target_semaphore(%run_scoped3A_203 : memref<!tpu.dma_semaphore, #tpu.memory_space<semaphore_mem>>)
      %dma_wait3A_216 = arith.constant 0 : i32
      %dma_wait3A_217 = arith.constant 0 : i32
      %dma_wait3A_218 = tpu.memref_slice %arg9[%run_scoped3A_35, %dma_wait3A_216, %dma_wait3A_217] : memref<2x80x128xf32, #tpu.memory_space<vmem>> -> memref<1x80x128xf32, #tpu.memory_space<vmem>>
      %dma_wait3A_219 = tpu.memref_squeeze %dma_wait3A_218 : memref<1x80x128xf32, #tpu.memory_space<vmem>> -> memref<80x128xf32, #tpu.memory_space<vmem>>
      %dma_wait3A_220 = arith.constant 0 : i32
      %dma_wait3A_221 = tpu.memref_slice %arg12[%add3A_34, %dma_wait3A_220] : memref<10240x128xf32, #tpu.memory_space<vmem_shared>> -> memref<80x128xf32, #tpu.memory_space<vmem_shared>>
      %dma_wait3A_222 = arith.constant 0 : i32
      %dma_wait3A_223 = tpu.memref_slice %arg12[%add3A_34, %dma_wait3A_222] : memref<10240x128xf32, #tpu.memory_space<vmem_shared>> -> memref<80x128xf32, #tpu.memory_space<vmem_shared>>
      %dma_wait3A_224 = arith.constant 0 : i32
      %dma_wait3A_225 = arith.constant 0 : i32
      %dma_wait3A_226 = tpu.memref_slice %arg9[%run_scoped3A_35, %dma_wait3A_224, %dma_wait3A_225] : memref<2x80x128xf32, #tpu.memory_space<vmem>> -> memref<1x80x128xf32, #tpu.memory_space<vmem>>
      %dma_wait3A_227 = tpu.memref_squeeze %dma_wait3A_226 : memref<1x80x128xf32, #tpu.memory_space<vmem>> -> memref<80x128xf32, #tpu.memory_space<vmem>>
      tpu.wait_dma2 semaphore(%run_scoped3A_203 : memref<!tpu.dma_semaphore, #tpu.memory_space<semaphore_mem>>) src(%dma_wait3A_227 : memref<80x128xf32, #tpu.memory_space<vmem>>) dst(%dma_wait3A_223 : memref<80x128xf32, #tpu.memory_space<vmem_shared>>)
      tpu.yield
    }) : () -> ()
    %mul3A_36 = arith.constant 640 : i32
    %mul3A_37 = arith.muli %arg1, %mul3A_36 : i32
    %add3A_38 = arith.constant 560 : i32
    %add3A_39 = arith.addi %mul3A_37, %add3A_38 : i32
    %run_scoped3A_40 = arith.constant 0 : i32
    "tpu.region"() ({
      %run_scoped3A_203 = tpu.sem_alloc : memref<!tpu.dma_semaphore, #tpu.memory_space<semaphore_mem>>
      %dma_start3A_204 = arith.constant 0 : i32
      %dma_start3A_205 = arith.constant 0 : i32
      %dma_start3A_206 = tpu.memref_slice %arg9[%run_scoped3A_40, %dma_start3A_204, %dma_start3A_205] : memref<2x80x128xf32, #tpu.memory_space<vmem>> -> memref<1x80x128xf32, #tpu.memory_space<vmem>>
      %dma_start3A_207 = tpu.memref_squeeze %dma_start3A_206 : memref<1x80x128xf32, #tpu.memory_space<vmem>> -> memref<80x128xf32, #tpu.memory_space<vmem>>
      %dma_start3A_208 = arith.constant 0 : i32
      %dma_start3A_209 = tpu.memref_slice %arg12[%add3A_39, %dma_start3A_208] : memref<10240x128xf32, #tpu.memory_space<vmem_shared>> -> memref<80x128xf32, #tpu.memory_space<vmem_shared>>
      %dma_start3A_210 = arith.constant 0 : i32
      %dma_start3A_211 = tpu.memref_slice %arg12[%add3A_39, %dma_start3A_210] : memref<10240x128xf32, #tpu.memory_space<vmem_shared>> -> memref<80x128xf32, #tpu.memory_space<vmem_shared>>
      %dma_start3A_212 = arith.constant 0 : i32
      %dma_start3A_213 = arith.constant 0 : i32
      %dma_start3A_214 = tpu.memref_slice %arg9[%run_scoped3A_40, %dma_start3A_212, %dma_start3A_213] : memref<2x80x128xf32, #tpu.memory_space<vmem>> -> memref<1x80x128xf32, #tpu.memory_space<vmem>>
      %dma_start3A_215 = tpu.memref_squeeze %dma_start3A_214 : memref<1x80x128xf32, #tpu.memory_space<vmem>> -> memref<80x128xf32, #tpu.memory_space<vmem>>
      tpu.enqueue_dma source(%dma_start3A_215 : memref<80x128xf32, #tpu.memory_space<vmem>>) target(%dma_start3A_211 : memref<80x128xf32, #tpu.memory_space<vmem_shared>>) target_semaphore(%run_scoped3A_203 : memref<!tpu.dma_semaphore, #tpu.memory_space<semaphore_mem>>)
      %dma_wait3A_216 = arith.constant 0 : i32
      %dma_wait3A_217 = arith.constant 0 : i32
      %dma_wait3A_218 = tpu.memref_slice %arg9[%run_scoped3A_40, %dma_wait3A_216, %dma_wait3A_217] : memref<2x80x128xf32, #tpu.memory_space<vmem>> -> memref<1x80x128xf32, #tpu.memory_space<vmem>>
      %dma_wait3A_219 = tpu.memref_squeeze %dma_wait3A_218 : memref<1x80x128xf32, #tpu.memory_space<vmem>> -> memref<80x128xf32, #tpu.memory_space<vmem>>
      %dma_wait3A_220 = arith.constant 0 : i32
      %dma_wait3A_221 = tpu.memref_slice %arg12[%add3A_39, %dma_wait3A_220] : memref<10240x128xf32, #tpu.memory_space<vmem_shared>> -> memref<80x128xf32, #tpu.memory_space<vmem_shared>>
      %dma_wait3A_222 = arith.constant 0 : i32
      %dma_wait3A_223 = tpu.memref_slice %arg12[%add3A_39, %dma_wait3A_222] : memref<10240x128xf32, #tpu.memory_space<vmem_shared>> -> memref<80x128xf32, #tpu.memory_space<vmem_shared>>
      %dma_wait3A_224 = arith.constant 0 : i32
      %dma_wait3A_225 = arith.constant 0 : i32
      %dma_wait3A_226 = tpu.memref_slice %arg9[%run_scoped3A_40, %dma_wait3A_224, %dma_wait3A_225] : memref<2x80x128xf32, #tpu.memory_space<vmem>> -> memref<1x80x128xf32, #tpu.memory_space<vmem>>
      %dma_wait3A_227 = tpu.memref_squeeze %dma_wait3A_226 : memref<1x80x128xf32, #tpu.memory_space<vmem>> -> memref<80x128xf32, #tpu.memory_space<vmem>>
      tpu.wait_dma2 semaphore(%run_scoped3A_203 : memref<!tpu.dma_semaphore, #tpu.memory_space<semaphore_mem>>) src(%dma_wait3A_227 : memref<80x128xf32, #tpu.memory_space<vmem>>) dst(%dma_wait3A_223 : memref<80x128xf32, #tpu.memory_space<vmem_shared>>)
      tpu.yield
    }) : () -> ()
    %barrier3A = arith.constant 0 : index
    tpu.barrier barrier_id(%barrier3A)
    %scan3A = arith.constant 0 : i32
    %scan3A_41 = arith.constant 0 : i32
    %scan3A_42 = arith.constant 62 : i32
    %scan3A_43 = arith.addi %scan3A_41, %scan3A_42 : i32
    %scan3A_44 = arith.constant 1 : i32
    scf.for %scan3A_203 = %scan3A_41 to %scan3A_43 step %scan3A_44  : i32 {
      %mul3A_204 = arith.constant 2 : i32
      %mul3A_205 = arith.muli %scan3A_203, %mul3A_204 : i32
      %gt3A = arith.constant 0 : i32
      %gt3A_206 = arith.cmpi sgt, %scan3A_203, %gt3A : i32
      %convert_element_type3A = arith.extui %gt3A_206 : i1 to i32
      %cond3A = arith.constant 0 : i32
      %cond3A_207 = arith.cmpi ne, %convert_element_type3A, %cond3A : i32
      scf.if %cond3A_207 {
        %sub3A = arith.constant 2 : i32
        %sub3A_287 = arith.subi %mul3A_205, %sub3A : i32
        %add3A_288 = arith.constant 0 : i32
        %add3A_289 = arith.addi %sub3A_287, %add3A_288 : i32
        %dma_wait3A_290 = arith.constant 0 : i32
        %dma_wait3A_291 = arith.constant 0 : i32
        %dma_wait3A_292 = arith.constant 0 : i32
        %dma_wait3A_293 = tpu.memref_slice %arg9[%dma_wait3A_290, %dma_wait3A_291, %dma_wait3A_292] : memref<2x80x128xf32, #tpu.memory_space<vmem>> -> memref<1x80x128xf32, #tpu.memory_space<vmem>>
        %dma_wait3A_294 = tpu.memref_squeeze %dma_wait3A_293 : memref<1x80x128xf32, #tpu.memory_space<vmem>> -> memref<80x128xf32, #tpu.memory_space<vmem>>
        %dma_wait3A_295 = arith.constant 0 : i32
        %dma_wait3A_296 = tpu.memref_slice %arg11[%add3A_289, %dma_wait3A_295] : memref<125x80xi32, #tpu.memory_space<vmem>> -> memref<1x80xi32, #tpu.memory_space<vmem>>
        %dma_wait3A_297 = tpu.memref_squeeze %dma_wait3A_296 : memref<1x80xi32, #tpu.memory_space<vmem>> -> memref<80xi32, #tpu.memory_space<vmem>>
        %dma_wait3A_298 = arith.constant 0 : i32
        %dma_wait3A_299 = arith.constant 0 : i32
        %dma_wait3A_300 = tpu.memref_slice %arg12[%dma_wait3A_298, %dma_wait3A_299] : memref<10240x128xf32, #tpu.memory_space<vmem_shared>> -> memref<10240x128xf32, #tpu.memory_space<vmem_shared>>
        tpu.wait_indirect_dma semaphore(%arg15 : memref<!tpu.dma_semaphore, #tpu.memory_space<semaphore_mem>>) src(%dma_wait3A_294 : memref<80x128xf32, #tpu.memory_space<vmem>>) dst(%dma_wait3A_300 : memref<10240x128xf32, #tpu.memory_space<vmem_shared>>)
      } else {
      }
      %gt3A_208 = arith.constant 0 : i32
      %gt3A_209 = arith.cmpi sgt, %scan3A_203, %gt3A_208 : i32
      %convert_element_type3A_210 = arith.extui %gt3A_209 : i1 to i32
      %cond3A_211 = arith.constant 0 : i32
      %cond3A_212 = arith.cmpi ne, %convert_element_type3A_210, %cond3A_211 : i32
      scf.if %cond3A_212 {
        %sub3A = arith.constant 2 : i32
        %sub3A_287 = arith.subi %mul3A_205, %sub3A : i32
        %add3A_288 = arith.constant 1 : i32
        %add3A_289 = arith.addi %sub3A_287, %add3A_288 : i32
        %dma_wait3A_290 = arith.constant 1 : i32
        %dma_wait3A_291 = arith.constant 0 : i32
        %dma_wait3A_292 = arith.constant 0 : i32
        %dma_wait3A_293 = tpu.memref_slice %arg9[%dma_wait3A_290, %dma_wait3A_291, %dma_wait3A_292] : memref<2x80x128xf32, #tpu.memory_space<vmem>> -> memref<1x80x128xf32, #tpu.memory_space<vmem>>
        %dma_wait3A_294 = tpu.memref_squeeze %dma_wait3A_293 : memref<1x80x128xf32, #tpu.memory_space<vmem>> -> memref<80x128xf32, #tpu.memory_space<vmem>>
        %dma_wait3A_295 = arith.constant 0 : i32
        %dma_wait3A_296 = tpu.memref_slice %arg11[%add3A_289, %dma_wait3A_295] : memref<125x80xi32, #tpu.memory_space<vmem>> -> memref<1x80xi32, #tpu.memory_space<vmem>>
        %dma_wait3A_297 = tpu.memref_squeeze %dma_wait3A_296 : memref<1x80xi32, #tpu.memory_space<vmem>> -> memref<80xi32, #tpu.memory_space<vmem>>
        %dma_wait3A_298 = arith.constant 0 : i32
        %dma_wait3A_299 = arith.constant 0 : i32
        %dma_wait3A_300 = tpu.memref_slice %arg12[%dma_wait3A_298, %dma_wait3A_299] : memref<10240x128xf32, #tpu.memory_space<vmem_shared>> -> memref<10240x128xf32, #tpu.memory_space<vmem_shared>>
        tpu.wait_indirect_dma semaphore(%arg16 : memref<!tpu.dma_semaphore, #tpu.memory_space<semaphore_mem>>) src(%dma_wait3A_294 : memref<80x128xf32, #tpu.memory_space<vmem>>) dst(%dma_wait3A_300 : memref<10240x128xf32, #tpu.memory_space<vmem_shared>>)
      } else {
      }
      %add3A_213 = arith.constant 0 : i32
      %add3A_214 = arith.addi %mul3A_205, %add3A_213 : i32
      %dma_start3A_215 = arith.constant 0 : i32
      %dma_start3A_216 = arith.constant 0 : i32
      %dma_start3A_217 = arith.constant 0 : i32
      %dma_start3A_218 = tpu.memref_slice %arg9[%dma_start3A_215, %dma_start3A_216, %dma_start3A_217] : memref<2x80x128xf32, #tpu.memory_space<vmem>> -> memref<1x80x128xf32, #tpu.memory_space<vmem>>
      %dma_start3A_219 = tpu.memref_squeeze %dma_start3A_218 : memref<1x80x128xf32, #tpu.memory_space<vmem>> -> memref<80x128xf32, #tpu.memory_space<vmem>>
      %dma_start3A_220 = arith.constant 0 : i32
      %dma_start3A_221 = tpu.memref_slice %arg10[%add3A_214, %dma_start3A_220] : memref<125x80xi32, #tpu.memory_space<vmem>> -> memref<1x80xi32, #tpu.memory_space<vmem>>
      %dma_start3A_222 = tpu.memref_squeeze %dma_start3A_221 : memref<1x80xi32, #tpu.memory_space<vmem>> -> memref<80xi32, #tpu.memory_space<vmem>>
      %dma_start3A_223 = arith.constant 0 : i32
      %dma_start3A_224 = arith.constant 0 : i32
      %dma_start3A_225 = tpu.memref_slice %arg2[%dma_start3A_223, %dma_start3A_224] : memref<10240x128xf32, #tpu.memory_space<hbm>> -> memref<10240x128xf32, #tpu.memory_space<hbm>>
      tpu.enqueue_indirect_dma source(%dma_start3A_225 : memref<10240x128xf32, #tpu.memory_space<hbm>>) target(%dma_start3A_219 : memref<80x128xf32, #tpu.memory_space<vmem>>) offsets(%dma_start3A_222 : memref<80xi32, #tpu.memory_space<vmem>>) semaphore(%arg13 : memref<!tpu.dma_semaphore, #tpu.memory_space<semaphore_mem>>)
      %add3A_226 = arith.constant 1 : i32
      %add3A_227 = arith.addi %mul3A_205, %add3A_226 : i32
      %dma_start3A_228 = arith.constant 1 : i32
      %dma_start3A_229 = arith.constant 0 : i32
      %dma_start3A_230 = arith.constant 0 : i32
      %dma_start3A_231 = tpu.memref_slice %arg9[%dma_start3A_228, %dma_start3A_229, %dma_start3A_230] : memref<2x80x128xf32, #tpu.memory_space<vmem>> -> memref<1x80x128xf32, #tpu.memory_space<vmem>>
      %dma_start3A_232 = tpu.memref_squeeze %dma_start3A_231 : memref<1x80x128xf32, #tpu.memory_space<vmem>> -> memref<80x128xf32, #tpu.memory_space<vmem>>
      %dma_start3A_233 = arith.constant 0 : i32
      %dma_start3A_234 = tpu.memref_slice %arg10[%add3A_227, %dma_start3A_233] : memref<125x80xi32, #tpu.memory_space<vmem>> -> memref<1x80xi32, #tpu.memory_space<vmem>>
      %dma_start3A_235 = tpu.memref_squeeze %dma_start3A_234 : memref<1x80xi32, #tpu.memory_space<vmem>> -> memref<80xi32, #tpu.memory_space<vmem>>
      %dma_start3A_236 = arith.constant 0 : i32
      %dma_start3A_237 = arith.constant 0 : i32
      %dma_start3A_238 = tpu.memref_slice %arg2[%dma_start3A_236, %dma_start3A_237] : memref<10240x128xf32, #tpu.memory_space<hbm>> -> memref<10240x128xf32, #tpu.memory_space<hbm>>
      tpu.enqueue_indirect_dma source(%dma_start3A_238 : memref<10240x128xf32, #tpu.memory_space<hbm>>) target(%dma_start3A_232 : memref<80x128xf32, #tpu.memory_space<vmem>>) offsets(%dma_start3A_235 : memref<80xi32, #tpu.memory_space<vmem>>) semaphore(%arg14 : memref<!tpu.dma_semaphore, #tpu.memory_space<semaphore_mem>>)
      %dma_wait3A_239 = arith.constant 0 : i32
      %dma_wait3A_240 = arith.constant 0 : i32
      %dma_wait3A_241 = arith.constant 0 : i32
      %dma_wait3A_242 = tpu.memref_slice %arg9[%dma_wait3A_239, %dma_wait3A_240, %dma_wait3A_241] : memref<2x80x128xf32, #tpu.memory_space<vmem>> -> memref<1x80x128xf32, #tpu.memory_space<vmem>>
      %dma_wait3A_243 = tpu.memref_squeeze %dma_wait3A_242 : memref<1x80x128xf32, #tpu.memory_space<vmem>> -> memref<80x128xf32, #tpu.memory_space<vmem>>
      %dma_wait3A_244 = arith.constant 0 : i32
      %dma_wait3A_245 = tpu.memref_slice %arg10[%add3A_214, %dma_wait3A_244] : memref<125x80xi32, #tpu.memory_space<vmem>> -> memref<1x80xi32, #tpu.memory_space<vmem>>
      %dma_wait3A_246 = tpu.memref_squeeze %dma_wait3A_245 : memref<1x80xi32, #tpu.memory_space<vmem>> -> memref<80xi32, #tpu.memory_space<vmem>>
      %dma_wait3A_247 = arith.constant 0 : i32
      %dma_wait3A_248 = arith.constant 0 : i32
      %dma_wait3A_249 = tpu.memref_slice %arg2[%dma_wait3A_247, %dma_wait3A_248] : memref<10240x128xf32, #tpu.memory_space<hbm>> -> memref<10240x128xf32, #tpu.memory_space<hbm>>
      tpu.wait_indirect_dma semaphore(%arg13 : memref<!tpu.dma_semaphore, #tpu.memory_space<semaphore_mem>>) src(%dma_wait3A_249 : memref<10240x128xf32, #tpu.memory_space<hbm>>) dst(%dma_wait3A_243 : memref<80x128xf32, #tpu.memory_space<vmem>>)
      %add3A_250 = arith.constant 0 : i32
      %add3A_251 = arith.addi %mul3A_205, %add3A_250 : i32
      %dma_start3A_252 = arith.constant 0 : i32
      %dma_start3A_253 = arith.constant 0 : i32
      %dma_start3A_254 = arith.constant 0 : i32
      %dma_start3A_255 = tpu.memref_slice %arg9[%dma_start3A_252, %dma_start3A_253, %dma_start3A_254] : memref<2x80x128xf32, #tpu.memory_space<vmem>> -> memref<1x80x128xf32, #tpu.memory_space<vmem>>
      %dma_start3A_256 = tpu.memref_squeeze %dma_start3A_255 : memref<1x80x128xf32, #tpu.memory_space<vmem>> -> memref<80x128xf32, #tpu.memory_space<vmem>>
      %dma_start3A_257 = arith.constant 0 : i32
      %dma_start3A_258 = tpu.memref_slice %arg11[%add3A_251, %dma_start3A_257] : memref<125x80xi32, #tpu.memory_space<vmem>> -> memref<1x80xi32, #tpu.memory_space<vmem>>
      %dma_start3A_259 = tpu.memref_squeeze %dma_start3A_258 : memref<1x80xi32, #tpu.memory_space<vmem>> -> memref<80xi32, #tpu.memory_space<vmem>>
      %dma_start3A_260 = arith.constant 0 : i32
      %dma_start3A_261 = arith.constant 0 : i32
      %dma_start3A_262 = tpu.memref_slice %arg12[%dma_start3A_260, %dma_start3A_261] : memref<10240x128xf32, #tpu.memory_space<vmem_shared>> -> memref<10240x128xf32, #tpu.memory_space<vmem_shared>>
      tpu.enqueue_indirect_dma source(%dma_start3A_256 : memref<80x128xf32, #tpu.memory_space<vmem>>) target(%dma_start3A_262 : memref<10240x128xf32, #tpu.memory_space<vmem_shared>>) offsets(%dma_start3A_259 : memref<80xi32, #tpu.memory_space<vmem>>) semaphore(%arg15 : memref<!tpu.dma_semaphore, #tpu.memory_space<semaphore_mem>>) {add = true}
      %dma_wait3A_263 = arith.constant 1 : i32
      %dma_wait3A_264 = arith.constant 0 : i32
      %dma_wait3A_265 = arith.constant 0 : i32
      %dma_wait3A_266 = tpu.memref_slice %arg9[%dma_wait3A_263, %dma_wait3A_264, %dma_wait3A_265] : memref<2x80x128xf32, #tpu.memory_space<vmem>> -> memref<1x80x128xf32, #tpu.memory_space<vmem>>
      %dma_wait3A_267 = tpu.memref_squeeze %dma_wait3A_266 : memref<1x80x128xf32, #tpu.memory_space<vmem>> -> memref<80x128xf32, #tpu.memory_space<vmem>>
      %dma_wait3A_268 = arith.constant 0 : i32
      %dma_wait3A_269 = tpu.memref_slice %arg10[%add3A_227, %dma_wait3A_268] : memref<125x80xi32, #tpu.memory_space<vmem>> -> memref<1x80xi32, #tpu.memory_space<vmem>>
      %dma_wait3A_270 = tpu.memref_squeeze %dma_wait3A_269 : memref<1x80xi32, #tpu.memory_space<vmem>> -> memref<80xi32, #tpu.memory_space<vmem>>
      %dma_wait3A_271 = arith.constant 0 : i32
      %dma_wait3A_272 = arith.constant 0 : i32
      %dma_wait3A_273 = tpu.memref_slice %arg2[%dma_wait3A_271, %dma_wait3A_272] : memref<10240x128xf32, #tpu.memory_space<hbm>> -> memref<10240x128xf32, #tpu.memory_space<hbm>>
      tpu.wait_indirect_dma semaphore(%arg14 : memref<!tpu.dma_semaphore, #tpu.memory_space<semaphore_mem>>) src(%dma_wait3A_273 : memref<10240x128xf32, #tpu.memory_space<hbm>>) dst(%dma_wait3A_267 : memref<80x128xf32, #tpu.memory_space<vmem>>)
      %add3A_274 = arith.constant 1 : i32
      %add3A_275 = arith.addi %mul3A_205, %add3A_274 : i32
      %dma_start3A_276 = arith.constant 1 : i32
      %dma_start3A_277 = arith.constant 0 : i32
      %dma_start3A_278 = arith.constant 0 : i32
      %dma_start3A_279 = tpu.memref_slice %arg9[%dma_start3A_276, %dma_start3A_277, %dma_start3A_278] : memref<2x80x128xf32, #tpu.memory_space<vmem>> -> memref<1x80x128xf32, #tpu.memory_space<vmem>>
      %dma_start3A_280 = tpu.memref_squeeze %dma_start3A_279 : memref<1x80x128xf32, #tpu.memory_space<vmem>> -> memref<80x128xf32, #tpu.memory_space<vmem>>
      %dma_start3A_281 = arith.constant 0 : i32
      %dma_start3A_282 = tpu.memref_slice %arg11[%add3A_275, %dma_start3A_281] : memref<125x80xi32, #tpu.memory_space<vmem>> -> memref<1x80xi32, #tpu.memory_space<vmem>>
      %dma_start3A_283 = tpu.memref_squeeze %dma_start3A_282 : memref<1x80xi32, #tpu.memory_space<vmem>> -> memref<80xi32, #tpu.memory_space<vmem>>
      %dma_start3A_284 = arith.constant 0 : i32
      %dma_start3A_285 = arith.constant 0 : i32
      %dma_start3A_286 = tpu.memref_slice %arg12[%dma_start3A_284, %dma_start3A_285] : memref<10240x128xf32, #tpu.memory_space<vmem_shared>> -> memref<10240x128xf32, #tpu.memory_space<vmem_shared>>
      tpu.enqueue_indirect_dma source(%dma_start3A_280 : memref<80x128xf32, #tpu.memory_space<vmem>>) target(%dma_start3A_286 : memref<10240x128xf32, #tpu.memory_space<vmem_shared>>) offsets(%dma_start3A_283 : memref<80xi32, #tpu.memory_space<vmem>>) semaphore(%arg16 : memref<!tpu.dma_semaphore, #tpu.memory_space<semaphore_mem>>) {add = true}
    }
    %scan3A_45 = arith.constant 62 : i32
    %dma_wait3A = arith.constant 0 : i32
    %dma_wait3A_46 = arith.constant 122 : i32
    %dma_wait3A_47 = arith.constant 0 : i32
    %dma_wait3A_48 = arith.constant 0 : i32
    %dma_wait3A_49 = tpu.memref_slice %arg9[%dma_wait3A, %dma_wait3A_47, %dma_wait3A_48] : memref<2x80x128xf32, #tpu.memory_space<vmem>> -> memref<1x80x128xf32, #tpu.memory_space<vmem>>
    %dma_wait3A_50 = tpu.memref_squeeze %dma_wait3A_49 : memref<1x80x128xf32, #tpu.memory_space<vmem>> -> memref<80x128xf32, #tpu.memory_space<vmem>>
    %dma_wait3A_51 = arith.constant 0 : i32
    %dma_wait3A_52 = tpu.memref_slice %arg11[%dma_wait3A_46, %dma_wait3A_51] : memref<125x80xi32, #tpu.memory_space<vmem>> -> memref<1x80xi32, #tpu.memory_space<vmem>>
    %dma_wait3A_53 = tpu.memref_squeeze %dma_wait3A_52 : memref<1x80xi32, #tpu.memory_space<vmem>> -> memref<80xi32, #tpu.memory_space<vmem>>
    %dma_wait3A_54 = arith.constant 0 : i32
    %dma_wait3A_55 = arith.constant 0 : i32
    %dma_wait3A_56 = tpu.memref_slice %arg12[%dma_wait3A_54, %dma_wait3A_55] : memref<10240x128xf32, #tpu.memory_space<vmem_shared>> -> memref<10240x128xf32, #tpu.memory_space<vmem_shared>>
    tpu.wait_indirect_dma semaphore(%arg15 : memref<!tpu.dma_semaphore, #tpu.memory_space<semaphore_mem>>) src(%dma_wait3A_50 : memref<80x128xf32, #tpu.memory_space<vmem>>) dst(%dma_wait3A_56 : memref<10240x128xf32, #tpu.memory_space<vmem_shared>>)
    %dma_wait3A_57 = arith.constant 1 : i32
    %dma_wait3A_58 = arith.constant 123 : i32
    %dma_wait3A_59 = arith.constant 0 : i32
    %dma_wait3A_60 = arith.constant 0 : i32
    %dma_wait3A_61 = tpu.memref_slice %arg9[%dma_wait3A_57, %dma_wait3A_59, %dma_wait3A_60] : memref<2x80x128xf32, #tpu.memory_space<vmem>> -> memref<1x80x128xf32, #tpu.memory_space<vmem>>
    %dma_wait3A_62 = tpu.memref_squeeze %dma_wait3A_61 : memref<1x80x128xf32, #tpu.memory_space<vmem>> -> memref<80x128xf32, #tpu.memory_space<vmem>>
    %dma_wait3A_63 = arith.constant 0 : i32
    %dma_wait3A_64 = tpu.memref_slice %arg11[%dma_wait3A_58, %dma_wait3A_63] : memref<125x80xi32, #tpu.memory_space<vmem>> -> memref<1x80xi32, #tpu.memory_space<vmem>>
    %dma_wait3A_65 = tpu.memref_squeeze %dma_wait3A_64 : memref<1x80xi32, #tpu.memory_space<vmem>> -> memref<80xi32, #tpu.memory_space<vmem>>
    %dma_wait3A_66 = arith.constant 0 : i32
    %dma_wait3A_67 = arith.constant 0 : i32
    %dma_wait3A_68 = tpu.memref_slice %arg12[%dma_wait3A_66, %dma_wait3A_67] : memref<10240x128xf32, #tpu.memory_space<vmem_shared>> -> memref<10240x128xf32, #tpu.memory_space<vmem_shared>>
    tpu.wait_indirect_dma semaphore(%arg16 : memref<!tpu.dma_semaphore, #tpu.memory_space<semaphore_mem>>) src(%dma_wait3A_62 : memref<80x128xf32, #tpu.memory_space<vmem>>) dst(%dma_wait3A_68 : memref<10240x128xf32, #tpu.memory_space<vmem_shared>>)
    %dma_start3A = arith.constant 124 : i32
    %dma_start3A_69 = arith.constant 0 : i32
    %dma_start3A_70 = arith.constant 0 : i32
    %dma_start3A_71 = arith.constant 0 : i32
    %dma_start3A_72 = tpu.memref_slice %arg9[%dma_start3A_69, %dma_start3A_70, %dma_start3A_71] : memref<2x80x128xf32, #tpu.memory_space<vmem>> -> memref<1x80x128xf32, #tpu.memory_space<vmem>>
    %dma_start3A_73 = tpu.memref_squeeze %dma_start3A_72 : memref<1x80x128xf32, #tpu.memory_space<vmem>> -> memref<80x128xf32, #tpu.memory_space<vmem>>
    %dma_start3A_74 = arith.constant 0 : i32
    %dma_start3A_75 = tpu.memref_slice %arg10[%dma_start3A, %dma_start3A_74] : memref<125x80xi32, #tpu.memory_space<vmem>> -> memref<1x80xi32, #tpu.memory_space<vmem>>
    %dma_start3A_76 = tpu.memref_squeeze %dma_start3A_75 : memref<1x80xi32, #tpu.memory_space<vmem>> -> memref<80xi32, #tpu.memory_space<vmem>>
    %dma_start3A_77 = arith.constant 0 : i32
    %dma_start3A_78 = arith.constant 0 : i32
    %dma_start3A_79 = tpu.memref_slice %arg2[%dma_start3A_77, %dma_start3A_78] : memref<10240x128xf32, #tpu.memory_space<hbm>> -> memref<10240x128xf32, #tpu.memory_space<hbm>>
    tpu.enqueue_indirect_dma source(%dma_start3A_79 : memref<10240x128xf32, #tpu.memory_space<hbm>>) target(%dma_start3A_73 : memref<80x128xf32, #tpu.memory_space<vmem>>) offsets(%dma_start3A_76 : memref<80xi32, #tpu.memory_space<vmem>>) semaphore(%arg13 : memref<!tpu.dma_semaphore, #tpu.memory_space<semaphore_mem>>)
    %dma_wait3A_80 = arith.constant 124 : i32
    %dma_wait3A_81 = arith.constant 0 : i32
    %dma_wait3A_82 = arith.constant 0 : i32
    %dma_wait3A_83 = arith.constant 0 : i32
    %dma_wait3A_84 = tpu.memref_slice %arg9[%dma_wait3A_81, %dma_wait3A_82, %dma_wait3A_83] : memref<2x80x128xf32, #tpu.memory_space<vmem>> -> memref<1x80x128xf32, #tpu.memory_space<vmem>>
    %dma_wait3A_85 = tpu.memref_squeeze %dma_wait3A_84 : memref<1x80x128xf32, #tpu.memory_space<vmem>> -> memref<80x128xf32, #tpu.memory_space<vmem>>
    %dma_wait3A_86 = arith.constant 0 : i32
    %dma_wait3A_87 = tpu.memref_slice %arg10[%dma_wait3A_80, %dma_wait3A_86] : memref<125x80xi32, #tpu.memory_space<vmem>> -> memref<1x80xi32, #tpu.memory_space<vmem>>
    %dma_wait3A_88 = tpu.memref_squeeze %dma_wait3A_87 : memref<1x80xi32, #tpu.memory_space<vmem>> -> memref<80xi32, #tpu.memory_space<vmem>>
    %dma_wait3A_89 = arith.constant 0 : i32
    %dma_wait3A_90 = arith.constant 0 : i32
    %dma_wait3A_91 = tpu.memref_slice %arg2[%dma_wait3A_89, %dma_wait3A_90] : memref<10240x128xf32, #tpu.memory_space<hbm>> -> memref<10240x128xf32, #tpu.memory_space<hbm>>
    tpu.wait_indirect_dma semaphore(%arg13 : memref<!tpu.dma_semaphore, #tpu.memory_space<semaphore_mem>>) src(%dma_wait3A_91 : memref<10240x128xf32, #tpu.memory_space<hbm>>) dst(%dma_wait3A_85 : memref<80x128xf32, #tpu.memory_space<vmem>>)
    %run_scoped3A_92 = arith.constant 0 : i32
    %run_scoped3A_93 = arith.constant 124 : i32
    "tpu.region"() ({
      %run_scoped3A_203 = tpu.sem_alloc : memref<!tpu.dma_semaphore, #tpu.memory_space<semaphore_mem>>
      %dma_start3A_204 = arith.constant 0 : i32
      %dma_start3A_205 = arith.constant 0 : i32
      %dma_start3A_206 = tpu.memref_slice %arg9[%run_scoped3A_92, %dma_start3A_204, %dma_start3A_205] : memref<2x80x128xf32, #tpu.memory_space<vmem>> -> memref<1x80x128xf32, #tpu.memory_space<vmem>>
      %dma_start3A_207 = tpu.memref_squeeze %dma_start3A_206 : memref<1x80x128xf32, #tpu.memory_space<vmem>> -> memref<80x128xf32, #tpu.memory_space<vmem>>
      %dma_start3A_208 = arith.constant 0 : i32
      %dma_start3A_209 = tpu.memref_slice %arg11[%run_scoped3A_93, %dma_start3A_208] : memref<125x80xi32, #tpu.memory_space<vmem>> -> memref<1x80xi32, #tpu.memory_space<vmem>>
      %dma_start3A_210 = tpu.memref_squeeze %dma_start3A_209 : memref<1x80xi32, #tpu.memory_space<vmem>> -> memref<80xi32, #tpu.memory_space<vmem>>
      %dma_start3A_211 = arith.constant 0 : i32
      %dma_start3A_212 = arith.constant 0 : i32
      %dma_start3A_213 = tpu.memref_slice %arg12[%dma_start3A_211, %dma_start3A_212] : memref<10240x128xf32, #tpu.memory_space<vmem_shared>> -> memref<10240x128xf32, #tpu.memory_space<vmem_shared>>
      tpu.enqueue_indirect_dma source(%dma_start3A_207 : memref<80x128xf32, #tpu.memory_space<vmem>>) target(%dma_start3A_213 : memref<10240x128xf32, #tpu.memory_space<vmem_shared>>) offsets(%dma_start3A_210 : memref<80xi32, #tpu.memory_space<vmem>>) semaphore(%run_scoped3A_203 : memref<!tpu.dma_semaphore, #tpu.memory_space<semaphore_mem>>) {add = true}
      %dma_wait3A_214 = arith.constant 0 : i32
      %dma_wait3A_215 = arith.constant 0 : i32
      %dma_wait3A_216 = tpu.memref_slice %arg9[%run_scoped3A_92, %dma_wait3A_214, %dma_wait3A_215] : memref<2x80x128xf32, #tpu.memory_space<vmem>> -> memref<1x80x128xf32, #tpu.memory_space<vmem>>
      %dma_wait3A_217 = tpu.memref_squeeze %dma_wait3A_216 : memref<1x80x128xf32, #tpu.memory_space<vmem>> -> memref<80x128xf32, #tpu.memory_space<vmem>>
      %dma_wait3A_218 = arith.constant 0 : i32
      %dma_wait3A_219 = tpu.memref_slice %arg11[%run_scoped3A_93, %dma_wait3A_218] : memref<125x80xi32, #tpu.memory_space<vmem>> -> memref<1x80xi32, #tpu.memory_space<vmem>>
      %dma_wait3A_220 = tpu.memref_squeeze %dma_wait3A_219 : memref<1x80xi32, #tpu.memory_space<vmem>> -> memref<80xi32, #tpu.memory_space<vmem>>
      %dma_wait3A_221 = arith.constant 0 : i32
      %dma_wait3A_222 = arith.constant 0 : i32
      %dma_wait3A_223 = tpu.memref_slice %arg12[%dma_wait3A_221, %dma_wait3A_222] : memref<10240x128xf32, #tpu.memory_space<vmem_shared>> -> memref<10240x128xf32, #tpu.memory_space<vmem_shared>>
      tpu.wait_indirect_dma semaphore(%run_scoped3A_203 : memref<!tpu.dma_semaphore, #tpu.memory_space<semaphore_mem>>) src(%dma_wait3A_217 : memref<80x128xf32, #tpu.memory_space<vmem>>) dst(%dma_wait3A_223 : memref<10240x128xf32, #tpu.memory_space<vmem_shared>>)
      tpu.yield
    }) : () -> ()
    %barrier3A_94 = arith.constant 0 : index
    tpu.barrier barrier_id(%barrier3A_94)
    %mul3A_95 = arith.constant 640 : i32
    %mul3A_96 = arith.muli %arg1, %mul3A_95 : i32
    %mul3A_97 = arith.constant 640 : i32
    %mul3A_98 = arith.muli %arg1, %mul3A_97 : i32
    "tpu.region"() ({
      %run_scoped3A_203 = tpu.sem_alloc : memref<!tpu.dma_semaphore, #tpu.memory_space<semaphore_mem>>
      %dma_start3A_204 = arith.constant 0 : i32
      %dma_start3A_205 = tpu.memref_slice %arg7[%arg0, %mul3A_98, %dma_start3A_204] : memref<2x10240x128xf32, #tpu.memory_space<hbm>> -> memref<1x640x128xf32, #tpu.memory_space<hbm>>
      %dma_start3A_206 = tpu.memref_squeeze %dma_start3A_205 : memref<1x640x128xf32, #tpu.memory_space<hbm>> -> memref<640x128xf32, #tpu.memory_space<hbm>>
      %dma_start3A_207 = arith.constant 0 : i32
      %dma_start3A_208 = tpu.memref_slice %arg12[%mul3A_96, %dma_start3A_207] : memref<10240x128xf32, #tpu.memory_space<vmem_shared>> -> memref<640x128xf32, #tpu.memory_space<vmem_shared>>
      tpu.enqueue_dma source(%dma_start3A_208 : memref<640x128xf32, #tpu.memory_space<vmem_shared>>) target(%dma_start3A_206 : memref<640x128xf32, #tpu.memory_space<hbm>>) target_semaphore(%run_scoped3A_203 : memref<!tpu.dma_semaphore, #tpu.memory_space<semaphore_mem>>)
      %dma_wait3A_209 = arith.constant 0 : i32
      %dma_wait3A_210 = tpu.memref_slice %arg7[%arg0, %mul3A_98, %dma_wait3A_209] : memref<2x10240x128xf32, #tpu.memory_space<hbm>> -> memref<1x640x128xf32, #tpu.memory_space<hbm>>
      %dma_wait3A_211 = tpu.memref_squeeze %dma_wait3A_210 : memref<1x640x128xf32, #tpu.memory_space<hbm>> -> memref<640x128xf32, #tpu.memory_space<hbm>>
      %dma_wait3A_212 = arith.constant 0 : i32
      %dma_wait3A_213 = tpu.memref_slice %arg12[%mul3A_96, %dma_wait3A_212] : memref<10240x128xf32, #tpu.memory_space<vmem_shared>> -> memref<640x128xf32, #tpu.memory_space<vmem_shared>>
      tpu.wait_dma2 semaphore(%run_scoped3A_203 : memref<!tpu.dma_semaphore, #tpu.memory_space<semaphore_mem>>) src(%dma_wait3A_213 : memref<640x128xf32, #tpu.memory_space<vmem_shared>>) dst(%dma_wait3A_211 : memref<640x128xf32, #tpu.memory_space<hbm>>)
      tpu.yield
    }) : () -> ()
    %barrier3A_99 = arith.constant 0 : index
    tpu.barrier barrier_id(%barrier3A_99)
    %run_scoped3A_100 = arith.constant 0 : i32
    "tpu.region"() ({
      %run_scoped3A_203 = tpu.sem_alloc : memref<!tpu.dma_semaphore, #tpu.memory_space<semaphore_mem>>
      %dma_start3A_204 = arith.constant 0 : i32
      %dma_start3A_205 = arith.constant 0 : i32
      %dma_start3A_206 = tpu.memref_slice %arg9[%run_scoped3A_100, %dma_start3A_204, %dma_start3A_205] : memref<2x80x128xf32, #tpu.memory_space<vmem>> -> memref<1x80x128xf32, #tpu.memory_space<vmem>>
      %dma_start3A_207 = tpu.memref_squeeze %dma_start3A_206 : memref<1x80x128xf32, #tpu.memory_space<vmem>> -> memref<80x128xf32, #tpu.memory_space<vmem>>
      %dma_start3A_208 = arith.constant 0 : i32
      %dma_start3A_209 = arith.constant 0 : i32
      %dma_start3A_210 = tpu.memref_slice %arg6[%dma_start3A_208, %dma_start3A_209] : memref<128x128xf32, #tpu.memory_space<hbm>> -> memref<80x128xf32, #tpu.memory_space<hbm>>
      %dma_start3A_211 = arith.constant 0 : i32
      %dma_start3A_212 = arith.constant 0 : i32
      %dma_start3A_213 = tpu.memref_slice %arg9[%run_scoped3A_100, %dma_start3A_211, %dma_start3A_212] : memref<2x80x128xf32, #tpu.memory_space<vmem>> -> memref<1x80x128xf32, #tpu.memory_space<vmem>>
      %dma_start3A_214 = tpu.memref_squeeze %dma_start3A_213 : memref<1x80x128xf32, #tpu.memory_space<vmem>> -> memref<80x128xf32, #tpu.memory_space<vmem>>
      %dma_start3A_215 = arith.constant 0 : i32
      %dma_start3A_216 = arith.constant 0 : i32
      %dma_start3A_217 = tpu.memref_slice %arg6[%dma_start3A_215, %dma_start3A_216] : memref<128x128xf32, #tpu.memory_space<hbm>> -> memref<80x128xf32, #tpu.memory_space<hbm>>
      tpu.enqueue_dma source(%dma_start3A_217 : memref<80x128xf32, #tpu.memory_space<hbm>>) target(%dma_start3A_214 : memref<80x128xf32, #tpu.memory_space<vmem>>) target_semaphore(%run_scoped3A_203 : memref<!tpu.dma_semaphore, #tpu.memory_space<semaphore_mem>>)
      %dma_wait3A_218 = arith.constant 0 : i32
      %dma_wait3A_219 = arith.constant 0 : i32
      %dma_wait3A_220 = tpu.memref_slice %arg9[%run_scoped3A_100, %dma_wait3A_218, %dma_wait3A_219] : memref<2x80x128xf32, #tpu.memory_space<vmem>> -> memref<1x80x128xf32, #tpu.memory_space<vmem>>
      %dma_wait3A_221 = tpu.memref_squeeze %dma_wait3A_220 : memref<1x80x128xf32, #tpu.memory_space<vmem>> -> memref<80x128xf32, #tpu.memory_space<vmem>>
      %dma_wait3A_222 = arith.constant 0 : i32
      %dma_wait3A_223 = arith.constant 0 : i32
      %dma_wait3A_224 = tpu.memref_slice %arg6[%dma_wait3A_222, %dma_wait3A_223] : memref<128x128xf32, #tpu.memory_space<hbm>> -> memref<80x128xf32, #tpu.memory_space<hbm>>
      %dma_wait3A_225 = arith.constant 0 : i32
      %dma_wait3A_226 = arith.constant 0 : i32
      %dma_wait3A_227 = tpu.memref_slice %arg9[%run_scoped3A_100, %dma_wait3A_225, %dma_wait3A_226] : memref<2x80x128xf32, #tpu.memory_space<vmem>> -> memref<1x80x128xf32, #tpu.memory_space<vmem>>
      %dma_wait3A_228 = tpu.memref_squeeze %dma_wait3A_227 : memref<1x80x128xf32, #tpu.memory_space<vmem>> -> memref<80x128xf32, #tpu.memory_space<vmem>>
      %dma_wait3A_229 = arith.constant 0 : i32
      %dma_wait3A_230 = arith.constant 0 : i32
      %dma_wait3A_231 = tpu.memref_slice %arg6[%dma_wait3A_229, %dma_wait3A_230] : memref<128x128xf32, #tpu.memory_space<hbm>> -> memref<80x128xf32, #tpu.memory_space<hbm>>
      tpu.wait_dma2 semaphore(%run_scoped3A_203 : memref<!tpu.dma_semaphore, #tpu.memory_space<semaphore_mem>>) src(%dma_wait3A_231 : memref<80x128xf32, #tpu.memory_space<hbm>>) dst(%dma_wait3A_228 : memref<80x128xf32, #tpu.memory_space<vmem>>)
      tpu.yield
    }) : () -> ()
    %mul3A_101 = arith.constant 640 : i32
    %mul3A_102 = arith.muli %arg1, %mul3A_101 : i32
    %add3A_103 = arith.constant 0 : i32
    %add3A_104 = arith.addi %mul3A_102, %add3A_103 : i32
    %run_scoped3A_105 = arith.constant 0 : i32
    "tpu.region"() ({
      %run_scoped3A_203 = tpu.sem_alloc : memref<!tpu.dma_semaphore, #tpu.memory_space<semaphore_mem>>
      %dma_start3A_204 = arith.constant 0 : i32
      %dma_start3A_205 = arith.constant 0 : i32
      %dma_start3A_206 = tpu.memref_slice %arg9[%run_scoped3A_105, %dma_start3A_204, %dma_start3A_205] : memref<2x80x128xf32, #tpu.memory_space<vmem>> -> memref<1x80x128xf32, #tpu.memory_space<vmem>>
      %dma_start3A_207 = tpu.memref_squeeze %dma_start3A_206 : memref<1x80x128xf32, #tpu.memory_space<vmem>> -> memref<80x128xf32, #tpu.memory_space<vmem>>
      %dma_start3A_208 = arith.constant 0 : i32
      %dma_start3A_209 = tpu.memref_slice %arg12[%add3A_104, %dma_start3A_208] : memref<10240x128xf32, #tpu.memory_space<vmem_shared>> -> memref<80x128xf32, #tpu.memory_space<vmem_shared>>
      %dma_start3A_210 = arith.constant 0 : i32
      %dma_start3A_211 = tpu.memref_slice %arg12[%add3A_104, %dma_start3A_210] : memref<10240x128xf32, #tpu.memory_space<vmem_shared>> -> memref<80x128xf32, #tpu.memory_space<vmem_shared>>
      %dma_start3A_212 = arith.constant 0 : i32
      %dma_start3A_213 = arith.constant 0 : i32
      %dma_start3A_214 = tpu.memref_slice %arg9[%run_scoped3A_105, %dma_start3A_212, %dma_start3A_213] : memref<2x80x128xf32, #tpu.memory_space<vmem>> -> memref<1x80x128xf32, #tpu.memory_space<vmem>>
      %dma_start3A_215 = tpu.memref_squeeze %dma_start3A_214 : memref<1x80x128xf32, #tpu.memory_space<vmem>> -> memref<80x128xf32, #tpu.memory_space<vmem>>
      tpu.enqueue_dma source(%dma_start3A_215 : memref<80x128xf32, #tpu.memory_space<vmem>>) target(%dma_start3A_211 : memref<80x128xf32, #tpu.memory_space<vmem_shared>>) target_semaphore(%run_scoped3A_203 : memref<!tpu.dma_semaphore, #tpu.memory_space<semaphore_mem>>)
      %dma_wait3A_216 = arith.constant 0 : i32
      %dma_wait3A_217 = arith.constant 0 : i32
      %dma_wait3A_218 = tpu.memref_slice %arg9[%run_scoped3A_105, %dma_wait3A_216, %dma_wait3A_217] : memref<2x80x128xf32, #tpu.memory_space<vmem>> -> memref<1x80x128xf32, #tpu.memory_space<vmem>>
      %dma_wait3A_219 = tpu.memref_squeeze %dma_wait3A_218 : memref<1x80x128xf32, #tpu.memory_space<vmem>> -> memref<80x128xf32, #tpu.memory_space<vmem>>
      %dma_wait3A_220 = arith.constant 0 : i32
      %dma_wait3A_221 = tpu.memref_slice %arg12[%add3A_104, %dma_wait3A_220] : memref<10240x128xf32, #tpu.memory_space<vmem_shared>> -> memref<80x128xf32, #tpu.memory_space<vmem_shared>>
      %dma_wait3A_222 = arith.constant 0 : i32
      %dma_wait3A_223 = tpu.memref_slice %arg12[%add3A_104, %dma_wait3A_222] : memref<10240x128xf32, #tpu.memory_space<vmem_shared>> -> memref<80x128xf32, #tpu.memory_space<vmem_shared>>
      %dma_wait3A_224 = arith.constant 0 : i32
      %dma_wait3A_225 = arith.constant 0 : i32
      %dma_wait3A_226 = tpu.memref_slice %arg9[%run_scoped3A_105, %dma_wait3A_224, %dma_wait3A_225] : memref<2x80x128xf32, #tpu.memory_space<vmem>> -> memref<1x80x128xf32, #tpu.memory_space<vmem>>
      %dma_wait3A_227 = tpu.memref_squeeze %dma_wait3A_226 : memref<1x80x128xf32, #tpu.memory_space<vmem>> -> memref<80x128xf32, #tpu.memory_space<vmem>>
      tpu.wait_dma2 semaphore(%run_scoped3A_203 : memref<!tpu.dma_semaphore, #tpu.memory_space<semaphore_mem>>) src(%dma_wait3A_227 : memref<80x128xf32, #tpu.memory_space<vmem>>) dst(%dma_wait3A_223 : memref<80x128xf32, #tpu.memory_space<vmem_shared>>)
      tpu.yield
    }) : () -> ()
    %mul3A_106 = arith.constant 640 : i32
    %mul3A_107 = arith.muli %arg1, %mul3A_106 : i32
    %add3A_108 = arith.constant 80 : i32
    %add3A_109 = arith.addi %mul3A_107, %add3A_108 : i32
    %run_scoped3A_110 = arith.constant 0 : i32
    "tpu.region"() ({
      %run_scoped3A_203 = tpu.sem_alloc : memref<!tpu.dma_semaphore, #tpu.memory_space<semaphore_mem>>
      %dma_start3A_204 = arith.constant 0 : i32
      %dma_start3A_205 = arith.constant 0 : i32
      %dma_start3A_206 = tpu.memref_slice %arg9[%run_scoped3A_110, %dma_start3A_204, %dma_start3A_205] : memref<2x80x128xf32, #tpu.memory_space<vmem>> -> memref<1x80x128xf32, #tpu.memory_space<vmem>>
      %dma_start3A_207 = tpu.memref_squeeze %dma_start3A_206 : memref<1x80x128xf32, #tpu.memory_space<vmem>> -> memref<80x128xf32, #tpu.memory_space<vmem>>
      %dma_start3A_208 = arith.constant 0 : i32
      %dma_start3A_209 = tpu.memref_slice %arg12[%add3A_109, %dma_start3A_208] : memref<10240x128xf32, #tpu.memory_space<vmem_shared>> -> memref<80x128xf32, #tpu.memory_space<vmem_shared>>
      %dma_start3A_210 = arith.constant 0 : i32
      %dma_start3A_211 = tpu.memref_slice %arg12[%add3A_109, %dma_start3A_210] : memref<10240x128xf32, #tpu.memory_space<vmem_shared>> -> memref<80x128xf32, #tpu.memory_space<vmem_shared>>
      %dma_start3A_212 = arith.constant 0 : i32
      %dma_start3A_213 = arith.constant 0 : i32
      %dma_start3A_214 = tpu.memref_slice %arg9[%run_scoped3A_110, %dma_start3A_212, %dma_start3A_213] : memref<2x80x128xf32, #tpu.memory_space<vmem>> -> memref<1x80x128xf32, #tpu.memory_space<vmem>>
      %dma_start3A_215 = tpu.memref_squeeze %dma_start3A_214 : memref<1x80x128xf32, #tpu.memory_space<vmem>> -> memref<80x128xf32, #tpu.memory_space<vmem>>
      tpu.enqueue_dma source(%dma_start3A_215 : memref<80x128xf32, #tpu.memory_space<vmem>>) target(%dma_start3A_211 : memref<80x128xf32, #tpu.memory_space<vmem_shared>>) target_semaphore(%run_scoped3A_203 : memref<!tpu.dma_semaphore, #tpu.memory_space<semaphore_mem>>)
      %dma_wait3A_216 = arith.constant 0 : i32
      %dma_wait3A_217 = arith.constant 0 : i32
      %dma_wait3A_218 = tpu.memref_slice %arg9[%run_scoped3A_110, %dma_wait3A_216, %dma_wait3A_217] : memref<2x80x128xf32, #tpu.memory_space<vmem>> -> memref<1x80x128xf32, #tpu.memory_space<vmem>>
      %dma_wait3A_219 = tpu.memref_squeeze %dma_wait3A_218 : memref<1x80x128xf32, #tpu.memory_space<vmem>> -> memref<80x128xf32, #tpu.memory_space<vmem>>
      %dma_wait3A_220 = arith.constant 0 : i32
      %dma_wait3A_221 = tpu.memref_slice %arg12[%add3A_109, %dma_wait3A_220] : memref<10240x128xf32, #tpu.memory_space<vmem_shared>> -> memref<80x128xf32, #tpu.memory_space<vmem_shared>>
      %dma_wait3A_222 = arith.constant 0 : i32
      %dma_wait3A_223 = tpu.memref_slice %arg12[%add3A_109, %dma_wait3A_222] : memref<10240x128xf32, #tpu.memory_space<vmem_shared>> -> memref<80x128xf32, #tpu.memory_space<vmem_shared>>
      %dma_wait3A_224 = arith.constant 0 : i32
      %dma_wait3A_225 = arith.constant 0 : i32
      %dma_wait3A_226 = tpu.memref_slice %arg9[%run_scoped3A_110, %dma_wait3A_224, %dma_wait3A_225] : memref<2x80x128xf32, #tpu.memory_space<vmem>> -> memref<1x80x128xf32, #tpu.memory_space<vmem>>
      %dma_wait3A_227 = tpu.memref_squeeze %dma_wait3A_226 : memref<1x80x128xf32, #tpu.memory_space<vmem>> -> memref<80x128xf32, #tpu.memory_space<vmem>>
      tpu.wait_dma2 semaphore(%run_scoped3A_203 : memref<!tpu.dma_semaphore, #tpu.memory_space<semaphore_mem>>) src(%dma_wait3A_227 : memref<80x128xf32, #tpu.memory_space<vmem>>) dst(%dma_wait3A_223 : memref<80x128xf32, #tpu.memory_space<vmem_shared>>)
      tpu.yield
    }) : () -> ()
    %mul3A_111 = arith.constant 640 : i32
    %mul3A_112 = arith.muli %arg1, %mul3A_111 : i32
    %add3A_113 = arith.constant 160 : i32
    %add3A_114 = arith.addi %mul3A_112, %add3A_113 : i32
    %run_scoped3A_115 = arith.constant 0 : i32
    "tpu.region"() ({
      %run_scoped3A_203 = tpu.sem_alloc : memref<!tpu.dma_semaphore, #tpu.memory_space<semaphore_mem>>
      %dma_start3A_204 = arith.constant 0 : i32
      %dma_start3A_205 = arith.constant 0 : i32
      %dma_start3A_206 = tpu.memref_slice %arg9[%run_scoped3A_115, %dma_start3A_204, %dma_start3A_205] : memref<2x80x128xf32, #tpu.memory_space<vmem>> -> memref<1x80x128xf32, #tpu.memory_space<vmem>>
      %dma_start3A_207 = tpu.memref_squeeze %dma_start3A_206 : memref<1x80x128xf32, #tpu.memory_space<vmem>> -> memref<80x128xf32, #tpu.memory_space<vmem>>
      %dma_start3A_208 = arith.constant 0 : i32
      %dma_start3A_209 = tpu.memref_slice %arg12[%add3A_114, %dma_start3A_208] : memref<10240x128xf32, #tpu.memory_space<vmem_shared>> -> memref<80x128xf32, #tpu.memory_space<vmem_shared>>
      %dma_start3A_210 = arith.constant 0 : i32
      %dma_start3A_211 = tpu.memref_slice %arg12[%add3A_114, %dma_start3A_210] : memref<10240x128xf32, #tpu.memory_space<vmem_shared>> -> memref<80x128xf32, #tpu.memory_space<vmem_shared>>
      %dma_start3A_212 = arith.constant 0 : i32
      %dma_start3A_213 = arith.constant 0 : i32
      %dma_start3A_214 = tpu.memref_slice %arg9[%run_scoped3A_115, %dma_start3A_212, %dma_start3A_213] : memref<2x80x128xf32, #tpu.memory_space<vmem>> -> memref<1x80x128xf32, #tpu.memory_space<vmem>>
      %dma_start3A_215 = tpu.memref_squeeze %dma_start3A_214 : memref<1x80x128xf32, #tpu.memory_space<vmem>> -> memref<80x128xf32, #tpu.memory_space<vmem>>
      tpu.enqueue_dma source(%dma_start3A_215 : memref<80x128xf32, #tpu.memory_space<vmem>>) target(%dma_start3A_211 : memref<80x128xf32, #tpu.memory_space<vmem_shared>>) target_semaphore(%run_scoped3A_203 : memref<!tpu.dma_semaphore, #tpu.memory_space<semaphore_mem>>)
      %dma_wait3A_216 = arith.constant 0 : i32
      %dma_wait3A_217 = arith.constant 0 : i32
      %dma_wait3A_218 = tpu.memref_slice %arg9[%run_scoped3A_115, %dma_wait3A_216, %dma_wait3A_217] : memref<2x80x128xf32, #tpu.memory_space<vmem>> -> memref<1x80x128xf32, #tpu.memory_space<vmem>>
      %dma_wait3A_219 = tpu.memref_squeeze %dma_wait3A_218 : memref<1x80x128xf32, #tpu.memory_space<vmem>> -> memref<80x128xf32, #tpu.memory_space<vmem>>
      %dma_wait3A_220 = arith.constant 0 : i32
      %dma_wait3A_221 = tpu.memref_slice %arg12[%add3A_114, %dma_wait3A_220] : memref<10240x128xf32, #tpu.memory_space<vmem_shared>> -> memref<80x128xf32, #tpu.memory_space<vmem_shared>>
      %dma_wait3A_222 = arith.constant 0 : i32
      %dma_wait3A_223 = tpu.memref_slice %arg12[%add3A_114, %dma_wait3A_222] : memref<10240x128xf32, #tpu.memory_space<vmem_shared>> -> memref<80x128xf32, #tpu.memory_space<vmem_shared>>
      %dma_wait3A_224 = arith.constant 0 : i32
      %dma_wait3A_225 = arith.constant 0 : i32
      %dma_wait3A_226 = tpu.memref_slice %arg9[%run_scoped3A_115, %dma_wait3A_224, %dma_wait3A_225] : memref<2x80x128xf32, #tpu.memory_space<vmem>> -> memref<1x80x128xf32, #tpu.memory_space<vmem>>
      %dma_wait3A_227 = tpu.memref_squeeze %dma_wait3A_226 : memref<1x80x128xf32, #tpu.memory_space<vmem>> -> memref<80x128xf32, #tpu.memory_space<vmem>>
      tpu.wait_dma2 semaphore(%run_scoped3A_203 : memref<!tpu.dma_semaphore, #tpu.memory_space<semaphore_mem>>) src(%dma_wait3A_227 : memref<80x128xf32, #tpu.memory_space<vmem>>) dst(%dma_wait3A_223 : memref<80x128xf32, #tpu.memory_space<vmem_shared>>)
      tpu.yield
    }) : () -> ()
    %mul3A_116 = arith.constant 640 : i32
    %mul3A_117 = arith.muli %arg1, %mul3A_116 : i32
    %add3A_118 = arith.constant 240 : i32
    %add3A_119 = arith.addi %mul3A_117, %add3A_118 : i32
    %run_scoped3A_120 = arith.constant 0 : i32
    "tpu.region"() ({
      %run_scoped3A_203 = tpu.sem_alloc : memref<!tpu.dma_semaphore, #tpu.memory_space<semaphore_mem>>
      %dma_start3A_204 = arith.constant 0 : i32
      %dma_start3A_205 = arith.constant 0 : i32
      %dma_start3A_206 = tpu.memref_slice %arg9[%run_scoped3A_120, %dma_start3A_204, %dma_start3A_205] : memref<2x80x128xf32, #tpu.memory_space<vmem>> -> memref<1x80x128xf32, #tpu.memory_space<vmem>>
      %dma_start3A_207 = tpu.memref_squeeze %dma_start3A_206 : memref<1x80x128xf32, #tpu.memory_space<vmem>> -> memref<80x128xf32, #tpu.memory_space<vmem>>
      %dma_start3A_208 = arith.constant 0 : i32
      %dma_start3A_209 = tpu.memref_slice %arg12[%add3A_119, %dma_start3A_208] : memref<10240x128xf32, #tpu.memory_space<vmem_shared>> -> memref<80x128xf32, #tpu.memory_space<vmem_shared>>
      %dma_start3A_210 = arith.constant 0 : i32
      %dma_start3A_211 = tpu.memref_slice %arg12[%add3A_119, %dma_start3A_210] : memref<10240x128xf32, #tpu.memory_space<vmem_shared>> -> memref<80x128xf32, #tpu.memory_space<vmem_shared>>
      %dma_start3A_212 = arith.constant 0 : i32
      %dma_start3A_213 = arith.constant 0 : i32
      %dma_start3A_214 = tpu.memref_slice %arg9[%run_scoped3A_120, %dma_start3A_212, %dma_start3A_213] : memref<2x80x128xf32, #tpu.memory_space<vmem>> -> memref<1x80x128xf32, #tpu.memory_space<vmem>>
      %dma_start3A_215 = tpu.memref_squeeze %dma_start3A_214 : memref<1x80x128xf32, #tpu.memory_space<vmem>> -> memref<80x128xf32, #tpu.memory_space<vmem>>
      tpu.enqueue_dma source(%dma_start3A_215 : memref<80x128xf32, #tpu.memory_space<vmem>>) target(%dma_start3A_211 : memref<80x128xf32, #tpu.memory_space<vmem_shared>>) target_semaphore(%run_scoped3A_203 : memref<!tpu.dma_semaphore, #tpu.memory_space<semaphore_mem>>)
      %dma_wait3A_216 = arith.constant 0 : i32
      %dma_wait3A_217 = arith.constant 0 : i32
      %dma_wait3A_218 = tpu.memref_slice %arg9[%run_scoped3A_120, %dma_wait3A_216, %dma_wait3A_217] : memref<2x80x128xf32, #tpu.memory_space<vmem>> -> memref<1x80x128xf32, #tpu.memory_space<vmem>>
      %dma_wait3A_219 = tpu.memref_squeeze %dma_wait3A_218 : memref<1x80x128xf32, #tpu.memory_space<vmem>> -> memref<80x128xf32, #tpu.memory_space<vmem>>
      %dma_wait3A_220 = arith.constant 0 : i32
      %dma_wait3A_221 = tpu.memref_slice %arg12[%add3A_119, %dma_wait3A_220] : memref<10240x128xf32, #tpu.memory_space<vmem_shared>> -> memref<80x128xf32, #tpu.memory_space<vmem_shared>>
      %dma_wait3A_222 = arith.constant 0 : i32
      %dma_wait3A_223 = tpu.memref_slice %arg12[%add3A_119, %dma_wait3A_222] : memref<10240x128xf32, #tpu.memory_space<vmem_shared>> -> memref<80x128xf32, #tpu.memory_space<vmem_shared>>
      %dma_wait3A_224 = arith.constant 0 : i32
      %dma_wait3A_225 = arith.constant 0 : i32
      %dma_wait3A_226 = tpu.memref_slice %arg9[%run_scoped3A_120, %dma_wait3A_224, %dma_wait3A_225] : memref<2x80x128xf32, #tpu.memory_space<vmem>> -> memref<1x80x128xf32, #tpu.memory_space<vmem>>
      %dma_wait3A_227 = tpu.memref_squeeze %dma_wait3A_226 : memref<1x80x128xf32, #tpu.memory_space<vmem>> -> memref<80x128xf32, #tpu.memory_space<vmem>>
      tpu.wait_dma2 semaphore(%run_scoped3A_203 : memref<!tpu.dma_semaphore, #tpu.memory_space<semaphore_mem>>) src(%dma_wait3A_227 : memref<80x128xf32, #tpu.memory_space<vmem>>) dst(%dma_wait3A_223 : memref<80x128xf32, #tpu.memory_space<vmem_shared>>)
      tpu.yield
    }) : () -> ()
    %mul3A_121 = arith.constant 640 : i32
    %mul3A_122 = arith.muli %arg1, %mul3A_121 : i32
    %add3A_123 = arith.constant 320 : i32
    %add3A_124 = arith.addi %mul3A_122, %add3A_123 : i32
    %run_scoped3A_125 = arith.constant 0 : i32
    "tpu.region"() ({
      %run_scoped3A_203 = tpu.sem_alloc : memref<!tpu.dma_semaphore, #tpu.memory_space<semaphore_mem>>
      %dma_start3A_204 = arith.constant 0 : i32
      %dma_start3A_205 = arith.constant 0 : i32
      %dma_start3A_206 = tpu.memref_slice %arg9[%run_scoped3A_125, %dma_start3A_204, %dma_start3A_205] : memref<2x80x128xf32, #tpu.memory_space<vmem>> -> memref<1x80x128xf32, #tpu.memory_space<vmem>>
      %dma_start3A_207 = tpu.memref_squeeze %dma_start3A_206 : memref<1x80x128xf32, #tpu.memory_space<vmem>> -> memref<80x128xf32, #tpu.memory_space<vmem>>
      %dma_start3A_208 = arith.constant 0 : i32
      %dma_start3A_209 = tpu.memref_slice %arg12[%add3A_124, %dma_start3A_208] : memref<10240x128xf32, #tpu.memory_space<vmem_shared>> -> memref<80x128xf32, #tpu.memory_space<vmem_shared>>
      %dma_start3A_210 = arith.constant 0 : i32
      %dma_start3A_211 = tpu.memref_slice %arg12[%add3A_124, %dma_start3A_210] : memref<10240x128xf32, #tpu.memory_space<vmem_shared>> -> memref<80x128xf32, #tpu.memory_space<vmem_shared>>
      %dma_start3A_212 = arith.constant 0 : i32
      %dma_start3A_213 = arith.constant 0 : i32
      %dma_start3A_214 = tpu.memref_slice %arg9[%run_scoped3A_125, %dma_start3A_212, %dma_start3A_213] : memref<2x80x128xf32, #tpu.memory_space<vmem>> -> memref<1x80x128xf32, #tpu.memory_space<vmem>>
      %dma_start3A_215 = tpu.memref_squeeze %dma_start3A_214 : memref<1x80x128xf32, #tpu.memory_space<vmem>> -> memref<80x128xf32, #tpu.memory_space<vmem>>
      tpu.enqueue_dma source(%dma_start3A_215 : memref<80x128xf32, #tpu.memory_space<vmem>>) target(%dma_start3A_211 : memref<80x128xf32, #tpu.memory_space<vmem_shared>>) target_semaphore(%run_scoped3A_203 : memref<!tpu.dma_semaphore, #tpu.memory_space<semaphore_mem>>)
      %dma_wait3A_216 = arith.constant 0 : i32
      %dma_wait3A_217 = arith.constant 0 : i32
      %dma_wait3A_218 = tpu.memref_slice %arg9[%run_scoped3A_125, %dma_wait3A_216, %dma_wait3A_217] : memref<2x80x128xf32, #tpu.memory_space<vmem>> -> memref<1x80x128xf32, #tpu.memory_space<vmem>>
      %dma_wait3A_219 = tpu.memref_squeeze %dma_wait3A_218 : memref<1x80x128xf32, #tpu.memory_space<vmem>> -> memref<80x128xf32, #tpu.memory_space<vmem>>
      %dma_wait3A_220 = arith.constant 0 : i32
      %dma_wait3A_221 = tpu.memref_slice %arg12[%add3A_124, %dma_wait3A_220] : memref<10240x128xf32, #tpu.memory_space<vmem_shared>> -> memref<80x128xf32, #tpu.memory_space<vmem_shared>>
      %dma_wait3A_222 = arith.constant 0 : i32
      %dma_wait3A_223 = tpu.memref_slice %arg12[%add3A_124, %dma_wait3A_222] : memref<10240x128xf32, #tpu.memory_space<vmem_shared>> -> memref<80x128xf32, #tpu.memory_space<vmem_shared>>
      %dma_wait3A_224 = arith.constant 0 : i32
      %dma_wait3A_225 = arith.constant 0 : i32
      %dma_wait3A_226 = tpu.memref_slice %arg9[%run_scoped3A_125, %dma_wait3A_224, %dma_wait3A_225] : memref<2x80x128xf32, #tpu.memory_space<vmem>> -> memref<1x80x128xf32, #tpu.memory_space<vmem>>
      %dma_wait3A_227 = tpu.memref_squeeze %dma_wait3A_226 : memref<1x80x128xf32, #tpu.memory_space<vmem>> -> memref<80x128xf32, #tpu.memory_space<vmem>>
      tpu.wait_dma2 semaphore(%run_scoped3A_203 : memref<!tpu.dma_semaphore, #tpu.memory_space<semaphore_mem>>) src(%dma_wait3A_227 : memref<80x128xf32, #tpu.memory_space<vmem>>) dst(%dma_wait3A_223 : memref<80x128xf32, #tpu.memory_space<vmem_shared>>)
      tpu.yield
    }) : () -> ()
    %mul3A_126 = arith.constant 640 : i32
    %mul3A_127 = arith.muli %arg1, %mul3A_126 : i32
    %add3A_128 = arith.constant 400 : i32
    %add3A_129 = arith.addi %mul3A_127, %add3A_128 : i32
    %run_scoped3A_130 = arith.constant 0 : i32
    "tpu.region"() ({
      %run_scoped3A_203 = tpu.sem_alloc : memref<!tpu.dma_semaphore, #tpu.memory_space<semaphore_mem>>
      %dma_start3A_204 = arith.constant 0 : i32
      %dma_start3A_205 = arith.constant 0 : i32
      %dma_start3A_206 = tpu.memref_slice %arg9[%run_scoped3A_130, %dma_start3A_204, %dma_start3A_205] : memref<2x80x128xf32, #tpu.memory_space<vmem>> -> memref<1x80x128xf32, #tpu.memory_space<vmem>>
      %dma_start3A_207 = tpu.memref_squeeze %dma_start3A_206 : memref<1x80x128xf32, #tpu.memory_space<vmem>> -> memref<80x128xf32, #tpu.memory_space<vmem>>
      %dma_start3A_208 = arith.constant 0 : i32
      %dma_start3A_209 = tpu.memref_slice %arg12[%add3A_129, %dma_start3A_208] : memref<10240x128xf32, #tpu.memory_space<vmem_shared>> -> memref<80x128xf32, #tpu.memory_space<vmem_shared>>
      %dma_start3A_210 = arith.constant 0 : i32
      %dma_start3A_211 = tpu.memref_slice %arg12[%add3A_129, %dma_start3A_210] : memref<10240x128xf32, #tpu.memory_space<vmem_shared>> -> memref<80x128xf32, #tpu.memory_space<vmem_shared>>
      %dma_start3A_212 = arith.constant 0 : i32
      %dma_start3A_213 = arith.constant 0 : i32
      %dma_start3A_214 = tpu.memref_slice %arg9[%run_scoped3A_130, %dma_start3A_212, %dma_start3A_213] : memref<2x80x128xf32, #tpu.memory_space<vmem>> -> memref<1x80x128xf32, #tpu.memory_space<vmem>>
      %dma_start3A_215 = tpu.memref_squeeze %dma_start3A_214 : memref<1x80x128xf32, #tpu.memory_space<vmem>> -> memref<80x128xf32, #tpu.memory_space<vmem>>
      tpu.enqueue_dma source(%dma_start3A_215 : memref<80x128xf32, #tpu.memory_space<vmem>>) target(%dma_start3A_211 : memref<80x128xf32, #tpu.memory_space<vmem_shared>>) target_semaphore(%run_scoped3A_203 : memref<!tpu.dma_semaphore, #tpu.memory_space<semaphore_mem>>)
      %dma_wait3A_216 = arith.constant 0 : i32
      %dma_wait3A_217 = arith.constant 0 : i32
      %dma_wait3A_218 = tpu.memref_slice %arg9[%run_scoped3A_130, %dma_wait3A_216, %dma_wait3A_217] : memref<2x80x128xf32, #tpu.memory_space<vmem>> -> memref<1x80x128xf32, #tpu.memory_space<vmem>>
      %dma_wait3A_219 = tpu.memref_squeeze %dma_wait3A_218 : memref<1x80x128xf32, #tpu.memory_space<vmem>> -> memref<80x128xf32, #tpu.memory_space<vmem>>
      %dma_wait3A_220 = arith.constant 0 : i32
      %dma_wait3A_221 = tpu.memref_slice %arg12[%add3A_129, %dma_wait3A_220] : memref<10240x128xf32, #tpu.memory_space<vmem_shared>> -> memref<80x128xf32, #tpu.memory_space<vmem_shared>>
      %dma_wait3A_222 = arith.constant 0 : i32
      %dma_wait3A_223 = tpu.memref_slice %arg12[%add3A_129, %dma_wait3A_222] : memref<10240x128xf32, #tpu.memory_space<vmem_shared>> -> memref<80x128xf32, #tpu.memory_space<vmem_shared>>
      %dma_wait3A_224 = arith.constant 0 : i32
      %dma_wait3A_225 = arith.constant 0 : i32
      %dma_wait3A_226 = tpu.memref_slice %arg9[%run_scoped3A_130, %dma_wait3A_224, %dma_wait3A_225] : memref<2x80x128xf32, #tpu.memory_space<vmem>> -> memref<1x80x128xf32, #tpu.memory_space<vmem>>
      %dma_wait3A_227 = tpu.memref_squeeze %dma_wait3A_226 : memref<1x80x128xf32, #tpu.memory_space<vmem>> -> memref<80x128xf32, #tpu.memory_space<vmem>>
      tpu.wait_dma2 semaphore(%run_scoped3A_203 : memref<!tpu.dma_semaphore, #tpu.memory_space<semaphore_mem>>) src(%dma_wait3A_227 : memref<80x128xf32, #tpu.memory_space<vmem>>) dst(%dma_wait3A_223 : memref<80x128xf32, #tpu.memory_space<vmem_shared>>)
      tpu.yield
    }) : () -> ()
    %mul3A_131 = arith.constant 640 : i32
    %mul3A_132 = arith.muli %arg1, %mul3A_131 : i32
    %add3A_133 = arith.constant 480 : i32
    %add3A_134 = arith.addi %mul3A_132, %add3A_133 : i32
    %run_scoped3A_135 = arith.constant 0 : i32
    "tpu.region"() ({
      %run_scoped3A_203 = tpu.sem_alloc : memref<!tpu.dma_semaphore, #tpu.memory_space<semaphore_mem>>
      %dma_start3A_204 = arith.constant 0 : i32
      %dma_start3A_205 = arith.constant 0 : i32
      %dma_start3A_206 = tpu.memref_slice %arg9[%run_scoped3A_135, %dma_start3A_204, %dma_start3A_205] : memref<2x80x128xf32, #tpu.memory_space<vmem>> -> memref<1x80x128xf32, #tpu.memory_space<vmem>>
      %dma_start3A_207 = tpu.memref_squeeze %dma_start3A_206 : memref<1x80x128xf32, #tpu.memory_space<vmem>> -> memref<80x128xf32, #tpu.memory_space<vmem>>
      %dma_start3A_208 = arith.constant 0 : i32
      %dma_start3A_209 = tpu.memref_slice %arg12[%add3A_134, %dma_start3A_208] : memref<10240x128xf32, #tpu.memory_space<vmem_shared>> -> memref<80x128xf32, #tpu.memory_space<vmem_shared>>
      %dma_start3A_210 = arith.constant 0 : i32
      %dma_start3A_211 = tpu.memref_slice %arg12[%add3A_134, %dma_start3A_210] : memref<10240x128xf32, #tpu.memory_space<vmem_shared>> -> memref<80x128xf32, #tpu.memory_space<vmem_shared>>
      %dma_start3A_212 = arith.constant 0 : i32
      %dma_start3A_213 = arith.constant 0 : i32
      %dma_start3A_214 = tpu.memref_slice %arg9[%run_scoped3A_135, %dma_start3A_212, %dma_start3A_213] : memref<2x80x128xf32, #tpu.memory_space<vmem>> -> memref<1x80x128xf32, #tpu.memory_space<vmem>>
      %dma_start3A_215 = tpu.memref_squeeze %dma_start3A_214 : memref<1x80x128xf32, #tpu.memory_space<vmem>> -> memref<80x128xf32, #tpu.memory_space<vmem>>
      tpu.enqueue_dma source(%dma_start3A_215 : memref<80x128xf32, #tpu.memory_space<vmem>>) target(%dma_start3A_211 : memref<80x128xf32, #tpu.memory_space<vmem_shared>>) target_semaphore(%run_scoped3A_203 : memref<!tpu.dma_semaphore, #tpu.memory_space<semaphore_mem>>)
      %dma_wait3A_216 = arith.constant 0 : i32
      %dma_wait3A_217 = arith.constant 0 : i32
      %dma_wait3A_218 = tpu.memref_slice %arg9[%run_scoped3A_135, %dma_wait3A_216, %dma_wait3A_217] : memref<2x80x128xf32, #tpu.memory_space<vmem>> -> memref<1x80x128xf32, #tpu.memory_space<vmem>>
      %dma_wait3A_219 = tpu.memref_squeeze %dma_wait3A_218 : memref<1x80x128xf32, #tpu.memory_space<vmem>> -> memref<80x128xf32, #tpu.memory_space<vmem>>
      %dma_wait3A_220 = arith.constant 0 : i32
      %dma_wait3A_221 = tpu.memref_slice %arg12[%add3A_134, %dma_wait3A_220] : memref<10240x128xf32, #tpu.memory_space<vmem_shared>> -> memref<80x128xf32, #tpu.memory_space<vmem_shared>>
      %dma_wait3A_222 = arith.constant 0 : i32
      %dma_wait3A_223 = tpu.memref_slice %arg12[%add3A_134, %dma_wait3A_222] : memref<10240x128xf32, #tpu.memory_space<vmem_shared>> -> memref<80x128xf32, #tpu.memory_space<vmem_shared>>
      %dma_wait3A_224 = arith.constant 0 : i32
      %dma_wait3A_225 = arith.constant 0 : i32
      %dma_wait3A_226 = tpu.memref_slice %arg9[%run_scoped3A_135, %dma_wait3A_224, %dma_wait3A_225] : memref<2x80x128xf32, #tpu.memory_space<vmem>> -> memref<1x80x128xf32, #tpu.memory_space<vmem>>
      %dma_wait3A_227 = tpu.memref_squeeze %dma_wait3A_226 : memref<1x80x128xf32, #tpu.memory_space<vmem>> -> memref<80x128xf32, #tpu.memory_space<vmem>>
      tpu.wait_dma2 semaphore(%run_scoped3A_203 : memref<!tpu.dma_semaphore, #tpu.memory_space<semaphore_mem>>) src(%dma_wait3A_227 : memref<80x128xf32, #tpu.memory_space<vmem>>) dst(%dma_wait3A_223 : memref<80x128xf32, #tpu.memory_space<vmem_shared>>)
      tpu.yield
    }) : () -> ()
    %mul3A_136 = arith.constant 640 : i32
    %mul3A_137 = arith.muli %arg1, %mul3A_136 : i32
    %add3A_138 = arith.constant 560 : i32
    %add3A_139 = arith.addi %mul3A_137, %add3A_138 : i32
    %run_scoped3A_140 = arith.constant 0 : i32
    "tpu.region"() ({
      %run_scoped3A_203 = tpu.sem_alloc : memref<!tpu.dma_semaphore, #tpu.memory_space<semaphore_mem>>
      %dma_start3A_204 = arith.constant 0 : i32
      %dma_start3A_205 = arith.constant 0 : i32
      %dma_start3A_206 = tpu.memref_slice %arg9[%run_scoped3A_140, %dma_start3A_204, %dma_start3A_205] : memref<2x80x128xf32, #tpu.memory_space<vmem>> -> memref<1x80x128xf32, #tpu.memory_space<vmem>>
      %dma_start3A_207 = tpu.memref_squeeze %dma_start3A_206 : memref<1x80x128xf32, #tpu.memory_space<vmem>> -> memref<80x128xf32, #tpu.memory_space<vmem>>
      %dma_start3A_208 = arith.constant 0 : i32
      %dma_start3A_209 = tpu.memref_slice %arg12[%add3A_139, %dma_start3A_208] : memref<10240x128xf32, #tpu.memory_space<vmem_shared>> -> memref<80x128xf32, #tpu.memory_space<vmem_shared>>
      %dma_start3A_210 = arith.constant 0 : i32
      %dma_start3A_211 = tpu.memref_slice %arg12[%add3A_139, %dma_start3A_210] : memref<10240x128xf32, #tpu.memory_space<vmem_shared>> -> memref<80x128xf32, #tpu.memory_space<vmem_shared>>
      %dma_start3A_212 = arith.constant 0 : i32
      %dma_start3A_213 = arith.constant 0 : i32
      %dma_start3A_214 = tpu.memref_slice %arg9[%run_scoped3A_140, %dma_start3A_212, %dma_start3A_213] : memref<2x80x128xf32, #tpu.memory_space<vmem>> -> memref<1x80x128xf32, #tpu.memory_space<vmem>>
      %dma_start3A_215 = tpu.memref_squeeze %dma_start3A_214 : memref<1x80x128xf32, #tpu.memory_space<vmem>> -> memref<80x128xf32, #tpu.memory_space<vmem>>
      tpu.enqueue_dma source(%dma_start3A_215 : memref<80x128xf32, #tpu.memory_space<vmem>>) target(%dma_start3A_211 : memref<80x128xf32, #tpu.memory_space<vmem_shared>>) target_semaphore(%run_scoped3A_203 : memref<!tpu.dma_semaphore, #tpu.memory_space<semaphore_mem>>)
      %dma_wait3A_216 = arith.constant 0 : i32
      %dma_wait3A_217 = arith.constant 0 : i32
      %dma_wait3A_218 = tpu.memref_slice %arg9[%run_scoped3A_140, %dma_wait3A_216, %dma_wait3A_217] : memref<2x80x128xf32, #tpu.memory_space<vmem>> -> memref<1x80x128xf32, #tpu.memory_space<vmem>>
      %dma_wait3A_219 = tpu.memref_squeeze %dma_wait3A_218 : memref<1x80x128xf32, #tpu.memory_space<vmem>> -> memref<80x128xf32, #tpu.memory_space<vmem>>
      %dma_wait3A_220 = arith.constant 0 : i32
      %dma_wait3A_221 = tpu.memref_slice %arg12[%add3A_139, %dma_wait3A_220] : memref<10240x128xf32, #tpu.memory_space<vmem_shared>> -> memref<80x128xf32, #tpu.memory_space<vmem_shared>>
      %dma_wait3A_222 = arith.constant 0 : i32
      %dma_wait3A_223 = tpu.memref_slice %arg12[%add3A_139, %dma_wait3A_222] : memref<10240x128xf32, #tpu.memory_space<vmem_shared>> -> memref<80x128xf32, #tpu.memory_space<vmem_shared>>
      %dma_wait3A_224 = arith.constant 0 : i32
      %dma_wait3A_225 = arith.constant 0 : i32
      %dma_wait3A_226 = tpu.memref_slice %arg9[%run_scoped3A_140, %dma_wait3A_224, %dma_wait3A_225] : memref<2x80x128xf32, #tpu.memory_space<vmem>> -> memref<1x80x128xf32, #tpu.memory_space<vmem>>
      %dma_wait3A_227 = tpu.memref_squeeze %dma_wait3A_226 : memref<1x80x128xf32, #tpu.memory_space<vmem>> -> memref<80x128xf32, #tpu.memory_space<vmem>>
      tpu.wait_dma2 semaphore(%run_scoped3A_203 : memref<!tpu.dma_semaphore, #tpu.memory_space<semaphore_mem>>) src(%dma_wait3A_227 : memref<80x128xf32, #tpu.memory_space<vmem>>) dst(%dma_wait3A_223 : memref<80x128xf32, #tpu.memory_space<vmem_shared>>)
      tpu.yield
    }) : () -> ()
    %barrier3A_141 = arith.constant 0 : index
    tpu.barrier barrier_id(%barrier3A_141)
    %scan3A_142 = arith.constant 0 : i32
    %scan3A_143 = arith.constant 0 : i32
    %scan3A_144 = arith.constant 62 : i32
    %scan3A_145 = arith.addi %scan3A_143, %scan3A_144 : i32
    %scan3A_146 = arith.constant 1 : i32
    scf.for %scan3A_203 = %scan3A_143 to %scan3A_145 step %scan3A_146  : i32 {
      %mul3A_204 = arith.constant 2 : i32
      %mul3A_205 = arith.muli %scan3A_203, %mul3A_204 : i32
      %gt3A = arith.constant 0 : i32
      %gt3A_206 = arith.cmpi sgt, %scan3A_203, %gt3A : i32
      %convert_element_type3A = arith.extui %gt3A_206 : i1 to i32
      %cond3A = arith.constant 0 : i32
      %cond3A_207 = arith.cmpi ne, %convert_element_type3A, %cond3A : i32
      scf.if %cond3A_207 {
        %sub3A = arith.constant 2 : i32
        %sub3A_287 = arith.subi %mul3A_205, %sub3A : i32
        %add3A_288 = arith.constant 0 : i32
        %add3A_289 = arith.addi %sub3A_287, %add3A_288 : i32
        %dma_wait3A_290 = arith.constant 0 : i32
        %dma_wait3A_291 = arith.constant 0 : i32
        %dma_wait3A_292 = arith.constant 0 : i32
        %dma_wait3A_293 = tpu.memref_slice %arg9[%dma_wait3A_290, %dma_wait3A_291, %dma_wait3A_292] : memref<2x80x128xf32, #tpu.memory_space<vmem>> -> memref<1x80x128xf32, #tpu.memory_space<vmem>>
        %dma_wait3A_294 = tpu.memref_squeeze %dma_wait3A_293 : memref<1x80x128xf32, #tpu.memory_space<vmem>> -> memref<80x128xf32, #tpu.memory_space<vmem>>
        %dma_wait3A_295 = arith.constant 0 : i32
        %dma_wait3A_296 = tpu.memref_slice %arg11[%add3A_289, %dma_wait3A_295] : memref<125x80xi32, #tpu.memory_space<vmem>> -> memref<1x80xi32, #tpu.memory_space<vmem>>
        %dma_wait3A_297 = tpu.memref_squeeze %dma_wait3A_296 : memref<1x80xi32, #tpu.memory_space<vmem>> -> memref<80xi32, #tpu.memory_space<vmem>>
        %dma_wait3A_298 = arith.constant 0 : i32
        %dma_wait3A_299 = arith.constant 0 : i32
        %dma_wait3A_300 = tpu.memref_slice %arg12[%dma_wait3A_298, %dma_wait3A_299] : memref<10240x128xf32, #tpu.memory_space<vmem_shared>> -> memref<10240x128xf32, #tpu.memory_space<vmem_shared>>
        tpu.wait_indirect_dma semaphore(%arg15 : memref<!tpu.dma_semaphore, #tpu.memory_space<semaphore_mem>>) src(%dma_wait3A_294 : memref<80x128xf32, #tpu.memory_space<vmem>>) dst(%dma_wait3A_300 : memref<10240x128xf32, #tpu.memory_space<vmem_shared>>)
      } else {
      }
      %gt3A_208 = arith.constant 0 : i32
      %gt3A_209 = arith.cmpi sgt, %scan3A_203, %gt3A_208 : i32
      %convert_element_type3A_210 = arith.extui %gt3A_209 : i1 to i32
      %cond3A_211 = arith.constant 0 : i32
      %cond3A_212 = arith.cmpi ne, %convert_element_type3A_210, %cond3A_211 : i32
      scf.if %cond3A_212 {
        %sub3A = arith.constant 2 : i32
        %sub3A_287 = arith.subi %mul3A_205, %sub3A : i32
        %add3A_288 = arith.constant 1 : i32
        %add3A_289 = arith.addi %sub3A_287, %add3A_288 : i32
        %dma_wait3A_290 = arith.constant 1 : i32
        %dma_wait3A_291 = arith.constant 0 : i32
        %dma_wait3A_292 = arith.constant 0 : i32
        %dma_wait3A_293 = tpu.memref_slice %arg9[%dma_wait3A_290, %dma_wait3A_291, %dma_wait3A_292] : memref<2x80x128xf32, #tpu.memory_space<vmem>> -> memref<1x80x128xf32, #tpu.memory_space<vmem>>
        %dma_wait3A_294 = tpu.memref_squeeze %dma_wait3A_293 : memref<1x80x128xf32, #tpu.memory_space<vmem>> -> memref<80x128xf32, #tpu.memory_space<vmem>>
        %dma_wait3A_295 = arith.constant 0 : i32
        %dma_wait3A_296 = tpu.memref_slice %arg11[%add3A_289, %dma_wait3A_295] : memref<125x80xi32, #tpu.memory_space<vmem>> -> memref<1x80xi32, #tpu.memory_space<vmem>>
        %dma_wait3A_297 = tpu.memref_squeeze %dma_wait3A_296 : memref<1x80xi32, #tpu.memory_space<vmem>> -> memref<80xi32, #tpu.memory_space<vmem>>
        %dma_wait3A_298 = arith.constant 0 : i32
        %dma_wait3A_299 = arith.constant 0 : i32
        %dma_wait3A_300 = tpu.memref_slice %arg12[%dma_wait3A_298, %dma_wait3A_299] : memref<10240x128xf32, #tpu.memory_space<vmem_shared>> -> memref<10240x128xf32, #tpu.memory_space<vmem_shared>>
        tpu.wait_indirect_dma semaphore(%arg16 : memref<!tpu.dma_semaphore, #tpu.memory_space<semaphore_mem>>) src(%dma_wait3A_294 : memref<80x128xf32, #tpu.memory_space<vmem>>) dst(%dma_wait3A_300 : memref<10240x128xf32, #tpu.memory_space<vmem_shared>>)
      } else {
      }
      %add3A_213 = arith.constant 0 : i32
      %add3A_214 = arith.addi %mul3A_205, %add3A_213 : i32
      %dma_start3A_215 = arith.constant 0 : i32
      %dma_start3A_216 = arith.constant 0 : i32
      %dma_start3A_217 = arith.constant 0 : i32
      %dma_start3A_218 = tpu.memref_slice %arg9[%dma_start3A_215, %dma_start3A_216, %dma_start3A_217] : memref<2x80x128xf32, #tpu.memory_space<vmem>> -> memref<1x80x128xf32, #tpu.memory_space<vmem>>
      %dma_start3A_219 = tpu.memref_squeeze %dma_start3A_218 : memref<1x80x128xf32, #tpu.memory_space<vmem>> -> memref<80x128xf32, #tpu.memory_space<vmem>>
      %dma_start3A_220 = arith.constant 0 : i32
      %dma_start3A_221 = tpu.memref_slice %arg10[%add3A_214, %dma_start3A_220] : memref<125x80xi32, #tpu.memory_space<vmem>> -> memref<1x80xi32, #tpu.memory_space<vmem>>
      %dma_start3A_222 = tpu.memref_squeeze %dma_start3A_221 : memref<1x80xi32, #tpu.memory_space<vmem>> -> memref<80xi32, #tpu.memory_space<vmem>>
      %dma_start3A_223 = arith.constant 0 : i32
      %dma_start3A_224 = arith.constant 0 : i32
      %dma_start3A_225 = tpu.memref_slice %arg3[%dma_start3A_223, %dma_start3A_224] : memref<10240x128xf32, #tpu.memory_space<hbm>> -> memref<10240x128xf32, #tpu.memory_space<hbm>>
      tpu.enqueue_indirect_dma source(%dma_start3A_225 : memref<10240x128xf32, #tpu.memory_space<hbm>>) target(%dma_start3A_219 : memref<80x128xf32, #tpu.memory_space<vmem>>) offsets(%dma_start3A_222 : memref<80xi32, #tpu.memory_space<vmem>>) semaphore(%arg13 : memref<!tpu.dma_semaphore, #tpu.memory_space<semaphore_mem>>)
      %add3A_226 = arith.constant 1 : i32
      %add3A_227 = arith.addi %mul3A_205, %add3A_226 : i32
      %dma_start3A_228 = arith.constant 1 : i32
      %dma_start3A_229 = arith.constant 0 : i32
      %dma_start3A_230 = arith.constant 0 : i32
      %dma_start3A_231 = tpu.memref_slice %arg9[%dma_start3A_228, %dma_start3A_229, %dma_start3A_230] : memref<2x80x128xf32, #tpu.memory_space<vmem>> -> memref<1x80x128xf32, #tpu.memory_space<vmem>>
      %dma_start3A_232 = tpu.memref_squeeze %dma_start3A_231 : memref<1x80x128xf32, #tpu.memory_space<vmem>> -> memref<80x128xf32, #tpu.memory_space<vmem>>
      %dma_start3A_233 = arith.constant 0 : i32
      %dma_start3A_234 = tpu.memref_slice %arg10[%add3A_227, %dma_start3A_233] : memref<125x80xi32, #tpu.memory_space<vmem>> -> memref<1x80xi32, #tpu.memory_space<vmem>>
      %dma_start3A_235 = tpu.memref_squeeze %dma_start3A_234 : memref<1x80xi32, #tpu.memory_space<vmem>> -> memref<80xi32, #tpu.memory_space<vmem>>
      %dma_start3A_236 = arith.constant 0 : i32
      %dma_start3A_237 = arith.constant 0 : i32
      %dma_start3A_238 = tpu.memref_slice %arg3[%dma_start3A_236, %dma_start3A_237] : memref<10240x128xf32, #tpu.memory_space<hbm>> -> memref<10240x128xf32, #tpu.memory_space<hbm>>
      tpu.enqueue_indirect_dma source(%dma_start3A_238 : memref<10240x128xf32, #tpu.memory_space<hbm>>) target(%dma_start3A_232 : memref<80x128xf32, #tpu.memory_space<vmem>>) offsets(%dma_start3A_235 : memref<80xi32, #tpu.memory_space<vmem>>) semaphore(%arg14 : memref<!tpu.dma_semaphore, #tpu.memory_space<semaphore_mem>>)
      %dma_wait3A_239 = arith.constant 0 : i32
      %dma_wait3A_240 = arith.constant 0 : i32
      %dma_wait3A_241 = arith.constant 0 : i32
      %dma_wait3A_242 = tpu.memref_slice %arg9[%dma_wait3A_239, %dma_wait3A_240, %dma_wait3A_241] : memref<2x80x128xf32, #tpu.memory_space<vmem>> -> memref<1x80x128xf32, #tpu.memory_space<vmem>>
      %dma_wait3A_243 = tpu.memref_squeeze %dma_wait3A_242 : memref<1x80x128xf32, #tpu.memory_space<vmem>> -> memref<80x128xf32, #tpu.memory_space<vmem>>
      %dma_wait3A_244 = arith.constant 0 : i32
      %dma_wait3A_245 = tpu.memref_slice %arg10[%add3A_214, %dma_wait3A_244] : memref<125x80xi32, #tpu.memory_space<vmem>> -> memref<1x80xi32, #tpu.memory_space<vmem>>
      %dma_wait3A_246 = tpu.memref_squeeze %dma_wait3A_245 : memref<1x80xi32, #tpu.memory_space<vmem>> -> memref<80xi32, #tpu.memory_space<vmem>>
      %dma_wait3A_247 = arith.constant 0 : i32
      %dma_wait3A_248 = arith.constant 0 : i32
      %dma_wait3A_249 = tpu.memref_slice %arg3[%dma_wait3A_247, %dma_wait3A_248] : memref<10240x128xf32, #tpu.memory_space<hbm>> -> memref<10240x128xf32, #tpu.memory_space<hbm>>
      tpu.wait_indirect_dma semaphore(%arg13 : memref<!tpu.dma_semaphore, #tpu.memory_space<semaphore_mem>>) src(%dma_wait3A_249 : memref<10240x128xf32, #tpu.memory_space<hbm>>) dst(%dma_wait3A_243 : memref<80x128xf32, #tpu.memory_space<vmem>>)
      %add3A_250 = arith.constant 0 : i32
      %add3A_251 = arith.addi %mul3A_205, %add3A_250 : i32
      %dma_start3A_252 = arith.constant 0 : i32
      %dma_start3A_253 = arith.constant 0 : i32
      %dma_start3A_254 = arith.constant 0 : i32
      %dma_start3A_255 = tpu.memref_slice %arg9[%dma_start3A_252, %dma_start3A_253, %dma_start3A_254] : memref<2x80x128xf32, #tpu.memory_space<vmem>> -> memref<1x80x128xf32, #tpu.memory_space<vmem>>
      %dma_start3A_256 = tpu.memref_squeeze %dma_start3A_255 : memref<1x80x128xf32, #tpu.memory_space<vmem>> -> memref<80x128xf32, #tpu.memory_space<vmem>>
      %dma_start3A_257 = arith.constant 0 : i32
      %dma_start3A_258 = tpu.memref_slice %arg11[%add3A_251, %dma_start3A_257] : memref<125x80xi32, #tpu.memory_space<vmem>> -> memref<1x80xi32, #tpu.memory_space<vmem>>
      %dma_start3A_259 = tpu.memref_squeeze %dma_start3A_258 : memref<1x80xi32, #tpu.memory_space<vmem>> -> memref<80xi32, #tpu.memory_space<vmem>>
      %dma_start3A_260 = arith.constant 0 : i32
      %dma_start3A_261 = arith.constant 0 : i32
      %dma_start3A_262 = tpu.memref_slice %arg12[%dma_start3A_260, %dma_start3A_261] : memref<10240x128xf32, #tpu.memory_space<vmem_shared>> -> memref<10240x128xf32, #tpu.memory_space<vmem_shared>>
      tpu.enqueue_indirect_dma source(%dma_start3A_256 : memref<80x128xf32, #tpu.memory_space<vmem>>) target(%dma_start3A_262 : memref<10240x128xf32, #tpu.memory_space<vmem_shared>>) offsets(%dma_start3A_259 : memref<80xi32, #tpu.memory_space<vmem>>) semaphore(%arg15 : memref<!tpu.dma_semaphore, #tpu.memory_space<semaphore_mem>>) {add = true}
      %dma_wait3A_263 = arith.constant 1 : i32
      %dma_wait3A_264 = arith.constant 0 : i32
      %dma_wait3A_265 = arith.constant 0 : i32
      %dma_wait3A_266 = tpu.memref_slice %arg9[%dma_wait3A_263, %dma_wait3A_264, %dma_wait3A_265] : memref<2x80x128xf32, #tpu.memory_space<vmem>> -> memref<1x80x128xf32, #tpu.memory_space<vmem>>
      %dma_wait3A_267 = tpu.memref_squeeze %dma_wait3A_266 : memref<1x80x128xf32, #tpu.memory_space<vmem>> -> memref<80x128xf32, #tpu.memory_space<vmem>>
      %dma_wait3A_268 = arith.constant 0 : i32
      %dma_wait3A_269 = tpu.memref_slice %arg10[%add3A_227, %dma_wait3A_268] : memref<125x80xi32, #tpu.memory_space<vmem>> -> memref<1x80xi32, #tpu.memory_space<vmem>>
      %dma_wait3A_270 = tpu.memref_squeeze %dma_wait3A_269 : memref<1x80xi32, #tpu.memory_space<vmem>> -> memref<80xi32, #tpu.memory_space<vmem>>
      %dma_wait3A_271 = arith.constant 0 : i32
      %dma_wait3A_272 = arith.constant 0 : i32
      %dma_wait3A_273 = tpu.memref_slice %arg3[%dma_wait3A_271, %dma_wait3A_272] : memref<10240x128xf32, #tpu.memory_space<hbm>> -> memref<10240x128xf32, #tpu.memory_space<hbm>>
      tpu.wait_indirect_dma semaphore(%arg14 : memref<!tpu.dma_semaphore, #tpu.memory_space<semaphore_mem>>) src(%dma_wait3A_273 : memref<10240x128xf32, #tpu.memory_space<hbm>>) dst(%dma_wait3A_267 : memref<80x128xf32, #tpu.memory_space<vmem>>)
      %add3A_274 = arith.constant 1 : i32
      %add3A_275 = arith.addi %mul3A_205, %add3A_274 : i32
      %dma_start3A_276 = arith.constant 1 : i32
      %dma_start3A_277 = arith.constant 0 : i32
      %dma_start3A_278 = arith.constant 0 : i32
      %dma_start3A_279 = tpu.memref_slice %arg9[%dma_start3A_276, %dma_start3A_277, %dma_start3A_278] : memref<2x80x128xf32, #tpu.memory_space<vmem>> -> memref<1x80x128xf32, #tpu.memory_space<vmem>>
      %dma_start3A_280 = tpu.memref_squeeze %dma_start3A_279 : memref<1x80x128xf32, #tpu.memory_space<vmem>> -> memref<80x128xf32, #tpu.memory_space<vmem>>
      %dma_start3A_281 = arith.constant 0 : i32
      %dma_start3A_282 = tpu.memref_slice %arg11[%add3A_275, %dma_start3A_281] : memref<125x80xi32, #tpu.memory_space<vmem>> -> memref<1x80xi32, #tpu.memory_space<vmem>>
      %dma_start3A_283 = tpu.memref_squeeze %dma_start3A_282 : memref<1x80xi32, #tpu.memory_space<vmem>> -> memref<80xi32, #tpu.memory_space<vmem>>
      %dma_start3A_284 = arith.constant 0 : i32
      %dma_start3A_285 = arith.constant 0 : i32
      %dma_start3A_286 = tpu.memref_slice %arg12[%dma_start3A_284, %dma_start3A_285] : memref<10240x128xf32, #tpu.memory_space<vmem_shared>> -> memref<10240x128xf32, #tpu.memory_space<vmem_shared>>
      tpu.enqueue_indirect_dma source(%dma_start3A_280 : memref<80x128xf32, #tpu.memory_space<vmem>>) target(%dma_start3A_286 : memref<10240x128xf32, #tpu.memory_space<vmem_shared>>) offsets(%dma_start3A_283 : memref<80xi32, #tpu.memory_space<vmem>>) semaphore(%arg16 : memref<!tpu.dma_semaphore, #tpu.memory_space<semaphore_mem>>) {add = true}
    }
    %scan3A_147 = arith.constant 62 : i32
    %dma_wait3A_148 = arith.constant 0 : i32
    %dma_wait3A_149 = arith.constant 122 : i32
    %dma_wait3A_150 = arith.constant 0 : i32
    %dma_wait3A_151 = arith.constant 0 : i32
    %dma_wait3A_152 = tpu.memref_slice %arg9[%dma_wait3A_148, %dma_wait3A_150, %dma_wait3A_151] : memref<2x80x128xf32, #tpu.memory_space<vmem>> -> memref<1x80x128xf32, #tpu.memory_space<vmem>>
    %dma_wait3A_153 = tpu.memref_squeeze %dma_wait3A_152 : memref<1x80x128xf32, #tpu.memory_space<vmem>> -> memref<80x128xf32, #tpu.memory_space<vmem>>
    %dma_wait3A_154 = arith.constant 0 : i32
    %dma_wait3A_155 = tpu.memref_slice %arg11[%dma_wait3A_149, %dma_wait3A_154] : memref<125x80xi32, #tpu.memory_space<vmem>> -> memref<1x80xi32, #tpu.memory_space<vmem>>
    %dma_wait3A_156 = tpu.memref_squeeze %dma_wait3A_155 : memref<1x80xi32, #tpu.memory_space<vmem>> -> memref<80xi32, #tpu.memory_space<vmem>>
    %dma_wait3A_157 = arith.constant 0 : i32
    %dma_wait3A_158 = arith.constant 0 : i32
    %dma_wait3A_159 = tpu.memref_slice %arg12[%dma_wait3A_157, %dma_wait3A_158] : memref<10240x128xf32, #tpu.memory_space<vmem_shared>> -> memref<10240x128xf32, #tpu.memory_space<vmem_shared>>
    tpu.wait_indirect_dma semaphore(%arg15 : memref<!tpu.dma_semaphore, #tpu.memory_space<semaphore_mem>>) src(%dma_wait3A_153 : memref<80x128xf32, #tpu.memory_space<vmem>>) dst(%dma_wait3A_159 : memref<10240x128xf32, #tpu.memory_space<vmem_shared>>)
    %dma_wait3A_160 = arith.constant 1 : i32
    %dma_wait3A_161 = arith.constant 123 : i32
    %dma_wait3A_162 = arith.constant 0 : i32
    %dma_wait3A_163 = arith.constant 0 : i32
    %dma_wait3A_164 = tpu.memref_slice %arg9[%dma_wait3A_160, %dma_wait3A_162, %dma_wait3A_163] : memref<2x80x128xf32, #tpu.memory_space<vmem>> -> memref<1x80x128xf32, #tpu.memory_space<vmem>>
    %dma_wait3A_165 = tpu.memref_squeeze %dma_wait3A_164 : memref<1x80x128xf32, #tpu.memory_space<vmem>> -> memref<80x128xf32, #tpu.memory_space<vmem>>
    %dma_wait3A_166 = arith.constant 0 : i32
    %dma_wait3A_167 = tpu.memref_slice %arg11[%dma_wait3A_161, %dma_wait3A_166] : memref<125x80xi32, #tpu.memory_space<vmem>> -> memref<1x80xi32, #tpu.memory_space<vmem>>
    %dma_wait3A_168 = tpu.memref_squeeze %dma_wait3A_167 : memref<1x80xi32, #tpu.memory_space<vmem>> -> memref<80xi32, #tpu.memory_space<vmem>>
    %dma_wait3A_169 = arith.constant 0 : i32
    %dma_wait3A_170 = arith.constant 0 : i32
    %dma_wait3A_171 = tpu.memref_slice %arg12[%dma_wait3A_169, %dma_wait3A_170] : memref<10240x128xf32, #tpu.memory_space<vmem_shared>> -> memref<10240x128xf32, #tpu.memory_space<vmem_shared>>
    tpu.wait_indirect_dma semaphore(%arg16 : memref<!tpu.dma_semaphore, #tpu.memory_space<semaphore_mem>>) src(%dma_wait3A_165 : memref<80x128xf32, #tpu.memory_space<vmem>>) dst(%dma_wait3A_171 : memref<10240x128xf32, #tpu.memory_space<vmem_shared>>)
    %dma_start3A_172 = arith.constant 124 : i32
    %dma_start3A_173 = arith.constant 0 : i32
    %dma_start3A_174 = arith.constant 0 : i32
    %dma_start3A_175 = arith.constant 0 : i32
    %dma_start3A_176 = tpu.memref_slice %arg9[%dma_start3A_173, %dma_start3A_174, %dma_start3A_175] : memref<2x80x128xf32, #tpu.memory_space<vmem>> -> memref<1x80x128xf32, #tpu.memory_space<vmem>>
    %dma_start3A_177 = tpu.memref_squeeze %dma_start3A_176 : memref<1x80x128xf32, #tpu.memory_space<vmem>> -> memref<80x128xf32, #tpu.memory_space<vmem>>
    %dma_start3A_178 = arith.constant 0 : i32
    %dma_start3A_179 = tpu.memref_slice %arg10[%dma_start3A_172, %dma_start3A_178] : memref<125x80xi32, #tpu.memory_space<vmem>> -> memref<1x80xi32, #tpu.memory_space<vmem>>
    %dma_start3A_180 = tpu.memref_squeeze %dma_start3A_179 : memref<1x80xi32, #tpu.memory_space<vmem>> -> memref<80xi32, #tpu.memory_space<vmem>>
    %dma_start3A_181 = arith.constant 0 : i32
    %dma_start3A_182 = arith.constant 0 : i32
    %dma_start3A_183 = tpu.memref_slice %arg3[%dma_start3A_181, %dma_start3A_182] : memref<10240x128xf32, #tpu.memory_space<hbm>> -> memref<10240x128xf32, #tpu.memory_space<hbm>>
    tpu.enqueue_indirect_dma source(%dma_start3A_183 : memref<10240x128xf32, #tpu.memory_space<hbm>>) target(%dma_start3A_177 : memref<80x128xf32, #tpu.memory_space<vmem>>) offsets(%dma_start3A_180 : memref<80xi32, #tpu.memory_space<vmem>>) semaphore(%arg13 : memref<!tpu.dma_semaphore, #tpu.memory_space<semaphore_mem>>)
    %dma_wait3A_184 = arith.constant 124 : i32
    %dma_wait3A_185 = arith.constant 0 : i32
    %dma_wait3A_186 = arith.constant 0 : i32
    %dma_wait3A_187 = arith.constant 0 : i32
    %dma_wait3A_188 = tpu.memref_slice %arg9[%dma_wait3A_185, %dma_wait3A_186, %dma_wait3A_187] : memref<2x80x128xf32, #tpu.memory_space<vmem>> -> memref<1x80x128xf32, #tpu.memory_space<vmem>>
    %dma_wait3A_189 = tpu.memref_squeeze %dma_wait3A_188 : memref<1x80x128xf32, #tpu.memory_space<vmem>> -> memref<80x128xf32, #tpu.memory_space<vmem>>
    %dma_wait3A_190 = arith.constant 0 : i32
    %dma_wait3A_191 = tpu.memref_slice %arg10[%dma_wait3A_184, %dma_wait3A_190] : memref<125x80xi32, #tpu.memory_space<vmem>> -> memref<1x80xi32, #tpu.memory_space<vmem>>
    %dma_wait3A_192 = tpu.memref_squeeze %dma_wait3A_191 : memref<1x80xi32, #tpu.memory_space<vmem>> -> memref<80xi32, #tpu.memory_space<vmem>>
    %dma_wait3A_193 = arith.constant 0 : i32
    %dma_wait3A_194 = arith.constant 0 : i32
    %dma_wait3A_195 = tpu.memref_slice %arg3[%dma_wait3A_193, %dma_wait3A_194] : memref<10240x128xf32, #tpu.memory_space<hbm>> -> memref<10240x128xf32, #tpu.memory_space<hbm>>
    tpu.wait_indirect_dma semaphore(%arg13 : memref<!tpu.dma_semaphore, #tpu.memory_space<semaphore_mem>>) src(%dma_wait3A_195 : memref<10240x128xf32, #tpu.memory_space<hbm>>) dst(%dma_wait3A_189 : memref<80x128xf32, #tpu.memory_space<vmem>>)
    %run_scoped3A_196 = arith.constant 0 : i32
    %run_scoped3A_197 = arith.constant 124 : i32
    "tpu.region"() ({
      %run_scoped3A_203 = tpu.sem_alloc : memref<!tpu.dma_semaphore, #tpu.memory_space<semaphore_mem>>
      %dma_start3A_204 = arith.constant 0 : i32
      %dma_start3A_205 = arith.constant 0 : i32
      %dma_start3A_206 = tpu.memref_slice %arg9[%run_scoped3A_196, %dma_start3A_204, %dma_start3A_205] : memref<2x80x128xf32, #tpu.memory_space<vmem>> -> memref<1x80x128xf32, #tpu.memory_space<vmem>>
      %dma_start3A_207 = tpu.memref_squeeze %dma_start3A_206 : memref<1x80x128xf32, #tpu.memory_space<vmem>> -> memref<80x128xf32, #tpu.memory_space<vmem>>
      %dma_start3A_208 = arith.constant 0 : i32
      %dma_start3A_209 = tpu.memref_slice %arg11[%run_scoped3A_197, %dma_start3A_208] : memref<125x80xi32, #tpu.memory_space<vmem>> -> memref<1x80xi32, #tpu.memory_space<vmem>>
      %dma_start3A_210 = tpu.memref_squeeze %dma_start3A_209 : memref<1x80xi32, #tpu.memory_space<vmem>> -> memref<80xi32, #tpu.memory_space<vmem>>
      %dma_start3A_211 = arith.constant 0 : i32
      %dma_start3A_212 = arith.constant 0 : i32
      %dma_start3A_213 = tpu.memref_slice %arg12[%dma_start3A_211, %dma_start3A_212] : memref<10240x128xf32, #tpu.memory_space<vmem_shared>> -> memref<10240x128xf32, #tpu.memory_space<vmem_shared>>
      tpu.enqueue_indirect_dma source(%dma_start3A_207 : memref<80x128xf32, #tpu.memory_space<vmem>>) target(%dma_start3A_213 : memref<10240x128xf32, #tpu.memory_space<vmem_shared>>) offsets(%dma_start3A_210 : memref<80xi32, #tpu.memory_space<vmem>>) semaphore(%run_scoped3A_203 : memref<!tpu.dma_semaphore, #tpu.memory_space<semaphore_mem>>) {add = true}
      %dma_wait3A_214 = arith.constant 0 : i32
      %dma_wait3A_215 = arith.constant 0 : i32
      %dma_wait3A_216 = tpu.memref_slice %arg9[%run_scoped3A_196, %dma_wait3A_214, %dma_wait3A_215] : memref<2x80x128xf32, #tpu.memory_space<vmem>> -> memref<1x80x128xf32, #tpu.memory_space<vmem>>
      %dma_wait3A_217 = tpu.memref_squeeze %dma_wait3A_216 : memref<1x80x128xf32, #tpu.memory_space<vmem>> -> memref<80x128xf32, #tpu.memory_space<vmem>>
      %dma_wait3A_218 = arith.constant 0 : i32
      %dma_wait3A_219 = tpu.memref_slice %arg11[%run_scoped3A_197, %dma_wait3A_218] : memref<125x80xi32, #tpu.memory_space<vmem>> -> memref<1x80xi32, #tpu.memory_space<vmem>>
      %dma_wait3A_220 = tpu.memref_squeeze %dma_wait3A_219 : memref<1x80xi32, #tpu.memory_space<vmem>> -> memref<80xi32, #tpu.memory_space<vmem>>
      %dma_wait3A_221 = arith.constant 0 : i32
      %dma_wait3A_222 = arith.constant 0 : i32
      %dma_wait3A_223 = tpu.memref_slice %arg12[%dma_wait3A_221, %dma_wait3A_222] : memref<10240x128xf32, #tpu.memory_space<vmem_shared>> -> memref<10240x128xf32, #tpu.memory_space<vmem_shared>>
      tpu.wait_indirect_dma semaphore(%run_scoped3A_203 : memref<!tpu.dma_semaphore, #tpu.memory_space<semaphore_mem>>) src(%dma_wait3A_217 : memref<80x128xf32, #tpu.memory_space<vmem>>) dst(%dma_wait3A_223 : memref<10240x128xf32, #tpu.memory_space<vmem_shared>>)
      tpu.yield
    }) : () -> ()
    %barrier3A_198 = arith.constant 0 : index
    tpu.barrier barrier_id(%barrier3A_198)
    %mul3A_199 = arith.constant 640 : i32
    %mul3A_200 = arith.muli %arg1, %mul3A_199 : i32
    %mul3A_201 = arith.constant 640 : i32
    %mul3A_202 = arith.muli %arg1, %mul3A_201 : i32
    "tpu.region"() ({
      %run_scoped3A_203 = tpu.sem_alloc : memref<!tpu.dma_semaphore, #tpu.memory_space<semaphore_mem>>
      %dma_start3A_204 = arith.constant 0 : i32
      %dma_start3A_205 = tpu.memref_slice %arg8[%arg0, %mul3A_202, %dma_start3A_204] : memref<2x10240x128xf32, #tpu.memory_space<hbm>> -> memref<1x640x128xf32, #tpu.memory_space<hbm>>
      %dma_start3A_206 = tpu.memref_squeeze %dma_start3A_205 : memref<1x640x128xf32, #tpu.memory_space<hbm>> -> memref<640x128xf32, #tpu.memory_space<hbm>>
      %dma_start3A_207 = arith.constant 0 : i32
      %dma_start3A_208 = tpu.memref_slice %arg12[%mul3A_200, %dma_start3A_207] : memref<10240x128xf32, #tpu.memory_space<vmem_shared>> -> memref<640x128xf32, #tpu.memory_space<vmem_shared>>
      tpu.enqueue_dma source(%dma_start3A_208 : memref<640x128xf32, #tpu.memory_space<vmem_shared>>) target(%dma_start3A_206 : memref<640x128xf32, #tpu.memory_space<hbm>>) target_semaphore(%run_scoped3A_203 : memref<!tpu.dma_semaphore, #tpu.memory_space<semaphore_mem>>)
      %dma_wait3A_209 = arith.constant 0 : i32
      %dma_wait3A_210 = tpu.memref_slice %arg8[%arg0, %mul3A_202, %dma_wait3A_209] : memref<2x10240x128xf32, #tpu.memory_space<hbm>> -> memref<1x640x128xf32, #tpu.memory_space<hbm>>
      %dma_wait3A_211 = tpu.memref_squeeze %dma_wait3A_210 : memref<1x640x128xf32, #tpu.memory_space<hbm>> -> memref<640x128xf32, #tpu.memory_space<hbm>>
      %dma_wait3A_212 = arith.constant 0 : i32
      %dma_wait3A_213 = tpu.memref_slice %arg12[%mul3A_200, %dma_wait3A_212] : memref<10240x128xf32, #tpu.memory_space<vmem_shared>> -> memref<640x128xf32, #tpu.memory_space<vmem_shared>>
      tpu.wait_dma2 semaphore(%run_scoped3A_203 : memref<!tpu.dma_semaphore, #tpu.memory_space<semaphore_mem>>) src(%dma_wait3A_213 : memref<640x128xf32, #tpu.memory_space<vmem_shared>>) dst(%dma_wait3A_211 : memref<640x128xf32, #tpu.memory_space<hbm>>)
      tpu.yield
    }) : () -> ()
    return
  }
}

#map = affine_map<(d0, d1) -> (0, 0, 0)>
#map1 = affine_map<(d0, d1) -> (0, 0)>
module attributes {stable_mosaic.version = 14 : i64} {
  func.func @cnt(%arg0: i32, %arg1: i32, %arg2: memref<32x125x80xi32, #tpu.memory_space<hbm>>, %arg3: memref<32x125x80xi32, #tpu.memory_space<hbm>>, %arg4: memref<80x16xf32, #tpu.memory_space<hbm>>, %arg5: memref<640x16xf32, #tpu.memory_space<hbm>>, %arg6: memref<2x10240x16xf32, #tpu.memory_space<hbm>>, %arg7: memref<2x10240x16xf32, #tpu.memory_space<hbm>>, %arg8: memref<125x80xi32, #tpu.memory_space<vmem>>, %arg9: memref<125x80xi32, #tpu.memory_space<vmem>>, %arg10: memref<80x16xf32, #tpu.memory_space<vmem>>, %arg11: memref<640x16xf32, #tpu.memory_space<vmem>>, %arg12: memref<10240x16xf32, #tpu.memory_space<vmem_shared>>, %arg13: memref<10240x16xf32, #tpu.memory_space<vmem_shared>>) attributes {dimension_semantics = [#tpu.dimension_semantics<core_parallel>, #tpu.dimension_semantics<subcore_parallel>], iteration_bounds = array<i64: 2, 16>, scalar_prefetch = 0 : i64, scratch_operands = 6 : i64, tpu.core_type = #tpu.core_type<sc_vector_subcore>, window_params = [{transform_indices = #map}, {transform_indices = #map}, {transform_indices = #map1}, {transform_indices = #map1}, {transform_indices = #map}, {transform_indices = #map}]} {
    %mul3A = arith.constant 16 : i32
    %mul3A_0 = arith.muli %arg0, %mul3A : i32
    %add3A = arith.addi %mul3A_0, %arg1 : i32
    "tpu.region"() ({
      %run_scoped3A = tpu.sem_alloc : memref<!tpu.dma_semaphore, #tpu.memory_space<semaphore_mem>>
      %dma_start3A = arith.constant 0 : i32
      %dma_start3A_19 = arith.constant 0 : i32
      %dma_start3A_20 = tpu.memref_slice %arg2[%add3A, %dma_start3A, %dma_start3A_19] : memref<32x125x80xi32, #tpu.memory_space<hbm>> -> memref<1x125x80xi32, #tpu.memory_space<hbm>>
      %dma_start3A_21 = tpu.memref_squeeze %dma_start3A_20 : memref<1x125x80xi32, #tpu.memory_space<hbm>> -> memref<125x80xi32, #tpu.memory_space<hbm>>
      %dma_start3A_22 = arith.constant 0 : i32
      %dma_start3A_23 = arith.constant 0 : i32
      %dma_start3A_24 = tpu.memref_slice %arg2[%add3A, %dma_start3A_22, %dma_start3A_23] : memref<32x125x80xi32, #tpu.memory_space<hbm>> -> memref<1x125x80xi32, #tpu.memory_space<hbm>>
      %dma_start3A_25 = tpu.memref_squeeze %dma_start3A_24 : memref<1x125x80xi32, #tpu.memory_space<hbm>> -> memref<125x80xi32, #tpu.memory_space<hbm>>
      tpu.enqueue_dma source(%dma_start3A_25 : memref<125x80xi32, #tpu.memory_space<hbm>>) target(%arg8 : memref<125x80xi32, #tpu.memory_space<vmem>>) target_semaphore(%run_scoped3A : memref<!tpu.dma_semaphore, #tpu.memory_space<semaphore_mem>>)
      %dma_wait3A = arith.constant 0 : i32
      %dma_wait3A_26 = arith.constant 0 : i32
      %dma_wait3A_27 = tpu.memref_slice %arg2[%add3A, %dma_wait3A, %dma_wait3A_26] : memref<32x125x80xi32, #tpu.memory_space<hbm>> -> memref<1x125x80xi32, #tpu.memory_space<hbm>>
      %dma_wait3A_28 = tpu.memref_squeeze %dma_wait3A_27 : memref<1x125x80xi32, #tpu.memory_space<hbm>> -> memref<125x80xi32, #tpu.memory_space<hbm>>
      %dma_wait3A_29 = arith.constant 0 : i32
      %dma_wait3A_30 = arith.constant 0 : i32
      %dma_wait3A_31 = tpu.memref_slice %arg2[%add3A, %dma_wait3A_29, %dma_wait3A_30] : memref<32x125x80xi32, #tpu.memory_space<hbm>> -> memref<1x125x80xi32, #tpu.memory_space<hbm>>
      %dma_wait3A_32 = tpu.memref_squeeze %dma_wait3A_31 : memref<1x125x80xi32, #tpu.memory_space<hbm>> -> memref<125x80xi32, #tpu.memory_space<hbm>>
      tpu.wait_dma2 semaphore(%run_scoped3A : memref<!tpu.dma_semaphore, #tpu.memory_space<semaphore_mem>>) src(%dma_wait3A_32 : memref<125x80xi32, #tpu.memory_space<hbm>>) dst(%arg8 : memref<125x80xi32, #tpu.memory_space<vmem>>)
      tpu.yield
    }) : () -> ()
    "tpu.region"() ({
      %run_scoped3A = tpu.sem_alloc : memref<!tpu.dma_semaphore, #tpu.memory_space<semaphore_mem>>
      %dma_start3A = arith.constant 0 : i32
      %dma_start3A_19 = arith.constant 0 : i32
      %dma_start3A_20 = tpu.memref_slice %arg3[%add3A, %dma_start3A, %dma_start3A_19] : memref<32x125x80xi32, #tpu.memory_space<hbm>> -> memref<1x125x80xi32, #tpu.memory_space<hbm>>
      %dma_start3A_21 = tpu.memref_squeeze %dma_start3A_20 : memref<1x125x80xi32, #tpu.memory_space<hbm>> -> memref<125x80xi32, #tpu.memory_space<hbm>>
      %dma_start3A_22 = arith.constant 0 : i32
      %dma_start3A_23 = arith.constant 0 : i32
      %dma_start3A_24 = tpu.memref_slice %arg3[%add3A, %dma_start3A_22, %dma_start3A_23] : memref<32x125x80xi32, #tpu.memory_space<hbm>> -> memref<1x125x80xi32, #tpu.memory_space<hbm>>
      %dma_start3A_25 = tpu.memref_squeeze %dma_start3A_24 : memref<1x125x80xi32, #tpu.memory_space<hbm>> -> memref<125x80xi32, #tpu.memory_space<hbm>>
      tpu.enqueue_dma source(%dma_start3A_25 : memref<125x80xi32, #tpu.memory_space<hbm>>) target(%arg9 : memref<125x80xi32, #tpu.memory_space<vmem>>) target_semaphore(%run_scoped3A : memref<!tpu.dma_semaphore, #tpu.memory_space<semaphore_mem>>)
      %dma_wait3A = arith.constant 0 : i32
      %dma_wait3A_26 = arith.constant 0 : i32
      %dma_wait3A_27 = tpu.memref_slice %arg3[%add3A, %dma_wait3A, %dma_wait3A_26] : memref<32x125x80xi32, #tpu.memory_space<hbm>> -> memref<1x125x80xi32, #tpu.memory_space<hbm>>
      %dma_wait3A_28 = tpu.memref_squeeze %dma_wait3A_27 : memref<1x125x80xi32, #tpu.memory_space<hbm>> -> memref<125x80xi32, #tpu.memory_space<hbm>>
      %dma_wait3A_29 = arith.constant 0 : i32
      %dma_wait3A_30 = arith.constant 0 : i32
      %dma_wait3A_31 = tpu.memref_slice %arg3[%add3A, %dma_wait3A_29, %dma_wait3A_30] : memref<32x125x80xi32, #tpu.memory_space<hbm>> -> memref<1x125x80xi32, #tpu.memory_space<hbm>>
      %dma_wait3A_32 = tpu.memref_squeeze %dma_wait3A_31 : memref<1x125x80xi32, #tpu.memory_space<hbm>> -> memref<125x80xi32, #tpu.memory_space<hbm>>
      tpu.wait_dma2 semaphore(%run_scoped3A : memref<!tpu.dma_semaphore, #tpu.memory_space<semaphore_mem>>) src(%dma_wait3A_32 : memref<125x80xi32, #tpu.memory_space<hbm>>) dst(%arg9 : memref<125x80xi32, #tpu.memory_space<vmem>>)
      tpu.yield
    }) : () -> ()
    "tpu.region"() ({
      %run_scoped3A = tpu.sem_alloc : memref<!tpu.dma_semaphore, #tpu.memory_space<semaphore_mem>>
      tpu.enqueue_dma source(%arg4 : memref<80x16xf32, #tpu.memory_space<hbm>>) target(%arg10 : memref<80x16xf32, #tpu.memory_space<vmem>>) target_semaphore(%run_scoped3A : memref<!tpu.dma_semaphore, #tpu.memory_space<semaphore_mem>>)
      tpu.wait_dma2 semaphore(%run_scoped3A : memref<!tpu.dma_semaphore, #tpu.memory_space<semaphore_mem>>) src(%arg4 : memref<80x16xf32, #tpu.memory_space<hbm>>) dst(%arg10 : memref<80x16xf32, #tpu.memory_space<vmem>>)
      tpu.yield
    }) : () -> ()
    "tpu.region"() ({
      %run_scoped3A = tpu.sem_alloc : memref<!tpu.dma_semaphore, #tpu.memory_space<semaphore_mem>>
      tpu.enqueue_dma source(%arg5 : memref<640x16xf32, #tpu.memory_space<hbm>>) target(%arg11 : memref<640x16xf32, #tpu.memory_space<vmem>>) target_semaphore(%run_scoped3A : memref<!tpu.dma_semaphore, #tpu.memory_space<semaphore_mem>>)
      tpu.wait_dma2 semaphore(%run_scoped3A : memref<!tpu.dma_semaphore, #tpu.memory_space<semaphore_mem>>) src(%arg5 : memref<640x16xf32, #tpu.memory_space<hbm>>) dst(%arg11 : memref<640x16xf32, #tpu.memory_space<vmem>>)
      tpu.yield
    }) : () -> ()
    %mul3A_1 = arith.constant 640 : i32
    %mul3A_2 = arith.muli %arg1, %mul3A_1 : i32
    "tpu.region"() ({
      %run_scoped3A = tpu.sem_alloc : memref<!tpu.dma_semaphore, #tpu.memory_space<semaphore_mem>>
      %dma_start3A = arith.constant 0 : i32
      %dma_start3A_19 = tpu.memref_slice %arg12[%mul3A_2, %dma_start3A] : memref<10240x16xf32, #tpu.memory_space<vmem_shared>> -> memref<640x16xf32, #tpu.memory_space<vmem_shared>>
      %dma_start3A_20 = arith.constant 0 : i32
      %dma_start3A_21 = tpu.memref_slice %arg12[%mul3A_2, %dma_start3A_20] : memref<10240x16xf32, #tpu.memory_space<vmem_shared>> -> memref<640x16xf32, #tpu.memory_space<vmem_shared>>
      tpu.enqueue_dma source(%arg11 : memref<640x16xf32, #tpu.memory_space<vmem>>) target(%dma_start3A_21 : memref<640x16xf32, #tpu.memory_space<vmem_shared>>) target_semaphore(%run_scoped3A : memref<!tpu.dma_semaphore, #tpu.memory_space<semaphore_mem>>)
      %dma_wait3A = arith.constant 0 : i32
      %dma_wait3A_22 = tpu.memref_slice %arg12[%mul3A_2, %dma_wait3A] : memref<10240x16xf32, #tpu.memory_space<vmem_shared>> -> memref<640x16xf32, #tpu.memory_space<vmem_shared>>
      %dma_wait3A_23 = arith.constant 0 : i32
      %dma_wait3A_24 = tpu.memref_slice %arg12[%mul3A_2, %dma_wait3A_23] : memref<10240x16xf32, #tpu.memory_space<vmem_shared>> -> memref<640x16xf32, #tpu.memory_space<vmem_shared>>
      tpu.wait_dma2 semaphore(%run_scoped3A : memref<!tpu.dma_semaphore, #tpu.memory_space<semaphore_mem>>) src(%arg11 : memref<640x16xf32, #tpu.memory_space<vmem>>) dst(%dma_wait3A_24 : memref<640x16xf32, #tpu.memory_space<vmem_shared>>)
      tpu.yield
    }) : () -> ()
    %mul3A_3 = arith.constant 640 : i32
    %mul3A_4 = arith.muli %arg1, %mul3A_3 : i32
    "tpu.region"() ({
      %run_scoped3A = tpu.sem_alloc : memref<!tpu.dma_semaphore, #tpu.memory_space<semaphore_mem>>
      %dma_start3A = arith.constant 0 : i32
      %dma_start3A_19 = tpu.memref_slice %arg13[%mul3A_4, %dma_start3A] : memref<10240x16xf32, #tpu.memory_space<vmem_shared>> -> memref<640x16xf32, #tpu.memory_space<vmem_shared>>
      %dma_start3A_20 = arith.constant 0 : i32
      %dma_start3A_21 = tpu.memref_slice %arg13[%mul3A_4, %dma_start3A_20] : memref<10240x16xf32, #tpu.memory_space<vmem_shared>> -> memref<640x16xf32, #tpu.memory_space<vmem_shared>>
      tpu.enqueue_dma source(%arg11 : memref<640x16xf32, #tpu.memory_space<vmem>>) target(%dma_start3A_21 : memref<640x16xf32, #tpu.memory_space<vmem_shared>>) target_semaphore(%run_scoped3A : memref<!tpu.dma_semaphore, #tpu.memory_space<semaphore_mem>>)
      %dma_wait3A = arith.constant 0 : i32
      %dma_wait3A_22 = tpu.memref_slice %arg13[%mul3A_4, %dma_wait3A] : memref<10240x16xf32, #tpu.memory_space<vmem_shared>> -> memref<640x16xf32, #tpu.memory_space<vmem_shared>>
      %dma_wait3A_23 = arith.constant 0 : i32
      %dma_wait3A_24 = tpu.memref_slice %arg13[%mul3A_4, %dma_wait3A_23] : memref<10240x16xf32, #tpu.memory_space<vmem_shared>> -> memref<640x16xf32, #tpu.memory_space<vmem_shared>>
      tpu.wait_dma2 semaphore(%run_scoped3A : memref<!tpu.dma_semaphore, #tpu.memory_space<semaphore_mem>>) src(%arg11 : memref<640x16xf32, #tpu.memory_space<vmem>>) dst(%dma_wait3A_24 : memref<640x16xf32, #tpu.memory_space<vmem_shared>>)
      tpu.yield
    }) : () -> ()
    %barrier3A = arith.constant 0 : index
    tpu.barrier barrier_id(%barrier3A)
    %scan3A = arith.constant 0 : i32
    %scan3A_5 = arith.constant 0 : i32
    %scan3A_6 = arith.constant 125 : i32
    %scan3A_7 = arith.addi %scan3A_5, %scan3A_6 : i32
    %scan3A_8 = arith.constant 1 : i32
    scf.for %scan3A_19 = %scan3A_5 to %scan3A_7 step %scan3A_8  : i32 {
      "tpu.region"() ({
        %run_scoped3A = tpu.sem_alloc : memref<!tpu.dma_semaphore, #tpu.memory_space<semaphore_mem>>
        %dma_start3A = arith.constant 0 : i32
        %dma_start3A_20 = tpu.memref_slice %arg8[%scan3A_19, %dma_start3A] : memref<125x80xi32, #tpu.memory_space<vmem>> -> memref<1x80xi32, #tpu.memory_space<vmem>>
        %dma_start3A_21 = tpu.memref_squeeze %dma_start3A_20 : memref<1x80xi32, #tpu.memory_space<vmem>> -> memref<80xi32, #tpu.memory_space<vmem>>
        %dma_start3A_22 = arith.constant 0 : i32
        %dma_start3A_23 = arith.constant 0 : i32
        %dma_start3A_24 = tpu.memref_slice %arg12[%dma_start3A_22, %dma_start3A_23] : memref<10240x16xf32, #tpu.memory_space<vmem_shared>> -> memref<10240x16xf32, #tpu.memory_space<vmem_shared>>
        tpu.enqueue_indirect_dma source(%arg10 : memref<80x16xf32, #tpu.memory_space<vmem>>) target(%dma_start3A_24 : memref<10240x16xf32, #tpu.memory_space<vmem_shared>>) offsets(%dma_start3A_21 : memref<80xi32, #tpu.memory_space<vmem>>) semaphore(%run_scoped3A : memref<!tpu.dma_semaphore, #tpu.memory_space<semaphore_mem>>) {add = true}
        %dma_wait3A = arith.constant 0 : i32
        %dma_wait3A_25 = tpu.memref_slice %arg8[%scan3A_19, %dma_wait3A] : memref<125x80xi32, #tpu.memory_space<vmem>> -> memref<1x80xi32, #tpu.memory_space<vmem>>
        %dma_wait3A_26 = tpu.memref_squeeze %dma_wait3A_25 : memref<1x80xi32, #tpu.memory_space<vmem>> -> memref<80xi32, #tpu.memory_space<vmem>>
        %dma_wait3A_27 = arith.constant 0 : i32
        %dma_wait3A_28 = arith.constant 0 : i32
        %dma_wait3A_29 = tpu.memref_slice %arg12[%dma_wait3A_27, %dma_wait3A_28] : memref<10240x16xf32, #tpu.memory_space<vmem_shared>> -> memref<10240x16xf32, #tpu.memory_space<vmem_shared>>
        tpu.wait_indirect_dma semaphore(%run_scoped3A : memref<!tpu.dma_semaphore, #tpu.memory_space<semaphore_mem>>) src(%arg10 : memref<80x16xf32, #tpu.memory_space<vmem>>) dst(%dma_wait3A_29 : memref<10240x16xf32, #tpu.memory_space<vmem_shared>>)
        tpu.yield
      }) : () -> ()
      "tpu.region"() ({
        %run_scoped3A = tpu.sem_alloc : memref<!tpu.dma_semaphore, #tpu.memory_space<semaphore_mem>>
        %dma_start3A = arith.constant 0 : i32
        %dma_start3A_20 = tpu.memref_slice %arg9[%scan3A_19, %dma_start3A] : memref<125x80xi32, #tpu.memory_space<vmem>> -> memref<1x80xi32, #tpu.memory_space<vmem>>
        %dma_start3A_21 = tpu.memref_squeeze %dma_start3A_20 : memref<1x80xi32, #tpu.memory_space<vmem>> -> memref<80xi32, #tpu.memory_space<vmem>>
        %dma_start3A_22 = arith.constant 0 : i32
        %dma_start3A_23 = arith.constant 0 : i32
        %dma_start3A_24 = tpu.memref_slice %arg13[%dma_start3A_22, %dma_start3A_23] : memref<10240x16xf32, #tpu.memory_space<vmem_shared>> -> memref<10240x16xf32, #tpu.memory_space<vmem_shared>>
        tpu.enqueue_indirect_dma source(%arg10 : memref<80x16xf32, #tpu.memory_space<vmem>>) target(%dma_start3A_24 : memref<10240x16xf32, #tpu.memory_space<vmem_shared>>) offsets(%dma_start3A_21 : memref<80xi32, #tpu.memory_space<vmem>>) semaphore(%run_scoped3A : memref<!tpu.dma_semaphore, #tpu.memory_space<semaphore_mem>>) {add = true}
        %dma_wait3A = arith.constant 0 : i32
        %dma_wait3A_25 = tpu.memref_slice %arg9[%scan3A_19, %dma_wait3A] : memref<125x80xi32, #tpu.memory_space<vmem>> -> memref<1x80xi32, #tpu.memory_space<vmem>>
        %dma_wait3A_26 = tpu.memref_squeeze %dma_wait3A_25 : memref<1x80xi32, #tpu.memory_space<vmem>> -> memref<80xi32, #tpu.memory_space<vmem>>
        %dma_wait3A_27 = arith.constant 0 : i32
        %dma_wait3A_28 = arith.constant 0 : i32
        %dma_wait3A_29 = tpu.memref_slice %arg13[%dma_wait3A_27, %dma_wait3A_28] : memref<10240x16xf32, #tpu.memory_space<vmem_shared>> -> memref<10240x16xf32, #tpu.memory_space<vmem_shared>>
        tpu.wait_indirect_dma semaphore(%run_scoped3A : memref<!tpu.dma_semaphore, #tpu.memory_space<semaphore_mem>>) src(%arg10 : memref<80x16xf32, #tpu.memory_space<vmem>>) dst(%dma_wait3A_29 : memref<10240x16xf32, #tpu.memory_space<vmem_shared>>)
        tpu.yield
      }) : () -> ()
    }
    %scan3A_9 = arith.constant 125 : i32
    %barrier3A_10 = arith.constant 0 : index
    tpu.barrier barrier_id(%barrier3A_10)
    %mul3A_11 = arith.constant 640 : i32
    %mul3A_12 = arith.muli %arg1, %mul3A_11 : i32
    %mul3A_13 = arith.constant 640 : i32
    %mul3A_14 = arith.muli %arg1, %mul3A_13 : i32
    "tpu.region"() ({
      %run_scoped3A = tpu.sem_alloc : memref<!tpu.dma_semaphore, #tpu.memory_space<semaphore_mem>>
      %dma_start3A = arith.constant 0 : i32
      %dma_start3A_19 = tpu.memref_slice %arg6[%arg0, %mul3A_14, %dma_start3A] : memref<2x10240x16xf32, #tpu.memory_space<hbm>> -> memref<1x640x16xf32, #tpu.memory_space<hbm>>
      %dma_start3A_20 = tpu.memref_squeeze %dma_start3A_19 : memref<1x640x16xf32, #tpu.memory_space<hbm>> -> memref<640x16xf32, #tpu.memory_space<hbm>>
      %dma_start3A_21 = arith.constant 0 : i32
      %dma_start3A_22 = tpu.memref_slice %arg12[%mul3A_12, %dma_start3A_21] : memref<10240x16xf32, #tpu.memory_space<vmem_shared>> -> memref<640x16xf32, #tpu.memory_space<vmem_shared>>
      tpu.enqueue_dma source(%dma_start3A_22 : memref<640x16xf32, #tpu.memory_space<vmem_shared>>) target(%dma_start3A_20 : memref<640x16xf32, #tpu.memory_space<hbm>>) target_semaphore(%run_scoped3A : memref<!tpu.dma_semaphore, #tpu.memory_space<semaphore_mem>>)
      %dma_wait3A = arith.constant 0 : i32
      %dma_wait3A_23 = tpu.memref_slice %arg6[%arg0, %mul3A_14, %dma_wait3A] : memref<2x10240x16xf32, #tpu.memory_space<hbm>> -> memref<1x640x16xf32, #tpu.memory_space<hbm>>
      %dma_wait3A_24 = tpu.memref_squeeze %dma_wait3A_23 : memref<1x640x16xf32, #tpu.memory_space<hbm>> -> memref<640x16xf32, #tpu.memory_space<hbm>>
      %dma_wait3A_25 = arith.constant 0 : i32
      %dma_wait3A_26 = tpu.memref_slice %arg12[%mul3A_12, %dma_wait3A_25] : memref<10240x16xf32, #tpu.memory_space<vmem_shared>> -> memref<640x16xf32, #tpu.memory_space<vmem_shared>>
      tpu.wait_dma2 semaphore(%run_scoped3A : memref<!tpu.dma_semaphore, #tpu.memory_space<semaphore_mem>>) src(%dma_wait3A_26 : memref<640x16xf32, #tpu.memory_space<vmem_shared>>) dst(%dma_wait3A_24 : memref<640x16xf32, #tpu.memory_space<hbm>>)
      tpu.yield
    }) : () -> ()
    %mul3A_15 = arith.constant 640 : i32
    %mul3A_16 = arith.muli %arg1, %mul3A_15 : i32
    %mul3A_17 = arith.constant 640 : i32
    %mul3A_18 = arith.muli %arg1, %mul3A_17 : i32
    "tpu.region"() ({
      %run_scoped3A = tpu.sem_alloc : memref<!tpu.dma_semaphore, #tpu.memory_space<semaphore_mem>>
      %dma_start3A = arith.constant 0 : i32
      %dma_start3A_19 = tpu.memref_slice %arg7[%arg0, %mul3A_18, %dma_start3A] : memref<2x10240x16xf32, #tpu.memory_space<hbm>> -> memref<1x640x16xf32, #tpu.memory_space<hbm>>
      %dma_start3A_20 = tpu.memref_squeeze %dma_start3A_19 : memref<1x640x16xf32, #tpu.memory_space<hbm>> -> memref<640x16xf32, #tpu.memory_space<hbm>>
      %dma_start3A_21 = arith.constant 0 : i32
      %dma_start3A_22 = tpu.memref_slice %arg13[%mul3A_16, %dma_start3A_21] : memref<10240x16xf32, #tpu.memory_space<vmem_shared>> -> memref<640x16xf32, #tpu.memory_space<vmem_shared>>
      tpu.enqueue_dma source(%dma_start3A_22 : memref<640x16xf32, #tpu.memory_space<vmem_shared>>) target(%dma_start3A_20 : memref<640x16xf32, #tpu.memory_space<hbm>>) target_semaphore(%run_scoped3A : memref<!tpu.dma_semaphore, #tpu.memory_space<semaphore_mem>>)
      %dma_wait3A = arith.constant 0 : i32
      %dma_wait3A_23 = tpu.memref_slice %arg7[%arg0, %mul3A_18, %dma_wait3A] : memref<2x10240x16xf32, #tpu.memory_space<hbm>> -> memref<1x640x16xf32, #tpu.memory_space<hbm>>
      %dma_wait3A_24 = tpu.memref_squeeze %dma_wait3A_23 : memref<1x640x16xf32, #tpu.memory_space<hbm>> -> memref<640x16xf32, #tpu.memory_space<hbm>>
      %dma_wait3A_25 = arith.constant 0 : i32
      %dma_wait3A_26 = tpu.memref_slice %arg13[%mul3A_16, %dma_wait3A_25] : memref<10240x16xf32, #tpu.memory_space<vmem_shared>> -> memref<640x16xf32, #tpu.memory_space<vmem_shared>>
      tpu.wait_dma2 semaphore(%run_scoped3A : memref<!tpu.dma_semaphore, #tpu.memory_space<semaphore_mem>>) src(%dma_wait3A_26 : memref<640x16xf32, #tpu.memory_space<vmem_shared>>) dst(%dma_wait3A_24 : memref<640x16xf32, #tpu.memory_space<hbm>>)
      tpu.yield
    }) : () -> ()
    return
  }
}

#map = affine_map<(d0, d1) -> (0, 0)>
#map1 = affine_map<(d0, d1) -> (0, 0, 0)>
module attributes {stable_mosaic.version = 14 : i64} {
  func.func @prop(%arg0: i32, %arg1: i32, %arg2: memref<10240x64xf32, #tpu.memory_space<hbm>>, %arg3: memref<32x125x80xi32, #tpu.memory_space<hbm>>, %arg4: memref<32x125x80xi32, #tpu.memory_space<hbm>>, %arg5: memref<128x64xf32, #tpu.memory_space<hbm>>, %arg6: memref<2x10240x64xf32, #tpu.memory_space<hbm>>, %arg7: memref<5x80x64xf32, #tpu.memory_space<vmem>>, %arg8: memref<125x80xi32, #tpu.memory_space<vmem>>, %arg9: memref<125x80xi32, #tpu.memory_space<vmem>>, %arg10: memref<10240x64xf32, #tpu.memory_space<vmem_shared>>, %arg11: memref<!tpu.dma_semaphore, #tpu.memory_space<semaphore_mem>>, %arg12: memref<!tpu.dma_semaphore, #tpu.memory_space<semaphore_mem>>, %arg13: memref<!tpu.dma_semaphore, #tpu.memory_space<semaphore_mem>>, %arg14: memref<!tpu.dma_semaphore, #tpu.memory_space<semaphore_mem>>, %arg15: memref<!tpu.dma_semaphore, #tpu.memory_space<semaphore_mem>>, %arg16: memref<!tpu.dma_semaphore, #tpu.memory_space<semaphore_mem>>, %arg17: memref<!tpu.dma_semaphore, #tpu.memory_space<semaphore_mem>>, %arg18: memref<!tpu.dma_semaphore, #tpu.memory_space<semaphore_mem>>, %arg19: memref<!tpu.dma_semaphore, #tpu.memory_space<semaphore_mem>>, %arg20: memref<!tpu.dma_semaphore, #tpu.memory_space<semaphore_mem>>) attributes {dimension_semantics = [#tpu.dimension_semantics<core_parallel>, #tpu.dimension_semantics<subcore_parallel>], iteration_bounds = array<i64: 2, 16>, scalar_prefetch = 0 : i64, scratch_operands = 14 : i64, tpu.core_type = #tpu.core_type<sc_vector_subcore>, window_params = [{transform_indices = #map}, {transform_indices = #map1}, {transform_indices = #map1}, {transform_indices = #map}, {transform_indices = #map1}]} {
    %mul3A = arith.constant 16 : i32
    %mul3A_0 = arith.muli %arg0, %mul3A : i32
    %add3A = arith.addi %mul3A_0, %arg1 : i32
    "tpu.region"() ({
      %run_scoped3A_110 = tpu.sem_alloc : memref<!tpu.dma_semaphore, #tpu.memory_space<semaphore_mem>>
      %dma_start3A = arith.constant 0 : i32
      %dma_start3A_111 = arith.constant 0 : i32
      %dma_start3A_112 = tpu.memref_slice %arg3[%add3A, %dma_start3A, %dma_start3A_111] : memref<32x125x80xi32, #tpu.memory_space<hbm>> -> memref<1x125x80xi32, #tpu.memory_space<hbm>>
      %dma_start3A_113 = tpu.memref_squeeze %dma_start3A_112 : memref<1x125x80xi32, #tpu.memory_space<hbm>> -> memref<125x80xi32, #tpu.memory_space<hbm>>
      %dma_start3A_114 = arith.constant 0 : i32
      %dma_start3A_115 = arith.constant 0 : i32
      %dma_start3A_116 = tpu.memref_slice %arg3[%add3A, %dma_start3A_114, %dma_start3A_115] : memref<32x125x80xi32, #tpu.memory_space<hbm>> -> memref<1x125x80xi32, #tpu.memory_space<hbm>>
      %dma_start3A_117 = tpu.memref_squeeze %dma_start3A_116 : memref<1x125x80xi32, #tpu.memory_space<hbm>> -> memref<125x80xi32, #tpu.memory_space<hbm>>
      tpu.enqueue_dma source(%dma_start3A_117 : memref<125x80xi32, #tpu.memory_space<hbm>>) target(%arg8 : memref<125x80xi32, #tpu.memory_space<vmem>>) target_semaphore(%run_scoped3A_110 : memref<!tpu.dma_semaphore, #tpu.memory_space<semaphore_mem>>)
      %dma_wait3A_118 = arith.constant 0 : i32
      %dma_wait3A_119 = arith.constant 0 : i32
      %dma_wait3A_120 = tpu.memref_slice %arg3[%add3A, %dma_wait3A_118, %dma_wait3A_119] : memref<32x125x80xi32, #tpu.memory_space<hbm>> -> memref<1x125x80xi32, #tpu.memory_space<hbm>>
      %dma_wait3A_121 = tpu.memref_squeeze %dma_wait3A_120 : memref<1x125x80xi32, #tpu.memory_space<hbm>> -> memref<125x80xi32, #tpu.memory_space<hbm>>
      %dma_wait3A_122 = arith.constant 0 : i32
      %dma_wait3A_123 = arith.constant 0 : i32
      %dma_wait3A_124 = tpu.memref_slice %arg3[%add3A, %dma_wait3A_122, %dma_wait3A_123] : memref<32x125x80xi32, #tpu.memory_space<hbm>> -> memref<1x125x80xi32, #tpu.memory_space<hbm>>
      %dma_wait3A_125 = tpu.memref_squeeze %dma_wait3A_124 : memref<1x125x80xi32, #tpu.memory_space<hbm>> -> memref<125x80xi32, #tpu.memory_space<hbm>>
      tpu.wait_dma2 semaphore(%run_scoped3A_110 : memref<!tpu.dma_semaphore, #tpu.memory_space<semaphore_mem>>) src(%dma_wait3A_125 : memref<125x80xi32, #tpu.memory_space<hbm>>) dst(%arg8 : memref<125x80xi32, #tpu.memory_space<vmem>>)
      tpu.yield
    }) : () -> ()
    "tpu.region"() ({
      %run_scoped3A_110 = tpu.sem_alloc : memref<!tpu.dma_semaphore, #tpu.memory_space<semaphore_mem>>
      %dma_start3A = arith.constant 0 : i32
      %dma_start3A_111 = arith.constant 0 : i32
      %dma_start3A_112 = tpu.memref_slice %arg4[%add3A, %dma_start3A, %dma_start3A_111] : memref<32x125x80xi32, #tpu.memory_space<hbm>> -> memref<1x125x80xi32, #tpu.memory_space<hbm>>
      %dma_start3A_113 = tpu.memref_squeeze %dma_start3A_112 : memref<1x125x80xi32, #tpu.memory_space<hbm>> -> memref<125x80xi32, #tpu.memory_space<hbm>>
      %dma_start3A_114 = arith.constant 0 : i32
      %dma_start3A_115 = arith.constant 0 : i32
      %dma_start3A_116 = tpu.memref_slice %arg4[%add3A, %dma_start3A_114, %dma_start3A_115] : memref<32x125x80xi32, #tpu.memory_space<hbm>> -> memref<1x125x80xi32, #tpu.memory_space<hbm>>
      %dma_start3A_117 = tpu.memref_squeeze %dma_start3A_116 : memref<1x125x80xi32, #tpu.memory_space<hbm>> -> memref<125x80xi32, #tpu.memory_space<hbm>>
      tpu.enqueue_dma source(%dma_start3A_117 : memref<125x80xi32, #tpu.memory_space<hbm>>) target(%arg9 : memref<125x80xi32, #tpu.memory_space<vmem>>) target_semaphore(%run_scoped3A_110 : memref<!tpu.dma_semaphore, #tpu.memory_space<semaphore_mem>>)
      %dma_wait3A_118 = arith.constant 0 : i32
      %dma_wait3A_119 = arith.constant 0 : i32
      %dma_wait3A_120 = tpu.memref_slice %arg4[%add3A, %dma_wait3A_118, %dma_wait3A_119] : memref<32x125x80xi32, #tpu.memory_space<hbm>> -> memref<1x125x80xi32, #tpu.memory_space<hbm>>
      %dma_wait3A_121 = tpu.memref_squeeze %dma_wait3A_120 : memref<1x125x80xi32, #tpu.memory_space<hbm>> -> memref<125x80xi32, #tpu.memory_space<hbm>>
      %dma_wait3A_122 = arith.constant 0 : i32
      %dma_wait3A_123 = arith.constant 0 : i32
      %dma_wait3A_124 = tpu.memref_slice %arg4[%add3A, %dma_wait3A_122, %dma_wait3A_123] : memref<32x125x80xi32, #tpu.memory_space<hbm>> -> memref<1x125x80xi32, #tpu.memory_space<hbm>>
      %dma_wait3A_125 = tpu.memref_squeeze %dma_wait3A_124 : memref<1x125x80xi32, #tpu.memory_space<hbm>> -> memref<125x80xi32, #tpu.memory_space<hbm>>
      tpu.wait_dma2 semaphore(%run_scoped3A_110 : memref<!tpu.dma_semaphore, #tpu.memory_space<semaphore_mem>>) src(%dma_wait3A_125 : memref<125x80xi32, #tpu.memory_space<hbm>>) dst(%arg9 : memref<125x80xi32, #tpu.memory_space<vmem>>)
      tpu.yield
    }) : () -> ()
    %run_scoped3A = arith.constant 0 : i32
    "tpu.region"() ({
      %run_scoped3A_110 = tpu.sem_alloc : memref<!tpu.dma_semaphore, #tpu.memory_space<semaphore_mem>>
      %dma_start3A = arith.constant 0 : i32
      %dma_start3A_111 = arith.constant 0 : i32
      %dma_start3A_112 = tpu.memref_slice %arg7[%run_scoped3A, %dma_start3A, %dma_start3A_111] : memref<5x80x64xf32, #tpu.memory_space<vmem>> -> memref<1x80x64xf32, #tpu.memory_space<vmem>>
      %dma_start3A_113 = tpu.memref_squeeze %dma_start3A_112 : memref<1x80x64xf32, #tpu.memory_space<vmem>> -> memref<80x64xf32, #tpu.memory_space<vmem>>
      %dma_start3A_114 = arith.constant 0 : i32
      %dma_start3A_115 = arith.constant 0 : i32
      %dma_start3A_116 = tpu.memref_slice %arg5[%dma_start3A_114, %dma_start3A_115] : memref<128x64xf32, #tpu.memory_space<hbm>> -> memref<80x64xf32, #tpu.memory_space<hbm>>
      %dma_start3A_117 = arith.constant 0 : i32
      %dma_start3A_118 = arith.constant 0 : i32
      %dma_start3A_119 = tpu.memref_slice %arg7[%run_scoped3A, %dma_start3A_117, %dma_start3A_118] : memref<5x80x64xf32, #tpu.memory_space<vmem>> -> memref<1x80x64xf32, #tpu.memory_space<vmem>>
      %dma_start3A_120 = tpu.memref_squeeze %dma_start3A_119 : memref<1x80x64xf32, #tpu.memory_space<vmem>> -> memref<80x64xf32, #tpu.memory_space<vmem>>
      %dma_start3A_121 = arith.constant 0 : i32
      %dma_start3A_122 = arith.constant 0 : i32
      %dma_start3A_123 = tpu.memref_slice %arg5[%dma_start3A_121, %dma_start3A_122] : memref<128x64xf32, #tpu.memory_space<hbm>> -> memref<80x64xf32, #tpu.memory_space<hbm>>
      tpu.enqueue_dma source(%dma_start3A_123 : memref<80x64xf32, #tpu.memory_space<hbm>>) target(%dma_start3A_120 : memref<80x64xf32, #tpu.memory_space<vmem>>) target_semaphore(%run_scoped3A_110 : memref<!tpu.dma_semaphore, #tpu.memory_space<semaphore_mem>>)
      %dma_wait3A_124 = arith.constant 0 : i32
      %dma_wait3A_125 = arith.constant 0 : i32
      %dma_wait3A_126 = tpu.memref_slice %arg7[%run_scoped3A, %dma_wait3A_124, %dma_wait3A_125] : memref<5x80x64xf32, #tpu.memory_space<vmem>> -> memref<1x80x64xf32, #tpu.memory_space<vmem>>
      %dma_wait3A_127 = tpu.memref_squeeze %dma_wait3A_126 : memref<1x80x64xf32, #tpu.memory_space<vmem>> -> memref<80x64xf32, #tpu.memory_space<vmem>>
      %dma_wait3A_128 = arith.constant 0 : i32
      %dma_wait3A_129 = arith.constant 0 : i32
      %dma_wait3A_130 = tpu.memref_slice %arg5[%dma_wait3A_128, %dma_wait3A_129] : memref<128x64xf32, #tpu.memory_space<hbm>> -> memref<80x64xf32, #tpu.memory_space<hbm>>
      %dma_wait3A_131 = arith.constant 0 : i32
      %dma_wait3A_132 = arith.constant 0 : i32
      %dma_wait3A_133 = tpu.memref_slice %arg7[%run_scoped3A, %dma_wait3A_131, %dma_wait3A_132] : memref<5x80x64xf32, #tpu.memory_space<vmem>> -> memref<1x80x64xf32, #tpu.memory_space<vmem>>
      %dma_wait3A_134 = tpu.memref_squeeze %dma_wait3A_133 : memref<1x80x64xf32, #tpu.memory_space<vmem>> -> memref<80x64xf32, #tpu.memory_space<vmem>>
      %dma_wait3A_135 = arith.constant 0 : i32
      %dma_wait3A_136 = arith.constant 0 : i32
      %dma_wait3A_137 = tpu.memref_slice %arg5[%dma_wait3A_135, %dma_wait3A_136] : memref<128x64xf32, #tpu.memory_space<hbm>> -> memref<80x64xf32, #tpu.memory_space<hbm>>
      tpu.wait_dma2 semaphore(%run_scoped3A_110 : memref<!tpu.dma_semaphore, #tpu.memory_space<semaphore_mem>>) src(%dma_wait3A_137 : memref<80x64xf32, #tpu.memory_space<hbm>>) dst(%dma_wait3A_134 : memref<80x64xf32, #tpu.memory_space<vmem>>)
      tpu.yield
    }) : () -> ()
    %mul3A_1 = arith.constant 640 : i32
    %mul3A_2 = arith.muli %arg1, %mul3A_1 : i32
    %add3A_3 = arith.constant 0 : i32
    %add3A_4 = arith.addi %mul3A_2, %add3A_3 : i32
    %run_scoped3A_5 = arith.constant 0 : i32
    "tpu.region"() ({
      %run_scoped3A_110 = tpu.sem_alloc : memref<!tpu.dma_semaphore, #tpu.memory_space<semaphore_mem>>
      %dma_start3A = arith.constant 0 : i32
      %dma_start3A_111 = arith.constant 0 : i32
      %dma_start3A_112 = tpu.memref_slice %arg7[%run_scoped3A_5, %dma_start3A, %dma_start3A_111] : memref<5x80x64xf32, #tpu.memory_space<vmem>> -> memref<1x80x64xf32, #tpu.memory_space<vmem>>
      %dma_start3A_113 = tpu.memref_squeeze %dma_start3A_112 : memref<1x80x64xf32, #tpu.memory_space<vmem>> -> memref<80x64xf32, #tpu.memory_space<vmem>>
      %dma_start3A_114 = arith.constant 0 : i32
      %dma_start3A_115 = tpu.memref_slice %arg10[%add3A_4, %dma_start3A_114] : memref<10240x64xf32, #tpu.memory_space<vmem_shared>> -> memref<80x64xf32, #tpu.memory_space<vmem_shared>>
      %dma_start3A_116 = arith.constant 0 : i32
      %dma_start3A_117 = tpu.memref_slice %arg10[%add3A_4, %dma_start3A_116] : memref<10240x64xf32, #tpu.memory_space<vmem_shared>> -> memref<80x64xf32, #tpu.memory_space<vmem_shared>>
      %dma_start3A_118 = arith.constant 0 : i32
      %dma_start3A_119 = arith.constant 0 : i32
      %dma_start3A_120 = tpu.memref_slice %arg7[%run_scoped3A_5, %dma_start3A_118, %dma_start3A_119] : memref<5x80x64xf32, #tpu.memory_space<vmem>> -> memref<1x80x64xf32, #tpu.memory_space<vmem>>
      %dma_start3A_121 = tpu.memref_squeeze %dma_start3A_120 : memref<1x80x64xf32, #tpu.memory_space<vmem>> -> memref<80x64xf32, #tpu.memory_space<vmem>>
      tpu.enqueue_dma source(%dma_start3A_121 : memref<80x64xf32, #tpu.memory_space<vmem>>) target(%dma_start3A_117 : memref<80x64xf32, #tpu.memory_space<vmem_shared>>) target_semaphore(%run_scoped3A_110 : memref<!tpu.dma_semaphore, #tpu.memory_space<semaphore_mem>>)
      %dma_wait3A_122 = arith.constant 0 : i32
      %dma_wait3A_123 = arith.constant 0 : i32
      %dma_wait3A_124 = tpu.memref_slice %arg7[%run_scoped3A_5, %dma_wait3A_122, %dma_wait3A_123] : memref<5x80x64xf32, #tpu.memory_space<vmem>> -> memref<1x80x64xf32, #tpu.memory_space<vmem>>
      %dma_wait3A_125 = tpu.memref_squeeze %dma_wait3A_124 : memref<1x80x64xf32, #tpu.memory_space<vmem>> -> memref<80x64xf32, #tpu.memory_space<vmem>>
      %dma_wait3A_126 = arith.constant 0 : i32
      %dma_wait3A_127 = tpu.memref_slice %arg10[%add3A_4, %dma_wait3A_126] : memref<10240x64xf32, #tpu.memory_space<vmem_shared>> -> memref<80x64xf32, #tpu.memory_space<vmem_shared>>
      %dma_wait3A_128 = arith.constant 0 : i32
      %dma_wait3A_129 = tpu.memref_slice %arg10[%add3A_4, %dma_wait3A_128] : memref<10240x64xf32, #tpu.memory_space<vmem_shared>> -> memref<80x64xf32, #tpu.memory_space<vmem_shared>>
      %dma_wait3A_130 = arith.constant 0 : i32
      %dma_wait3A_131 = arith.constant 0 : i32
      %dma_wait3A_132 = tpu.memref_slice %arg7[%run_scoped3A_5, %dma_wait3A_130, %dma_wait3A_131] : memref<5x80x64xf32, #tpu.memory_space<vmem>> -> memref<1x80x64xf32, #tpu.memory_space<vmem>>
      %dma_wait3A_133 = tpu.memref_squeeze %dma_wait3A_132 : memref<1x80x64xf32, #tpu.memory_space<vmem>> -> memref<80x64xf32, #tpu.memory_space<vmem>>
      tpu.wait_dma2 semaphore(%run_scoped3A_110 : memref<!tpu.dma_semaphore, #tpu.memory_space<semaphore_mem>>) src(%dma_wait3A_133 : memref<80x64xf32, #tpu.memory_space<vmem>>) dst(%dma_wait3A_129 : memref<80x64xf32, #tpu.memory_space<vmem_shared>>)
      tpu.yield
    }) : () -> ()
    %mul3A_6 = arith.constant 640 : i32
    %mul3A_7 = arith.muli %arg1, %mul3A_6 : i32
    %add3A_8 = arith.constant 80 : i32
    %add3A_9 = arith.addi %mul3A_7, %add3A_8 : i32
    %run_scoped3A_10 = arith.constant 0 : i32
    "tpu.region"() ({
      %run_scoped3A_110 = tpu.sem_alloc : memref<!tpu.dma_semaphore, #tpu.memory_space<semaphore_mem>>
      %dma_start3A = arith.constant 0 : i32
      %dma_start3A_111 = arith.constant 0 : i32
      %dma_start3A_112 = tpu.memref_slice %arg7[%run_scoped3A_10, %dma_start3A, %dma_start3A_111] : memref<5x80x64xf32, #tpu.memory_space<vmem>> -> memref<1x80x64xf32, #tpu.memory_space<vmem>>
      %dma_start3A_113 = tpu.memref_squeeze %dma_start3A_112 : memref<1x80x64xf32, #tpu.memory_space<vmem>> -> memref<80x64xf32, #tpu.memory_space<vmem>>
      %dma_start3A_114 = arith.constant 0 : i32
      %dma_start3A_115 = tpu.memref_slice %arg10[%add3A_9, %dma_start3A_114] : memref<10240x64xf32, #tpu.memory_space<vmem_shared>> -> memref<80x64xf32, #tpu.memory_space<vmem_shared>>
      %dma_start3A_116 = arith.constant 0 : i32
      %dma_start3A_117 = tpu.memref_slice %arg10[%add3A_9, %dma_start3A_116] : memref<10240x64xf32, #tpu.memory_space<vmem_shared>> -> memref<80x64xf32, #tpu.memory_space<vmem_shared>>
      %dma_start3A_118 = arith.constant 0 : i32
      %dma_start3A_119 = arith.constant 0 : i32
      %dma_start3A_120 = tpu.memref_slice %arg7[%run_scoped3A_10, %dma_start3A_118, %dma_start3A_119] : memref<5x80x64xf32, #tpu.memory_space<vmem>> -> memref<1x80x64xf32, #tpu.memory_space<vmem>>
      %dma_start3A_121 = tpu.memref_squeeze %dma_start3A_120 : memref<1x80x64xf32, #tpu.memory_space<vmem>> -> memref<80x64xf32, #tpu.memory_space<vmem>>
      tpu.enqueue_dma source(%dma_start3A_121 : memref<80x64xf32, #tpu.memory_space<vmem>>) target(%dma_start3A_117 : memref<80x64xf32, #tpu.memory_space<vmem_shared>>) target_semaphore(%run_scoped3A_110 : memref<!tpu.dma_semaphore, #tpu.memory_space<semaphore_mem>>)
      %dma_wait3A_122 = arith.constant 0 : i32
      %dma_wait3A_123 = arith.constant 0 : i32
      %dma_wait3A_124 = tpu.memref_slice %arg7[%run_scoped3A_10, %dma_wait3A_122, %dma_wait3A_123] : memref<5x80x64xf32, #tpu.memory_space<vmem>> -> memref<1x80x64xf32, #tpu.memory_space<vmem>>
      %dma_wait3A_125 = tpu.memref_squeeze %dma_wait3A_124 : memref<1x80x64xf32, #tpu.memory_space<vmem>> -> memref<80x64xf32, #tpu.memory_space<vmem>>
      %dma_wait3A_126 = arith.constant 0 : i32
      %dma_wait3A_127 = tpu.memref_slice %arg10[%add3A_9, %dma_wait3A_126] : memref<10240x64xf32, #tpu.memory_space<vmem_shared>> -> memref<80x64xf32, #tpu.memory_space<vmem_shared>>
      %dma_wait3A_128 = arith.constant 0 : i32
      %dma_wait3A_129 = tpu.memref_slice %arg10[%add3A_9, %dma_wait3A_128] : memref<10240x64xf32, #tpu.memory_space<vmem_shared>> -> memref<80x64xf32, #tpu.memory_space<vmem_shared>>
      %dma_wait3A_130 = arith.constant 0 : i32
      %dma_wait3A_131 = arith.constant 0 : i32
      %dma_wait3A_132 = tpu.memref_slice %arg7[%run_scoped3A_10, %dma_wait3A_130, %dma_wait3A_131] : memref<5x80x64xf32, #tpu.memory_space<vmem>> -> memref<1x80x64xf32, #tpu.memory_space<vmem>>
      %dma_wait3A_133 = tpu.memref_squeeze %dma_wait3A_132 : memref<1x80x64xf32, #tpu.memory_space<vmem>> -> memref<80x64xf32, #tpu.memory_space<vmem>>
      tpu.wait_dma2 semaphore(%run_scoped3A_110 : memref<!tpu.dma_semaphore, #tpu.memory_space<semaphore_mem>>) src(%dma_wait3A_133 : memref<80x64xf32, #tpu.memory_space<vmem>>) dst(%dma_wait3A_129 : memref<80x64xf32, #tpu.memory_space<vmem_shared>>)
      tpu.yield
    }) : () -> ()
    %mul3A_11 = arith.constant 640 : i32
    %mul3A_12 = arith.muli %arg1, %mul3A_11 : i32
    %add3A_13 = arith.constant 160 : i32
    %add3A_14 = arith.addi %mul3A_12, %add3A_13 : i32
    %run_scoped3A_15 = arith.constant 0 : i32
    "tpu.region"() ({
      %run_scoped3A_110 = tpu.sem_alloc : memref<!tpu.dma_semaphore, #tpu.memory_space<semaphore_mem>>
      %dma_start3A = arith.constant 0 : i32
      %dma_start3A_111 = arith.constant 0 : i32
      %dma_start3A_112 = tpu.memref_slice %arg7[%run_scoped3A_15, %dma_start3A, %dma_start3A_111] : memref<5x80x64xf32, #tpu.memory_space<vmem>> -> memref<1x80x64xf32, #tpu.memory_space<vmem>>
      %dma_start3A_113 = tpu.memref_squeeze %dma_start3A_112 : memref<1x80x64xf32, #tpu.memory_space<vmem>> -> memref<80x64xf32, #tpu.memory_space<vmem>>
      %dma_start3A_114 = arith.constant 0 : i32
      %dma_start3A_115 = tpu.memref_slice %arg10[%add3A_14, %dma_start3A_114] : memref<10240x64xf32, #tpu.memory_space<vmem_shared>> -> memref<80x64xf32, #tpu.memory_space<vmem_shared>>
      %dma_start3A_116 = arith.constant 0 : i32
      %dma_start3A_117 = tpu.memref_slice %arg10[%add3A_14, %dma_start3A_116] : memref<10240x64xf32, #tpu.memory_space<vmem_shared>> -> memref<80x64xf32, #tpu.memory_space<vmem_shared>>
      %dma_start3A_118 = arith.constant 0 : i32
      %dma_start3A_119 = arith.constant 0 : i32
      %dma_start3A_120 = tpu.memref_slice %arg7[%run_scoped3A_15, %dma_start3A_118, %dma_start3A_119] : memref<5x80x64xf32, #tpu.memory_space<vmem>> -> memref<1x80x64xf32, #tpu.memory_space<vmem>>
      %dma_start3A_121 = tpu.memref_squeeze %dma_start3A_120 : memref<1x80x64xf32, #tpu.memory_space<vmem>> -> memref<80x64xf32, #tpu.memory_space<vmem>>
      tpu.enqueue_dma source(%dma_start3A_121 : memref<80x64xf32, #tpu.memory_space<vmem>>) target(%dma_start3A_117 : memref<80x64xf32, #tpu.memory_space<vmem_shared>>) target_semaphore(%run_scoped3A_110 : memref<!tpu.dma_semaphore, #tpu.memory_space<semaphore_mem>>)
      %dma_wait3A_122 = arith.constant 0 : i32
      %dma_wait3A_123 = arith.constant 0 : i32
      %dma_wait3A_124 = tpu.memref_slice %arg7[%run_scoped3A_15, %dma_wait3A_122, %dma_wait3A_123] : memref<5x80x64xf32, #tpu.memory_space<vmem>> -> memref<1x80x64xf32, #tpu.memory_space<vmem>>
      %dma_wait3A_125 = tpu.memref_squeeze %dma_wait3A_124 : memref<1x80x64xf32, #tpu.memory_space<vmem>> -> memref<80x64xf32, #tpu.memory_space<vmem>>
      %dma_wait3A_126 = arith.constant 0 : i32
      %dma_wait3A_127 = tpu.memref_slice %arg10[%add3A_14, %dma_wait3A_126] : memref<10240x64xf32, #tpu.memory_space<vmem_shared>> -> memref<80x64xf32, #tpu.memory_space<vmem_shared>>
      %dma_wait3A_128 = arith.constant 0 : i32
      %dma_wait3A_129 = tpu.memref_slice %arg10[%add3A_14, %dma_wait3A_128] : memref<10240x64xf32, #tpu.memory_space<vmem_shared>> -> memref<80x64xf32, #tpu.memory_space<vmem_shared>>
      %dma_wait3A_130 = arith.constant 0 : i32
      %dma_wait3A_131 = arith.constant 0 : i32
      %dma_wait3A_132 = tpu.memref_slice %arg7[%run_scoped3A_15, %dma_wait3A_130, %dma_wait3A_131] : memref<5x80x64xf32, #tpu.memory_space<vmem>> -> memref<1x80x64xf32, #tpu.memory_space<vmem>>
      %dma_wait3A_133 = tpu.memref_squeeze %dma_wait3A_132 : memref<1x80x64xf32, #tpu.memory_space<vmem>> -> memref<80x64xf32, #tpu.memory_space<vmem>>
      tpu.wait_dma2 semaphore(%run_scoped3A_110 : memref<!tpu.dma_semaphore, #tpu.memory_space<semaphore_mem>>) src(%dma_wait3A_133 : memref<80x64xf32, #tpu.memory_space<vmem>>) dst(%dma_wait3A_129 : memref<80x64xf32, #tpu.memory_space<vmem_shared>>)
      tpu.yield
    }) : () -> ()
    %mul3A_16 = arith.constant 640 : i32
    %mul3A_17 = arith.muli %arg1, %mul3A_16 : i32
    %add3A_18 = arith.constant 240 : i32
    %add3A_19 = arith.addi %mul3A_17, %add3A_18 : i32
    %run_scoped3A_20 = arith.constant 0 : i32
    "tpu.region"() ({
      %run_scoped3A_110 = tpu.sem_alloc : memref<!tpu.dma_semaphore, #tpu.memory_space<semaphore_mem>>
      %dma_start3A = arith.constant 0 : i32
      %dma_start3A_111 = arith.constant 0 : i32
      %dma_start3A_112 = tpu.memref_slice %arg7[%run_scoped3A_20, %dma_start3A, %dma_start3A_111] : memref<5x80x64xf32, #tpu.memory_space<vmem>> -> memref<1x80x64xf32, #tpu.memory_space<vmem>>
      %dma_start3A_113 = tpu.memref_squeeze %dma_start3A_112 : memref<1x80x64xf32, #tpu.memory_space<vmem>> -> memref<80x64xf32, #tpu.memory_space<vmem>>
      %dma_start3A_114 = arith.constant 0 : i32
      %dma_start3A_115 = tpu.memref_slice %arg10[%add3A_19, %dma_start3A_114] : memref<10240x64xf32, #tpu.memory_space<vmem_shared>> -> memref<80x64xf32, #tpu.memory_space<vmem_shared>>
      %dma_start3A_116 = arith.constant 0 : i32
      %dma_start3A_117 = tpu.memref_slice %arg10[%add3A_19, %dma_start3A_116] : memref<10240x64xf32, #tpu.memory_space<vmem_shared>> -> memref<80x64xf32, #tpu.memory_space<vmem_shared>>
      %dma_start3A_118 = arith.constant 0 : i32
      %dma_start3A_119 = arith.constant 0 : i32
      %dma_start3A_120 = tpu.memref_slice %arg7[%run_scoped3A_20, %dma_start3A_118, %dma_start3A_119] : memref<5x80x64xf32, #tpu.memory_space<vmem>> -> memref<1x80x64xf32, #tpu.memory_space<vmem>>
      %dma_start3A_121 = tpu.memref_squeeze %dma_start3A_120 : memref<1x80x64xf32, #tpu.memory_space<vmem>> -> memref<80x64xf32, #tpu.memory_space<vmem>>
      tpu.enqueue_dma source(%dma_start3A_121 : memref<80x64xf32, #tpu.memory_space<vmem>>) target(%dma_start3A_117 : memref<80x64xf32, #tpu.memory_space<vmem_shared>>) target_semaphore(%run_scoped3A_110 : memref<!tpu.dma_semaphore, #tpu.memory_space<semaphore_mem>>)
      %dma_wait3A_122 = arith.constant 0 : i32
      %dma_wait3A_123 = arith.constant 0 : i32
      %dma_wait3A_124 = tpu.memref_slice %arg7[%run_scoped3A_20, %dma_wait3A_122, %dma_wait3A_123] : memref<5x80x64xf32, #tpu.memory_space<vmem>> -> memref<1x80x64xf32, #tpu.memory_space<vmem>>
      %dma_wait3A_125 = tpu.memref_squeeze %dma_wait3A_124 : memref<1x80x64xf32, #tpu.memory_space<vmem>> -> memref<80x64xf32, #tpu.memory_space<vmem>>
      %dma_wait3A_126 = arith.constant 0 : i32
      %dma_wait3A_127 = tpu.memref_slice %arg10[%add3A_19, %dma_wait3A_126] : memref<10240x64xf32, #tpu.memory_space<vmem_shared>> -> memref<80x64xf32, #tpu.memory_space<vmem_shared>>
      %dma_wait3A_128 = arith.constant 0 : i32
      %dma_wait3A_129 = tpu.memref_slice %arg10[%add3A_19, %dma_wait3A_128] : memref<10240x64xf32, #tpu.memory_space<vmem_shared>> -> memref<80x64xf32, #tpu.memory_space<vmem_shared>>
      %dma_wait3A_130 = arith.constant 0 : i32
      %dma_wait3A_131 = arith.constant 0 : i32
      %dma_wait3A_132 = tpu.memref_slice %arg7[%run_scoped3A_20, %dma_wait3A_130, %dma_wait3A_131] : memref<5x80x64xf32, #tpu.memory_space<vmem>> -> memref<1x80x64xf32, #tpu.memory_space<vmem>>
      %dma_wait3A_133 = tpu.memref_squeeze %dma_wait3A_132 : memref<1x80x64xf32, #tpu.memory_space<vmem>> -> memref<80x64xf32, #tpu.memory_space<vmem>>
      tpu.wait_dma2 semaphore(%run_scoped3A_110 : memref<!tpu.dma_semaphore, #tpu.memory_space<semaphore_mem>>) src(%dma_wait3A_133 : memref<80x64xf32, #tpu.memory_space<vmem>>) dst(%dma_wait3A_129 : memref<80x64xf32, #tpu.memory_space<vmem_shared>>)
      tpu.yield
    }) : () -> ()
    %mul3A_21 = arith.constant 640 : i32
    %mul3A_22 = arith.muli %arg1, %mul3A_21 : i32
    %add3A_23 = arith.constant 320 : i32
    %add3A_24 = arith.addi %mul3A_22, %add3A_23 : i32
    %run_scoped3A_25 = arith.constant 0 : i32
    "tpu.region"() ({
      %run_scoped3A_110 = tpu.sem_alloc : memref<!tpu.dma_semaphore, #tpu.memory_space<semaphore_mem>>
      %dma_start3A = arith.constant 0 : i32
      %dma_start3A_111 = arith.constant 0 : i32
      %dma_start3A_112 = tpu.memref_slice %arg7[%run_scoped3A_25, %dma_start3A, %dma_start3A_111] : memref<5x80x64xf32, #tpu.memory_space<vmem>> -> memref<1x80x64xf32, #tpu.memory_space<vmem>>
      %dma_start3A_113 = tpu.memref_squeeze %dma_start3A_112 : memref<1x80x64xf32, #tpu.memory_space<vmem>> -> memref<80x64xf32, #tpu.memory_space<vmem>>
      %dma_start3A_114 = arith.constant 0 : i32
      %dma_start3A_115 = tpu.memref_slice %arg10[%add3A_24, %dma_start3A_114] : memref<10240x64xf32, #tpu.memory_space<vmem_shared>> -> memref<80x64xf32, #tpu.memory_space<vmem_shared>>
      %dma_start3A_116 = arith.constant 0 : i32
      %dma_start3A_117 = tpu.memref_slice %arg10[%add3A_24, %dma_start3A_116] : memref<10240x64xf32, #tpu.memory_space<vmem_shared>> -> memref<80x64xf32, #tpu.memory_space<vmem_shared>>
      %dma_start3A_118 = arith.constant 0 : i32
      %dma_start3A_119 = arith.constant 0 : i32
      %dma_start3A_120 = tpu.memref_slice %arg7[%run_scoped3A_25, %dma_start3A_118, %dma_start3A_119] : memref<5x80x64xf32, #tpu.memory_space<vmem>> -> memref<1x80x64xf32, #tpu.memory_space<vmem>>
      %dma_start3A_121 = tpu.memref_squeeze %dma_start3A_120 : memref<1x80x64xf32, #tpu.memory_space<vmem>> -> memref<80x64xf32, #tpu.memory_space<vmem>>
      tpu.enqueue_dma source(%dma_start3A_121 : memref<80x64xf32, #tpu.memory_space<vmem>>) target(%dma_start3A_117 : memref<80x64xf32, #tpu.memory_space<vmem_shared>>) target_semaphore(%run_scoped3A_110 : memref<!tpu.dma_semaphore, #tpu.memory_space<semaphore_mem>>)
      %dma_wait3A_122 = arith.constant 0 : i32
      %dma_wait3A_123 = arith.constant 0 : i32
      %dma_wait3A_124 = tpu.memref_slice %arg7[%run_scoped3A_25, %dma_wait3A_122, %dma_wait3A_123] : memref<5x80x64xf32, #tpu.memory_space<vmem>> -> memref<1x80x64xf32, #tpu.memory_space<vmem>>
      %dma_wait3A_125 = tpu.memref_squeeze %dma_wait3A_124 : memref<1x80x64xf32, #tpu.memory_space<vmem>> -> memref<80x64xf32, #tpu.memory_space<vmem>>
      %dma_wait3A_126 = arith.constant 0 : i32
      %dma_wait3A_127 = tpu.memref_slice %arg10[%add3A_24, %dma_wait3A_126] : memref<10240x64xf32, #tpu.memory_space<vmem_shared>> -> memref<80x64xf32, #tpu.memory_space<vmem_shared>>
      %dma_wait3A_128 = arith.constant 0 : i32
      %dma_wait3A_129 = tpu.memref_slice %arg10[%add3A_24, %dma_wait3A_128] : memref<10240x64xf32, #tpu.memory_space<vmem_shared>> -> memref<80x64xf32, #tpu.memory_space<vmem_shared>>
      %dma_wait3A_130 = arith.constant 0 : i32
      %dma_wait3A_131 = arith.constant 0 : i32
      %dma_wait3A_132 = tpu.memref_slice %arg7[%run_scoped3A_25, %dma_wait3A_130, %dma_wait3A_131] : memref<5x80x64xf32, #tpu.memory_space<vmem>> -> memref<1x80x64xf32, #tpu.memory_space<vmem>>
      %dma_wait3A_133 = tpu.memref_squeeze %dma_wait3A_132 : memref<1x80x64xf32, #tpu.memory_space<vmem>> -> memref<80x64xf32, #tpu.memory_space<vmem>>
      tpu.wait_dma2 semaphore(%run_scoped3A_110 : memref<!tpu.dma_semaphore, #tpu.memory_space<semaphore_mem>>) src(%dma_wait3A_133 : memref<80x64xf32, #tpu.memory_space<vmem>>) dst(%dma_wait3A_129 : memref<80x64xf32, #tpu.memory_space<vmem_shared>>)
      tpu.yield
    }) : () -> ()
    %mul3A_26 = arith.constant 640 : i32
    %mul3A_27 = arith.muli %arg1, %mul3A_26 : i32
    %add3A_28 = arith.constant 400 : i32
    %add3A_29 = arith.addi %mul3A_27, %add3A_28 : i32
    %run_scoped3A_30 = arith.constant 0 : i32
    "tpu.region"() ({
      %run_scoped3A_110 = tpu.sem_alloc : memref<!tpu.dma_semaphore, #tpu.memory_space<semaphore_mem>>
      %dma_start3A = arith.constant 0 : i32
      %dma_start3A_111 = arith.constant 0 : i32
      %dma_start3A_112 = tpu.memref_slice %arg7[%run_scoped3A_30, %dma_start3A, %dma_start3A_111] : memref<5x80x64xf32, #tpu.memory_space<vmem>> -> memref<1x80x64xf32, #tpu.memory_space<vmem>>
      %dma_start3A_113 = tpu.memref_squeeze %dma_start3A_112 : memref<1x80x64xf32, #tpu.memory_space<vmem>> -> memref<80x64xf32, #tpu.memory_space<vmem>>
      %dma_start3A_114 = arith.constant 0 : i32
      %dma_start3A_115 = tpu.memref_slice %arg10[%add3A_29, %dma_start3A_114] : memref<10240x64xf32, #tpu.memory_space<vmem_shared>> -> memref<80x64xf32, #tpu.memory_space<vmem_shared>>
      %dma_start3A_116 = arith.constant 0 : i32
      %dma_start3A_117 = tpu.memref_slice %arg10[%add3A_29, %dma_start3A_116] : memref<10240x64xf32, #tpu.memory_space<vmem_shared>> -> memref<80x64xf32, #tpu.memory_space<vmem_shared>>
      %dma_start3A_118 = arith.constant 0 : i32
      %dma_start3A_119 = arith.constant 0 : i32
      %dma_start3A_120 = tpu.memref_slice %arg7[%run_scoped3A_30, %dma_start3A_118, %dma_start3A_119] : memref<5x80x64xf32, #tpu.memory_space<vmem>> -> memref<1x80x64xf32, #tpu.memory_space<vmem>>
      %dma_start3A_121 = tpu.memref_squeeze %dma_start3A_120 : memref<1x80x64xf32, #tpu.memory_space<vmem>> -> memref<80x64xf32, #tpu.memory_space<vmem>>
      tpu.enqueue_dma source(%dma_start3A_121 : memref<80x64xf32, #tpu.memory_space<vmem>>) target(%dma_start3A_117 : memref<80x64xf32, #tpu.memory_space<vmem_shared>>) target_semaphore(%run_scoped3A_110 : memref<!tpu.dma_semaphore, #tpu.memory_space<semaphore_mem>>)
      %dma_wait3A_122 = arith.constant 0 : i32
      %dma_wait3A_123 = arith.constant 0 : i32
      %dma_wait3A_124 = tpu.memref_slice %arg7[%run_scoped3A_30, %dma_wait3A_122, %dma_wait3A_123] : memref<5x80x64xf32, #tpu.memory_space<vmem>> -> memref<1x80x64xf32, #tpu.memory_space<vmem>>
      %dma_wait3A_125 = tpu.memref_squeeze %dma_wait3A_124 : memref<1x80x64xf32, #tpu.memory_space<vmem>> -> memref<80x64xf32, #tpu.memory_space<vmem>>
      %dma_wait3A_126 = arith.constant 0 : i32
      %dma_wait3A_127 = tpu.memref_slice %arg10[%add3A_29, %dma_wait3A_126] : memref<10240x64xf32, #tpu.memory_space<vmem_shared>> -> memref<80x64xf32, #tpu.memory_space<vmem_shared>>
      %dma_wait3A_128 = arith.constant 0 : i32
      %dma_wait3A_129 = tpu.memref_slice %arg10[%add3A_29, %dma_wait3A_128] : memref<10240x64xf32, #tpu.memory_space<vmem_shared>> -> memref<80x64xf32, #tpu.memory_space<vmem_shared>>
      %dma_wait3A_130 = arith.constant 0 : i32
      %dma_wait3A_131 = arith.constant 0 : i32
      %dma_wait3A_132 = tpu.memref_slice %arg7[%run_scoped3A_30, %dma_wait3A_130, %dma_wait3A_131] : memref<5x80x64xf32, #tpu.memory_space<vmem>> -> memref<1x80x64xf32, #tpu.memory_space<vmem>>
      %dma_wait3A_133 = tpu.memref_squeeze %dma_wait3A_132 : memref<1x80x64xf32, #tpu.memory_space<vmem>> -> memref<80x64xf32, #tpu.memory_space<vmem>>
      tpu.wait_dma2 semaphore(%run_scoped3A_110 : memref<!tpu.dma_semaphore, #tpu.memory_space<semaphore_mem>>) src(%dma_wait3A_133 : memref<80x64xf32, #tpu.memory_space<vmem>>) dst(%dma_wait3A_129 : memref<80x64xf32, #tpu.memory_space<vmem_shared>>)
      tpu.yield
    }) : () -> ()
    %mul3A_31 = arith.constant 640 : i32
    %mul3A_32 = arith.muli %arg1, %mul3A_31 : i32
    %add3A_33 = arith.constant 480 : i32
    %add3A_34 = arith.addi %mul3A_32, %add3A_33 : i32
    %run_scoped3A_35 = arith.constant 0 : i32
    "tpu.region"() ({
      %run_scoped3A_110 = tpu.sem_alloc : memref<!tpu.dma_semaphore, #tpu.memory_space<semaphore_mem>>
      %dma_start3A = arith.constant 0 : i32
      %dma_start3A_111 = arith.constant 0 : i32
      %dma_start3A_112 = tpu.memref_slice %arg7[%run_scoped3A_35, %dma_start3A, %dma_start3A_111] : memref<5x80x64xf32, #tpu.memory_space<vmem>> -> memref<1x80x64xf32, #tpu.memory_space<vmem>>
      %dma_start3A_113 = tpu.memref_squeeze %dma_start3A_112 : memref<1x80x64xf32, #tpu.memory_space<vmem>> -> memref<80x64xf32, #tpu.memory_space<vmem>>
      %dma_start3A_114 = arith.constant 0 : i32
      %dma_start3A_115 = tpu.memref_slice %arg10[%add3A_34, %dma_start3A_114] : memref<10240x64xf32, #tpu.memory_space<vmem_shared>> -> memref<80x64xf32, #tpu.memory_space<vmem_shared>>
      %dma_start3A_116 = arith.constant 0 : i32
      %dma_start3A_117 = tpu.memref_slice %arg10[%add3A_34, %dma_start3A_116] : memref<10240x64xf32, #tpu.memory_space<vmem_shared>> -> memref<80x64xf32, #tpu.memory_space<vmem_shared>>
      %dma_start3A_118 = arith.constant 0 : i32
      %dma_start3A_119 = arith.constant 0 : i32
      %dma_start3A_120 = tpu.memref_slice %arg7[%run_scoped3A_35, %dma_start3A_118, %dma_start3A_119] : memref<5x80x64xf32, #tpu.memory_space<vmem>> -> memref<1x80x64xf32, #tpu.memory_space<vmem>>
      %dma_start3A_121 = tpu.memref_squeeze %dma_start3A_120 : memref<1x80x64xf32, #tpu.memory_space<vmem>> -> memref<80x64xf32, #tpu.memory_space<vmem>>
      tpu.enqueue_dma source(%dma_start3A_121 : memref<80x64xf32, #tpu.memory_space<vmem>>) target(%dma_start3A_117 : memref<80x64xf32, #tpu.memory_space<vmem_shared>>) target_semaphore(%run_scoped3A_110 : memref<!tpu.dma_semaphore, #tpu.memory_space<semaphore_mem>>)
      %dma_wait3A_122 = arith.constant 0 : i32
      %dma_wait3A_123 = arith.constant 0 : i32
      %dma_wait3A_124 = tpu.memref_slice %arg7[%run_scoped3A_35, %dma_wait3A_122, %dma_wait3A_123] : memref<5x80x64xf32, #tpu.memory_space<vmem>> -> memref<1x80x64xf32, #tpu.memory_space<vmem>>
      %dma_wait3A_125 = tpu.memref_squeeze %dma_wait3A_124 : memref<1x80x64xf32, #tpu.memory_space<vmem>> -> memref<80x64xf32, #tpu.memory_space<vmem>>
      %dma_wait3A_126 = arith.constant 0 : i32
      %dma_wait3A_127 = tpu.memref_slice %arg10[%add3A_34, %dma_wait3A_126] : memref<10240x64xf32, #tpu.memory_space<vmem_shared>> -> memref<80x64xf32, #tpu.memory_space<vmem_shared>>
      %dma_wait3A_128 = arith.constant 0 : i32
      %dma_wait3A_129 = tpu.memref_slice %arg10[%add3A_34, %dma_wait3A_128] : memref<10240x64xf32, #tpu.memory_space<vmem_shared>> -> memref<80x64xf32, #tpu.memory_space<vmem_shared>>
      %dma_wait3A_130 = arith.constant 0 : i32
      %dma_wait3A_131 = arith.constant 0 : i32
      %dma_wait3A_132 = tpu.memref_slice %arg7[%run_scoped3A_35, %dma_wait3A_130, %dma_wait3A_131] : memref<5x80x64xf32, #tpu.memory_space<vmem>> -> memref<1x80x64xf32, #tpu.memory_space<vmem>>
      %dma_wait3A_133 = tpu.memref_squeeze %dma_wait3A_132 : memref<1x80x64xf32, #tpu.memory_space<vmem>> -> memref<80x64xf32, #tpu.memory_space<vmem>>
      tpu.wait_dma2 semaphore(%run_scoped3A_110 : memref<!tpu.dma_semaphore, #tpu.memory_space<semaphore_mem>>) src(%dma_wait3A_133 : memref<80x64xf32, #tpu.memory_space<vmem>>) dst(%dma_wait3A_129 : memref<80x64xf32, #tpu.memory_space<vmem_shared>>)
      tpu.yield
    }) : () -> ()
    %mul3A_36 = arith.constant 640 : i32
    %mul3A_37 = arith.muli %arg1, %mul3A_36 : i32
    %add3A_38 = arith.constant 560 : i32
    %add3A_39 = arith.addi %mul3A_37, %add3A_38 : i32
    %run_scoped3A_40 = arith.constant 0 : i32
    "tpu.region"() ({
      %run_scoped3A_110 = tpu.sem_alloc : memref<!tpu.dma_semaphore, #tpu.memory_space<semaphore_mem>>
      %dma_start3A = arith.constant 0 : i32
      %dma_start3A_111 = arith.constant 0 : i32
      %dma_start3A_112 = tpu.memref_slice %arg7[%run_scoped3A_40, %dma_start3A, %dma_start3A_111] : memref<5x80x64xf32, #tpu.memory_space<vmem>> -> memref<1x80x64xf32, #tpu.memory_space<vmem>>
      %dma_start3A_113 = tpu.memref_squeeze %dma_start3A_112 : memref<1x80x64xf32, #tpu.memory_space<vmem>> -> memref<80x64xf32, #tpu.memory_space<vmem>>
      %dma_start3A_114 = arith.constant 0 : i32
      %dma_start3A_115 = tpu.memref_slice %arg10[%add3A_39, %dma_start3A_114] : memref<10240x64xf32, #tpu.memory_space<vmem_shared>> -> memref<80x64xf32, #tpu.memory_space<vmem_shared>>
      %dma_start3A_116 = arith.constant 0 : i32
      %dma_start3A_117 = tpu.memref_slice %arg10[%add3A_39, %dma_start3A_116] : memref<10240x64xf32, #tpu.memory_space<vmem_shared>> -> memref<80x64xf32, #tpu.memory_space<vmem_shared>>
      %dma_start3A_118 = arith.constant 0 : i32
      %dma_start3A_119 = arith.constant 0 : i32
      %dma_start3A_120 = tpu.memref_slice %arg7[%run_scoped3A_40, %dma_start3A_118, %dma_start3A_119] : memref<5x80x64xf32, #tpu.memory_space<vmem>> -> memref<1x80x64xf32, #tpu.memory_space<vmem>>
      %dma_start3A_121 = tpu.memref_squeeze %dma_start3A_120 : memref<1x80x64xf32, #tpu.memory_space<vmem>> -> memref<80x64xf32, #tpu.memory_space<vmem>>
      tpu.enqueue_dma source(%dma_start3A_121 : memref<80x64xf32, #tpu.memory_space<vmem>>) target(%dma_start3A_117 : memref<80x64xf32, #tpu.memory_space<vmem_shared>>) target_semaphore(%run_scoped3A_110 : memref<!tpu.dma_semaphore, #tpu.memory_space<semaphore_mem>>)
      %dma_wait3A_122 = arith.constant 0 : i32
      %dma_wait3A_123 = arith.constant 0 : i32
      %dma_wait3A_124 = tpu.memref_slice %arg7[%run_scoped3A_40, %dma_wait3A_122, %dma_wait3A_123] : memref<5x80x64xf32, #tpu.memory_space<vmem>> -> memref<1x80x64xf32, #tpu.memory_space<vmem>>
      %dma_wait3A_125 = tpu.memref_squeeze %dma_wait3A_124 : memref<1x80x64xf32, #tpu.memory_space<vmem>> -> memref<80x64xf32, #tpu.memory_space<vmem>>
      %dma_wait3A_126 = arith.constant 0 : i32
      %dma_wait3A_127 = tpu.memref_slice %arg10[%add3A_39, %dma_wait3A_126] : memref<10240x64xf32, #tpu.memory_space<vmem_shared>> -> memref<80x64xf32, #tpu.memory_space<vmem_shared>>
      %dma_wait3A_128 = arith.constant 0 : i32
      %dma_wait3A_129 = tpu.memref_slice %arg10[%add3A_39, %dma_wait3A_128] : memref<10240x64xf32, #tpu.memory_space<vmem_shared>> -> memref<80x64xf32, #tpu.memory_space<vmem_shared>>
      %dma_wait3A_130 = arith.constant 0 : i32
      %dma_wait3A_131 = arith.constant 0 : i32
      %dma_wait3A_132 = tpu.memref_slice %arg7[%run_scoped3A_40, %dma_wait3A_130, %dma_wait3A_131] : memref<5x80x64xf32, #tpu.memory_space<vmem>> -> memref<1x80x64xf32, #tpu.memory_space<vmem>>
      %dma_wait3A_133 = tpu.memref_squeeze %dma_wait3A_132 : memref<1x80x64xf32, #tpu.memory_space<vmem>> -> memref<80x64xf32, #tpu.memory_space<vmem>>
      tpu.wait_dma2 semaphore(%run_scoped3A_110 : memref<!tpu.dma_semaphore, #tpu.memory_space<semaphore_mem>>) src(%dma_wait3A_133 : memref<80x64xf32, #tpu.memory_space<vmem>>) dst(%dma_wait3A_129 : memref<80x64xf32, #tpu.memory_space<vmem_shared>>)
      tpu.yield
    }) : () -> ()
    %barrier3A = arith.constant 0 : index
    tpu.barrier barrier_id(%barrier3A)
    %scan3A = arith.constant 0 : i32
    %scan3A_41 = arith.constant 0 : i32
    %scan3A_42 = arith.constant 25 : i32
    %scan3A_43 = arith.addi %scan3A_41, %scan3A_42 : i32
    %scan3A_44 = arith.constant 1 : i32
    scf.for %scan3A_110 = %scan3A_41 to %scan3A_43 step %scan3A_44  : i32 {
      %mul3A_111 = arith.constant 5 : i32
      %mul3A_112 = arith.muli %scan3A_110, %mul3A_111 : i32
      %gt3A = arith.constant 0 : i32
      %gt3A_113 = arith.cmpi sgt, %scan3A_110, %gt3A : i32
      %convert_element_type3A = arith.extui %gt3A_113 : i1 to i32
      %cond3A = arith.constant 0 : i32
      %cond3A_114 = arith.cmpi ne, %convert_element_type3A, %cond3A : i32
      scf.if %cond3A_114 {
        %sub3A = arith.constant 5 : i32
        %sub3A_319 = arith.subi %mul3A_112, %sub3A : i32
        %add3A_320 = arith.constant 0 : i32
        %add3A_321 = arith.addi %sub3A_319, %add3A_320 : i32
        %dma_wait3A_322 = arith.constant 0 : i32
        %dma_wait3A_323 = arith.constant 0 : i32
        %dma_wait3A_324 = arith.constant 0 : i32
        %dma_wait3A_325 = tpu.memref_slice %arg7[%dma_wait3A_322, %dma_wait3A_323, %dma_wait3A_324] : memref<5x80x64xf32, #tpu.memory_space<vmem>> -> memref<1x80x64xf32, #tpu.memory_space<vmem>>
        %dma_wait3A_326 = tpu.memref_squeeze %dma_wait3A_325 : memref<1x80x64xf32, #tpu.memory_space<vmem>> -> memref<80x64xf32, #tpu.memory_space<vmem>>
        %dma_wait3A_327 = arith.constant 0 : i32
        %dma_wait3A_328 = tpu.memref_slice %arg9[%add3A_321, %dma_wait3A_327] : memref<125x80xi32, #tpu.memory_space<vmem>> -> memref<1x80xi32, #tpu.memory_space<vmem>>
        %dma_wait3A_329 = tpu.memref_squeeze %dma_wait3A_328 : memref<1x80xi32, #tpu.memory_space<vmem>> -> memref<80xi32, #tpu.memory_space<vmem>>
        %dma_wait3A_330 = arith.constant 0 : i32
        %dma_wait3A_331 = arith.constant 0 : i32
        %dma_wait3A_332 = tpu.memref_slice %arg10[%dma_wait3A_330, %dma_wait3A_331] : memref<10240x64xf32, #tpu.memory_space<vmem_shared>> -> memref<10240x64xf32, #tpu.memory_space<vmem_shared>>
        tpu.wait_indirect_dma semaphore(%arg16 : memref<!tpu.dma_semaphore, #tpu.memory_space<semaphore_mem>>) src(%dma_wait3A_326 : memref<80x64xf32, #tpu.memory_space<vmem>>) dst(%dma_wait3A_332 : memref<10240x64xf32, #tpu.memory_space<vmem_shared>>)
      } else {
      }
      %gt3A_115 = arith.constant 0 : i32
      %gt3A_116 = arith.cmpi sgt, %scan3A_110, %gt3A_115 : i32
      %convert_element_type3A_117 = arith.extui %gt3A_116 : i1 to i32
      %cond3A_118 = arith.constant 0 : i32
      %cond3A_119 = arith.cmpi ne, %convert_element_type3A_117, %cond3A_118 : i32
      scf.if %cond3A_119 {
        %sub3A = arith.constant 5 : i32
        %sub3A_319 = arith.subi %mul3A_112, %sub3A : i32
        %add3A_320 = arith.constant 1 : i32
        %add3A_321 = arith.addi %sub3A_319, %add3A_320 : i32
        %dma_wait3A_322 = arith.constant 1 : i32
        %dma_wait3A_323 = arith.constant 0 : i32
        %dma_wait3A_324 = arith.constant 0 : i32
        %dma_wait3A_325 = tpu.memref_slice %arg7[%dma_wait3A_322, %dma_wait3A_323, %dma_wait3A_324] : memref<5x80x64xf32, #tpu.memory_space<vmem>> -> memref<1x80x64xf32, #tpu.memory_space<vmem>>
        %dma_wait3A_326 = tpu.memref_squeeze %dma_wait3A_325 : memref<1x80x64xf32, #tpu.memory_space<vmem>> -> memref<80x64xf32, #tpu.memory_space<vmem>>
        %dma_wait3A_327 = arith.constant 0 : i32
        %dma_wait3A_328 = tpu.memref_slice %arg9[%add3A_321, %dma_wait3A_327] : memref<125x80xi32, #tpu.memory_space<vmem>> -> memref<1x80xi32, #tpu.memory_space<vmem>>
        %dma_wait3A_329 = tpu.memref_squeeze %dma_wait3A_328 : memref<1x80xi32, #tpu.memory_space<vmem>> -> memref<80xi32, #tpu.memory_space<vmem>>
        %dma_wait3A_330 = arith.constant 0 : i32
        %dma_wait3A_331 = arith.constant 0 : i32
        %dma_wait3A_332 = tpu.memref_slice %arg10[%dma_wait3A_330, %dma_wait3A_331] : memref<10240x64xf32, #tpu.memory_space<vmem_shared>> -> memref<10240x64xf32, #tpu.memory_space<vmem_shared>>
        tpu.wait_indirect_dma semaphore(%arg17 : memref<!tpu.dma_semaphore, #tpu.memory_space<semaphore_mem>>) src(%dma_wait3A_326 : memref<80x64xf32, #tpu.memory_space<vmem>>) dst(%dma_wait3A_332 : memref<10240x64xf32, #tpu.memory_space<vmem_shared>>)
      } else {
      }
      %gt3A_120 = arith.constant 0 : i32
      %gt3A_121 = arith.cmpi sgt, %scan3A_110, %gt3A_120 : i32
      %convert_element_type3A_122 = arith.extui %gt3A_121 : i1 to i32
      %cond3A_123 = arith.constant 0 : i32
      %cond3A_124 = arith.cmpi ne, %convert_element_type3A_122, %cond3A_123 : i32
      scf.if %cond3A_124 {
        %sub3A = arith.constant 5 : i32
        %sub3A_319 = arith.subi %mul3A_112, %sub3A : i32
        %add3A_320 = arith.constant 2 : i32
        %add3A_321 = arith.addi %sub3A_319, %add3A_320 : i32
        %dma_wait3A_322 = arith.constant 2 : i32
        %dma_wait3A_323 = arith.constant 0 : i32
        %dma_wait3A_324 = arith.constant 0 : i32
        %dma_wait3A_325 = tpu.memref_slice %arg7[%dma_wait3A_322, %dma_wait3A_323, %dma_wait3A_324] : memref<5x80x64xf32, #tpu.memory_space<vmem>> -> memref<1x80x64xf32, #tpu.memory_space<vmem>>
        %dma_wait3A_326 = tpu.memref_squeeze %dma_wait3A_325 : memref<1x80x64xf32, #tpu.memory_space<vmem>> -> memref<80x64xf32, #tpu.memory_space<vmem>>
        %dma_wait3A_327 = arith.constant 0 : i32
        %dma_wait3A_328 = tpu.memref_slice %arg9[%add3A_321, %dma_wait3A_327] : memref<125x80xi32, #tpu.memory_space<vmem>> -> memref<1x80xi32, #tpu.memory_space<vmem>>
        %dma_wait3A_329 = tpu.memref_squeeze %dma_wait3A_328 : memref<1x80xi32, #tpu.memory_space<vmem>> -> memref<80xi32, #tpu.memory_space<vmem>>
        %dma_wait3A_330 = arith.constant 0 : i32
        %dma_wait3A_331 = arith.constant 0 : i32
        %dma_wait3A_332 = tpu.memref_slice %arg10[%dma_wait3A_330, %dma_wait3A_331] : memref<10240x64xf32, #tpu.memory_space<vmem_shared>> -> memref<10240x64xf32, #tpu.memory_space<vmem_shared>>
        tpu.wait_indirect_dma semaphore(%arg18 : memref<!tpu.dma_semaphore, #tpu.memory_space<semaphore_mem>>) src(%dma_wait3A_326 : memref<80x64xf32, #tpu.memory_space<vmem>>) dst(%dma_wait3A_332 : memref<10240x64xf32, #tpu.memory_space<vmem_shared>>)
      } else {
      }
      %gt3A_125 = arith.constant 0 : i32
      %gt3A_126 = arith.cmpi sgt, %scan3A_110, %gt3A_125 : i32
      %convert_element_type3A_127 = arith.extui %gt3A_126 : i1 to i32
      %cond3A_128 = arith.constant 0 : i32
      %cond3A_129 = arith.cmpi ne, %convert_element_type3A_127, %cond3A_128 : i32
      scf.if %cond3A_129 {
        %sub3A = arith.constant 5 : i32
        %sub3A_319 = arith.subi %mul3A_112, %sub3A : i32
        %add3A_320 = arith.constant 3 : i32
        %add3A_321 = arith.addi %sub3A_319, %add3A_320 : i32
        %dma_wait3A_322 = arith.constant 3 : i32
        %dma_wait3A_323 = arith.constant 0 : i32
        %dma_wait3A_324 = arith.constant 0 : i32
        %dma_wait3A_325 = tpu.memref_slice %arg7[%dma_wait3A_322, %dma_wait3A_323, %dma_wait3A_324] : memref<5x80x64xf32, #tpu.memory_space<vmem>> -> memref<1x80x64xf32, #tpu.memory_space<vmem>>
        %dma_wait3A_326 = tpu.memref_squeeze %dma_wait3A_325 : memref<1x80x64xf32, #tpu.memory_space<vmem>> -> memref<80x64xf32, #tpu.memory_space<vmem>>
        %dma_wait3A_327 = arith.constant 0 : i32
        %dma_wait3A_328 = tpu.memref_slice %arg9[%add3A_321, %dma_wait3A_327] : memref<125x80xi32, #tpu.memory_space<vmem>> -> memref<1x80xi32, #tpu.memory_space<vmem>>
        %dma_wait3A_329 = tpu.memref_squeeze %dma_wait3A_328 : memref<1x80xi32, #tpu.memory_space<vmem>> -> memref<80xi32, #tpu.memory_space<vmem>>
        %dma_wait3A_330 = arith.constant 0 : i32
        %dma_wait3A_331 = arith.constant 0 : i32
        %dma_wait3A_332 = tpu.memref_slice %arg10[%dma_wait3A_330, %dma_wait3A_331] : memref<10240x64xf32, #tpu.memory_space<vmem_shared>> -> memref<10240x64xf32, #tpu.memory_space<vmem_shared>>
        tpu.wait_indirect_dma semaphore(%arg19 : memref<!tpu.dma_semaphore, #tpu.memory_space<semaphore_mem>>) src(%dma_wait3A_326 : memref<80x64xf32, #tpu.memory_space<vmem>>) dst(%dma_wait3A_332 : memref<10240x64xf32, #tpu.memory_space<vmem_shared>>)
      } else {
      }
      %gt3A_130 = arith.constant 0 : i32
      %gt3A_131 = arith.cmpi sgt, %scan3A_110, %gt3A_130 : i32
      %convert_element_type3A_132 = arith.extui %gt3A_131 : i1 to i32
      %cond3A_133 = arith.constant 0 : i32
      %cond3A_134 = arith.cmpi ne, %convert_element_type3A_132, %cond3A_133 : i32
      scf.if %cond3A_134 {
        %sub3A = arith.constant 5 : i32
        %sub3A_319 = arith.subi %mul3A_112, %sub3A : i32
        %add3A_320 = arith.constant 4 : i32
        %add3A_321 = arith.addi %sub3A_319, %add3A_320 : i32
        %dma_wait3A_322 = arith.constant 4 : i32
        %dma_wait3A_323 = arith.constant 0 : i32
        %dma_wait3A_324 = arith.constant 0 : i32
        %dma_wait3A_325 = tpu.memref_slice %arg7[%dma_wait3A_322, %dma_wait3A_323, %dma_wait3A_324] : memref<5x80x64xf32, #tpu.memory_space<vmem>> -> memref<1x80x64xf32, #tpu.memory_space<vmem>>
        %dma_wait3A_326 = tpu.memref_squeeze %dma_wait3A_325 : memref<1x80x64xf32, #tpu.memory_space<vmem>> -> memref<80x64xf32, #tpu.memory_space<vmem>>
        %dma_wait3A_327 = arith.constant 0 : i32
        %dma_wait3A_328 = tpu.memref_slice %arg9[%add3A_321, %dma_wait3A_327] : memref<125x80xi32, #tpu.memory_space<vmem>> -> memref<1x80xi32, #tpu.memory_space<vmem>>
        %dma_wait3A_329 = tpu.memref_squeeze %dma_wait3A_328 : memref<1x80xi32, #tpu.memory_space<vmem>> -> memref<80xi32, #tpu.memory_space<vmem>>
        %dma_wait3A_330 = arith.constant 0 : i32
        %dma_wait3A_331 = arith.constant 0 : i32
        %dma_wait3A_332 = tpu.memref_slice %arg10[%dma_wait3A_330, %dma_wait3A_331] : memref<10240x64xf32, #tpu.memory_space<vmem_shared>> -> memref<10240x64xf32, #tpu.memory_space<vmem_shared>>
        tpu.wait_indirect_dma semaphore(%arg20 : memref<!tpu.dma_semaphore, #tpu.memory_space<semaphore_mem>>) src(%dma_wait3A_326 : memref<80x64xf32, #tpu.memory_space<vmem>>) dst(%dma_wait3A_332 : memref<10240x64xf32, #tpu.memory_space<vmem_shared>>)
      } else {
      }
      %add3A_135 = arith.constant 0 : i32
      %add3A_136 = arith.addi %mul3A_112, %add3A_135 : i32
      %dma_start3A = arith.constant 0 : i32
      %dma_start3A_137 = arith.constant 0 : i32
      %dma_start3A_138 = arith.constant 0 : i32
      %dma_start3A_139 = tpu.memref_slice %arg7[%dma_start3A, %dma_start3A_137, %dma_start3A_138] : memref<5x80x64xf32, #tpu.memory_space<vmem>> -> memref<1x80x64xf32, #tpu.memory_space<vmem>>
      %dma_start3A_140 = tpu.memref_squeeze %dma_start3A_139 : memref<1x80x64xf32, #tpu.memory_space<vmem>> -> memref<80x64xf32, #tpu.memory_space<vmem>>
      %dma_start3A_141 = arith.constant 0 : i32
      %dma_start3A_142 = tpu.memref_slice %arg8[%add3A_136, %dma_start3A_141] : memref<125x80xi32, #tpu.memory_space<vmem>> -> memref<1x80xi32, #tpu.memory_space<vmem>>
      %dma_start3A_143 = tpu.memref_squeeze %dma_start3A_142 : memref<1x80xi32, #tpu.memory_space<vmem>> -> memref<80xi32, #tpu.memory_space<vmem>>
      %dma_start3A_144 = arith.constant 0 : i32
      %dma_start3A_145 = arith.constant 0 : i32
      %dma_start3A_146 = tpu.memref_slice %arg2[%dma_start3A_144, %dma_start3A_145] : memref<10240x64xf32, #tpu.memory_space<hbm>> -> memref<10240x64xf32, #tpu.memory_space<hbm>>
      tpu.enqueue_indirect_dma source(%dma_start3A_146 : memref<10240x64xf32, #tpu.memory_space<hbm>>) target(%dma_start3A_140 : memref<80x64xf32, #tpu.memory_space<vmem>>) offsets(%dma_start3A_143 : memref<80xi32, #tpu.memory_space<vmem>>) semaphore(%arg11 : memref<!tpu.dma_semaphore, #tpu.memory_space<semaphore_mem>>)
      %add3A_147 = arith.constant 1 : i32
      %add3A_148 = arith.addi %mul3A_112, %add3A_147 : i32
      %dma_start3A_149 = arith.constant 1 : i32
      %dma_start3A_150 = arith.constant 0 : i32
      %dma_start3A_151 = arith.constant 0 : i32
      %dma_start3A_152 = tpu.memref_slice %arg7[%dma_start3A_149, %dma_start3A_150, %dma_start3A_151] : memref<5x80x64xf32, #tpu.memory_space<vmem>> -> memref<1x80x64xf32, #tpu.memory_space<vmem>>
      %dma_start3A_153 = tpu.memref_squeeze %dma_start3A_152 : memref<1x80x64xf32, #tpu.memory_space<vmem>> -> memref<80x64xf32, #tpu.memory_space<vmem>>
      %dma_start3A_154 = arith.constant 0 : i32
      %dma_start3A_155 = tpu.memref_slice %arg8[%add3A_148, %dma_start3A_154] : memref<125x80xi32, #tpu.memory_space<vmem>> -> memref<1x80xi32, #tpu.memory_space<vmem>>
      %dma_start3A_156 = tpu.memref_squeeze %dma_start3A_155 : memref<1x80xi32, #tpu.memory_space<vmem>> -> memref<80xi32, #tpu.memory_space<vmem>>
      %dma_start3A_157 = arith.constant 0 : i32
      %dma_start3A_158 = arith.constant 0 : i32
      %dma_start3A_159 = tpu.memref_slice %arg2[%dma_start3A_157, %dma_start3A_158] : memref<10240x64xf32, #tpu.memory_space<hbm>> -> memref<10240x64xf32, #tpu.memory_space<hbm>>
      tpu.enqueue_indirect_dma source(%dma_start3A_159 : memref<10240x64xf32, #tpu.memory_space<hbm>>) target(%dma_start3A_153 : memref<80x64xf32, #tpu.memory_space<vmem>>) offsets(%dma_start3A_156 : memref<80xi32, #tpu.memory_space<vmem>>) semaphore(%arg12 : memref<!tpu.dma_semaphore, #tpu.memory_space<semaphore_mem>>)
      %add3A_160 = arith.constant 2 : i32
      %add3A_161 = arith.addi %mul3A_112, %add3A_160 : i32
      %dma_start3A_162 = arith.constant 2 : i32
      %dma_start3A_163 = arith.constant 0 : i32
      %dma_start3A_164 = arith.constant 0 : i32
      %dma_start3A_165 = tpu.memref_slice %arg7[%dma_start3A_162, %dma_start3A_163, %dma_start3A_164] : memref<5x80x64xf32, #tpu.memory_space<vmem>> -> memref<1x80x64xf32, #tpu.memory_space<vmem>>
      %dma_start3A_166 = tpu.memref_squeeze %dma_start3A_165 : memref<1x80x64xf32, #tpu.memory_space<vmem>> -> memref<80x64xf32, #tpu.memory_space<vmem>>
      %dma_start3A_167 = arith.constant 0 : i32
      %dma_start3A_168 = tpu.memref_slice %arg8[%add3A_161, %dma_start3A_167] : memref<125x80xi32, #tpu.memory_space<vmem>> -> memref<1x80xi32, #tpu.memory_space<vmem>>
      %dma_start3A_169 = tpu.memref_squeeze %dma_start3A_168 : memref<1x80xi32, #tpu.memory_space<vmem>> -> memref<80xi32, #tpu.memory_space<vmem>>
      %dma_start3A_170 = arith.constant 0 : i32
      %dma_start3A_171 = arith.constant 0 : i32
      %dma_start3A_172 = tpu.memref_slice %arg2[%dma_start3A_170, %dma_start3A_171] : memref<10240x64xf32, #tpu.memory_space<hbm>> -> memref<10240x64xf32, #tpu.memory_space<hbm>>
      tpu.enqueue_indirect_dma source(%dma_start3A_172 : memref<10240x64xf32, #tpu.memory_space<hbm>>) target(%dma_start3A_166 : memref<80x64xf32, #tpu.memory_space<vmem>>) offsets(%dma_start3A_169 : memref<80xi32, #tpu.memory_space<vmem>>) semaphore(%arg13 : memref<!tpu.dma_semaphore, #tpu.memory_space<semaphore_mem>>)
      %add3A_173 = arith.constant 3 : i32
      %add3A_174 = arith.addi %mul3A_112, %add3A_173 : i32
      %dma_start3A_175 = arith.constant 3 : i32
      %dma_start3A_176 = arith.constant 0 : i32
      %dma_start3A_177 = arith.constant 0 : i32
      %dma_start3A_178 = tpu.memref_slice %arg7[%dma_start3A_175, %dma_start3A_176, %dma_start3A_177] : memref<5x80x64xf32, #tpu.memory_space<vmem>> -> memref<1x80x64xf32, #tpu.memory_space<vmem>>
      %dma_start3A_179 = tpu.memref_squeeze %dma_start3A_178 : memref<1x80x64xf32, #tpu.memory_space<vmem>> -> memref<80x64xf32, #tpu.memory_space<vmem>>
      %dma_start3A_180 = arith.constant 0 : i32
      %dma_start3A_181 = tpu.memref_slice %arg8[%add3A_174, %dma_start3A_180] : memref<125x80xi32, #tpu.memory_space<vmem>> -> memref<1x80xi32, #tpu.memory_space<vmem>>
      %dma_start3A_182 = tpu.memref_squeeze %dma_start3A_181 : memref<1x80xi32, #tpu.memory_space<vmem>> -> memref<80xi32, #tpu.memory_space<vmem>>
      %dma_start3A_183 = arith.constant 0 : i32
      %dma_start3A_184 = arith.constant 0 : i32
      %dma_start3A_185 = tpu.memref_slice %arg2[%dma_start3A_183, %dma_start3A_184] : memref<10240x64xf32, #tpu.memory_space<hbm>> -> memref<10240x64xf32, #tpu.memory_space<hbm>>
      tpu.enqueue_indirect_dma source(%dma_start3A_185 : memref<10240x64xf32, #tpu.memory_space<hbm>>) target(%dma_start3A_179 : memref<80x64xf32, #tpu.memory_space<vmem>>) offsets(%dma_start3A_182 : memref<80xi32, #tpu.memory_space<vmem>>) semaphore(%arg14 : memref<!tpu.dma_semaphore, #tpu.memory_space<semaphore_mem>>)
      %add3A_186 = arith.constant 4 : i32
      %add3A_187 = arith.addi %mul3A_112, %add3A_186 : i32
      %dma_start3A_188 = arith.constant 4 : i32
      %dma_start3A_189 = arith.constant 0 : i32
      %dma_start3A_190 = arith.constant 0 : i32
      %dma_start3A_191 = tpu.memref_slice %arg7[%dma_start3A_188, %dma_start3A_189, %dma_start3A_190] : memref<5x80x64xf32, #tpu.memory_space<vmem>> -> memref<1x80x64xf32, #tpu.memory_space<vmem>>
      %dma_start3A_192 = tpu.memref_squeeze %dma_start3A_191 : memref<1x80x64xf32, #tpu.memory_space<vmem>> -> memref<80x64xf32, #tpu.memory_space<vmem>>
      %dma_start3A_193 = arith.constant 0 : i32
      %dma_start3A_194 = tpu.memref_slice %arg8[%add3A_187, %dma_start3A_193] : memref<125x80xi32, #tpu.memory_space<vmem>> -> memref<1x80xi32, #tpu.memory_space<vmem>>
      %dma_start3A_195 = tpu.memref_squeeze %dma_start3A_194 : memref<1x80xi32, #tpu.memory_space<vmem>> -> memref<80xi32, #tpu.memory_space<vmem>>
      %dma_start3A_196 = arith.constant 0 : i32
      %dma_start3A_197 = arith.constant 0 : i32
      %dma_start3A_198 = tpu.memref_slice %arg2[%dma_start3A_196, %dma_start3A_197] : memref<10240x64xf32, #tpu.memory_space<hbm>> -> memref<10240x64xf32, #tpu.memory_space<hbm>>
      tpu.enqueue_indirect_dma source(%dma_start3A_198 : memref<10240x64xf32, #tpu.memory_space<hbm>>) target(%dma_start3A_192 : memref<80x64xf32, #tpu.memory_space<vmem>>) offsets(%dma_start3A_195 : memref<80xi32, #tpu.memory_space<vmem>>) semaphore(%arg15 : memref<!tpu.dma_semaphore, #tpu.memory_space<semaphore_mem>>)
      %dma_wait3A_199 = arith.constant 0 : i32
      %dma_wait3A_200 = arith.constant 0 : i32
      %dma_wait3A_201 = arith.constant 0 : i32
      %dma_wait3A_202 = tpu.memref_slice %arg7[%dma_wait3A_199, %dma_wait3A_200, %dma_wait3A_201] : memref<5x80x64xf32, #tpu.memory_space<vmem>> -> memref<1x80x64xf32, #tpu.memory_space<vmem>>
      %dma_wait3A_203 = tpu.memref_squeeze %dma_wait3A_202 : memref<1x80x64xf32, #tpu.memory_space<vmem>> -> memref<80x64xf32, #tpu.memory_space<vmem>>
      %dma_wait3A_204 = arith.constant 0 : i32
      %dma_wait3A_205 = tpu.memref_slice %arg8[%add3A_136, %dma_wait3A_204] : memref<125x80xi32, #tpu.memory_space<vmem>> -> memref<1x80xi32, #tpu.memory_space<vmem>>
      %dma_wait3A_206 = tpu.memref_squeeze %dma_wait3A_205 : memref<1x80xi32, #tpu.memory_space<vmem>> -> memref<80xi32, #tpu.memory_space<vmem>>
      %dma_wait3A_207 = arith.constant 0 : i32
      %dma_wait3A_208 = arith.constant 0 : i32
      %dma_wait3A_209 = tpu.memref_slice %arg2[%dma_wait3A_207, %dma_wait3A_208] : memref<10240x64xf32, #tpu.memory_space<hbm>> -> memref<10240x64xf32, #tpu.memory_space<hbm>>
      tpu.wait_indirect_dma semaphore(%arg11 : memref<!tpu.dma_semaphore, #tpu.memory_space<semaphore_mem>>) src(%dma_wait3A_209 : memref<10240x64xf32, #tpu.memory_space<hbm>>) dst(%dma_wait3A_203 : memref<80x64xf32, #tpu.memory_space<vmem>>)
      %add3A_210 = arith.constant 0 : i32
      %add3A_211 = arith.addi %mul3A_112, %add3A_210 : i32
      %dma_start3A_212 = arith.constant 0 : i32
      %dma_start3A_213 = arith.constant 0 : i32
      %dma_start3A_214 = arith.constant 0 : i32
      %dma_start3A_215 = tpu.memref_slice %arg7[%dma_start3A_212, %dma_start3A_213, %dma_start3A_214] : memref<5x80x64xf32, #tpu.memory_space<vmem>> -> memref<1x80x64xf32, #tpu.memory_space<vmem>>
      %dma_start3A_216 = tpu.memref_squeeze %dma_start3A_215 : memref<1x80x64xf32, #tpu.memory_space<vmem>> -> memref<80x64xf32, #tpu.memory_space<vmem>>
      %dma_start3A_217 = arith.constant 0 : i32
      %dma_start3A_218 = tpu.memref_slice %arg9[%add3A_211, %dma_start3A_217] : memref<125x80xi32, #tpu.memory_space<vmem>> -> memref<1x80xi32, #tpu.memory_space<vmem>>
      %dma_start3A_219 = tpu.memref_squeeze %dma_start3A_218 : memref<1x80xi32, #tpu.memory_space<vmem>> -> memref<80xi32, #tpu.memory_space<vmem>>
      %dma_start3A_220 = arith.constant 0 : i32
      %dma_start3A_221 = arith.constant 0 : i32
      %dma_start3A_222 = tpu.memref_slice %arg10[%dma_start3A_220, %dma_start3A_221] : memref<10240x64xf32, #tpu.memory_space<vmem_shared>> -> memref<10240x64xf32, #tpu.memory_space<vmem_shared>>
      tpu.enqueue_indirect_dma source(%dma_start3A_216 : memref<80x64xf32, #tpu.memory_space<vmem>>) target(%dma_start3A_222 : memref<10240x64xf32, #tpu.memory_space<vmem_shared>>) offsets(%dma_start3A_219 : memref<80xi32, #tpu.memory_space<vmem>>) semaphore(%arg16 : memref<!tpu.dma_semaphore, #tpu.memory_space<semaphore_mem>>) {add = true}
      %dma_wait3A_223 = arith.constant 1 : i32
      %dma_wait3A_224 = arith.constant 0 : i32
      %dma_wait3A_225 = arith.constant 0 : i32
      %dma_wait3A_226 = tpu.memref_slice %arg7[%dma_wait3A_223, %dma_wait3A_224, %dma_wait3A_225] : memref<5x80x64xf32, #tpu.memory_space<vmem>> -> memref<1x80x64xf32, #tpu.memory_space<vmem>>
      %dma_wait3A_227 = tpu.memref_squeeze %dma_wait3A_226 : memref<1x80x64xf32, #tpu.memory_space<vmem>> -> memref<80x64xf32, #tpu.memory_space<vmem>>
      %dma_wait3A_228 = arith.constant 0 : i32
      %dma_wait3A_229 = tpu.memref_slice %arg8[%add3A_148, %dma_wait3A_228] : memref<125x80xi32, #tpu.memory_space<vmem>> -> memref<1x80xi32, #tpu.memory_space<vmem>>
      %dma_wait3A_230 = tpu.memref_squeeze %dma_wait3A_229 : memref<1x80xi32, #tpu.memory_space<vmem>> -> memref<80xi32, #tpu.memory_space<vmem>>
      %dma_wait3A_231 = arith.constant 0 : i32
      %dma_wait3A_232 = arith.constant 0 : i32
      %dma_wait3A_233 = tpu.memref_slice %arg2[%dma_wait3A_231, %dma_wait3A_232] : memref<10240x64xf32, #tpu.memory_space<hbm>> -> memref<10240x64xf32, #tpu.memory_space<hbm>>
      tpu.wait_indirect_dma semaphore(%arg12 : memref<!tpu.dma_semaphore, #tpu.memory_space<semaphore_mem>>) src(%dma_wait3A_233 : memref<10240x64xf32, #tpu.memory_space<hbm>>) dst(%dma_wait3A_227 : memref<80x64xf32, #tpu.memory_space<vmem>>)
      %add3A_234 = arith.constant 1 : i32
      %add3A_235 = arith.addi %mul3A_112, %add3A_234 : i32
      %dma_start3A_236 = arith.constant 1 : i32
      %dma_start3A_237 = arith.constant 0 : i32
      %dma_start3A_238 = arith.constant 0 : i32
      %dma_start3A_239 = tpu.memref_slice %arg7[%dma_start3A_236, %dma_start3A_237, %dma_start3A_238] : memref<5x80x64xf32, #tpu.memory_space<vmem>> -> memref<1x80x64xf32, #tpu.memory_space<vmem>>
      %dma_start3A_240 = tpu.memref_squeeze %dma_start3A_239 : memref<1x80x64xf32, #tpu.memory_space<vmem>> -> memref<80x64xf32, #tpu.memory_space<vmem>>
      %dma_start3A_241 = arith.constant 0 : i32
      %dma_start3A_242 = tpu.memref_slice %arg9[%add3A_235, %dma_start3A_241] : memref<125x80xi32, #tpu.memory_space<vmem>> -> memref<1x80xi32, #tpu.memory_space<vmem>>
      %dma_start3A_243 = tpu.memref_squeeze %dma_start3A_242 : memref<1x80xi32, #tpu.memory_space<vmem>> -> memref<80xi32, #tpu.memory_space<vmem>>
      %dma_start3A_244 = arith.constant 0 : i32
      %dma_start3A_245 = arith.constant 0 : i32
      %dma_start3A_246 = tpu.memref_slice %arg10[%dma_start3A_244, %dma_start3A_245] : memref<10240x64xf32, #tpu.memory_space<vmem_shared>> -> memref<10240x64xf32, #tpu.memory_space<vmem_shared>>
      tpu.enqueue_indirect_dma source(%dma_start3A_240 : memref<80x64xf32, #tpu.memory_space<vmem>>) target(%dma_start3A_246 : memref<10240x64xf32, #tpu.memory_space<vmem_shared>>) offsets(%dma_start3A_243 : memref<80xi32, #tpu.memory_space<vmem>>) semaphore(%arg17 : memref<!tpu.dma_semaphore, #tpu.memory_space<semaphore_mem>>) {add = true}
      %dma_wait3A_247 = arith.constant 2 : i32
      %dma_wait3A_248 = arith.constant 0 : i32
      %dma_wait3A_249 = arith.constant 0 : i32
      %dma_wait3A_250 = tpu.memref_slice %arg7[%dma_wait3A_247, %dma_wait3A_248, %dma_wait3A_249] : memref<5x80x64xf32, #tpu.memory_space<vmem>> -> memref<1x80x64xf32, #tpu.memory_space<vmem>>
      %dma_wait3A_251 = tpu.memref_squeeze %dma_wait3A_250 : memref<1x80x64xf32, #tpu.memory_space<vmem>> -> memref<80x64xf32, #tpu.memory_space<vmem>>
      %dma_wait3A_252 = arith.constant 0 : i32
      %dma_wait3A_253 = tpu.memref_slice %arg8[%add3A_161, %dma_wait3A_252] : memref<125x80xi32, #tpu.memory_space<vmem>> -> memref<1x80xi32, #tpu.memory_space<vmem>>
      %dma_wait3A_254 = tpu.memref_squeeze %dma_wait3A_253 : memref<1x80xi32, #tpu.memory_space<vmem>> -> memref<80xi32, #tpu.memory_space<vmem>>
      %dma_wait3A_255 = arith.constant 0 : i32
      %dma_wait3A_256 = arith.constant 0 : i32
      %dma_wait3A_257 = tpu.memref_slice %arg2[%dma_wait3A_255, %dma_wait3A_256] : memref<10240x64xf32, #tpu.memory_space<hbm>> -> memref<10240x64xf32, #tpu.memory_space<hbm>>
      tpu.wait_indirect_dma semaphore(%arg13 : memref<!tpu.dma_semaphore, #tpu.memory_space<semaphore_mem>>) src(%dma_wait3A_257 : memref<10240x64xf32, #tpu.memory_space<hbm>>) dst(%dma_wait3A_251 : memref<80x64xf32, #tpu.memory_space<vmem>>)
      %add3A_258 = arith.constant 2 : i32
      %add3A_259 = arith.addi %mul3A_112, %add3A_258 : i32
      %dma_start3A_260 = arith.constant 2 : i32
      %dma_start3A_261 = arith.constant 0 : i32
      %dma_start3A_262 = arith.constant 0 : i32
      %dma_start3A_263 = tpu.memref_slice %arg7[%dma_start3A_260, %dma_start3A_261, %dma_start3A_262] : memref<5x80x64xf32, #tpu.memory_space<vmem>> -> memref<1x80x64xf32, #tpu.memory_space<vmem>>
      %dma_start3A_264 = tpu.memref_squeeze %dma_start3A_263 : memref<1x80x64xf32, #tpu.memory_space<vmem>> -> memref<80x64xf32, #tpu.memory_space<vmem>>
      %dma_start3A_265 = arith.constant 0 : i32
      %dma_start3A_266 = tpu.memref_slice %arg9[%add3A_259, %dma_start3A_265] : memref<125x80xi32, #tpu.memory_space<vmem>> -> memref<1x80xi32, #tpu.memory_space<vmem>>
      %dma_start3A_267 = tpu.memref_squeeze %dma_start3A_266 : memref<1x80xi32, #tpu.memory_space<vmem>> -> memref<80xi32, #tpu.memory_space<vmem>>
      %dma_start3A_268 = arith.constant 0 : i32
      %dma_start3A_269 = arith.constant 0 : i32
      %dma_start3A_270 = tpu.memref_slice %arg10[%dma_start3A_268, %dma_start3A_269] : memref<10240x64xf32, #tpu.memory_space<vmem_shared>> -> memref<10240x64xf32, #tpu.memory_space<vmem_shared>>
      tpu.enqueue_indirect_dma source(%dma_start3A_264 : memref<80x64xf32, #tpu.memory_space<vmem>>) target(%dma_start3A_270 : memref<10240x64xf32, #tpu.memory_space<vmem_shared>>) offsets(%dma_start3A_267 : memref<80xi32, #tpu.memory_space<vmem>>) semaphore(%arg18 : memref<!tpu.dma_semaphore, #tpu.memory_space<semaphore_mem>>) {add = true}
      %dma_wait3A_271 = arith.constant 3 : i32
      %dma_wait3A_272 = arith.constant 0 : i32
      %dma_wait3A_273 = arith.constant 0 : i32
      %dma_wait3A_274 = tpu.memref_slice %arg7[%dma_wait3A_271, %dma_wait3A_272, %dma_wait3A_273] : memref<5x80x64xf32, #tpu.memory_space<vmem>> -> memref<1x80x64xf32, #tpu.memory_space<vmem>>
      %dma_wait3A_275 = tpu.memref_squeeze %dma_wait3A_274 : memref<1x80x64xf32, #tpu.memory_space<vmem>> -> memref<80x64xf32, #tpu.memory_space<vmem>>
      %dma_wait3A_276 = arith.constant 0 : i32
      %dma_wait3A_277 = tpu.memref_slice %arg8[%add3A_174, %dma_wait3A_276] : memref<125x80xi32, #tpu.memory_space<vmem>> -> memref<1x80xi32, #tpu.memory_space<vmem>>
      %dma_wait3A_278 = tpu.memref_squeeze %dma_wait3A_277 : memref<1x80xi32, #tpu.memory_space<vmem>> -> memref<80xi32, #tpu.memory_space<vmem>>
      %dma_wait3A_279 = arith.constant 0 : i32
      %dma_wait3A_280 = arith.constant 0 : i32
      %dma_wait3A_281 = tpu.memref_slice %arg2[%dma_wait3A_279, %dma_wait3A_280] : memref<10240x64xf32, #tpu.memory_space<hbm>> -> memref<10240x64xf32, #tpu.memory_space<hbm>>
      tpu.wait_indirect_dma semaphore(%arg14 : memref<!tpu.dma_semaphore, #tpu.memory_space<semaphore_mem>>) src(%dma_wait3A_281 : memref<10240x64xf32, #tpu.memory_space<hbm>>) dst(%dma_wait3A_275 : memref<80x64xf32, #tpu.memory_space<vmem>>)
      %add3A_282 = arith.constant 3 : i32
      %add3A_283 = arith.addi %mul3A_112, %add3A_282 : i32
      %dma_start3A_284 = arith.constant 3 : i32
      %dma_start3A_285 = arith.constant 0 : i32
      %dma_start3A_286 = arith.constant 0 : i32
      %dma_start3A_287 = tpu.memref_slice %arg7[%dma_start3A_284, %dma_start3A_285, %dma_start3A_286] : memref<5x80x64xf32, #tpu.memory_space<vmem>> -> memref<1x80x64xf32, #tpu.memory_space<vmem>>
      %dma_start3A_288 = tpu.memref_squeeze %dma_start3A_287 : memref<1x80x64xf32, #tpu.memory_space<vmem>> -> memref<80x64xf32, #tpu.memory_space<vmem>>
      %dma_start3A_289 = arith.constant 0 : i32
      %dma_start3A_290 = tpu.memref_slice %arg9[%add3A_283, %dma_start3A_289] : memref<125x80xi32, #tpu.memory_space<vmem>> -> memref<1x80xi32, #tpu.memory_space<vmem>>
      %dma_start3A_291 = tpu.memref_squeeze %dma_start3A_290 : memref<1x80xi32, #tpu.memory_space<vmem>> -> memref<80xi32, #tpu.memory_space<vmem>>
      %dma_start3A_292 = arith.constant 0 : i32
      %dma_start3A_293 = arith.constant 0 : i32
      %dma_start3A_294 = tpu.memref_slice %arg10[%dma_start3A_292, %dma_start3A_293] : memref<10240x64xf32, #tpu.memory_space<vmem_shared>> -> memref<10240x64xf32, #tpu.memory_space<vmem_shared>>
      tpu.enqueue_indirect_dma source(%dma_start3A_288 : memref<80x64xf32, #tpu.memory_space<vmem>>) target(%dma_start3A_294 : memref<10240x64xf32, #tpu.memory_space<vmem_shared>>) offsets(%dma_start3A_291 : memref<80xi32, #tpu.memory_space<vmem>>) semaphore(%arg19 : memref<!tpu.dma_semaphore, #tpu.memory_space<semaphore_mem>>) {add = true}
      %dma_wait3A_295 = arith.constant 4 : i32
      %dma_wait3A_296 = arith.constant 0 : i32
      %dma_wait3A_297 = arith.constant 0 : i32
      %dma_wait3A_298 = tpu.memref_slice %arg7[%dma_wait3A_295, %dma_wait3A_296, %dma_wait3A_297] : memref<5x80x64xf32, #tpu.memory_space<vmem>> -> memref<1x80x64xf32, #tpu.memory_space<vmem>>
      %dma_wait3A_299 = tpu.memref_squeeze %dma_wait3A_298 : memref<1x80x64xf32, #tpu.memory_space<vmem>> -> memref<80x64xf32, #tpu.memory_space<vmem>>
      %dma_wait3A_300 = arith.constant 0 : i32
      %dma_wait3A_301 = tpu.memref_slice %arg8[%add3A_187, %dma_wait3A_300] : memref<125x80xi32, #tpu.memory_space<vmem>> -> memref<1x80xi32, #tpu.memory_space<vmem>>
      %dma_wait3A_302 = tpu.memref_squeeze %dma_wait3A_301 : memref<1x80xi32, #tpu.memory_space<vmem>> -> memref<80xi32, #tpu.memory_space<vmem>>
      %dma_wait3A_303 = arith.constant 0 : i32
      %dma_wait3A_304 = arith.constant 0 : i32
      %dma_wait3A_305 = tpu.memref_slice %arg2[%dma_wait3A_303, %dma_wait3A_304] : memref<10240x64xf32, #tpu.memory_space<hbm>> -> memref<10240x64xf32, #tpu.memory_space<hbm>>
      tpu.wait_indirect_dma semaphore(%arg15 : memref<!tpu.dma_semaphore, #tpu.memory_space<semaphore_mem>>) src(%dma_wait3A_305 : memref<10240x64xf32, #tpu.memory_space<hbm>>) dst(%dma_wait3A_299 : memref<80x64xf32, #tpu.memory_space<vmem>>)
      %add3A_306 = arith.constant 4 : i32
      %add3A_307 = arith.addi %mul3A_112, %add3A_306 : i32
      %dma_start3A_308 = arith.constant 4 : i32
      %dma_start3A_309 = arith.constant 0 : i32
      %dma_start3A_310 = arith.constant 0 : i32
      %dma_start3A_311 = tpu.memref_slice %arg7[%dma_start3A_308, %dma_start3A_309, %dma_start3A_310] : memref<5x80x64xf32, #tpu.memory_space<vmem>> -> memref<1x80x64xf32, #tpu.memory_space<vmem>>
      %dma_start3A_312 = tpu.memref_squeeze %dma_start3A_311 : memref<1x80x64xf32, #tpu.memory_space<vmem>> -> memref<80x64xf32, #tpu.memory_space<vmem>>
      %dma_start3A_313 = arith.constant 0 : i32
      %dma_start3A_314 = tpu.memref_slice %arg9[%add3A_307, %dma_start3A_313] : memref<125x80xi32, #tpu.memory_space<vmem>> -> memref<1x80xi32, #tpu.memory_space<vmem>>
      %dma_start3A_315 = tpu.memref_squeeze %dma_start3A_314 : memref<1x80xi32, #tpu.memory_space<vmem>> -> memref<80xi32, #tpu.memory_space<vmem>>
      %dma_start3A_316 = arith.constant 0 : i32
      %dma_start3A_317 = arith.constant 0 : i32
      %dma_start3A_318 = tpu.memref_slice %arg10[%dma_start3A_316, %dma_start3A_317] : memref<10240x64xf32, #tpu.memory_space<vmem_shared>> -> memref<10240x64xf32, #tpu.memory_space<vmem_shared>>
      tpu.enqueue_indirect_dma source(%dma_start3A_312 : memref<80x64xf32, #tpu.memory_space<vmem>>) target(%dma_start3A_318 : memref<10240x64xf32, #tpu.memory_space<vmem_shared>>) offsets(%dma_start3A_315 : memref<80xi32, #tpu.memory_space<vmem>>) semaphore(%arg20 : memref<!tpu.dma_semaphore, #tpu.memory_space<semaphore_mem>>) {add = true}
    }
    %scan3A_45 = arith.constant 25 : i32
    %dma_wait3A = arith.constant 0 : i32
    %dma_wait3A_46 = arith.constant 120 : i32
    %dma_wait3A_47 = arith.constant 0 : i32
    %dma_wait3A_48 = arith.constant 0 : i32
    %dma_wait3A_49 = tpu.memref_slice %arg7[%dma_wait3A, %dma_wait3A_47, %dma_wait3A_48] : memref<5x80x64xf32, #tpu.memory_space<vmem>> -> memref<1x80x64xf32, #tpu.memory_space<vmem>>
    %dma_wait3A_50 = tpu.memref_squeeze %dma_wait3A_49 : memref<1x80x64xf32, #tpu.memory_space<vmem>> -> memref<80x64xf32, #tpu.memory_space<vmem>>
    %dma_wait3A_51 = arith.constant 0 : i32
    %dma_wait3A_52 = tpu.memref_slice %arg9[%dma_wait3A_46, %dma_wait3A_51] : memref<125x80xi32, #tpu.memory_space<vmem>> -> memref<1x80xi32, #tpu.memory_space<vmem>>
    %dma_wait3A_53 = tpu.memref_squeeze %dma_wait3A_52 : memref<1x80xi32, #tpu.memory_space<vmem>> -> memref<80xi32, #tpu.memory_space<vmem>>
    %dma_wait3A_54 = arith.constant 0 : i32
    %dma_wait3A_55 = arith.constant 0 : i32
    %dma_wait3A_56 = tpu.memref_slice %arg10[%dma_wait3A_54, %dma_wait3A_55] : memref<10240x64xf32, #tpu.memory_space<vmem_shared>> -> memref<10240x64xf32, #tpu.memory_space<vmem_shared>>
    tpu.wait_indirect_dma semaphore(%arg16 : memref<!tpu.dma_semaphore, #tpu.memory_space<semaphore_mem>>) src(%dma_wait3A_50 : memref<80x64xf32, #tpu.memory_space<vmem>>) dst(%dma_wait3A_56 : memref<10240x64xf32, #tpu.memory_space<vmem_shared>>)
    %dma_wait3A_57 = arith.constant 1 : i32
    %dma_wait3A_58 = arith.constant 121 : i32
    %dma_wait3A_59 = arith.constant 0 : i32
    %dma_wait3A_60 = arith.constant 0 : i32
    %dma_wait3A_61 = tpu.memref_slice %arg7[%dma_wait3A_57, %dma_wait3A_59, %dma_wait3A_60] : memref<5x80x64xf32, #tpu.memory_space<vmem>> -> memref<1x80x64xf32, #tpu.memory_space<vmem>>
    %dma_wait3A_62 = tpu.memref_squeeze %dma_wait3A_61 : memref<1x80x64xf32, #tpu.memory_space<vmem>> -> memref<80x64xf32, #tpu.memory_space<vmem>>
    %dma_wait3A_63 = arith.constant 0 : i32
    %dma_wait3A_64 = tpu.memref_slice %arg9[%dma_wait3A_58, %dma_wait3A_63] : memref<125x80xi32, #tpu.memory_space<vmem>> -> memref<1x80xi32, #tpu.memory_space<vmem>>
    %dma_wait3A_65 = tpu.memref_squeeze %dma_wait3A_64 : memref<1x80xi32, #tpu.memory_space<vmem>> -> memref<80xi32, #tpu.memory_space<vmem>>
    %dma_wait3A_66 = arith.constant 0 : i32
    %dma_wait3A_67 = arith.constant 0 : i32
    %dma_wait3A_68 = tpu.memref_slice %arg10[%dma_wait3A_66, %dma_wait3A_67] : memref<10240x64xf32, #tpu.memory_space<vmem_shared>> -> memref<10240x64xf32, #tpu.memory_space<vmem_shared>>
    tpu.wait_indirect_dma semaphore(%arg17 : memref<!tpu.dma_semaphore, #tpu.memory_space<semaphore_mem>>) src(%dma_wait3A_62 : memref<80x64xf32, #tpu.memory_space<vmem>>) dst(%dma_wait3A_68 : memref<10240x64xf32, #tpu.memory_space<vmem_shared>>)
    %dma_wait3A_69 = arith.constant 2 : i32
    %dma_wait3A_70 = arith.constant 122 : i32
    %dma_wait3A_71 = arith.constant 0 : i32
    %dma_wait3A_72 = arith.constant 0 : i32
    %dma_wait3A_73 = tpu.memref_slice %arg7[%dma_wait3A_69, %dma_wait3A_71, %dma_wait3A_72] : memref<5x80x64xf32, #tpu.memory_space<vmem>> -> memref<1x80x64xf32, #tpu.memory_space<vmem>>
    %dma_wait3A_74 = tpu.memref_squeeze %dma_wait3A_73 : memref<1x80x64xf32, #tpu.memory_space<vmem>> -> memref<80x64xf32, #tpu.memory_space<vmem>>
    %dma_wait3A_75 = arith.constant 0 : i32
    %dma_wait3A_76 = tpu.memref_slice %arg9[%dma_wait3A_70, %dma_wait3A_75] : memref<125x80xi32, #tpu.memory_space<vmem>> -> memref<1x80xi32, #tpu.memory_space<vmem>>
    %dma_wait3A_77 = tpu.memref_squeeze %dma_wait3A_76 : memref<1x80xi32, #tpu.memory_space<vmem>> -> memref<80xi32, #tpu.memory_space<vmem>>
    %dma_wait3A_78 = arith.constant 0 : i32
    %dma_wait3A_79 = arith.constant 0 : i32
    %dma_wait3A_80 = tpu.memref_slice %arg10[%dma_wait3A_78, %dma_wait3A_79] : memref<10240x64xf32, #tpu.memory_space<vmem_shared>> -> memref<10240x64xf32, #tpu.memory_space<vmem_shared>>
    tpu.wait_indirect_dma semaphore(%arg18 : memref<!tpu.dma_semaphore, #tpu.memory_space<semaphore_mem>>) src(%dma_wait3A_74 : memref<80x64xf32, #tpu.memory_space<vmem>>) dst(%dma_wait3A_80 : memref<10240x64xf32, #tpu.memory_space<vmem_shared>>)
    %dma_wait3A_81 = arith.constant 3 : i32
    %dma_wait3A_82 = arith.constant 123 : i32
    %dma_wait3A_83 = arith.constant 0 : i32
    %dma_wait3A_84 = arith.constant 0 : i32
    %dma_wait3A_85 = tpu.memref_slice %arg7[%dma_wait3A_81, %dma_wait3A_83, %dma_wait3A_84] : memref<5x80x64xf32, #tpu.memory_space<vmem>> -> memref<1x80x64xf32, #tpu.memory_space<vmem>>
    %dma_wait3A_86 = tpu.memref_squeeze %dma_wait3A_85 : memref<1x80x64xf32, #tpu.memory_space<vmem>> -> memref<80x64xf32, #tpu.memory_space<vmem>>
    %dma_wait3A_87 = arith.constant 0 : i32
    %dma_wait3A_88 = tpu.memref_slice %arg9[%dma_wait3A_82, %dma_wait3A_87] : memref<125x80xi32, #tpu.memory_space<vmem>> -> memref<1x80xi32, #tpu.memory_space<vmem>>
    %dma_wait3A_89 = tpu.memref_squeeze %dma_wait3A_88 : memref<1x80xi32, #tpu.memory_space<vmem>> -> memref<80xi32, #tpu.memory_space<vmem>>
    %dma_wait3A_90 = arith.constant 0 : i32
    %dma_wait3A_91 = arith.constant 0 : i32
    %dma_wait3A_92 = tpu.memref_slice %arg10[%dma_wait3A_90, %dma_wait3A_91] : memref<10240x64xf32, #tpu.memory_space<vmem_shared>> -> memref<10240x64xf32, #tpu.memory_space<vmem_shared>>
    tpu.wait_indirect_dma semaphore(%arg19 : memref<!tpu.dma_semaphore, #tpu.memory_space<semaphore_mem>>) src(%dma_wait3A_86 : memref<80x64xf32, #tpu.memory_space<vmem>>) dst(%dma_wait3A_92 : memref<10240x64xf32, #tpu.memory_space<vmem_shared>>)
    %dma_wait3A_93 = arith.constant 4 : i32
    %dma_wait3A_94 = arith.constant 124 : i32
    %dma_wait3A_95 = arith.constant 0 : i32
    %dma_wait3A_96 = arith.constant 0 : i32
    %dma_wait3A_97 = tpu.memref_slice %arg7[%dma_wait3A_93, %dma_wait3A_95, %dma_wait3A_96] : memref<5x80x64xf32, #tpu.memory_space<vmem>> -> memref<1x80x64xf32, #tpu.memory_space<vmem>>
    %dma_wait3A_98 = tpu.memref_squeeze %dma_wait3A_97 : memref<1x80x64xf32, #tpu.memory_space<vmem>> -> memref<80x64xf32, #tpu.memory_space<vmem>>
    %dma_wait3A_99 = arith.constant 0 : i32
    %dma_wait3A_100 = tpu.memref_slice %arg9[%dma_wait3A_94, %dma_wait3A_99] : memref<125x80xi32, #tpu.memory_space<vmem>> -> memref<1x80xi32, #tpu.memory_space<vmem>>
    %dma_wait3A_101 = tpu.memref_squeeze %dma_wait3A_100 : memref<1x80xi32, #tpu.memory_space<vmem>> -> memref<80xi32, #tpu.memory_space<vmem>>
    %dma_wait3A_102 = arith.constant 0 : i32
    %dma_wait3A_103 = arith.constant 0 : i32
    %dma_wait3A_104 = tpu.memref_slice %arg10[%dma_wait3A_102, %dma_wait3A_103] : memref<10240x64xf32, #tpu.memory_space<vmem_shared>> -> memref<10240x64xf32, #tpu.memory_space<vmem_shared>>
    tpu.wait_indirect_dma semaphore(%arg20 : memref<!tpu.dma_semaphore, #tpu.memory_space<semaphore_mem>>) src(%dma_wait3A_98 : memref<80x64xf32, #tpu.memory_space<vmem>>) dst(%dma_wait3A_104 : memref<10240x64xf32, #tpu.memory_space<vmem_shared>>)
    %barrier3A_105 = arith.constant 0 : index
    tpu.barrier barrier_id(%barrier3A_105)
    %mul3A_106 = arith.constant 640 : i32
    %mul3A_107 = arith.muli %arg1, %mul3A_106 : i32
    %mul3A_108 = arith.constant 640 : i32
    %mul3A_109 = arith.muli %arg1, %mul3A_108 : i32
    "tpu.region"() ({
      %run_scoped3A_110 = tpu.sem_alloc : memref<!tpu.dma_semaphore, #tpu.memory_space<semaphore_mem>>
      %dma_start3A = arith.constant 0 : i32
      %dma_start3A_111 = tpu.memref_slice %arg6[%arg0, %mul3A_109, %dma_start3A] : memref<2x10240x64xf32, #tpu.memory_space<hbm>> -> memref<1x640x64xf32, #tpu.memory_space<hbm>>
      %dma_start3A_112 = tpu.memref_squeeze %dma_start3A_111 : memref<1x640x64xf32, #tpu.memory_space<hbm>> -> memref<640x64xf32, #tpu.memory_space<hbm>>
      %dma_start3A_113 = arith.constant 0 : i32
      %dma_start3A_114 = tpu.memref_slice %arg10[%mul3A_107, %dma_start3A_113] : memref<10240x64xf32, #tpu.memory_space<vmem_shared>> -> memref<640x64xf32, #tpu.memory_space<vmem_shared>>
      tpu.enqueue_dma source(%dma_start3A_114 : memref<640x64xf32, #tpu.memory_space<vmem_shared>>) target(%dma_start3A_112 : memref<640x64xf32, #tpu.memory_space<hbm>>) target_semaphore(%run_scoped3A_110 : memref<!tpu.dma_semaphore, #tpu.memory_space<semaphore_mem>>)
      %dma_wait3A_115 = arith.constant 0 : i32
      %dma_wait3A_116 = tpu.memref_slice %arg6[%arg0, %mul3A_109, %dma_wait3A_115] : memref<2x10240x64xf32, #tpu.memory_space<hbm>> -> memref<1x640x64xf32, #tpu.memory_space<hbm>>
      %dma_wait3A_117 = tpu.memref_squeeze %dma_wait3A_116 : memref<1x640x64xf32, #tpu.memory_space<hbm>> -> memref<640x64xf32, #tpu.memory_space<hbm>>
      %dma_wait3A_118 = arith.constant 0 : i32
      %dma_wait3A_119 = tpu.memref_slice %arg10[%mul3A_107, %dma_wait3A_118] : memref<10240x64xf32, #tpu.memory_space<vmem_shared>> -> memref<640x64xf32, #tpu.memory_space<vmem_shared>>
      tpu.wait_dma2 semaphore(%run_scoped3A_110 : memref<!tpu.dma_semaphore, #tpu.memory_space<semaphore_mem>>) src(%dma_wait3A_119 : memref<640x64xf32, #tpu.memory_space<vmem_shared>>) dst(%dma_wait3A_117 : memref<640x64xf32, #tpu.memory_space<hbm>>)
      tpu.yield
    }) : () -> ()
    return
  }
}

#map = affine_map<(d0, d1) -> (0, 0)>
#map1 = affine_map<(d0, d1) -> (0, 0, 0)>
module attributes {stable_mosaic.version = 14 : i64} {
  func.func @prop(%arg0: i32, %arg1: i32, %arg2: memref<10240x128xf32, #tpu.memory_space<hbm>>, %arg3: memref<32x125x80xi32, #tpu.memory_space<hbm>>, %arg4: memref<32x125x80xi32, #tpu.memory_space<hbm>>, %arg5: memref<128x128xf32, #tpu.memory_space<hbm>>, %arg6: memref<2x10240x128xf32, #tpu.memory_space<hbm>>, %arg7: memref<2x80x128xf32, #tpu.memory_space<vmem>>, %arg8: memref<125x80xi32, #tpu.memory_space<vmem>>, %arg9: memref<125x80xi32, #tpu.memory_space<vmem>>, %arg10: memref<10240x128xf32, #tpu.memory_space<vmem_shared>>, %arg11: memref<!tpu.dma_semaphore, #tpu.memory_space<semaphore_mem>>, %arg12: memref<!tpu.dma_semaphore, #tpu.memory_space<semaphore_mem>>, %arg13: memref<!tpu.dma_semaphore, #tpu.memory_space<semaphore_mem>>, %arg14: memref<!tpu.dma_semaphore, #tpu.memory_space<semaphore_mem>>) attributes {dimension_semantics = [#tpu.dimension_semantics<core_parallel>, #tpu.dimension_semantics<subcore_parallel>], iteration_bounds = array<i64: 2, 16>, scalar_prefetch = 0 : i64, scratch_operands = 8 : i64, tpu.core_type = #tpu.core_type<sc_vector_subcore>, window_params = [{transform_indices = #map}, {transform_indices = #map1}, {transform_indices = #map1}, {transform_indices = #map}, {transform_indices = #map1}]} {
    %mul3A = arith.constant 16 : i32
    %mul3A_0 = arith.muli %arg0, %mul3A : i32
    %add3A = arith.addi %mul3A_0, %arg1 : i32
    "tpu.region"() ({
      %run_scoped3A_99 = tpu.sem_alloc : memref<!tpu.dma_semaphore, #tpu.memory_space<semaphore_mem>>
      %dma_start3A_100 = arith.constant 0 : i32
      %dma_start3A_101 = arith.constant 0 : i32
      %dma_start3A_102 = tpu.memref_slice %arg3[%add3A, %dma_start3A_100, %dma_start3A_101] : memref<32x125x80xi32, #tpu.memory_space<hbm>> -> memref<1x125x80xi32, #tpu.memory_space<hbm>>
      %dma_start3A_103 = tpu.memref_squeeze %dma_start3A_102 : memref<1x125x80xi32, #tpu.memory_space<hbm>> -> memref<125x80xi32, #tpu.memory_space<hbm>>
      %dma_start3A_104 = arith.constant 0 : i32
      %dma_start3A_105 = arith.constant 0 : i32
      %dma_start3A_106 = tpu.memref_slice %arg3[%add3A, %dma_start3A_104, %dma_start3A_105] : memref<32x125x80xi32, #tpu.memory_space<hbm>> -> memref<1x125x80xi32, #tpu.memory_space<hbm>>
      %dma_start3A_107 = tpu.memref_squeeze %dma_start3A_106 : memref<1x125x80xi32, #tpu.memory_space<hbm>> -> memref<125x80xi32, #tpu.memory_space<hbm>>
      tpu.enqueue_dma source(%dma_start3A_107 : memref<125x80xi32, #tpu.memory_space<hbm>>) target(%arg8 : memref<125x80xi32, #tpu.memory_space<vmem>>) target_semaphore(%run_scoped3A_99 : memref<!tpu.dma_semaphore, #tpu.memory_space<semaphore_mem>>)
      %dma_wait3A_108 = arith.constant 0 : i32
      %dma_wait3A_109 = arith.constant 0 : i32
      %dma_wait3A_110 = tpu.memref_slice %arg3[%add3A, %dma_wait3A_108, %dma_wait3A_109] : memref<32x125x80xi32, #tpu.memory_space<hbm>> -> memref<1x125x80xi32, #tpu.memory_space<hbm>>
      %dma_wait3A_111 = tpu.memref_squeeze %dma_wait3A_110 : memref<1x125x80xi32, #tpu.memory_space<hbm>> -> memref<125x80xi32, #tpu.memory_space<hbm>>
      %dma_wait3A_112 = arith.constant 0 : i32
      %dma_wait3A_113 = arith.constant 0 : i32
      %dma_wait3A_114 = tpu.memref_slice %arg3[%add3A, %dma_wait3A_112, %dma_wait3A_113] : memref<32x125x80xi32, #tpu.memory_space<hbm>> -> memref<1x125x80xi32, #tpu.memory_space<hbm>>
      %dma_wait3A_115 = tpu.memref_squeeze %dma_wait3A_114 : memref<1x125x80xi32, #tpu.memory_space<hbm>> -> memref<125x80xi32, #tpu.memory_space<hbm>>
      tpu.wait_dma2 semaphore(%run_scoped3A_99 : memref<!tpu.dma_semaphore, #tpu.memory_space<semaphore_mem>>) src(%dma_wait3A_115 : memref<125x80xi32, #tpu.memory_space<hbm>>) dst(%arg8 : memref<125x80xi32, #tpu.memory_space<vmem>>)
      tpu.yield
    }) : () -> ()
    "tpu.region"() ({
      %run_scoped3A_99 = tpu.sem_alloc : memref<!tpu.dma_semaphore, #tpu.memory_space<semaphore_mem>>
      %dma_start3A_100 = arith.constant 0 : i32
      %dma_start3A_101 = arith.constant 0 : i32
      %dma_start3A_102 = tpu.memref_slice %arg4[%add3A, %dma_start3A_100, %dma_start3A_101] : memref<32x125x80xi32, #tpu.memory_space<hbm>> -> memref<1x125x80xi32, #tpu.memory_space<hbm>>
      %dma_start3A_103 = tpu.memref_squeeze %dma_start3A_102 : memref<1x125x80xi32, #tpu.memory_space<hbm>> -> memref<125x80xi32, #tpu.memory_space<hbm>>
      %dma_start3A_104 = arith.constant 0 : i32
      %dma_start3A_105 = arith.constant 0 : i32
      %dma_start3A_106 = tpu.memref_slice %arg4[%add3A, %dma_start3A_104, %dma_start3A_105] : memref<32x125x80xi32, #tpu.memory_space<hbm>> -> memref<1x125x80xi32, #tpu.memory_space<hbm>>
      %dma_start3A_107 = tpu.memref_squeeze %dma_start3A_106 : memref<1x125x80xi32, #tpu.memory_space<hbm>> -> memref<125x80xi32, #tpu.memory_space<hbm>>
      tpu.enqueue_dma source(%dma_start3A_107 : memref<125x80xi32, #tpu.memory_space<hbm>>) target(%arg9 : memref<125x80xi32, #tpu.memory_space<vmem>>) target_semaphore(%run_scoped3A_99 : memref<!tpu.dma_semaphore, #tpu.memory_space<semaphore_mem>>)
      %dma_wait3A_108 = arith.constant 0 : i32
      %dma_wait3A_109 = arith.constant 0 : i32
      %dma_wait3A_110 = tpu.memref_slice %arg4[%add3A, %dma_wait3A_108, %dma_wait3A_109] : memref<32x125x80xi32, #tpu.memory_space<hbm>> -> memref<1x125x80xi32, #tpu.memory_space<hbm>>
      %dma_wait3A_111 = tpu.memref_squeeze %dma_wait3A_110 : memref<1x125x80xi32, #tpu.memory_space<hbm>> -> memref<125x80xi32, #tpu.memory_space<hbm>>
      %dma_wait3A_112 = arith.constant 0 : i32
      %dma_wait3A_113 = arith.constant 0 : i32
      %dma_wait3A_114 = tpu.memref_slice %arg4[%add3A, %dma_wait3A_112, %dma_wait3A_113] : memref<32x125x80xi32, #tpu.memory_space<hbm>> -> memref<1x125x80xi32, #tpu.memory_space<hbm>>
      %dma_wait3A_115 = tpu.memref_squeeze %dma_wait3A_114 : memref<1x125x80xi32, #tpu.memory_space<hbm>> -> memref<125x80xi32, #tpu.memory_space<hbm>>
      tpu.wait_dma2 semaphore(%run_scoped3A_99 : memref<!tpu.dma_semaphore, #tpu.memory_space<semaphore_mem>>) src(%dma_wait3A_115 : memref<125x80xi32, #tpu.memory_space<hbm>>) dst(%arg9 : memref<125x80xi32, #tpu.memory_space<vmem>>)
      tpu.yield
    }) : () -> ()
    %run_scoped3A = arith.constant 0 : i32
    "tpu.region"() ({
      %run_scoped3A_99 = tpu.sem_alloc : memref<!tpu.dma_semaphore, #tpu.memory_space<semaphore_mem>>
      %dma_start3A_100 = arith.constant 0 : i32
      %dma_start3A_101 = arith.constant 0 : i32
      %dma_start3A_102 = tpu.memref_slice %arg7[%run_scoped3A, %dma_start3A_100, %dma_start3A_101] : memref<2x80x128xf32, #tpu.memory_space<vmem>> -> memref<1x80x128xf32, #tpu.memory_space<vmem>>
      %dma_start3A_103 = tpu.memref_squeeze %dma_start3A_102 : memref<1x80x128xf32, #tpu.memory_space<vmem>> -> memref<80x128xf32, #tpu.memory_space<vmem>>
      %dma_start3A_104 = arith.constant 0 : i32
      %dma_start3A_105 = arith.constant 0 : i32
      %dma_start3A_106 = tpu.memref_slice %arg5[%dma_start3A_104, %dma_start3A_105] : memref<128x128xf32, #tpu.memory_space<hbm>> -> memref<80x128xf32, #tpu.memory_space<hbm>>
      %dma_start3A_107 = arith.constant 0 : i32
      %dma_start3A_108 = arith.constant 0 : i32
      %dma_start3A_109 = tpu.memref_slice %arg7[%run_scoped3A, %dma_start3A_107, %dma_start3A_108] : memref<2x80x128xf32, #tpu.memory_space<vmem>> -> memref<1x80x128xf32, #tpu.memory_space<vmem>>
      %dma_start3A_110 = tpu.memref_squeeze %dma_start3A_109 : memref<1x80x128xf32, #tpu.memory_space<vmem>> -> memref<80x128xf32, #tpu.memory_space<vmem>>
      %dma_start3A_111 = arith.constant 0 : i32
      %dma_start3A_112 = arith.constant 0 : i32
      %dma_start3A_113 = tpu.memref_slice %arg5[%dma_start3A_111, %dma_start3A_112] : memref<128x128xf32, #tpu.memory_space<hbm>> -> memref<80x128xf32, #tpu.memory_space<hbm>>
      tpu.enqueue_dma source(%dma_start3A_113 : memref<80x128xf32, #tpu.memory_space<hbm>>) target(%dma_start3A_110 : memref<80x128xf32, #tpu.memory_space<vmem>>) target_semaphore(%run_scoped3A_99 : memref<!tpu.dma_semaphore, #tpu.memory_space<semaphore_mem>>)
      %dma_wait3A_114 = arith.constant 0 : i32
      %dma_wait3A_115 = arith.constant 0 : i32
      %dma_wait3A_116 = tpu.memref_slice %arg7[%run_scoped3A, %dma_wait3A_114, %dma_wait3A_115] : memref<2x80x128xf32, #tpu.memory_space<vmem>> -> memref<1x80x128xf32, #tpu.memory_space<vmem>>
      %dma_wait3A_117 = tpu.memref_squeeze %dma_wait3A_116 : memref<1x80x128xf32, #tpu.memory_space<vmem>> -> memref<80x128xf32, #tpu.memory_space<vmem>>
      %dma_wait3A_118 = arith.constant 0 : i32
      %dma_wait3A_119 = arith.constant 0 : i32
      %dma_wait3A_120 = tpu.memref_slice %arg5[%dma_wait3A_118, %dma_wait3A_119] : memref<128x128xf32, #tpu.memory_space<hbm>> -> memref<80x128xf32, #tpu.memory_space<hbm>>
      %dma_wait3A_121 = arith.constant 0 : i32
      %dma_wait3A_122 = arith.constant 0 : i32
      %dma_wait3A_123 = tpu.memref_slice %arg7[%run_scoped3A, %dma_wait3A_121, %dma_wait3A_122] : memref<2x80x128xf32, #tpu.memory_space<vmem>> -> memref<1x80x128xf32, #tpu.memory_space<vmem>>
      %dma_wait3A_124 = tpu.memref_squeeze %dma_wait3A_123 : memref<1x80x128xf32, #tpu.memory_space<vmem>> -> memref<80x128xf32, #tpu.memory_space<vmem>>
      %dma_wait3A_125 = arith.constant 0 : i32
      %dma_wait3A_126 = arith.constant 0 : i32
      %dma_wait3A_127 = tpu.memref_slice %arg5[%dma_wait3A_125, %dma_wait3A_126] : memref<128x128xf32, #tpu.memory_space<hbm>> -> memref<80x128xf32, #tpu.memory_space<hbm>>
      tpu.wait_dma2 semaphore(%run_scoped3A_99 : memref<!tpu.dma_semaphore, #tpu.memory_space<semaphore_mem>>) src(%dma_wait3A_127 : memref<80x128xf32, #tpu.memory_space<hbm>>) dst(%dma_wait3A_124 : memref<80x128xf32, #tpu.memory_space<vmem>>)
      tpu.yield
    }) : () -> ()
    %mul3A_1 = arith.constant 640 : i32
    %mul3A_2 = arith.muli %arg1, %mul3A_1 : i32
    %add3A_3 = arith.constant 0 : i32
    %add3A_4 = arith.addi %mul3A_2, %add3A_3 : i32
    %run_scoped3A_5 = arith.constant 0 : i32
    "tpu.region"() ({
      %run_scoped3A_99 = tpu.sem_alloc : memref<!tpu.dma_semaphore, #tpu.memory_space<semaphore_mem>>
      %dma_start3A_100 = arith.constant 0 : i32
      %dma_start3A_101 = arith.constant 0 : i32
      %dma_start3A_102 = tpu.memref_slice %arg7[%run_scoped3A_5, %dma_start3A_100, %dma_start3A_101] : memref<2x80x128xf32, #tpu.memory_space<vmem>> -> memref<1x80x128xf32, #tpu.memory_space<vmem>>
      %dma_start3A_103 = tpu.memref_squeeze %dma_start3A_102 : memref<1x80x128xf32, #tpu.memory_space<vmem>> -> memref<80x128xf32, #tpu.memory_space<vmem>>
      %dma_start3A_104 = arith.constant 0 : i32
      %dma_start3A_105 = tpu.memref_slice %arg10[%add3A_4, %dma_start3A_104] : memref<10240x128xf32, #tpu.memory_space<vmem_shared>> -> memref<80x128xf32, #tpu.memory_space<vmem_shared>>
      %dma_start3A_106 = arith.constant 0 : i32
      %dma_start3A_107 = tpu.memref_slice %arg10[%add3A_4, %dma_start3A_106] : memref<10240x128xf32, #tpu.memory_space<vmem_shared>> -> memref<80x128xf32, #tpu.memory_space<vmem_shared>>
      %dma_start3A_108 = arith.constant 0 : i32
      %dma_start3A_109 = arith.constant 0 : i32
      %dma_start3A_110 = tpu.memref_slice %arg7[%run_scoped3A_5, %dma_start3A_108, %dma_start3A_109] : memref<2x80x128xf32, #tpu.memory_space<vmem>> -> memref<1x80x128xf32, #tpu.memory_space<vmem>>
      %dma_start3A_111 = tpu.memref_squeeze %dma_start3A_110 : memref<1x80x128xf32, #tpu.memory_space<vmem>> -> memref<80x128xf32, #tpu.memory_space<vmem>>
      tpu.enqueue_dma source(%dma_start3A_111 : memref<80x128xf32, #tpu.memory_space<vmem>>) target(%dma_start3A_107 : memref<80x128xf32, #tpu.memory_space<vmem_shared>>) target_semaphore(%run_scoped3A_99 : memref<!tpu.dma_semaphore, #tpu.memory_space<semaphore_mem>>)
      %dma_wait3A_112 = arith.constant 0 : i32
      %dma_wait3A_113 = arith.constant 0 : i32
      %dma_wait3A_114 = tpu.memref_slice %arg7[%run_scoped3A_5, %dma_wait3A_112, %dma_wait3A_113] : memref<2x80x128xf32, #tpu.memory_space<vmem>> -> memref<1x80x128xf32, #tpu.memory_space<vmem>>
      %dma_wait3A_115 = tpu.memref_squeeze %dma_wait3A_114 : memref<1x80x128xf32, #tpu.memory_space<vmem>> -> memref<80x128xf32, #tpu.memory_space<vmem>>
      %dma_wait3A_116 = arith.constant 0 : i32
      %dma_wait3A_117 = tpu.memref_slice %arg10[%add3A_4, %dma_wait3A_116] : memref<10240x128xf32, #tpu.memory_space<vmem_shared>> -> memref<80x128xf32, #tpu.memory_space<vmem_shared>>
      %dma_wait3A_118 = arith.constant 0 : i32
      %dma_wait3A_119 = tpu.memref_slice %arg10[%add3A_4, %dma_wait3A_118] : memref<10240x128xf32, #tpu.memory_space<vmem_shared>> -> memref<80x128xf32, #tpu.memory_space<vmem_shared>>
      %dma_wait3A_120 = arith.constant 0 : i32
      %dma_wait3A_121 = arith.constant 0 : i32
      %dma_wait3A_122 = tpu.memref_slice %arg7[%run_scoped3A_5, %dma_wait3A_120, %dma_wait3A_121] : memref<2x80x128xf32, #tpu.memory_space<vmem>> -> memref<1x80x128xf32, #tpu.memory_space<vmem>>
      %dma_wait3A_123 = tpu.memref_squeeze %dma_wait3A_122 : memref<1x80x128xf32, #tpu.memory_space<vmem>> -> memref<80x128xf32, #tpu.memory_space<vmem>>
      tpu.wait_dma2 semaphore(%run_scoped3A_99 : memref<!tpu.dma_semaphore, #tpu.memory_space<semaphore_mem>>) src(%dma_wait3A_123 : memref<80x128xf32, #tpu.memory_space<vmem>>) dst(%dma_wait3A_119 : memref<80x128xf32, #tpu.memory_space<vmem_shared>>)
      tpu.yield
    }) : () -> ()
    %mul3A_6 = arith.constant 640 : i32
    %mul3A_7 = arith.muli %arg1, %mul3A_6 : i32
    %add3A_8 = arith.constant 80 : i32
    %add3A_9 = arith.addi %mul3A_7, %add3A_8 : i32
    %run_scoped3A_10 = arith.constant 0 : i32
    "tpu.region"() ({
      %run_scoped3A_99 = tpu.sem_alloc : memref<!tpu.dma_semaphore, #tpu.memory_space<semaphore_mem>>
      %dma_start3A_100 = arith.constant 0 : i32
      %dma_start3A_101 = arith.constant 0 : i32
      %dma_start3A_102 = tpu.memref_slice %arg7[%run_scoped3A_10, %dma_start3A_100, %dma_start3A_101] : memref<2x80x128xf32, #tpu.memory_space<vmem>> -> memref<1x80x128xf32, #tpu.memory_space<vmem>>
      %dma_start3A_103 = tpu.memref_squeeze %dma_start3A_102 : memref<1x80x128xf32, #tpu.memory_space<vmem>> -> memref<80x128xf32, #tpu.memory_space<vmem>>
      %dma_start3A_104 = arith.constant 0 : i32
      %dma_start3A_105 = tpu.memref_slice %arg10[%add3A_9, %dma_start3A_104] : memref<10240x128xf32, #tpu.memory_space<vmem_shared>> -> memref<80x128xf32, #tpu.memory_space<vmem_shared>>
      %dma_start3A_106 = arith.constant 0 : i32
      %dma_start3A_107 = tpu.memref_slice %arg10[%add3A_9, %dma_start3A_106] : memref<10240x128xf32, #tpu.memory_space<vmem_shared>> -> memref<80x128xf32, #tpu.memory_space<vmem_shared>>
      %dma_start3A_108 = arith.constant 0 : i32
      %dma_start3A_109 = arith.constant 0 : i32
      %dma_start3A_110 = tpu.memref_slice %arg7[%run_scoped3A_10, %dma_start3A_108, %dma_start3A_109] : memref<2x80x128xf32, #tpu.memory_space<vmem>> -> memref<1x80x128xf32, #tpu.memory_space<vmem>>
      %dma_start3A_111 = tpu.memref_squeeze %dma_start3A_110 : memref<1x80x128xf32, #tpu.memory_space<vmem>> -> memref<80x128xf32, #tpu.memory_space<vmem>>
      tpu.enqueue_dma source(%dma_start3A_111 : memref<80x128xf32, #tpu.memory_space<vmem>>) target(%dma_start3A_107 : memref<80x128xf32, #tpu.memory_space<vmem_shared>>) target_semaphore(%run_scoped3A_99 : memref<!tpu.dma_semaphore, #tpu.memory_space<semaphore_mem>>)
      %dma_wait3A_112 = arith.constant 0 : i32
      %dma_wait3A_113 = arith.constant 0 : i32
      %dma_wait3A_114 = tpu.memref_slice %arg7[%run_scoped3A_10, %dma_wait3A_112, %dma_wait3A_113] : memref<2x80x128xf32, #tpu.memory_space<vmem>> -> memref<1x80x128xf32, #tpu.memory_space<vmem>>
      %dma_wait3A_115 = tpu.memref_squeeze %dma_wait3A_114 : memref<1x80x128xf32, #tpu.memory_space<vmem>> -> memref<80x128xf32, #tpu.memory_space<vmem>>
      %dma_wait3A_116 = arith.constant 0 : i32
      %dma_wait3A_117 = tpu.memref_slice %arg10[%add3A_9, %dma_wait3A_116] : memref<10240x128xf32, #tpu.memory_space<vmem_shared>> -> memref<80x128xf32, #tpu.memory_space<vmem_shared>>
      %dma_wait3A_118 = arith.constant 0 : i32
      %dma_wait3A_119 = tpu.memref_slice %arg10[%add3A_9, %dma_wait3A_118] : memref<10240x128xf32, #tpu.memory_space<vmem_shared>> -> memref<80x128xf32, #tpu.memory_space<vmem_shared>>
      %dma_wait3A_120 = arith.constant 0 : i32
      %dma_wait3A_121 = arith.constant 0 : i32
      %dma_wait3A_122 = tpu.memref_slice %arg7[%run_scoped3A_10, %dma_wait3A_120, %dma_wait3A_121] : memref<2x80x128xf32, #tpu.memory_space<vmem>> -> memref<1x80x128xf32, #tpu.memory_space<vmem>>
      %dma_wait3A_123 = tpu.memref_squeeze %dma_wait3A_122 : memref<1x80x128xf32, #tpu.memory_space<vmem>> -> memref<80x128xf32, #tpu.memory_space<vmem>>
      tpu.wait_dma2 semaphore(%run_scoped3A_99 : memref<!tpu.dma_semaphore, #tpu.memory_space<semaphore_mem>>) src(%dma_wait3A_123 : memref<80x128xf32, #tpu.memory_space<vmem>>) dst(%dma_wait3A_119 : memref<80x128xf32, #tpu.memory_space<vmem_shared>>)
      tpu.yield
    }) : () -> ()
    %mul3A_11 = arith.constant 640 : i32
    %mul3A_12 = arith.muli %arg1, %mul3A_11 : i32
    %add3A_13 = arith.constant 160 : i32
    %add3A_14 = arith.addi %mul3A_12, %add3A_13 : i32
    %run_scoped3A_15 = arith.constant 0 : i32
    "tpu.region"() ({
      %run_scoped3A_99 = tpu.sem_alloc : memref<!tpu.dma_semaphore, #tpu.memory_space<semaphore_mem>>
      %dma_start3A_100 = arith.constant 0 : i32
      %dma_start3A_101 = arith.constant 0 : i32
      %dma_start3A_102 = tpu.memref_slice %arg7[%run_scoped3A_15, %dma_start3A_100, %dma_start3A_101] : memref<2x80x128xf32, #tpu.memory_space<vmem>> -> memref<1x80x128xf32, #tpu.memory_space<vmem>>
      %dma_start3A_103 = tpu.memref_squeeze %dma_start3A_102 : memref<1x80x128xf32, #tpu.memory_space<vmem>> -> memref<80x128xf32, #tpu.memory_space<vmem>>
      %dma_start3A_104 = arith.constant 0 : i32
      %dma_start3A_105 = tpu.memref_slice %arg10[%add3A_14, %dma_start3A_104] : memref<10240x128xf32, #tpu.memory_space<vmem_shared>> -> memref<80x128xf32, #tpu.memory_space<vmem_shared>>
      %dma_start3A_106 = arith.constant 0 : i32
      %dma_start3A_107 = tpu.memref_slice %arg10[%add3A_14, %dma_start3A_106] : memref<10240x128xf32, #tpu.memory_space<vmem_shared>> -> memref<80x128xf32, #tpu.memory_space<vmem_shared>>
      %dma_start3A_108 = arith.constant 0 : i32
      %dma_start3A_109 = arith.constant 0 : i32
      %dma_start3A_110 = tpu.memref_slice %arg7[%run_scoped3A_15, %dma_start3A_108, %dma_start3A_109] : memref<2x80x128xf32, #tpu.memory_space<vmem>> -> memref<1x80x128xf32, #tpu.memory_space<vmem>>
      %dma_start3A_111 = tpu.memref_squeeze %dma_start3A_110 : memref<1x80x128xf32, #tpu.memory_space<vmem>> -> memref<80x128xf32, #tpu.memory_space<vmem>>
      tpu.enqueue_dma source(%dma_start3A_111 : memref<80x128xf32, #tpu.memory_space<vmem>>) target(%dma_start3A_107 : memref<80x128xf32, #tpu.memory_space<vmem_shared>>) target_semaphore(%run_scoped3A_99 : memref<!tpu.dma_semaphore, #tpu.memory_space<semaphore_mem>>)
      %dma_wait3A_112 = arith.constant 0 : i32
      %dma_wait3A_113 = arith.constant 0 : i32
      %dma_wait3A_114 = tpu.memref_slice %arg7[%run_scoped3A_15, %dma_wait3A_112, %dma_wait3A_113] : memref<2x80x128xf32, #tpu.memory_space<vmem>> -> memref<1x80x128xf32, #tpu.memory_space<vmem>>
      %dma_wait3A_115 = tpu.memref_squeeze %dma_wait3A_114 : memref<1x80x128xf32, #tpu.memory_space<vmem>> -> memref<80x128xf32, #tpu.memory_space<vmem>>
      %dma_wait3A_116 = arith.constant 0 : i32
      %dma_wait3A_117 = tpu.memref_slice %arg10[%add3A_14, %dma_wait3A_116] : memref<10240x128xf32, #tpu.memory_space<vmem_shared>> -> memref<80x128xf32, #tpu.memory_space<vmem_shared>>
      %dma_wait3A_118 = arith.constant 0 : i32
      %dma_wait3A_119 = tpu.memref_slice %arg10[%add3A_14, %dma_wait3A_118] : memref<10240x128xf32, #tpu.memory_space<vmem_shared>> -> memref<80x128xf32, #tpu.memory_space<vmem_shared>>
      %dma_wait3A_120 = arith.constant 0 : i32
      %dma_wait3A_121 = arith.constant 0 : i32
      %dma_wait3A_122 = tpu.memref_slice %arg7[%run_scoped3A_15, %dma_wait3A_120, %dma_wait3A_121] : memref<2x80x128xf32, #tpu.memory_space<vmem>> -> memref<1x80x128xf32, #tpu.memory_space<vmem>>
      %dma_wait3A_123 = tpu.memref_squeeze %dma_wait3A_122 : memref<1x80x128xf32, #tpu.memory_space<vmem>> -> memref<80x128xf32, #tpu.memory_space<vmem>>
      tpu.wait_dma2 semaphore(%run_scoped3A_99 : memref<!tpu.dma_semaphore, #tpu.memory_space<semaphore_mem>>) src(%dma_wait3A_123 : memref<80x128xf32, #tpu.memory_space<vmem>>) dst(%dma_wait3A_119 : memref<80x128xf32, #tpu.memory_space<vmem_shared>>)
      tpu.yield
    }) : () -> ()
    %mul3A_16 = arith.constant 640 : i32
    %mul3A_17 = arith.muli %arg1, %mul3A_16 : i32
    %add3A_18 = arith.constant 240 : i32
    %add3A_19 = arith.addi %mul3A_17, %add3A_18 : i32
    %run_scoped3A_20 = arith.constant 0 : i32
    "tpu.region"() ({
      %run_scoped3A_99 = tpu.sem_alloc : memref<!tpu.dma_semaphore, #tpu.memory_space<semaphore_mem>>
      %dma_start3A_100 = arith.constant 0 : i32
      %dma_start3A_101 = arith.constant 0 : i32
      %dma_start3A_102 = tpu.memref_slice %arg7[%run_scoped3A_20, %dma_start3A_100, %dma_start3A_101] : memref<2x80x128xf32, #tpu.memory_space<vmem>> -> memref<1x80x128xf32, #tpu.memory_space<vmem>>
      %dma_start3A_103 = tpu.memref_squeeze %dma_start3A_102 : memref<1x80x128xf32, #tpu.memory_space<vmem>> -> memref<80x128xf32, #tpu.memory_space<vmem>>
      %dma_start3A_104 = arith.constant 0 : i32
      %dma_start3A_105 = tpu.memref_slice %arg10[%add3A_19, %dma_start3A_104] : memref<10240x128xf32, #tpu.memory_space<vmem_shared>> -> memref<80x128xf32, #tpu.memory_space<vmem_shared>>
      %dma_start3A_106 = arith.constant 0 : i32
      %dma_start3A_107 = tpu.memref_slice %arg10[%add3A_19, %dma_start3A_106] : memref<10240x128xf32, #tpu.memory_space<vmem_shared>> -> memref<80x128xf32, #tpu.memory_space<vmem_shared>>
      %dma_start3A_108 = arith.constant 0 : i32
      %dma_start3A_109 = arith.constant 0 : i32
      %dma_start3A_110 = tpu.memref_slice %arg7[%run_scoped3A_20, %dma_start3A_108, %dma_start3A_109] : memref<2x80x128xf32, #tpu.memory_space<vmem>> -> memref<1x80x128xf32, #tpu.memory_space<vmem>>
      %dma_start3A_111 = tpu.memref_squeeze %dma_start3A_110 : memref<1x80x128xf32, #tpu.memory_space<vmem>> -> memref<80x128xf32, #tpu.memory_space<vmem>>
      tpu.enqueue_dma source(%dma_start3A_111 : memref<80x128xf32, #tpu.memory_space<vmem>>) target(%dma_start3A_107 : memref<80x128xf32, #tpu.memory_space<vmem_shared>>) target_semaphore(%run_scoped3A_99 : memref<!tpu.dma_semaphore, #tpu.memory_space<semaphore_mem>>)
      %dma_wait3A_112 = arith.constant 0 : i32
      %dma_wait3A_113 = arith.constant 0 : i32
      %dma_wait3A_114 = tpu.memref_slice %arg7[%run_scoped3A_20, %dma_wait3A_112, %dma_wait3A_113] : memref<2x80x128xf32, #tpu.memory_space<vmem>> -> memref<1x80x128xf32, #tpu.memory_space<vmem>>
      %dma_wait3A_115 = tpu.memref_squeeze %dma_wait3A_114 : memref<1x80x128xf32, #tpu.memory_space<vmem>> -> memref<80x128xf32, #tpu.memory_space<vmem>>
      %dma_wait3A_116 = arith.constant 0 : i32
      %dma_wait3A_117 = tpu.memref_slice %arg10[%add3A_19, %dma_wait3A_116] : memref<10240x128xf32, #tpu.memory_space<vmem_shared>> -> memref<80x128xf32, #tpu.memory_space<vmem_shared>>
      %dma_wait3A_118 = arith.constant 0 : i32
      %dma_wait3A_119 = tpu.memref_slice %arg10[%add3A_19, %dma_wait3A_118] : memref<10240x128xf32, #tpu.memory_space<vmem_shared>> -> memref<80x128xf32, #tpu.memory_space<vmem_shared>>
      %dma_wait3A_120 = arith.constant 0 : i32
      %dma_wait3A_121 = arith.constant 0 : i32
      %dma_wait3A_122 = tpu.memref_slice %arg7[%run_scoped3A_20, %dma_wait3A_120, %dma_wait3A_121] : memref<2x80x128xf32, #tpu.memory_space<vmem>> -> memref<1x80x128xf32, #tpu.memory_space<vmem>>
      %dma_wait3A_123 = tpu.memref_squeeze %dma_wait3A_122 : memref<1x80x128xf32, #tpu.memory_space<vmem>> -> memref<80x128xf32, #tpu.memory_space<vmem>>
      tpu.wait_dma2 semaphore(%run_scoped3A_99 : memref<!tpu.dma_semaphore, #tpu.memory_space<semaphore_mem>>) src(%dma_wait3A_123 : memref<80x128xf32, #tpu.memory_space<vmem>>) dst(%dma_wait3A_119 : memref<80x128xf32, #tpu.memory_space<vmem_shared>>)
      tpu.yield
    }) : () -> ()
    %mul3A_21 = arith.constant 640 : i32
    %mul3A_22 = arith.muli %arg1, %mul3A_21 : i32
    %add3A_23 = arith.constant 320 : i32
    %add3A_24 = arith.addi %mul3A_22, %add3A_23 : i32
    %run_scoped3A_25 = arith.constant 0 : i32
    "tpu.region"() ({
      %run_scoped3A_99 = tpu.sem_alloc : memref<!tpu.dma_semaphore, #tpu.memory_space<semaphore_mem>>
      %dma_start3A_100 = arith.constant 0 : i32
      %dma_start3A_101 = arith.constant 0 : i32
      %dma_start3A_102 = tpu.memref_slice %arg7[%run_scoped3A_25, %dma_start3A_100, %dma_start3A_101] : memref<2x80x128xf32, #tpu.memory_space<vmem>> -> memref<1x80x128xf32, #tpu.memory_space<vmem>>
      %dma_start3A_103 = tpu.memref_squeeze %dma_start3A_102 : memref<1x80x128xf32, #tpu.memory_space<vmem>> -> memref<80x128xf32, #tpu.memory_space<vmem>>
      %dma_start3A_104 = arith.constant 0 : i32
      %dma_start3A_105 = tpu.memref_slice %arg10[%add3A_24, %dma_start3A_104] : memref<10240x128xf32, #tpu.memory_space<vmem_shared>> -> memref<80x128xf32, #tpu.memory_space<vmem_shared>>
      %dma_start3A_106 = arith.constant 0 : i32
      %dma_start3A_107 = tpu.memref_slice %arg10[%add3A_24, %dma_start3A_106] : memref<10240x128xf32, #tpu.memory_space<vmem_shared>> -> memref<80x128xf32, #tpu.memory_space<vmem_shared>>
      %dma_start3A_108 = arith.constant 0 : i32
      %dma_start3A_109 = arith.constant 0 : i32
      %dma_start3A_110 = tpu.memref_slice %arg7[%run_scoped3A_25, %dma_start3A_108, %dma_start3A_109] : memref<2x80x128xf32, #tpu.memory_space<vmem>> -> memref<1x80x128xf32, #tpu.memory_space<vmem>>
      %dma_start3A_111 = tpu.memref_squeeze %dma_start3A_110 : memref<1x80x128xf32, #tpu.memory_space<vmem>> -> memref<80x128xf32, #tpu.memory_space<vmem>>
      tpu.enqueue_dma source(%dma_start3A_111 : memref<80x128xf32, #tpu.memory_space<vmem>>) target(%dma_start3A_107 : memref<80x128xf32, #tpu.memory_space<vmem_shared>>) target_semaphore(%run_scoped3A_99 : memref<!tpu.dma_semaphore, #tpu.memory_space<semaphore_mem>>)
      %dma_wait3A_112 = arith.constant 0 : i32
      %dma_wait3A_113 = arith.constant 0 : i32
      %dma_wait3A_114 = tpu.memref_slice %arg7[%run_scoped3A_25, %dma_wait3A_112, %dma_wait3A_113] : memref<2x80x128xf32, #tpu.memory_space<vmem>> -> memref<1x80x128xf32, #tpu.memory_space<vmem>>
      %dma_wait3A_115 = tpu.memref_squeeze %dma_wait3A_114 : memref<1x80x128xf32, #tpu.memory_space<vmem>> -> memref<80x128xf32, #tpu.memory_space<vmem>>
      %dma_wait3A_116 = arith.constant 0 : i32
      %dma_wait3A_117 = tpu.memref_slice %arg10[%add3A_24, %dma_wait3A_116] : memref<10240x128xf32, #tpu.memory_space<vmem_shared>> -> memref<80x128xf32, #tpu.memory_space<vmem_shared>>
      %dma_wait3A_118 = arith.constant 0 : i32
      %dma_wait3A_119 = tpu.memref_slice %arg10[%add3A_24, %dma_wait3A_118] : memref<10240x128xf32, #tpu.memory_space<vmem_shared>> -> memref<80x128xf32, #tpu.memory_space<vmem_shared>>
      %dma_wait3A_120 = arith.constant 0 : i32
      %dma_wait3A_121 = arith.constant 0 : i32
      %dma_wait3A_122 = tpu.memref_slice %arg7[%run_scoped3A_25, %dma_wait3A_120, %dma_wait3A_121] : memref<2x80x128xf32, #tpu.memory_space<vmem>> -> memref<1x80x128xf32, #tpu.memory_space<vmem>>
      %dma_wait3A_123 = tpu.memref_squeeze %dma_wait3A_122 : memref<1x80x128xf32, #tpu.memory_space<vmem>> -> memref<80x128xf32, #tpu.memory_space<vmem>>
      tpu.wait_dma2 semaphore(%run_scoped3A_99 : memref<!tpu.dma_semaphore, #tpu.memory_space<semaphore_mem>>) src(%dma_wait3A_123 : memref<80x128xf32, #tpu.memory_space<vmem>>) dst(%dma_wait3A_119 : memref<80x128xf32, #tpu.memory_space<vmem_shared>>)
      tpu.yield
    }) : () -> ()
    %mul3A_26 = arith.constant 640 : i32
    %mul3A_27 = arith.muli %arg1, %mul3A_26 : i32
    %add3A_28 = arith.constant 400 : i32
    %add3A_29 = arith.addi %mul3A_27, %add3A_28 : i32
    %run_scoped3A_30 = arith.constant 0 : i32
    "tpu.region"() ({
      %run_scoped3A_99 = tpu.sem_alloc : memref<!tpu.dma_semaphore, #tpu.memory_space<semaphore_mem>>
      %dma_start3A_100 = arith.constant 0 : i32
      %dma_start3A_101 = arith.constant 0 : i32
      %dma_start3A_102 = tpu.memref_slice %arg7[%run_scoped3A_30, %dma_start3A_100, %dma_start3A_101] : memref<2x80x128xf32, #tpu.memory_space<vmem>> -> memref<1x80x128xf32, #tpu.memory_space<vmem>>
      %dma_start3A_103 = tpu.memref_squeeze %dma_start3A_102 : memref<1x80x128xf32, #tpu.memory_space<vmem>> -> memref<80x128xf32, #tpu.memory_space<vmem>>
      %dma_start3A_104 = arith.constant 0 : i32
      %dma_start3A_105 = tpu.memref_slice %arg10[%add3A_29, %dma_start3A_104] : memref<10240x128xf32, #tpu.memory_space<vmem_shared>> -> memref<80x128xf32, #tpu.memory_space<vmem_shared>>
      %dma_start3A_106 = arith.constant 0 : i32
      %dma_start3A_107 = tpu.memref_slice %arg10[%add3A_29, %dma_start3A_106] : memref<10240x128xf32, #tpu.memory_space<vmem_shared>> -> memref<80x128xf32, #tpu.memory_space<vmem_shared>>
      %dma_start3A_108 = arith.constant 0 : i32
      %dma_start3A_109 = arith.constant 0 : i32
      %dma_start3A_110 = tpu.memref_slice %arg7[%run_scoped3A_30, %dma_start3A_108, %dma_start3A_109] : memref<2x80x128xf32, #tpu.memory_space<vmem>> -> memref<1x80x128xf32, #tpu.memory_space<vmem>>
      %dma_start3A_111 = tpu.memref_squeeze %dma_start3A_110 : memref<1x80x128xf32, #tpu.memory_space<vmem>> -> memref<80x128xf32, #tpu.memory_space<vmem>>
      tpu.enqueue_dma source(%dma_start3A_111 : memref<80x128xf32, #tpu.memory_space<vmem>>) target(%dma_start3A_107 : memref<80x128xf32, #tpu.memory_space<vmem_shared>>) target_semaphore(%run_scoped3A_99 : memref<!tpu.dma_semaphore, #tpu.memory_space<semaphore_mem>>)
      %dma_wait3A_112 = arith.constant 0 : i32
      %dma_wait3A_113 = arith.constant 0 : i32
      %dma_wait3A_114 = tpu.memref_slice %arg7[%run_scoped3A_30, %dma_wait3A_112, %dma_wait3A_113] : memref<2x80x128xf32, #tpu.memory_space<vmem>> -> memref<1x80x128xf32, #tpu.memory_space<vmem>>
      %dma_wait3A_115 = tpu.memref_squeeze %dma_wait3A_114 : memref<1x80x128xf32, #tpu.memory_space<vmem>> -> memref<80x128xf32, #tpu.memory_space<vmem>>
      %dma_wait3A_116 = arith.constant 0 : i32
      %dma_wait3A_117 = tpu.memref_slice %arg10[%add3A_29, %dma_wait3A_116] : memref<10240x128xf32, #tpu.memory_space<vmem_shared>> -> memref<80x128xf32, #tpu.memory_space<vmem_shared>>
      %dma_wait3A_118 = arith.constant 0 : i32
      %dma_wait3A_119 = tpu.memref_slice %arg10[%add3A_29, %dma_wait3A_118] : memref<10240x128xf32, #tpu.memory_space<vmem_shared>> -> memref<80x128xf32, #tpu.memory_space<vmem_shared>>
      %dma_wait3A_120 = arith.constant 0 : i32
      %dma_wait3A_121 = arith.constant 0 : i32
      %dma_wait3A_122 = tpu.memref_slice %arg7[%run_scoped3A_30, %dma_wait3A_120, %dma_wait3A_121] : memref<2x80x128xf32, #tpu.memory_space<vmem>> -> memref<1x80x128xf32, #tpu.memory_space<vmem>>
      %dma_wait3A_123 = tpu.memref_squeeze %dma_wait3A_122 : memref<1x80x128xf32, #tpu.memory_space<vmem>> -> memref<80x128xf32, #tpu.memory_space<vmem>>
      tpu.wait_dma2 semaphore(%run_scoped3A_99 : memref<!tpu.dma_semaphore, #tpu.memory_space<semaphore_mem>>) src(%dma_wait3A_123 : memref<80x128xf32, #tpu.memory_space<vmem>>) dst(%dma_wait3A_119 : memref<80x128xf32, #tpu.memory_space<vmem_shared>>)
      tpu.yield
    }) : () -> ()
    %mul3A_31 = arith.constant 640 : i32
    %mul3A_32 = arith.muli %arg1, %mul3A_31 : i32
    %add3A_33 = arith.constant 480 : i32
    %add3A_34 = arith.addi %mul3A_32, %add3A_33 : i32
    %run_scoped3A_35 = arith.constant 0 : i32
    "tpu.region"() ({
      %run_scoped3A_99 = tpu.sem_alloc : memref<!tpu.dma_semaphore, #tpu.memory_space<semaphore_mem>>
      %dma_start3A_100 = arith.constant 0 : i32
      %dma_start3A_101 = arith.constant 0 : i32
      %dma_start3A_102 = tpu.memref_slice %arg7[%run_scoped3A_35, %dma_start3A_100, %dma_start3A_101] : memref<2x80x128xf32, #tpu.memory_space<vmem>> -> memref<1x80x128xf32, #tpu.memory_space<vmem>>
      %dma_start3A_103 = tpu.memref_squeeze %dma_start3A_102 : memref<1x80x128xf32, #tpu.memory_space<vmem>> -> memref<80x128xf32, #tpu.memory_space<vmem>>
      %dma_start3A_104 = arith.constant 0 : i32
      %dma_start3A_105 = tpu.memref_slice %arg10[%add3A_34, %dma_start3A_104] : memref<10240x128xf32, #tpu.memory_space<vmem_shared>> -> memref<80x128xf32, #tpu.memory_space<vmem_shared>>
      %dma_start3A_106 = arith.constant 0 : i32
      %dma_start3A_107 = tpu.memref_slice %arg10[%add3A_34, %dma_start3A_106] : memref<10240x128xf32, #tpu.memory_space<vmem_shared>> -> memref<80x128xf32, #tpu.memory_space<vmem_shared>>
      %dma_start3A_108 = arith.constant 0 : i32
      %dma_start3A_109 = arith.constant 0 : i32
      %dma_start3A_110 = tpu.memref_slice %arg7[%run_scoped3A_35, %dma_start3A_108, %dma_start3A_109] : memref<2x80x128xf32, #tpu.memory_space<vmem>> -> memref<1x80x128xf32, #tpu.memory_space<vmem>>
      %dma_start3A_111 = tpu.memref_squeeze %dma_start3A_110 : memref<1x80x128xf32, #tpu.memory_space<vmem>> -> memref<80x128xf32, #tpu.memory_space<vmem>>
      tpu.enqueue_dma source(%dma_start3A_111 : memref<80x128xf32, #tpu.memory_space<vmem>>) target(%dma_start3A_107 : memref<80x128xf32, #tpu.memory_space<vmem_shared>>) target_semaphore(%run_scoped3A_99 : memref<!tpu.dma_semaphore, #tpu.memory_space<semaphore_mem>>)
      %dma_wait3A_112 = arith.constant 0 : i32
      %dma_wait3A_113 = arith.constant 0 : i32
      %dma_wait3A_114 = tpu.memref_slice %arg7[%run_scoped3A_35, %dma_wait3A_112, %dma_wait3A_113] : memref<2x80x128xf32, #tpu.memory_space<vmem>> -> memref<1x80x128xf32, #tpu.memory_space<vmem>>
      %dma_wait3A_115 = tpu.memref_squeeze %dma_wait3A_114 : memref<1x80x128xf32, #tpu.memory_space<vmem>> -> memref<80x128xf32, #tpu.memory_space<vmem>>
      %dma_wait3A_116 = arith.constant 0 : i32
      %dma_wait3A_117 = tpu.memref_slice %arg10[%add3A_34, %dma_wait3A_116] : memref<10240x128xf32, #tpu.memory_space<vmem_shared>> -> memref<80x128xf32, #tpu.memory_space<vmem_shared>>
      %dma_wait3A_118 = arith.constant 0 : i32
      %dma_wait3A_119 = tpu.memref_slice %arg10[%add3A_34, %dma_wait3A_118] : memref<10240x128xf32, #tpu.memory_space<vmem_shared>> -> memref<80x128xf32, #tpu.memory_space<vmem_shared>>
      %dma_wait3A_120 = arith.constant 0 : i32
      %dma_wait3A_121 = arith.constant 0 : i32
      %dma_wait3A_122 = tpu.memref_slice %arg7[%run_scoped3A_35, %dma_wait3A_120, %dma_wait3A_121] : memref<2x80x128xf32, #tpu.memory_space<vmem>> -> memref<1x80x128xf32, #tpu.memory_space<vmem>>
      %dma_wait3A_123 = tpu.memref_squeeze %dma_wait3A_122 : memref<1x80x128xf32, #tpu.memory_space<vmem>> -> memref<80x128xf32, #tpu.memory_space<vmem>>
      tpu.wait_dma2 semaphore(%run_scoped3A_99 : memref<!tpu.dma_semaphore, #tpu.memory_space<semaphore_mem>>) src(%dma_wait3A_123 : memref<80x128xf32, #tpu.memory_space<vmem>>) dst(%dma_wait3A_119 : memref<80x128xf32, #tpu.memory_space<vmem_shared>>)
      tpu.yield
    }) : () -> ()
    %mul3A_36 = arith.constant 640 : i32
    %mul3A_37 = arith.muli %arg1, %mul3A_36 : i32
    %add3A_38 = arith.constant 560 : i32
    %add3A_39 = arith.addi %mul3A_37, %add3A_38 : i32
    %run_scoped3A_40 = arith.constant 0 : i32
    "tpu.region"() ({
      %run_scoped3A_99 = tpu.sem_alloc : memref<!tpu.dma_semaphore, #tpu.memory_space<semaphore_mem>>
      %dma_start3A_100 = arith.constant 0 : i32
      %dma_start3A_101 = arith.constant 0 : i32
      %dma_start3A_102 = tpu.memref_slice %arg7[%run_scoped3A_40, %dma_start3A_100, %dma_start3A_101] : memref<2x80x128xf32, #tpu.memory_space<vmem>> -> memref<1x80x128xf32, #tpu.memory_space<vmem>>
      %dma_start3A_103 = tpu.memref_squeeze %dma_start3A_102 : memref<1x80x128xf32, #tpu.memory_space<vmem>> -> memref<80x128xf32, #tpu.memory_space<vmem>>
      %dma_start3A_104 = arith.constant 0 : i32
      %dma_start3A_105 = tpu.memref_slice %arg10[%add3A_39, %dma_start3A_104] : memref<10240x128xf32, #tpu.memory_space<vmem_shared>> -> memref<80x128xf32, #tpu.memory_space<vmem_shared>>
      %dma_start3A_106 = arith.constant 0 : i32
      %dma_start3A_107 = tpu.memref_slice %arg10[%add3A_39, %dma_start3A_106] : memref<10240x128xf32, #tpu.memory_space<vmem_shared>> -> memref<80x128xf32, #tpu.memory_space<vmem_shared>>
      %dma_start3A_108 = arith.constant 0 : i32
      %dma_start3A_109 = arith.constant 0 : i32
      %dma_start3A_110 = tpu.memref_slice %arg7[%run_scoped3A_40, %dma_start3A_108, %dma_start3A_109] : memref<2x80x128xf32, #tpu.memory_space<vmem>> -> memref<1x80x128xf32, #tpu.memory_space<vmem>>
      %dma_start3A_111 = tpu.memref_squeeze %dma_start3A_110 : memref<1x80x128xf32, #tpu.memory_space<vmem>> -> memref<80x128xf32, #tpu.memory_space<vmem>>
      tpu.enqueue_dma source(%dma_start3A_111 : memref<80x128xf32, #tpu.memory_space<vmem>>) target(%dma_start3A_107 : memref<80x128xf32, #tpu.memory_space<vmem_shared>>) target_semaphore(%run_scoped3A_99 : memref<!tpu.dma_semaphore, #tpu.memory_space<semaphore_mem>>)
      %dma_wait3A_112 = arith.constant 0 : i32
      %dma_wait3A_113 = arith.constant 0 : i32
      %dma_wait3A_114 = tpu.memref_slice %arg7[%run_scoped3A_40, %dma_wait3A_112, %dma_wait3A_113] : memref<2x80x128xf32, #tpu.memory_space<vmem>> -> memref<1x80x128xf32, #tpu.memory_space<vmem>>
      %dma_wait3A_115 = tpu.memref_squeeze %dma_wait3A_114 : memref<1x80x128xf32, #tpu.memory_space<vmem>> -> memref<80x128xf32, #tpu.memory_space<vmem>>
      %dma_wait3A_116 = arith.constant 0 : i32
      %dma_wait3A_117 = tpu.memref_slice %arg10[%add3A_39, %dma_wait3A_116] : memref<10240x128xf32, #tpu.memory_space<vmem_shared>> -> memref<80x128xf32, #tpu.memory_space<vmem_shared>>
      %dma_wait3A_118 = arith.constant 0 : i32
      %dma_wait3A_119 = tpu.memref_slice %arg10[%add3A_39, %dma_wait3A_118] : memref<10240x128xf32, #tpu.memory_space<vmem_shared>> -> memref<80x128xf32, #tpu.memory_space<vmem_shared>>
      %dma_wait3A_120 = arith.constant 0 : i32
      %dma_wait3A_121 = arith.constant 0 : i32
      %dma_wait3A_122 = tpu.memref_slice %arg7[%run_scoped3A_40, %dma_wait3A_120, %dma_wait3A_121] : memref<2x80x128xf32, #tpu.memory_space<vmem>> -> memref<1x80x128xf32, #tpu.memory_space<vmem>>
      %dma_wait3A_123 = tpu.memref_squeeze %dma_wait3A_122 : memref<1x80x128xf32, #tpu.memory_space<vmem>> -> memref<80x128xf32, #tpu.memory_space<vmem>>
      tpu.wait_dma2 semaphore(%run_scoped3A_99 : memref<!tpu.dma_semaphore, #tpu.memory_space<semaphore_mem>>) src(%dma_wait3A_123 : memref<80x128xf32, #tpu.memory_space<vmem>>) dst(%dma_wait3A_119 : memref<80x128xf32, #tpu.memory_space<vmem_shared>>)
      tpu.yield
    }) : () -> ()
    %barrier3A = arith.constant 0 : index
    tpu.barrier barrier_id(%barrier3A)
    %scan3A = arith.constant 0 : i32
    %scan3A_41 = arith.constant 0 : i32
    %scan3A_42 = arith.constant 62 : i32
    %scan3A_43 = arith.addi %scan3A_41, %scan3A_42 : i32
    %scan3A_44 = arith.constant 1 : i32
    scf.for %scan3A_99 = %scan3A_41 to %scan3A_43 step %scan3A_44  : i32 {
      %mul3A_100 = arith.constant 2 : i32
      %mul3A_101 = arith.muli %scan3A_99, %mul3A_100 : i32
      %gt3A = arith.constant 0 : i32
      %gt3A_102 = arith.cmpi sgt, %scan3A_99, %gt3A : i32
      %convert_element_type3A = arith.extui %gt3A_102 : i1 to i32
      %cond3A = arith.constant 0 : i32
      %cond3A_103 = arith.cmpi ne, %convert_element_type3A, %cond3A : i32
      scf.if %cond3A_103 {
        %sub3A = arith.constant 2 : i32
        %sub3A_183 = arith.subi %mul3A_101, %sub3A : i32
        %add3A_184 = arith.constant 0 : i32
        %add3A_185 = arith.addi %sub3A_183, %add3A_184 : i32
        %dma_wait3A_186 = arith.constant 0 : i32
        %dma_wait3A_187 = arith.constant 0 : i32
        %dma_wait3A_188 = arith.constant 0 : i32
        %dma_wait3A_189 = tpu.memref_slice %arg7[%dma_wait3A_186, %dma_wait3A_187, %dma_wait3A_188] : memref<2x80x128xf32, #tpu.memory_space<vmem>> -> memref<1x80x128xf32, #tpu.memory_space<vmem>>
        %dma_wait3A_190 = tpu.memref_squeeze %dma_wait3A_189 : memref<1x80x128xf32, #tpu.memory_space<vmem>> -> memref<80x128xf32, #tpu.memory_space<vmem>>
        %dma_wait3A_191 = arith.constant 0 : i32
        %dma_wait3A_192 = tpu.memref_slice %arg9[%add3A_185, %dma_wait3A_191] : memref<125x80xi32, #tpu.memory_space<vmem>> -> memref<1x80xi32, #tpu.memory_space<vmem>>
        %dma_wait3A_193 = tpu.memref_squeeze %dma_wait3A_192 : memref<1x80xi32, #tpu.memory_space<vmem>> -> memref<80xi32, #tpu.memory_space<vmem>>
        %dma_wait3A_194 = arith.constant 0 : i32
        %dma_wait3A_195 = arith.constant 0 : i32
        %dma_wait3A_196 = tpu.memref_slice %arg10[%dma_wait3A_194, %dma_wait3A_195] : memref<10240x128xf32, #tpu.memory_space<vmem_shared>> -> memref<10240x128xf32, #tpu.memory_space<vmem_shared>>
        tpu.wait_indirect_dma semaphore(%arg13 : memref<!tpu.dma_semaphore, #tpu.memory_space<semaphore_mem>>) src(%dma_wait3A_190 : memref<80x128xf32, #tpu.memory_space<vmem>>) dst(%dma_wait3A_196 : memref<10240x128xf32, #tpu.memory_space<vmem_shared>>)
      } else {
      }
      %gt3A_104 = arith.constant 0 : i32
      %gt3A_105 = arith.cmpi sgt, %scan3A_99, %gt3A_104 : i32
      %convert_element_type3A_106 = arith.extui %gt3A_105 : i1 to i32
      %cond3A_107 = arith.constant 0 : i32
      %cond3A_108 = arith.cmpi ne, %convert_element_type3A_106, %cond3A_107 : i32
      scf.if %cond3A_108 {
        %sub3A = arith.constant 2 : i32
        %sub3A_183 = arith.subi %mul3A_101, %sub3A : i32
        %add3A_184 = arith.constant 1 : i32
        %add3A_185 = arith.addi %sub3A_183, %add3A_184 : i32
        %dma_wait3A_186 = arith.constant 1 : i32
        %dma_wait3A_187 = arith.constant 0 : i32
        %dma_wait3A_188 = arith.constant 0 : i32
        %dma_wait3A_189 = tpu.memref_slice %arg7[%dma_wait3A_186, %dma_wait3A_187, %dma_wait3A_188] : memref<2x80x128xf32, #tpu.memory_space<vmem>> -> memref<1x80x128xf32, #tpu.memory_space<vmem>>
        %dma_wait3A_190 = tpu.memref_squeeze %dma_wait3A_189 : memref<1x80x128xf32, #tpu.memory_space<vmem>> -> memref<80x128xf32, #tpu.memory_space<vmem>>
        %dma_wait3A_191 = arith.constant 0 : i32
        %dma_wait3A_192 = tpu.memref_slice %arg9[%add3A_185, %dma_wait3A_191] : memref<125x80xi32, #tpu.memory_space<vmem>> -> memref<1x80xi32, #tpu.memory_space<vmem>>
        %dma_wait3A_193 = tpu.memref_squeeze %dma_wait3A_192 : memref<1x80xi32, #tpu.memory_space<vmem>> -> memref<80xi32, #tpu.memory_space<vmem>>
        %dma_wait3A_194 = arith.constant 0 : i32
        %dma_wait3A_195 = arith.constant 0 : i32
        %dma_wait3A_196 = tpu.memref_slice %arg10[%dma_wait3A_194, %dma_wait3A_195] : memref<10240x128xf32, #tpu.memory_space<vmem_shared>> -> memref<10240x128xf32, #tpu.memory_space<vmem_shared>>
        tpu.wait_indirect_dma semaphore(%arg14 : memref<!tpu.dma_semaphore, #tpu.memory_space<semaphore_mem>>) src(%dma_wait3A_190 : memref<80x128xf32, #tpu.memory_space<vmem>>) dst(%dma_wait3A_196 : memref<10240x128xf32, #tpu.memory_space<vmem_shared>>)
      } else {
      }
      %add3A_109 = arith.constant 0 : i32
      %add3A_110 = arith.addi %mul3A_101, %add3A_109 : i32
      %dma_start3A_111 = arith.constant 0 : i32
      %dma_start3A_112 = arith.constant 0 : i32
      %dma_start3A_113 = arith.constant 0 : i32
      %dma_start3A_114 = tpu.memref_slice %arg7[%dma_start3A_111, %dma_start3A_112, %dma_start3A_113] : memref<2x80x128xf32, #tpu.memory_space<vmem>> -> memref<1x80x128xf32, #tpu.memory_space<vmem>>
      %dma_start3A_115 = tpu.memref_squeeze %dma_start3A_114 : memref<1x80x128xf32, #tpu.memory_space<vmem>> -> memref<80x128xf32, #tpu.memory_space<vmem>>
      %dma_start3A_116 = arith.constant 0 : i32
      %dma_start3A_117 = tpu.memref_slice %arg8[%add3A_110, %dma_start3A_116] : memref<125x80xi32, #tpu.memory_space<vmem>> -> memref<1x80xi32, #tpu.memory_space<vmem>>
      %dma_start3A_118 = tpu.memref_squeeze %dma_start3A_117 : memref<1x80xi32, #tpu.memory_space<vmem>> -> memref<80xi32, #tpu.memory_space<vmem>>
      %dma_start3A_119 = arith.constant 0 : i32
      %dma_start3A_120 = arith.constant 0 : i32
      %dma_start3A_121 = tpu.memref_slice %arg2[%dma_start3A_119, %dma_start3A_120] : memref<10240x128xf32, #tpu.memory_space<hbm>> -> memref<10240x128xf32, #tpu.memory_space<hbm>>
      tpu.enqueue_indirect_dma source(%dma_start3A_121 : memref<10240x128xf32, #tpu.memory_space<hbm>>) target(%dma_start3A_115 : memref<80x128xf32, #tpu.memory_space<vmem>>) offsets(%dma_start3A_118 : memref<80xi32, #tpu.memory_space<vmem>>) semaphore(%arg11 : memref<!tpu.dma_semaphore, #tpu.memory_space<semaphore_mem>>)
      %add3A_122 = arith.constant 1 : i32
      %add3A_123 = arith.addi %mul3A_101, %add3A_122 : i32
      %dma_start3A_124 = arith.constant 1 : i32
      %dma_start3A_125 = arith.constant 0 : i32
      %dma_start3A_126 = arith.constant 0 : i32
      %dma_start3A_127 = tpu.memref_slice %arg7[%dma_start3A_124, %dma_start3A_125, %dma_start3A_126] : memref<2x80x128xf32, #tpu.memory_space<vmem>> -> memref<1x80x128xf32, #tpu.memory_space<vmem>>
      %dma_start3A_128 = tpu.memref_squeeze %dma_start3A_127 : memref<1x80x128xf32, #tpu.memory_space<vmem>> -> memref<80x128xf32, #tpu.memory_space<vmem>>
      %dma_start3A_129 = arith.constant 0 : i32
      %dma_start3A_130 = tpu.memref_slice %arg8[%add3A_123, %dma_start3A_129] : memref<125x80xi32, #tpu.memory_space<vmem>> -> memref<1x80xi32, #tpu.memory_space<vmem>>
      %dma_start3A_131 = tpu.memref_squeeze %dma_start3A_130 : memref<1x80xi32, #tpu.memory_space<vmem>> -> memref<80xi32, #tpu.memory_space<vmem>>
      %dma_start3A_132 = arith.constant 0 : i32
      %dma_start3A_133 = arith.constant 0 : i32
      %dma_start3A_134 = tpu.memref_slice %arg2[%dma_start3A_132, %dma_start3A_133] : memref<10240x128xf32, #tpu.memory_space<hbm>> -> memref<10240x128xf32, #tpu.memory_space<hbm>>
      tpu.enqueue_indirect_dma source(%dma_start3A_134 : memref<10240x128xf32, #tpu.memory_space<hbm>>) target(%dma_start3A_128 : memref<80x128xf32, #tpu.memory_space<vmem>>) offsets(%dma_start3A_131 : memref<80xi32, #tpu.memory_space<vmem>>) semaphore(%arg12 : memref<!tpu.dma_semaphore, #tpu.memory_space<semaphore_mem>>)
      %dma_wait3A_135 = arith.constant 0 : i32
      %dma_wait3A_136 = arith.constant 0 : i32
      %dma_wait3A_137 = arith.constant 0 : i32
      %dma_wait3A_138 = tpu.memref_slice %arg7[%dma_wait3A_135, %dma_wait3A_136, %dma_wait3A_137] : memref<2x80x128xf32, #tpu.memory_space<vmem>> -> memref<1x80x128xf32, #tpu.memory_space<vmem>>
      %dma_wait3A_139 = tpu.memref_squeeze %dma_wait3A_138 : memref<1x80x128xf32, #tpu.memory_space<vmem>> -> memref<80x128xf32, #tpu.memory_space<vmem>>
      %dma_wait3A_140 = arith.constant 0 : i32
      %dma_wait3A_141 = tpu.memref_slice %arg8[%add3A_110, %dma_wait3A_140] : memref<125x80xi32, #tpu.memory_space<vmem>> -> memref<1x80xi32, #tpu.memory_space<vmem>>
      %dma_wait3A_142 = tpu.memref_squeeze %dma_wait3A_141 : memref<1x80xi32, #tpu.memory_space<vmem>> -> memref<80xi32, #tpu.memory_space<vmem>>
      %dma_wait3A_143 = arith.constant 0 : i32
      %dma_wait3A_144 = arith.constant 0 : i32
      %dma_wait3A_145 = tpu.memref_slice %arg2[%dma_wait3A_143, %dma_wait3A_144] : memref<10240x128xf32, #tpu.memory_space<hbm>> -> memref<10240x128xf32, #tpu.memory_space<hbm>>
      tpu.wait_indirect_dma semaphore(%arg11 : memref<!tpu.dma_semaphore, #tpu.memory_space<semaphore_mem>>) src(%dma_wait3A_145 : memref<10240x128xf32, #tpu.memory_space<hbm>>) dst(%dma_wait3A_139 : memref<80x128xf32, #tpu.memory_space<vmem>>)
      %add3A_146 = arith.constant 0 : i32
      %add3A_147 = arith.addi %mul3A_101, %add3A_146 : i32
      %dma_start3A_148 = arith.constant 0 : i32
      %dma_start3A_149 = arith.constant 0 : i32
      %dma_start3A_150 = arith.constant 0 : i32
      %dma_start3A_151 = tpu.memref_slice %arg7[%dma_start3A_148, %dma_start3A_149, %dma_start3A_150] : memref<2x80x128xf32, #tpu.memory_space<vmem>> -> memref<1x80x128xf32, #tpu.memory_space<vmem>>
      %dma_start3A_152 = tpu.memref_squeeze %dma_start3A_151 : memref<1x80x128xf32, #tpu.memory_space<vmem>> -> memref<80x128xf32, #tpu.memory_space<vmem>>
      %dma_start3A_153 = arith.constant 0 : i32
      %dma_start3A_154 = tpu.memref_slice %arg9[%add3A_147, %dma_start3A_153] : memref<125x80xi32, #tpu.memory_space<vmem>> -> memref<1x80xi32, #tpu.memory_space<vmem>>
      %dma_start3A_155 = tpu.memref_squeeze %dma_start3A_154 : memref<1x80xi32, #tpu.memory_space<vmem>> -> memref<80xi32, #tpu.memory_space<vmem>>
      %dma_start3A_156 = arith.constant 0 : i32
      %dma_start3A_157 = arith.constant 0 : i32
      %dma_start3A_158 = tpu.memref_slice %arg10[%dma_start3A_156, %dma_start3A_157] : memref<10240x128xf32, #tpu.memory_space<vmem_shared>> -> memref<10240x128xf32, #tpu.memory_space<vmem_shared>>
      tpu.enqueue_indirect_dma source(%dma_start3A_152 : memref<80x128xf32, #tpu.memory_space<vmem>>) target(%dma_start3A_158 : memref<10240x128xf32, #tpu.memory_space<vmem_shared>>) offsets(%dma_start3A_155 : memref<80xi32, #tpu.memory_space<vmem>>) semaphore(%arg13 : memref<!tpu.dma_semaphore, #tpu.memory_space<semaphore_mem>>) {add = true}
      %dma_wait3A_159 = arith.constant 1 : i32
      %dma_wait3A_160 = arith.constant 0 : i32
      %dma_wait3A_161 = arith.constant 0 : i32
      %dma_wait3A_162 = tpu.memref_slice %arg7[%dma_wait3A_159, %dma_wait3A_160, %dma_wait3A_161] : memref<2x80x128xf32, #tpu.memory_space<vmem>> -> memref<1x80x128xf32, #tpu.memory_space<vmem>>
      %dma_wait3A_163 = tpu.memref_squeeze %dma_wait3A_162 : memref<1x80x128xf32, #tpu.memory_space<vmem>> -> memref<80x128xf32, #tpu.memory_space<vmem>>
      %dma_wait3A_164 = arith.constant 0 : i32
      %dma_wait3A_165 = tpu.memref_slice %arg8[%add3A_123, %dma_wait3A_164] : memref<125x80xi32, #tpu.memory_space<vmem>> -> memref<1x80xi32, #tpu.memory_space<vmem>>
      %dma_wait3A_166 = tpu.memref_squeeze %dma_wait3A_165 : memref<1x80xi32, #tpu.memory_space<vmem>> -> memref<80xi32, #tpu.memory_space<vmem>>
      %dma_wait3A_167 = arith.constant 0 : i32
      %dma_wait3A_168 = arith.constant 0 : i32
      %dma_wait3A_169 = tpu.memref_slice %arg2[%dma_wait3A_167, %dma_wait3A_168] : memref<10240x128xf32, #tpu.memory_space<hbm>> -> memref<10240x128xf32, #tpu.memory_space<hbm>>
      tpu.wait_indirect_dma semaphore(%arg12 : memref<!tpu.dma_semaphore, #tpu.memory_space<semaphore_mem>>) src(%dma_wait3A_169 : memref<10240x128xf32, #tpu.memory_space<hbm>>) dst(%dma_wait3A_163 : memref<80x128xf32, #tpu.memory_space<vmem>>)
      %add3A_170 = arith.constant 1 : i32
      %add3A_171 = arith.addi %mul3A_101, %add3A_170 : i32
      %dma_start3A_172 = arith.constant 1 : i32
      %dma_start3A_173 = arith.constant 0 : i32
      %dma_start3A_174 = arith.constant 0 : i32
      %dma_start3A_175 = tpu.memref_slice %arg7[%dma_start3A_172, %dma_start3A_173, %dma_start3A_174] : memref<2x80x128xf32, #tpu.memory_space<vmem>> -> memref<1x80x128xf32, #tpu.memory_space<vmem>>
      %dma_start3A_176 = tpu.memref_squeeze %dma_start3A_175 : memref<1x80x128xf32, #tpu.memory_space<vmem>> -> memref<80x128xf32, #tpu.memory_space<vmem>>
      %dma_start3A_177 = arith.constant 0 : i32
      %dma_start3A_178 = tpu.memref_slice %arg9[%add3A_171, %dma_start3A_177] : memref<125x80xi32, #tpu.memory_space<vmem>> -> memref<1x80xi32, #tpu.memory_space<vmem>>
      %dma_start3A_179 = tpu.memref_squeeze %dma_start3A_178 : memref<1x80xi32, #tpu.memory_space<vmem>> -> memref<80xi32, #tpu.memory_space<vmem>>
      %dma_start3A_180 = arith.constant 0 : i32
      %dma_start3A_181 = arith.constant 0 : i32
      %dma_start3A_182 = tpu.memref_slice %arg10[%dma_start3A_180, %dma_start3A_181] : memref<10240x128xf32, #tpu.memory_space<vmem_shared>> -> memref<10240x128xf32, #tpu.memory_space<vmem_shared>>
      tpu.enqueue_indirect_dma source(%dma_start3A_176 : memref<80x128xf32, #tpu.memory_space<vmem>>) target(%dma_start3A_182 : memref<10240x128xf32, #tpu.memory_space<vmem_shared>>) offsets(%dma_start3A_179 : memref<80xi32, #tpu.memory_space<vmem>>) semaphore(%arg14 : memref<!tpu.dma_semaphore, #tpu.memory_space<semaphore_mem>>) {add = true}
    }
    %scan3A_45 = arith.constant 62 : i32
    %dma_wait3A = arith.constant 0 : i32
    %dma_wait3A_46 = arith.constant 122 : i32
    %dma_wait3A_47 = arith.constant 0 : i32
    %dma_wait3A_48 = arith.constant 0 : i32
    %dma_wait3A_49 = tpu.memref_slice %arg7[%dma_wait3A, %dma_wait3A_47, %dma_wait3A_48] : memref<2x80x128xf32, #tpu.memory_space<vmem>> -> memref<1x80x128xf32, #tpu.memory_space<vmem>>
    %dma_wait3A_50 = tpu.memref_squeeze %dma_wait3A_49 : memref<1x80x128xf32, #tpu.memory_space<vmem>> -> memref<80x128xf32, #tpu.memory_space<vmem>>
    %dma_wait3A_51 = arith.constant 0 : i32
    %dma_wait3A_52 = tpu.memref_slice %arg9[%dma_wait3A_46, %dma_wait3A_51] : memref<125x80xi32, #tpu.memory_space<vmem>> -> memref<1x80xi32, #tpu.memory_space<vmem>>
    %dma_wait3A_53 = tpu.memref_squeeze %dma_wait3A_52 : memref<1x80xi32, #tpu.memory_space<vmem>> -> memref<80xi32, #tpu.memory_space<vmem>>
    %dma_wait3A_54 = arith.constant 0 : i32
    %dma_wait3A_55 = arith.constant 0 : i32
    %dma_wait3A_56 = tpu.memref_slice %arg10[%dma_wait3A_54, %dma_wait3A_55] : memref<10240x128xf32, #tpu.memory_space<vmem_shared>> -> memref<10240x128xf32, #tpu.memory_space<vmem_shared>>
    tpu.wait_indirect_dma semaphore(%arg13 : memref<!tpu.dma_semaphore, #tpu.memory_space<semaphore_mem>>) src(%dma_wait3A_50 : memref<80x128xf32, #tpu.memory_space<vmem>>) dst(%dma_wait3A_56 : memref<10240x128xf32, #tpu.memory_space<vmem_shared>>)
    %dma_wait3A_57 = arith.constant 1 : i32
    %dma_wait3A_58 = arith.constant 123 : i32
    %dma_wait3A_59 = arith.constant 0 : i32
    %dma_wait3A_60 = arith.constant 0 : i32
    %dma_wait3A_61 = tpu.memref_slice %arg7[%dma_wait3A_57, %dma_wait3A_59, %dma_wait3A_60] : memref<2x80x128xf32, #tpu.memory_space<vmem>> -> memref<1x80x128xf32, #tpu.memory_space<vmem>>
    %dma_wait3A_62 = tpu.memref_squeeze %dma_wait3A_61 : memref<1x80x128xf32, #tpu.memory_space<vmem>> -> memref<80x128xf32, #tpu.memory_space<vmem>>
    %dma_wait3A_63 = arith.constant 0 : i32
    %dma_wait3A_64 = tpu.memref_slice %arg9[%dma_wait3A_58, %dma_wait3A_63] : memref<125x80xi32, #tpu.memory_space<vmem>> -> memref<1x80xi32, #tpu.memory_space<vmem>>
    %dma_wait3A_65 = tpu.memref_squeeze %dma_wait3A_64 : memref<1x80xi32, #tpu.memory_space<vmem>> -> memref<80xi32, #tpu.memory_space<vmem>>
    %dma_wait3A_66 = arith.constant 0 : i32
    %dma_wait3A_67 = arith.constant 0 : i32
    %dma_wait3A_68 = tpu.memref_slice %arg10[%dma_wait3A_66, %dma_wait3A_67] : memref<10240x128xf32, #tpu.memory_space<vmem_shared>> -> memref<10240x128xf32, #tpu.memory_space<vmem_shared>>
    tpu.wait_indirect_dma semaphore(%arg14 : memref<!tpu.dma_semaphore, #tpu.memory_space<semaphore_mem>>) src(%dma_wait3A_62 : memref<80x128xf32, #tpu.memory_space<vmem>>) dst(%dma_wait3A_68 : memref<10240x128xf32, #tpu.memory_space<vmem_shared>>)
    %dma_start3A = arith.constant 124 : i32
    %dma_start3A_69 = arith.constant 0 : i32
    %dma_start3A_70 = arith.constant 0 : i32
    %dma_start3A_71 = arith.constant 0 : i32
    %dma_start3A_72 = tpu.memref_slice %arg7[%dma_start3A_69, %dma_start3A_70, %dma_start3A_71] : memref<2x80x128xf32, #tpu.memory_space<vmem>> -> memref<1x80x128xf32, #tpu.memory_space<vmem>>
    %dma_start3A_73 = tpu.memref_squeeze %dma_start3A_72 : memref<1x80x128xf32, #tpu.memory_space<vmem>> -> memref<80x128xf32, #tpu.memory_space<vmem>>
    %dma_start3A_74 = arith.constant 0 : i32
    %dma_start3A_75 = tpu.memref_slice %arg8[%dma_start3A, %dma_start3A_74] : memref<125x80xi32, #tpu.memory_space<vmem>> -> memref<1x80xi32, #tpu.memory_space<vmem>>
    %dma_start3A_76 = tpu.memref_squeeze %dma_start3A_75 : memref<1x80xi32, #tpu.memory_space<vmem>> -> memref<80xi32, #tpu.memory_space<vmem>>
    %dma_start3A_77 = arith.constant 0 : i32
    %dma_start3A_78 = arith.constant 0 : i32
    %dma_start3A_79 = tpu.memref_slice %arg2[%dma_start3A_77, %dma_start3A_78] : memref<10240x128xf32, #tpu.memory_space<hbm>> -> memref<10240x128xf32, #tpu.memory_space<hbm>>
    tpu.enqueue_indirect_dma source(%dma_start3A_79 : memref<10240x128xf32, #tpu.memory_space<hbm>>) target(%dma_start3A_73 : memref<80x128xf32, #tpu.memory_space<vmem>>) offsets(%dma_start3A_76 : memref<80xi32, #tpu.memory_space<vmem>>) semaphore(%arg11 : memref<!tpu.dma_semaphore, #tpu.memory_space<semaphore_mem>>)
    %dma_wait3A_80 = arith.constant 124 : i32
    %dma_wait3A_81 = arith.constant 0 : i32
    %dma_wait3A_82 = arith.constant 0 : i32
    %dma_wait3A_83 = arith.constant 0 : i32
    %dma_wait3A_84 = tpu.memref_slice %arg7[%dma_wait3A_81, %dma_wait3A_82, %dma_wait3A_83] : memref<2x80x128xf32, #tpu.memory_space<vmem>> -> memref<1x80x128xf32, #tpu.memory_space<vmem>>
    %dma_wait3A_85 = tpu.memref_squeeze %dma_wait3A_84 : memref<1x80x128xf32, #tpu.memory_space<vmem>> -> memref<80x128xf32, #tpu.memory_space<vmem>>
    %dma_wait3A_86 = arith.constant 0 : i32
    %dma_wait3A_87 = tpu.memref_slice %arg8[%dma_wait3A_80, %dma_wait3A_86] : memref<125x80xi32, #tpu.memory_space<vmem>> -> memref<1x80xi32, #tpu.memory_space<vmem>>
    %dma_wait3A_88 = tpu.memref_squeeze %dma_wait3A_87 : memref<1x80xi32, #tpu.memory_space<vmem>> -> memref<80xi32, #tpu.memory_space<vmem>>
    %dma_wait3A_89 = arith.constant 0 : i32
    %dma_wait3A_90 = arith.constant 0 : i32
    %dma_wait3A_91 = tpu.memref_slice %arg2[%dma_wait3A_89, %dma_wait3A_90] : memref<10240x128xf32, #tpu.memory_space<hbm>> -> memref<10240x128xf32, #tpu.memory_space<hbm>>
    tpu.wait_indirect_dma semaphore(%arg11 : memref<!tpu.dma_semaphore, #tpu.memory_space<semaphore_mem>>) src(%dma_wait3A_91 : memref<10240x128xf32, #tpu.memory_space<hbm>>) dst(%dma_wait3A_85 : memref<80x128xf32, #tpu.memory_space<vmem>>)
    %run_scoped3A_92 = arith.constant 0 : i32
    %run_scoped3A_93 = arith.constant 124 : i32
    "tpu.region"() ({
      %run_scoped3A_99 = tpu.sem_alloc : memref<!tpu.dma_semaphore, #tpu.memory_space<semaphore_mem>>
      %dma_start3A_100 = arith.constant 0 : i32
      %dma_start3A_101 = arith.constant 0 : i32
      %dma_start3A_102 = tpu.memref_slice %arg7[%run_scoped3A_92, %dma_start3A_100, %dma_start3A_101] : memref<2x80x128xf32, #tpu.memory_space<vmem>> -> memref<1x80x128xf32, #tpu.memory_space<vmem>>
      %dma_start3A_103 = tpu.memref_squeeze %dma_start3A_102 : memref<1x80x128xf32, #tpu.memory_space<vmem>> -> memref<80x128xf32, #tpu.memory_space<vmem>>
      %dma_start3A_104 = arith.constant 0 : i32
      %dma_start3A_105 = tpu.memref_slice %arg9[%run_scoped3A_93, %dma_start3A_104] : memref<125x80xi32, #tpu.memory_space<vmem>> -> memref<1x80xi32, #tpu.memory_space<vmem>>
      %dma_start3A_106 = tpu.memref_squeeze %dma_start3A_105 : memref<1x80xi32, #tpu.memory_space<vmem>> -> memref<80xi32, #tpu.memory_space<vmem>>
      %dma_start3A_107 = arith.constant 0 : i32
      %dma_start3A_108 = arith.constant 0 : i32
      %dma_start3A_109 = tpu.memref_slice %arg10[%dma_start3A_107, %dma_start3A_108] : memref<10240x128xf32, #tpu.memory_space<vmem_shared>> -> memref<10240x128xf32, #tpu.memory_space<vmem_shared>>
      tpu.enqueue_indirect_dma source(%dma_start3A_103 : memref<80x128xf32, #tpu.memory_space<vmem>>) target(%dma_start3A_109 : memref<10240x128xf32, #tpu.memory_space<vmem_shared>>) offsets(%dma_start3A_106 : memref<80xi32, #tpu.memory_space<vmem>>) semaphore(%run_scoped3A_99 : memref<!tpu.dma_semaphore, #tpu.memory_space<semaphore_mem>>) {add = true}
      %dma_wait3A_110 = arith.constant 0 : i32
      %dma_wait3A_111 = arith.constant 0 : i32
      %dma_wait3A_112 = tpu.memref_slice %arg7[%run_scoped3A_92, %dma_wait3A_110, %dma_wait3A_111] : memref<2x80x128xf32, #tpu.memory_space<vmem>> -> memref<1x80x128xf32, #tpu.memory_space<vmem>>
      %dma_wait3A_113 = tpu.memref_squeeze %dma_wait3A_112 : memref<1x80x128xf32, #tpu.memory_space<vmem>> -> memref<80x128xf32, #tpu.memory_space<vmem>>
      %dma_wait3A_114 = arith.constant 0 : i32
      %dma_wait3A_115 = tpu.memref_slice %arg9[%run_scoped3A_93, %dma_wait3A_114] : memref<125x80xi32, #tpu.memory_space<vmem>> -> memref<1x80xi32, #tpu.memory_space<vmem>>
      %dma_wait3A_116 = tpu.memref_squeeze %dma_wait3A_115 : memref<1x80xi32, #tpu.memory_space<vmem>> -> memref<80xi32, #tpu.memory_space<vmem>>
      %dma_wait3A_117 = arith.constant 0 : i32
      %dma_wait3A_118 = arith.constant 0 : i32
      %dma_wait3A_119 = tpu.memref_slice %arg10[%dma_wait3A_117, %dma_wait3A_118] : memref<10240x128xf32, #tpu.memory_space<vmem_shared>> -> memref<10240x128xf32, #tpu.memory_space<vmem_shared>>
      tpu.wait_indirect_dma semaphore(%run_scoped3A_99 : memref<!tpu.dma_semaphore, #tpu.memory_space<semaphore_mem>>) src(%dma_wait3A_113 : memref<80x128xf32, #tpu.memory_space<vmem>>) dst(%dma_wait3A_119 : memref<10240x128xf32, #tpu.memory_space<vmem_shared>>)
      tpu.yield
    }) : () -> ()
    %barrier3A_94 = arith.constant 0 : index
    tpu.barrier barrier_id(%barrier3A_94)
    %mul3A_95 = arith.constant 640 : i32
    %mul3A_96 = arith.muli %arg1, %mul3A_95 : i32
    %mul3A_97 = arith.constant 640 : i32
    %mul3A_98 = arith.muli %arg1, %mul3A_97 : i32
    "tpu.region"() ({
      %run_scoped3A_99 = tpu.sem_alloc : memref<!tpu.dma_semaphore, #tpu.memory_space<semaphore_mem>>
      %dma_start3A_100 = arith.constant 0 : i32
      %dma_start3A_101 = tpu.memref_slice %arg6[%arg0, %mul3A_98, %dma_start3A_100] : memref<2x10240x128xf32, #tpu.memory_space<hbm>> -> memref<1x640x128xf32, #tpu.memory_space<hbm>>
      %dma_start3A_102 = tpu.memref_squeeze %dma_start3A_101 : memref<1x640x128xf32, #tpu.memory_space<hbm>> -> memref<640x128xf32, #tpu.memory_space<hbm>>
      %dma_start3A_103 = arith.constant 0 : i32
      %dma_start3A_104 = tpu.memref_slice %arg10[%mul3A_96, %dma_start3A_103] : memref<10240x128xf32, #tpu.memory_space<vmem_shared>> -> memref<640x128xf32, #tpu.memory_space<vmem_shared>>
      tpu.enqueue_dma source(%dma_start3A_104 : memref<640x128xf32, #tpu.memory_space<vmem_shared>>) target(%dma_start3A_102 : memref<640x128xf32, #tpu.memory_space<hbm>>) target_semaphore(%run_scoped3A_99 : memref<!tpu.dma_semaphore, #tpu.memory_space<semaphore_mem>>)
      %dma_wait3A_105 = arith.constant 0 : i32
      %dma_wait3A_106 = tpu.memref_slice %arg6[%arg0, %mul3A_98, %dma_wait3A_105] : memref<2x10240x128xf32, #tpu.memory_space<hbm>> -> memref<1x640x128xf32, #tpu.memory_space<hbm>>
      %dma_wait3A_107 = tpu.memref_squeeze %dma_wait3A_106 : memref<1x640x128xf32, #tpu.memory_space<hbm>> -> memref<640x128xf32, #tpu.memory_space<hbm>>
      %dma_wait3A_108 = arith.constant 0 : i32
      %dma_wait3A_109 = tpu.memref_slice %arg10[%mul3A_96, %dma_wait3A_108] : memref<10240x128xf32, #tpu.memory_space<vmem_shared>> -> memref<640x128xf32, #tpu.memory_space<vmem_shared>>
      tpu.wait_dma2 semaphore(%run_scoped3A_99 : memref<!tpu.dma_semaphore, #tpu.memory_space<semaphore_mem>>) src(%dma_wait3A_109 : memref<640x128xf32, #tpu.memory_space<vmem_shared>>) dst(%dma_wait3A_107 : memref<640x128xf32, #tpu.memory_space<hbm>>)
      tpu.yield
    }) : () -> ()
    return
  }
}

module attributes {stable_mosaic.version = 14 : i64} {
  func.func @body(%arg0: i32, %arg1: memref<512x128xf32, #tpu.memory_space<vmem>>, %arg2: memref<2x512x16xf32, #tpu.memory_space<vmem>>, %arg3: memref<512x128xf32, #tpu.memory_space<vmem>>) attributes {dimension_semantics = [#tpu.dimension_semantics<arbitrary>], iteration_bounds = array<i64: 20>, scalar_prefetch = 0 : i64, scratch_operands = 0 : i64, tpu.core_type = #tpu.core_type<tc>, window_params = [{transform_indices = @transform_0, window_bounds = array<i64: 512, 128>}, {transform_indices = @transform_1, window_bounds = array<i64: 2, 512, 16>}, {transform_indices = @transform_2, window_bounds = array<i64: 512, 128>}]} {
    %get3A = arith.constant 0 : index
    %get3A_0 = arith.constant 0 : index
    %get3A_1 = vector.load %arg1[%get3A, %get3A_0] : memref<512x128xf32, #tpu.memory_space<vmem>>, vector<512x128xf32>
    %get3A_2 = arith.constant 0 : index
    %get3A_3 = arith.constant 0 : index
    %get3A_4 = arith.constant 0 : index
    %get3A_5 = vector.load %arg2[%get3A_2, %get3A_3, %get3A_4] : memref<2x512x16xf32, #tpu.memory_space<vmem>>, vector<1x512x16xf32>
    %get3A_6 = vector.shape_cast %get3A_5 : vector<1x512x16xf32> to vector<512x16xf32>
    %get3A_7 = arith.constant 1 : index
    %get3A_8 = arith.constant 0 : index
    %get3A_9 = arith.constant 0 : index
    %get3A_10 = vector.load %arg2[%get3A_7, %get3A_8, %get3A_9] : memref<2x512x16xf32, #tpu.memory_space<vmem>>, vector<1x512x16xf32>
    %get3A_11 = vector.shape_cast %get3A_10 : vector<1x512x16xf32> to vector<512x16xf32>
    %add3A = arith.addf %get3A_6, %get3A_11 : vector<512x16xf32>
    %max3A = arith.constant 1.000000e+00 : f32
    %max3A_12 = vector.broadcast %max3A : f32 to vector<512x16xf32>
    %max3A_13 = arith.maximumf %add3A, %max3A_12 : vector<512x16xf32>
    %slice3A = vector.extract_strided_slice %max3A_13 {offsets = [0, 0], sizes = [512, 1], strides = [1, 1]} : vector<512x16xf32> to vector<512x1xf32>
    %rsqrt3A = math.rsqrt %slice3A : vector<512x1xf32>
    %mul3A = vector.broadcast %rsqrt3A : vector<512x1xf32> to vector<512x128xf32>
    %mul3A_14 = arith.mulf %get3A_1, %mul3A : vector<512x128xf32>
    %swap3A = arith.constant 0 : index
    %swap3A_15 = arith.constant 0 : index
    %swap3A_16 = vector.load %arg3[%swap3A, %swap3A_15] : memref<512x128xf32, #tpu.memory_space<vmem>>, vector<512x128xf32>
    tpu.vector_store %arg3[%swap3A, %swap3A_15], %mul3A_14 {strides = array<i32>} : memref<512x128xf32, #tpu.memory_space<vmem>>, vector<512x128xf32>,
    return
  }
  func.func @transform_0(%arg0: i32) -> (i32, i32) {
    %c0_i32 = arith.constant 0 : i32
    %c0_i32_0 = arith.constant 0 : i32
    return %arg0, %c0_i32 : i32, i32
  }
  func.func @transform_1(%arg0: i32) -> (i32, i32, i32) {
    %c0_i32 = arith.constant 0 : i32
    %c0_i32_0 = arith.constant 0 : i32
    %c0_i32_1 = arith.constant 0 : i32
    return %c0_i32, %arg0, %c0_i32_0 : i32, i32, i32
  }
  func.func @transform_2(%arg0: i32) -> (i32, i32) {
    %c0_i32 = arith.constant 0 : i32
    %c0_i32_0 = arith.constant 0 : i32
    return %arg0, %c0_i32 : i32, i32
  }
}

module attributes {stable_mosaic.version = 14 : i64} {
  func.func @body(%arg0: i32, %arg1: memref<2x512x128xf32, #tpu.memory_space<vmem>>, %arg2: memref<2x512x16xf32, #tpu.memory_space<vmem>>, %arg3: memref<2x512x16xf32, #tpu.memory_space<vmem>>, %arg4: memref<128x256xf32, #tpu.memory_space<vmem>>, %arg5: memref<8x256xf32, #tpu.memory_space<vmem>>, %arg6: memref<512x128xf32, #tpu.memory_space<vmem>>, %arg7: memref<512x128xf32, #tpu.memory_space<vmem>>) attributes {dimension_semantics = [#tpu.dimension_semantics<arbitrary>], iteration_bounds = array<i64: 20>, scalar_prefetch = 0 : i64, scratch_operands = 0 : i64, tpu.core_type = #tpu.core_type<tc>, window_params = [{transform_indices = @transform_0, window_bounds = array<i64: 2, 512, 128>}, {transform_indices = @transform_1, window_bounds = array<i64: 2, 512, 16>}, {transform_indices = @transform_2, window_bounds = array<i64: 2, 512, 16>}, {pipeline_mode = #tpu.pipeline_mode<synchronous>, transform_indices = @transform_3, window_bounds = array<i64: 128, 256>}, {pipeline_mode = #tpu.pipeline_mode<synchronous>, transform_indices = @transform_4, window_bounds = array<i64: 8, 256>}, {transform_indices = @transform_5, window_bounds = array<i64: 512, 128>}, {transform_indices = @transform_6, window_bounds = array<i64: 512, 128>}]} {
    %get3A = arith.constant 0 : index
    %get3A_0 = arith.constant 0 : index
    %get3A_1 = arith.constant 0 : index
    %get3A_2 = vector.load %arg1[%get3A, %get3A_0, %get3A_1] : memref<2x512x128xf32, #tpu.memory_space<vmem>>, vector<1x512x128xf32>
    %get3A_3 = vector.shape_cast %get3A_2 : vector<1x512x128xf32> to vector<512x128xf32>
    %get3A_4 = arith.constant 1 : index
    %get3A_5 = arith.constant 0 : index
    %get3A_6 = arith.constant 0 : index
    %get3A_7 = vector.load %arg1[%get3A_4, %get3A_5, %get3A_6] : memref<2x512x128xf32, #tpu.memory_space<vmem>>, vector<1x512x128xf32>
    %get3A_8 = vector.shape_cast %get3A_7 : vector<1x512x128xf32> to vector<512x128xf32>
    %add3A = arith.addf %get3A_3, %get3A_8 : vector<512x128xf32>
    %get3A_9 = arith.constant 0 : index
    %get3A_10 = arith.constant 0 : index
    %get3A_11 = arith.constant 0 : index
    %get3A_12 = vector.load %arg3[%get3A_9, %get3A_10, %get3A_11] : memref<2x512x16xf32, #tpu.memory_space<vmem>>, vector<1x512x16xf32>
    %get3A_13 = vector.shape_cast %get3A_12 : vector<1x512x16xf32> to vector<512x16xf32>
    %get3A_14 = arith.constant 1 : index
    %get3A_15 = arith.constant 0 : index
    %get3A_16 = arith.constant 0 : index
    %get3A_17 = vector.load %arg3[%get3A_14, %get3A_15, %get3A_16] : memref<2x512x16xf32, #tpu.memory_space<vmem>>, vector<1x512x16xf32>
    %get3A_18 = vector.shape_cast %get3A_17 : vector<1x512x16xf32> to vector<512x16xf32>
    %add3A_19 = arith.addf %get3A_13, %get3A_18 : vector<512x16xf32>
    %max3A = arith.constant 1.000000e+00 : f32
    %max3A_20 = vector.broadcast %max3A : f32 to vector<512x16xf32>
    %max3A_21 = arith.maximumf %add3A_19, %max3A_20 : vector<512x16xf32>
    %slice3A = vector.extract_strided_slice %max3A_21 {offsets = [0, 0], sizes = [512, 1], strides = [1, 1]} : vector<512x16xf32> to vector<512x1xf32>
    %rsqrt3A = math.rsqrt %slice3A : vector<512x1xf32>
    %mul3A = vector.broadcast %rsqrt3A : vector<512x1xf32> to vector<512x128xf32>
    %mul3A_22 = arith.mulf %add3A, %mul3A : vector<512x128xf32>
    %get3A_23 = arith.constant 0 : index
    %get3A_24 = arith.constant 0 : index
    %get3A_25 = vector.load %arg4[%get3A_23, %get3A_24] : memref<128x256xf32, #tpu.memory_space<vmem>>, vector<128x256xf32>
    %dot_general3A = arith.constant dense<0.000000e+00> : vector<512x256xf32>
    %dot_general3A_26 = tpu.matmul %mul3A_22, %get3A_25, %dot_general3A {dimension_numbers = #tpu.dot_dimension_numbers<[1], [0], [0], [1], [0, 0, 1, 1], [], []>, transpose_lhs_hint = false} : vector<512x128xf32>, vector<128x256xf32>, vector<512x256xf32> -> vector<512x256xf32>
    %get3A_27 = arith.constant 0 : index
    %get3A_28 = arith.constant 0 : index
    %get3A_29 = vector.load %arg5[%get3A_27, %get3A_28] : memref<8x256xf32, #tpu.memory_space<vmem>>, vector<1x256xf32>
    %add3A_30 = vector.broadcast %get3A_29 : vector<1x256xf32> to vector<512x256xf32>
    %add3A_31 = arith.addf %dot_general3A_26, %add3A_30 : vector<512x256xf32>
    %max3A_32 = arith.constant 0.000000e+00 : f32
    %max3A_33 = vector.broadcast %max3A_32 : f32 to vector<512x256xf32>
    %max3A_34 = arith.maximumf %add3A_31, %max3A_33 : vector<512x256xf32>
    %reduce_sum3A = arith.constant dense<0.000000e+00> : vector<512xf32>
    %reduce_sum3A_35 = vector.multi_reduction <add>, %max3A_34, %reduce_sum3A [1] : vector<512x256xf32> to vector<512xf32>
    %broadcast_in_dim3A = vector.shape_cast %reduce_sum3A_35 : vector<512xf32> to vector<512x1xf32>
    %div3A = arith.constant 2.560000e+02 : f32
    %div3A_36 = vector.broadcast %div3A : f32 to vector<512x1xf32>
    %div3A_37 = arith.divf %broadcast_in_dim3A, %div3A_36 : vector<512x1xf32>
    %sub3A = vector.broadcast %div3A_37 : vector<512x1xf32> to vector<512x256xf32>
    %sub3A_38 = arith.subf %max3A_34, %sub3A : vector<512x256xf32>
    %integer_pow3A = arith.mulf %sub3A_38, %sub3A_38 : vector<512x256xf32>
    %reduce_sum3A_39 = arith.constant dense<0.000000e+00> : vector<512xf32>
    %reduce_sum3A_40 = vector.multi_reduction <add>, %integer_pow3A, %reduce_sum3A_39 [1] : vector<512x256xf32> to vector<512xf32>
    %broadcast_in_dim3A_41 = vector.shape_cast %reduce_sum3A_40 : vector<512xf32> to vector<512x1xf32>
    %div3A_42 = arith.constant 2.560000e+02 : f32
    %div3A_43 = vector.broadcast %div3A_42 : f32 to vector<512x1xf32>
    %div3A_44 = arith.divf %broadcast_in_dim3A_41, %div3A_43 : vector<512x1xf32>
    %sub3A_45 = vector.broadcast %div3A_37 : vector<512x1xf32> to vector<512x256xf32>
    %sub3A_46 = arith.subf %max3A_34, %sub3A_45 : vector<512x256xf32>
    %add3A_47 = arith.constant 9.99999974E-6 : f32
    %add3A_48 = vector.broadcast %add3A_47 : f32 to vector<512x1xf32>
    %add3A_49 = arith.addf %div3A_44, %add3A_48 : vector<512x1xf32>
    %rsqrt3A_50 = math.rsqrt %add3A_49 : vector<512x1xf32>
    %mul3A_51 = vector.broadcast %rsqrt3A_50 : vector<512x1xf32> to vector<512x256xf32>
    %mul3A_52 = arith.mulf %sub3A_46, %mul3A_51 : vector<512x256xf32>
    %get3A_53 = arith.constant 0 : index
    %get3A_54 = arith.constant 0 : index
    %get3A_55 = arith.constant 0 : index
    %get3A_56 = vector.load %arg2[%get3A_53, %get3A_54, %get3A_55] : memref<2x512x16xf32, #tpu.memory_space<vmem>>, vector<1x512x16xf32>
    %get3A_57 = vector.shape_cast %get3A_56 : vector<1x512x16xf32> to vector<512x16xf32>
    %get3A_58 = arith.constant 1 : index
    %get3A_59 = arith.constant 0 : index
    %get3A_60 = arith.constant 0 : index
    %get3A_61 = vector.load %arg2[%get3A_58, %get3A_59, %get3A_60] : memref<2x512x16xf32, #tpu.memory_space<vmem>>, vector<1x512x16xf32>
    %get3A_62 = vector.shape_cast %get3A_61 : vector<1x512x16xf32> to vector<512x16xf32>
    %add3A_63 = arith.addf %get3A_57, %get3A_62 : vector<512x16xf32>
    %max3A_64 = arith.constant 1.000000e+00 : f32
    %max3A_65 = vector.broadcast %max3A_64 : f32 to vector<512x16xf32>
    %max3A_66 = arith.maximumf %add3A_63, %max3A_65 : vector<512x16xf32>
    %slice3A_67 = vector.extract_strided_slice %max3A_66 {offsets = [0, 0], sizes = [512, 1], strides = [1, 1]} : vector<512x16xf32> to vector<512x1xf32>
    %rsqrt3A_68 = math.rsqrt %slice3A_67 : vector<512x1xf32>
    %slice3A_69 = vector.extract_strided_slice %mul3A_52 {offsets = [0, 0], sizes = [512, 128], strides = [1, 1]} : vector<512x256xf32> to vector<512x128xf32>
    %mul3A_70 = vector.broadcast %rsqrt3A_68 : vector<512x1xf32> to vector<512x128xf32>
    %mul3A_71 = arith.mulf %slice3A_69, %mul3A_70 : vector<512x128xf32>
    %swap3A = arith.constant 0 : index
    %swap3A_72 = arith.constant 0 : index
    %swap3A_73 = vector.load %arg6[%swap3A, %swap3A_72] : memref<512x128xf32, #tpu.memory_space<vmem>>, vector<512x128xf32>
    tpu.vector_store %arg6[%swap3A, %swap3A_72], %mul3A_71 {strides = array<i32>} : memref<512x128xf32, #tpu.memory_space<vmem>>, vector<512x128xf32>,
    %slice3A_74 = vector.extract_strided_slice %mul3A_52 {offsets = [0, 128], sizes = [512, 128], strides = [1, 1]} : vector<512x256xf32> to vector<512x128xf32>
    %mul3A_75 = vector.broadcast %rsqrt3A_68 : vector<512x1xf32> to vector<512x128xf32>
    %mul3A_76 = arith.mulf %slice3A_74, %mul3A_75 : vector<512x128xf32>
    %swap3A_77 = arith.constant 0 : index
    %swap3A_78 = arith.constant 0 : index
    %swap3A_79 = vector.load %arg7[%swap3A_77, %swap3A_78] : memref<512x128xf32, #tpu.memory_space<vmem>>, vector<512x128xf32>
    tpu.vector_store %arg7[%swap3A_77, %swap3A_78], %mul3A_76 {strides = array<i32>} : memref<512x128xf32, #tpu.memory_space<vmem>>, vector<512x128xf32>,
    return
  }
  func.func @transform_0(%arg0: i32) -> (i32, i32, i32) {
    %c0_i32 = arith.constant 0 : i32
    %c0_i32_0 = arith.constant 0 : i32
    %c0_i32_1 = arith.constant 0 : i32
    return %c0_i32, %arg0, %c0_i32_0 : i32, i32, i32
  }
  func.func @transform_1(%arg0: i32) -> (i32, i32, i32) {
    %c0_i32 = arith.constant 0 : i32
    %c0_i32_0 = arith.constant 0 : i32
    %c0_i32_1 = arith.constant 0 : i32
    return %c0_i32, %arg0, %c0_i32_0 : i32, i32, i32
  }
  func.func @transform_2(%arg0: i32) -> (i32, i32, i32) {
    %c0_i32 = arith.constant 0 : i32
    %c0_i32_0 = arith.constant 0 : i32
    %c0_i32_1 = arith.constant 0 : i32
    return %c0_i32, %arg0, %c0_i32_0 : i32, i32, i32
  }
  func.func @transform_3(%arg0: i32) -> (i32, i32) {
    %c0_i32 = arith.constant 0 : i32
    %c0_i32_0 = arith.constant 0 : i32
    %c0_i32_1 = arith.constant 0 : i32
    return %c0_i32, %c0_i32_0 : i32, i32
  }
  func.func @transform_4(%arg0: i32) -> (i32, i32) {
    %c0_i32 = arith.constant 0 : i32
    %c0_i32_0 = arith.constant 0 : i32
    %c0_i32_1 = arith.constant 0 : i32
    return %c0_i32, %c0_i32_0 : i32, i32
  }
  func.func @transform_5(%arg0: i32) -> (i32, i32) {
    %c0_i32 = arith.constant 0 : i32
    %c0_i32_0 = arith.constant 0 : i32
    return %arg0, %c0_i32 : i32, i32
  }
  func.func @transform_6(%arg0: i32) -> (i32, i32) {
    %c0_i32 = arith.constant 0 : i32
    %c0_i32_0 = arith.constant 0 : i32
    return %arg0, %c0_i32 : i32, i32
  }
}

module attributes {stable_mosaic.version = 14 : i64} {
  func.func @body(%arg0: i32, %arg1: memref<2x512x128xf32, #tpu.memory_space<vmem>>, %arg2: memref<2x512x128xf32, #tpu.memory_space<vmem>>, %arg3: memref<2x512x16xf32, #tpu.memory_space<vmem>>, %arg4: memref<2x512x16xf32, #tpu.memory_space<vmem>>, %arg5: memref<256x256xf32, #tpu.memory_space<vmem>>, %arg6: memref<8x256xf32, #tpu.memory_space<vmem>>, %arg7: memref<256x64xf32, #tpu.memory_space<vmem>>, %arg8: memref<512x64xf32, #tpu.memory_space<vmem>>) attributes {dimension_semantics = [#tpu.dimension_semantics<arbitrary>], iteration_bounds = array<i64: 20>, scalar_prefetch = 0 : i64, scratch_operands = 0 : i64, tpu.core_type = #tpu.core_type<tc>, window_params = [{transform_indices = @transform_0, window_bounds = array<i64: 2, 512, 128>}, {transform_indices = @transform_1, window_bounds = array<i64: 2, 512, 128>}, {transform_indices = @transform_2, window_bounds = array<i64: 2, 512, 16>}, {transform_indices = @transform_3, window_bounds = array<i64: 2, 512, 16>}, {pipeline_mode = #tpu.pipeline_mode<synchronous>, transform_indices = @transform_4, window_bounds = array<i64: 256, 256>}, {pipeline_mode = #tpu.pipeline_mode<synchronous>, transform_indices = @transform_5, window_bounds = array<i64: 8, 256>}, {pipeline_mode = #tpu.pipeline_mode<synchronous>, transform_indices = @transform_6, window_bounds = array<i64: 256, 64>}, {transform_indices = @transform_7, window_bounds = array<i64: 512, 64>}]} {
    %get3A = arith.constant 0 : index
    %get3A_0 = arith.constant 0 : index
    %get3A_1 = arith.constant 0 : index
    %get3A_2 = vector.load %arg4[%get3A, %get3A_0, %get3A_1] : memref<2x512x16xf32, #tpu.memory_space<vmem>>, vector<1x512x16xf32>
    %get3A_3 = vector.shape_cast %get3A_2 : vector<1x512x16xf32> to vector<512x16xf32>
    %get3A_4 = arith.constant 1 : index
    %get3A_5 = arith.constant 0 : index
    %get3A_6 = arith.constant 0 : index
    %get3A_7 = vector.load %arg4[%get3A_4, %get3A_5, %get3A_6] : memref<2x512x16xf32, #tpu.memory_space<vmem>>, vector<1x512x16xf32>
    %get3A_8 = vector.shape_cast %get3A_7 : vector<1x512x16xf32> to vector<512x16xf32>
    %add3A = arith.addf %get3A_3, %get3A_8 : vector<512x16xf32>
    %max3A = arith.constant 1.000000e+00 : f32
    %max3A_9 = vector.broadcast %max3A : f32 to vector<512x16xf32>
    %max3A_10 = arith.maximumf %add3A, %max3A_9 : vector<512x16xf32>
    %slice3A = vector.extract_strided_slice %max3A_10 {offsets = [0, 0], sizes = [512, 1], strides = [1, 1]} : vector<512x16xf32> to vector<512x1xf32>
    %rsqrt3A = math.rsqrt %slice3A : vector<512x1xf32>
    %get3A_11 = arith.constant 0 : index
    %get3A_12 = arith.constant 0 : index
    %get3A_13 = arith.constant 0 : index
    %get3A_14 = vector.load %arg1[%get3A_11, %get3A_12, %get3A_13] : memref<2x512x128xf32, #tpu.memory_space<vmem>>, vector<1x512x128xf32>
    %get3A_15 = vector.shape_cast %get3A_14 : vector<1x512x128xf32> to vector<512x128xf32>
    %get3A_16 = arith.constant 1 : index
    %get3A_17 = arith.constant 0 : index
    %get3A_18 = arith.constant 0 : index
    %get3A_19 = vector.load %arg1[%get3A_16, %get3A_17, %get3A_18] : memref<2x512x128xf32, #tpu.memory_space<vmem>>, vector<1x512x128xf32>
    %get3A_20 = vector.shape_cast %get3A_19 : vector<1x512x128xf32> to vector<512x128xf32>
    %add3A_21 = arith.addf %get3A_15, %get3A_20 : vector<512x128xf32>
    %mul3A = vector.broadcast %rsqrt3A : vector<512x1xf32> to vector<512x128xf32>
    %mul3A_22 = arith.mulf %add3A_21, %mul3A : vector<512x128xf32>
    %get3A_23 = arith.constant 0 : index
    %get3A_24 = arith.constant 0 : index
    %get3A_25 = arith.constant 0 : index
    %get3A_26 = vector.load %arg2[%get3A_23, %get3A_24, %get3A_25] : memref<2x512x128xf32, #tpu.memory_space<vmem>>, vector<1x512x128xf32>
    %get3A_27 = vector.shape_cast %get3A_26 : vector<1x512x128xf32> to vector<512x128xf32>
    %get3A_28 = arith.constant 1 : index
    %get3A_29 = arith.constant 0 : index
    %get3A_30 = arith.constant 0 : index
    %get3A_31 = vector.load %arg2[%get3A_28, %get3A_29, %get3A_30] : memref<2x512x128xf32, #tpu.memory_space<vmem>>, vector<1x512x128xf32>
    %get3A_32 = vector.shape_cast %get3A_31 : vector<1x512x128xf32> to vector<512x128xf32>
    %add3A_33 = arith.addf %get3A_27, %get3A_32 : vector<512x128xf32>
    %mul3A_34 = vector.broadcast %rsqrt3A : vector<512x1xf32> to vector<512x128xf32>
    %mul3A_35 = arith.mulf %add3A_33, %mul3A_34 : vector<512x128xf32>
    %get3A_36 = arith.constant 0 : index
    %get3A_37 = arith.constant 0 : index
    %get3A_38 = vector.load %arg5[%get3A_36, %get3A_37] : memref<256x256xf32, #tpu.memory_space<vmem>>, vector<128x256xf32>
    %dot_general3A = arith.constant dense<0.000000e+00> : vector<512x256xf32>
    %dot_general3A_39 = tpu.matmul %mul3A_22, %get3A_38, %dot_general3A {dimension_numbers = #tpu.dot_dimension_numbers<[1], [0], [0], [1], [0, 0, 1, 1], [], []>, transpose_lhs_hint = false} : vector<512x128xf32>, vector<128x256xf32>, vector<512x256xf32> -> vector<512x256xf32>
    %get3A_40 = arith.constant 128 : index
    %get3A_41 = arith.constant 0 : index
    %get3A_42 = vector.load %arg5[%get3A_40, %get3A_41] : memref<256x256xf32, #tpu.memory_space<vmem>>, vector<128x256xf32>
    %dot_general3A_43 = arith.constant dense<0.000000e+00> : vector<512x256xf32>
    %dot_general3A_44 = tpu.matmul %mul3A_35, %get3A_42, %dot_general3A_43 {dimension_numbers = #tpu.dot_dimension_numbers<[1], [0], [0], [1], [0, 0, 1, 1], [], []>, transpose_lhs_hint = false} : vector<512x128xf32>, vector<128x256xf32>, vector<512x256xf32> -> vector<512x256xf32>
    %add3A_45 = arith.addf %dot_general3A_39, %dot_general3A_44 : vector<512x256xf32>
    %get3A_46 = arith.constant 0 : index
    %get3A_47 = arith.constant 0 : index
    %get3A_48 = vector.load %arg6[%get3A_46, %get3A_47] : memref<8x256xf32, #tpu.memory_space<vmem>>, vector<1x256xf32>
    %add3A_49 = vector.broadcast %get3A_48 : vector<1x256xf32> to vector<512x256xf32>
    %add3A_50 = arith.addf %add3A_45, %add3A_49 : vector<512x256xf32>
    %max3A_51 = arith.constant 0.000000e+00 : f32
    %max3A_52 = vector.broadcast %max3A_51 : f32 to vector<512x256xf32>
    %max3A_53 = arith.maximumf %add3A_50, %max3A_52 : vector<512x256xf32>
    %reduce_sum3A = arith.constant dense<0.000000e+00> : vector<512xf32>
    %reduce_sum3A_54 = vector.multi_reduction <add>, %max3A_53, %reduce_sum3A [1] : vector<512x256xf32> to vector<512xf32>
    %broadcast_in_dim3A = vector.shape_cast %reduce_sum3A_54 : vector<512xf32> to vector<512x1xf32>
    %div3A = arith.constant 2.560000e+02 : f32
    %div3A_55 = vector.broadcast %div3A : f32 to vector<512x1xf32>
    %div3A_56 = arith.divf %broadcast_in_dim3A, %div3A_55 : vector<512x1xf32>
    %sub3A = vector.broadcast %div3A_56 : vector<512x1xf32> to vector<512x256xf32>
    %sub3A_57 = arith.subf %max3A_53, %sub3A : vector<512x256xf32>
    %integer_pow3A = arith.mulf %sub3A_57, %sub3A_57 : vector<512x256xf32>
    %reduce_sum3A_58 = arith.constant dense<0.000000e+00> : vector<512xf32>
    %reduce_sum3A_59 = vector.multi_reduction <add>, %integer_pow3A, %reduce_sum3A_58 [1] : vector<512x256xf32> to vector<512xf32>
    %broadcast_in_dim3A_60 = vector.shape_cast %reduce_sum3A_59 : vector<512xf32> to vector<512x1xf32>
    %div3A_61 = arith.constant 2.560000e+02 : f32
    %div3A_62 = vector.broadcast %div3A_61 : f32 to vector<512x1xf32>
    %div3A_63 = arith.divf %broadcast_in_dim3A_60, %div3A_62 : vector<512x1xf32>
    %sub3A_64 = vector.broadcast %div3A_56 : vector<512x1xf32> to vector<512x256xf32>
    %sub3A_65 = arith.subf %max3A_53, %sub3A_64 : vector<512x256xf32>
    %add3A_66 = arith.constant 9.99999974E-6 : f32
    %add3A_67 = vector.broadcast %add3A_66 : f32 to vector<512x1xf32>
    %add3A_68 = arith.addf %div3A_63, %add3A_67 : vector<512x1xf32>
    %rsqrt3A_69 = math.rsqrt %add3A_68 : vector<512x1xf32>
    %mul3A_70 = vector.broadcast %rsqrt3A_69 : vector<512x1xf32> to vector<512x256xf32>
    %mul3A_71 = arith.mulf %sub3A_65, %mul3A_70 : vector<512x256xf32>
    %get3A_72 = arith.constant 0 : index
    %get3A_73 = arith.constant 0 : index
    %get3A_74 = arith.constant 0 : index
    %get3A_75 = vector.load %arg3[%get3A_72, %get3A_73, %get3A_74] : memref<2x512x16xf32, #tpu.memory_space<vmem>>, vector<1x512x16xf32>
    %get3A_76 = vector.shape_cast %get3A_75 : vector<1x512x16xf32> to vector<512x16xf32>
    %get3A_77 = arith.constant 1 : index
    %get3A_78 = arith.constant 0 : index
    %get3A_79 = arith.constant 0 : index
    %get3A_80 = vector.load %arg3[%get3A_77, %get3A_78, %get3A_79] : memref<2x512x16xf32, #tpu.memory_space<vmem>>, vector<1x512x16xf32>
    %get3A_81 = vector.shape_cast %get3A_80 : vector<1x512x16xf32> to vector<512x16xf32>
    %add3A_82 = arith.addf %get3A_76, %get3A_81 : vector<512x16xf32>
    %max3A_83 = arith.constant 1.000000e+00 : f32
    %max3A_84 = vector.broadcast %max3A_83 : f32 to vector<512x16xf32>
    %max3A_85 = arith.maximumf %add3A_82, %max3A_84 : vector<512x16xf32>
    %slice3A_86 = vector.extract_strided_slice %max3A_85 {offsets = [0, 0], sizes = [512, 1], strides = [1, 1]} : vector<512x16xf32> to vector<512x1xf32>
    %rsqrt3A_87 = math.rsqrt %slice3A_86 : vector<512x1xf32>
    %slice3A_88 = vector.extract_strided_slice %mul3A_71 {offsets = [0, 0], sizes = [512, 128], strides = [1, 1]} : vector<512x256xf32> to vector<512x128xf32>
    %mul3A_89 = vector.broadcast %rsqrt3A_87 : vector<512x1xf32> to vector<512x128xf32>
    %mul3A_90 = arith.mulf %slice3A_88, %mul3A_89 : vector<512x128xf32>
    %slice3A_91 = vector.extract_strided_slice %mul3A_71 {offsets = [0, 128], sizes = [512, 128], strides = [1, 1]} : vector<512x256xf32> to vector<512x128xf32>
    %mul3A_92 = vector.broadcast %rsqrt3A_87 : vector<512x1xf32> to vector<512x128xf32>
    %mul3A_93 = arith.mulf %slice3A_91, %mul3A_92 : vector<512x128xf32>
    %get3A_94 = arith.constant 0 : index
    %get3A_95 = arith.constant 0 : index
    %get3A_96 = vector.load %arg7[%get3A_94, %get3A_95] : memref<256x64xf32, #tpu.memory_space<vmem>>, vector<128x64xf32>
    %dot_general3A_97 = arith.constant dense<0.000000e+00> : vector<512x64xf32>
    %dot_general3A_98 = tpu.matmul %mul3A_90, %get3A_96, %dot_general3A_97 {dimension_numbers = #tpu.dot_dimension_numbers<[1], [0], [0], [1], [0, 0, 1, 1], [], []>, transpose_lhs_hint = false} : vector<512x128xf32>, vector<128x64xf32>, vector<512x64xf32> -> vector<512x64xf32>
    %get3A_99 = arith.constant 128 : index
    %get3A_100 = arith.constant 0 : index
    %get3A_101 = vector.load %arg7[%get3A_99, %get3A_100] : memref<256x64xf32, #tpu.memory_space<vmem>>, vector<128x64xf32>
    %dot_general3A_102 = arith.constant dense<0.000000e+00> : vector<512x64xf32>
    %dot_general3A_103 = tpu.matmul %mul3A_93, %get3A_101, %dot_general3A_102 {dimension_numbers = #tpu.dot_dimension_numbers<[1], [0], [0], [1], [0, 0, 1, 1], [], []>, transpose_lhs_hint = false} : vector<512x128xf32>, vector<128x64xf32>, vector<512x64xf32> -> vector<512x64xf32>
    %add3A_104 = arith.addf %dot_general3A_98, %dot_general3A_103 : vector<512x64xf32>
    %swap3A = arith.constant 0 : index
    %swap3A_105 = arith.constant 0 : index
    %swap3A_106 = vector.load %arg8[%swap3A, %swap3A_105] : memref<512x64xf32, #tpu.memory_space<vmem>>, vector<512x64xf32>
    tpu.vector_store %arg8[%swap3A, %swap3A_105], %add3A_104 {strides = array<i32>} : memref<512x64xf32, #tpu.memory_space<vmem>>, vector<512x64xf32>,
    return
  }
  func.func @transform_0(%arg0: i32) -> (i32, i32, i32) {
    %c0_i32 = arith.constant 0 : i32
    %c0_i32_0 = arith.constant 0 : i32
    %c0_i32_1 = arith.constant 0 : i32
    return %c0_i32, %arg0, %c0_i32_0 : i32, i32, i32
  }
  func.func @transform_1(%arg0: i32) -> (i32, i32, i32) {
    %c0_i32 = arith.constant 0 : i32
    %c0_i32_0 = arith.constant 0 : i32
    %c0_i32_1 = arith.constant 0 : i32
    return %c0_i32, %arg0, %c0_i32_0 : i32, i32, i32
  }
  func.func @transform_2(%arg0: i32) -> (i32, i32, i32) {
    %c0_i32 = arith.constant 0 : i32
    %c0_i32_0 = arith.constant 0 : i32
    %c0_i32_1 = arith.constant 0 : i32
    return %c0_i32, %arg0, %c0_i32_0 : i32, i32, i32
  }
  func.func @transform_3(%arg0: i32) -> (i32, i32, i32) {
    %c0_i32 = arith.constant 0 : i32
    %c0_i32_0 = arith.constant 0 : i32
    %c0_i32_1 = arith.constant 0 : i32
    return %c0_i32, %arg0, %c0_i32_0 : i32, i32, i32
  }
  func.func @transform_4(%arg0: i32) -> (i32, i32) {
    %c0_i32 = arith.constant 0 : i32
    %c0_i32_0 = arith.constant 0 : i32
    %c0_i32_1 = arith.constant 0 : i32
    return %c0_i32, %c0_i32_0 : i32, i32
  }
  func.func @transform_5(%arg0: i32) -> (i32, i32) {
    %c0_i32 = arith.constant 0 : i32
    %c0_i32_0 = arith.constant 0 : i32
    %c0_i32_1 = arith.constant 0 : i32
    return %c0_i32, %c0_i32_0 : i32, i32
  }
  func.func @transform_6(%arg0: i32) -> (i32, i32) {
    %c0_i32 = arith.constant 0 : i32
    %c0_i32_0 = arith.constant 0 : i32
    %c0_i32_1 = arith.constant 0 : i32
    return %c0_i32, %c0_i32_0 : i32, i32
  }
  func.func @transform_7(%arg0: i32) -> (i32, i32) {
    %c0_i32 = arith.constant 0 : i32
    %c0_i32_0 = arith.constant 0 : i32
    return %arg0, %c0_i32 : i32, i32
  }
}

module attributes {stable_mosaic.version = 14 : i64} {
  func.func @body(%arg0: i32, %arg1: memref<2x512x64xf32, #tpu.memory_space<vmem>>, %arg2: memref<2x512x16xf32, #tpu.memory_space<vmem>>, %arg3: memref<8x64xf32, #tpu.memory_space<vmem>>, %arg4: memref<512x64xf32, #tpu.memory_space<vmem>>) attributes {dimension_semantics = [#tpu.dimension_semantics<arbitrary>], iteration_bounds = array<i64: 20>, scalar_prefetch = 0 : i64, scratch_operands = 0 : i64, tpu.core_type = #tpu.core_type<tc>, window_params = [{transform_indices = @transform_0, window_bounds = array<i64: 2, 512, 64>}, {transform_indices = @transform_1, window_bounds = array<i64: 2, 512, 16>}, {pipeline_mode = #tpu.pipeline_mode<synchronous>, transform_indices = @transform_2, window_bounds = array<i64: 8, 64>}, {transform_indices = @transform_3, window_bounds = array<i64: 512, 64>}]} {
    %get3A = arith.constant 0 : index
    %get3A_0 = arith.constant 0 : index
    %get3A_1 = arith.constant 0 : index
    %get3A_2 = vector.load %arg1[%get3A, %get3A_0, %get3A_1] : memref<2x512x64xf32, #tpu.memory_space<vmem>>, vector<1x512x64xf32>
    %get3A_3 = vector.shape_cast %get3A_2 : vector<1x512x64xf32> to vector<512x64xf32>
    %get3A_4 = arith.constant 1 : index
    %get3A_5 = arith.constant 0 : index
    %get3A_6 = arith.constant 0 : index
    %get3A_7 = vector.load %arg1[%get3A_4, %get3A_5, %get3A_6] : memref<2x512x64xf32, #tpu.memory_space<vmem>>, vector<1x512x64xf32>
    %get3A_8 = vector.shape_cast %get3A_7 : vector<1x512x64xf32> to vector<512x64xf32>
    %add3A = arith.addf %get3A_3, %get3A_8 : vector<512x64xf32>
    %get3A_9 = arith.constant 0 : index
    %get3A_10 = arith.constant 0 : index
    %get3A_11 = arith.constant 0 : index
    %get3A_12 = vector.load %arg2[%get3A_9, %get3A_10, %get3A_11] : memref<2x512x16xf32, #tpu.memory_space<vmem>>, vector<1x512x16xf32>
    %get3A_13 = vector.shape_cast %get3A_12 : vector<1x512x16xf32> to vector<512x16xf32>
    %get3A_14 = arith.constant 1 : index
    %get3A_15 = arith.constant 0 : index
    %get3A_16 = arith.constant 0 : index
    %get3A_17 = vector.load %arg2[%get3A_14, %get3A_15, %get3A_16] : memref<2x512x16xf32, #tpu.memory_space<vmem>>, vector<1x512x16xf32>
    %get3A_18 = vector.shape_cast %get3A_17 : vector<1x512x16xf32> to vector<512x16xf32>
    %add3A_19 = arith.addf %get3A_13, %get3A_18 : vector<512x16xf32>
    %max3A = arith.constant 1.000000e+00 : f32
    %max3A_20 = vector.broadcast %max3A : f32 to vector<512x16xf32>
    %max3A_21 = arith.maximumf %add3A_19, %max3A_20 : vector<512x16xf32>
    %slice3A = vector.extract_strided_slice %max3A_21 {offsets = [0, 0], sizes = [512, 1], strides = [1, 1]} : vector<512x16xf32> to vector<512x1xf32>
    %rsqrt3A = math.rsqrt %slice3A : vector<512x1xf32>
    %mul3A = vector.broadcast %rsqrt3A : vector<512x1xf32> to vector<512x64xf32>
    %mul3A_22 = arith.mulf %add3A, %mul3A : vector<512x64xf32>
    %get3A_23 = arith.constant 0 : index
    %get3A_24 = arith.constant 0 : index
    %get3A_25 = vector.load %arg3[%get3A_23, %get3A_24] : memref<8x64xf32, #tpu.memory_space<vmem>>, vector<1x64xf32>
    %add3A_26 = vector.broadcast %get3A_25 : vector<1x64xf32> to vector<512x64xf32>
    %add3A_27 = arith.addf %mul3A_22, %add3A_26 : vector<512x64xf32>
    %max3A_28 = arith.constant 0.000000e+00 : f32
    %max3A_29 = vector.broadcast %max3A_28 : f32 to vector<512x64xf32>
    %max3A_30 = arith.maximumf %add3A_27, %max3A_29 : vector<512x64xf32>
    %reduce_sum3A = arith.constant dense<0.000000e+00> : vector<512xf32>
    %reduce_sum3A_31 = vector.multi_reduction <add>, %max3A_30, %reduce_sum3A [1] : vector<512x64xf32> to vector<512xf32>
    %broadcast_in_dim3A = vector.shape_cast %reduce_sum3A_31 : vector<512xf32> to vector<512x1xf32>
    %div3A = arith.constant 6.400000e+01 : f32
    %div3A_32 = vector.broadcast %div3A : f32 to vector<512x1xf32>
    %div3A_33 = arith.divf %broadcast_in_dim3A, %div3A_32 : vector<512x1xf32>
    %sub3A = vector.broadcast %div3A_33 : vector<512x1xf32> to vector<512x64xf32>
    %sub3A_34 = arith.subf %max3A_30, %sub3A : vector<512x64xf32>
    %integer_pow3A = arith.mulf %sub3A_34, %sub3A_34 : vector<512x64xf32>
    %reduce_sum3A_35 = arith.constant dense<0.000000e+00> : vector<512xf32>
    %reduce_sum3A_36 = vector.multi_reduction <add>, %integer_pow3A, %reduce_sum3A_35 [1] : vector<512x64xf32> to vector<512xf32>
    %broadcast_in_dim3A_37 = vector.shape_cast %reduce_sum3A_36 : vector<512xf32> to vector<512x1xf32>
    %div3A_38 = arith.constant 6.400000e+01 : f32
    %div3A_39 = vector.broadcast %div3A_38 : f32 to vector<512x1xf32>
    %div3A_40 = arith.divf %broadcast_in_dim3A_37, %div3A_39 : vector<512x1xf32>
    %sub3A_41 = vector.broadcast %div3A_33 : vector<512x1xf32> to vector<512x64xf32>
    %sub3A_42 = arith.subf %max3A_30, %sub3A_41 : vector<512x64xf32>
    %add3A_43 = arith.constant 9.99999974E-6 : f32
    %add3A_44 = vector.broadcast %add3A_43 : f32 to vector<512x1xf32>
    %add3A_45 = arith.addf %div3A_40, %add3A_44 : vector<512x1xf32>
    %rsqrt3A_46 = math.rsqrt %add3A_45 : vector<512x1xf32>
    %mul3A_47 = vector.broadcast %rsqrt3A_46 : vector<512x1xf32> to vector<512x64xf32>
    %mul3A_48 = arith.mulf %sub3A_42, %mul3A_47 : vector<512x64xf32>
    %swap3A = arith.constant 0 : index
    %swap3A_49 = arith.constant 0 : index
    %swap3A_50 = vector.load %arg4[%swap3A, %swap3A_49] : memref<512x64xf32, #tpu.memory_space<vmem>>, vector<512x64xf32>
    tpu.vector_store %arg4[%swap3A, %swap3A_49], %mul3A_48 {strides = array<i32>} : memref<512x64xf32, #tpu.memory_space<vmem>>, vector<512x64xf32>,
    return
  }
  func.func @transform_0(%arg0: i32) -> (i32, i32, i32) {
    %c0_i32 = arith.constant 0 : i32
    %c0_i32_0 = arith.constant 0 : i32
    %c0_i32_1 = arith.constant 0 : i32
    return %c0_i32, %arg0, %c0_i32_0 : i32, i32, i32
  }
  func.func @transform_1(%arg0: i32) -> (i32, i32, i32) {
    %c0_i32 = arith.constant 0 : i32
    %c0_i32_0 = arith.constant 0 : i32
    %c0_i32_1 = arith.constant 0 : i32
    return %c0_i32, %arg0, %c0_i32_0 : i32, i32, i32
  }
  func.func @transform_2(%arg0: i32) -> (i32, i32) {
    %c0_i32 = arith.constant 0 : i32
    %c0_i32_0 = arith.constant 0 : i32
    %c0_i32_1 = arith.constant 0 : i32
    return %c0_i32, %c0_i32_0 : i32, i32
  }
  func.func @transform_3(%arg0: i32) -> (i32, i32) {
    %c0_i32 = arith.constant 0 : i32
    %c0_i32_0 = arith.constant 0 : i32
    return %arg0, %c0_i32 : i32, i32
  }
}

</mosaic_0001>

<sc_bundles>
// kernel: kernel.10.cloned.1.call-start
scs
__scs_entry_jumppad:
0x0: {  	(pc) =	sbr.rel $0x88, $3  }
0x1: {  	(tag) =	ssettag $0x0;
	lr =	simm.s32 $0x1  }
0x2: {  	[smem:$0x3F99] =	sst lr;
	_ =	strace $0xD0000000  }
0x3: {  	_ = 	snop  }
0x4: {  	_ = 	snop  }
0x5: {  	_ = 	snop  }
0x6: {  	_ = 	snop  }
0x7: {  	_ = 	snop  }
__scs_overlays_trampoline_lowered:
0x8: {  	[smem:$0x3FA8] =	sst s0  }
0x9: {  	[smem:$0x3FA9] =	sst s1  }
0xa: {  	[smem:$0x3FAA] =	sst s2  }
0xb: {  	[smem:$0x3FAB] =	sst s3  }
0xc: {  	[smem:$0x3FAC] =	sst s4  }
0xd: {  	[smem:$0x3FAD] =	sst s5  }
0xe: {  	[smem:$0x3FAE] =	sst s6  }
0xf: {  	[smem:$0x3FAF] =	sst s7  }
0x10: {  	[smem:$0x3FB0] =	sst s8  }
0x11: {  	[smem:$0x3FB1] =	sst s9;
	s0 =	simm.s32 @!p0 $0x0  }
0x12: {  	s1 =	sld [smem:$0x3F97];
	s0 =	simm.s32 @p0 $0x1  }
0x13: {  	[smem:$0x3FB2] =	sst s0;
	s0 =	simm.s32 @!p1 $0x0  }
0x14: {  	s2 =	sld [smem:$0x3F96];
	s0 =	simm.s32 @p1 $0x1  }
0x15: {  	[smem:$0x3FB3] =	sst s0;
	s0 =	simm.s32 @!p2 $0x0  }
0x16: {  	s3 =	sld [smem:$0x3FDB];
	s0 =	simm.s32 @p2 $0x1  }
0x17: {  	s4 =	simm.s32 $0x1BF5;
	[smem:$0x3FB5] =	sst s0  }
0x18: {  	s0 =	sld [smem:$0x3F98];
	_ =	swait.ge [sflag:s4], $0x0  }
0x19: {  	s7 =	sld [smem:$0x3F99]  }
0x1a: {  	s8 =	sadd.s32 $0xFFFFE003, lr  }
0x1b: {  	s9 =	sadd.s32 $0xFFFFFEF7, lr;
	s5 =	simm.s32 $0xFFFFFFFF;
	p2 =	slt.u32 s8, $0xFFFFF086  }
0x1c: {  	p1 =	slt.u32 s9, $0xF7A;
	s5 =	simm.s32 @!p2 $0x0  }
0x1d: {  	s5 =	simm.s32 @p1 $0x1;
	p0 =	seq.s32 s7, s2  }
0x1e: {  	s7 =	smul.u32 @!p0 $0xF7A, s2;
	p2 =	seq.s32 @!p0 s5, $0x0  }
0x1f: {  	s9 =	smul.u32 $0xF7A, s1;
	s8 =	simm.s32 @!p0 $0x1BF5;
	p2 =	por !p2, p0  }
0x20: {  	[sflag:s8] =	ssyncset.s32 @!p0 $0xFFFFF086;
	s6 =	sadd.s32 @!p0 s3, s7;
	s7 =	simm.s32 @!p0 $0x108  }
0x21: {  	s3 =	sadd.s32 s3, s9;
	s6 =	sadd.s32 @!p0 $0x88, s6;
	s7 =	simm.s32 @p2 $0x1082  }
0x22: {  	[simem:s7], [sflag:s8] =	dma.local @!p0 [hbm:s6], $0xF7A  }
0x23: {  	s9 =	sor.u32 $0xD0000000, s2;
	s6 =	simm.s32 $0x108;
	_ =	swait.ge @!p0 [sflag:s8], $0x0  }
0x24: {  	s3 =	sadd.s32 $0x88, s3;
	s6 =	simm.s32 @!p1 $0x1082;
	[sflag:s4] =	ssyncset.s32 $0xFFFFF086  }
0x25: {  	[simem:s6], [sflag:s4] =	dma.local [hbm:s3], $0xF7A  }
0x26: {  	[smem:$0x3F99] =	sst s1;
	(tag) =	ssettag s2;
	_ =	strace s9  }
0x27: {  	s1 =	sld [smem:$0x3FA9]  }
0x28: {  	s2 =	sld [smem:$0x3FAA]  }
0x29: {  	s4 =	sld [smem:$0x3FAC]  }
0x2a: {  	p0 =	seq.s32 s5, $0x0;
	s5 =	sld [smem:$0x3FAD]  }
0x2b: {  	s6 =	sld [smem:$0x3FAE]  }
0x2c: {  	s7 =	sld [smem:$0x3FAF]  }
0x2d: {  	s3 =	simm.s32 $0x108;
	s8 =	sld [smem:$0x3FB0]  }
0x2e: {  	s3 =	simm.s32 @!p0 $0x1082;
	s9 =	sld [smem:$0x3FB1]  }
0x2f: {  	lr =	sadd.s32 s0, s3;
	s0 =	sld [smem:$0x3FA8]  }
0x30: {  	s3 =	sld [smem:$0x3FAB]  }
0x31: {  	[smem:$0x3FB4] =	sst s10  }
0x32: {  	s10 =	sld [smem:$0x3FB2];
	_ =	sdelay $0x3  }
0x33: {  	p0 =	seq.s32 s10, $0x1;
	s10 =	sld [smem:$0x3FB4];
	_ =	sdelay $0x3  }
0x34: {  	[smem:$0x3FB4] =	sst s10  }
0x35: {  	s10 =	sld [smem:$0x3FB3];
	_ =	sdelay $0x3  }
0x36: {  	p1 =	seq.s32 s10, $0x1;
	s10 =	sld [smem:$0x3FB4];
	_ =	sdelay $0x3  }
0x37: {  	[smem:$0x3FB4] =	sst s10  }
0x38: {  	s10 =	sld [smem:$0x3FB5]  }
0x39: {  	_ = 	snop;
	(pc) =	sbr.ind lr, $3  }
0x3a: {  	_ = 	snop  }
0x3b: {  	_ = 	snop  }
0x3c: {  	p2 =	seq.s32 s10, $0x1;
	s10 =	sld [smem:$0x3FB4]  }
0x3d: {  	_ =	shalt  }
0x3e: {  	_ =	shalt  }
0x3f: {  	_ =	shalt  }
0x40: {  	_ =	shalt  }
0x41: {  	_ =	shalt  }
0x42: {  	_ =	shalt  }
0x43: {  	_ =	shalt  }
0x44: {  	_ =	shalt  }
0x45: {  	_ =	shalt  }
0x46: {  	_ =	shalt  }
0x47: {  	_ =	shalt  }
0x48: {  	_ =	shalt  }
0x49: {  	_ =	shalt  }
0x4a: {  	_ =	shalt  }
0x4b: {  	_ =	shalt  }
0x4c: {  	_ =	shalt  }
0x4d: {  	_ =	shalt  }
0x4e: {  	_ =	shalt  }
0x4f: {  	_ =	shalt  }
0x50: {  	_ =	shalt  }
0x51: {  	_ =	shalt  }
0x52: {  	_ =	shalt  }
0x53: {  	_ =	shalt  }
0x54: {  	_ =	shalt  }
0x55: {  	_ =	shalt  }
0x56: {  	_ =	shalt  }
0x57: {  	_ =	shalt  }
0x58: {  	_ =	shalt  }
0x59: {  	_ =	shalt  }
0x5a: {  	_ =	shalt  }
0x5b: {  	_ =	shalt  }
0x5c: {  	_ =	shalt  }
0x5d: {  	_ =	shalt  }
0x5e: {  	_ =	shalt  }
0x5f: {  	_ =	shalt  }
0x60: {  	_ =	shalt  }
0x61: {  	_ =	shalt  }
0x62: {  	_ =	shalt  }
0x63: {  	_ =	shalt  }
0x64: {  	_ =	shalt  }
0x65: {  	_ =	shalt  }
0x66: {  	_ =	shalt  }
0x67: {  	_ =	shalt  }
0x68: {  	_ =	shalt  }
0x69: {  	_ =	shalt  }
0x6a: {  	_ =	shalt  }
0x6b: {  	_ =	shalt  }
0x6c: {  	_ =	shalt  }
0x6d: {  	_ =	shalt  }
0x6e: {  	_ =	shalt  }
0x6f: {  	_ =	shalt  }
0x70: {  	_ =	shalt  }
0x71: {  	_ =	shalt  }
0x72: {  	_ =	shalt  }
0x73: {  	_ =	shalt  }
0x74: {  	_ =	shalt  }
0x75: {  	_ =	shalt  }
0x76: {  	_ =	shalt  }
0x77: {  	_ =	shalt  }
0x78: {  	_ =	shalt  }
0x79: {  	_ =	shalt  }
0x7a: {  	_ =	shalt  }
0x7b: {  	_ =	shalt  }
0x7c: {  	_ =	shalt  }
0x7d: {  	_ =	shalt  }
0x7e: {  	_ =	shalt  }
0x7f: {  	_ =	shalt  }
0x80: {  	_ =	shalt  }
0x81: {  	_ =	shalt  }
0x82: {  	_ =	shalt  }
0x83: {  	_ =	shalt  }
0x84: {  	_ =	shalt  }
0x85: {  	_ =	shalt  }
0x86: {  	_ =	shalt  }
0x87: {  	_ =	shalt  }
.Lfunc_end0:
.L_simem_size_0:
called_computation_lowered:
.L_overlay_start_0:
0x88: {  	s2 =	sld [smem:$0x3FD9]  }
0x89: {  	s3 =	sld [smem:$0x3FFE];
	_ =	sdelay $0x1  }
0x8a: {  	s1 =	srdreg.scid  }
0x8b: {  	s0 =	sand.u32 $0x1, s1  }
0x8c: {  	s17 =	sshll.u32 s0, $0xA;
	s2 =	sadd.s32 s3, s2  }
0x8d: {  	s2 =	sadd.s32 s2, s17  }
0x8e: {  	[smem:$0x3FC0] =	sst s2  }
0x8f: {  	_ = 	snop  }
0x90: {  	s2 =	sld [smem:$0x3FD0];
	(tm) =	ssettm $0x1  }
0x91: {  	s18 =	sld [smem:$0x3FFB];
	_ =	sdelay $0x3  }
0x92: {  	_ =	strace s18  }
0x93: {  	s3 =	sld [smem:$0x3FFC];
	_ =	sdelay $0x3  }
0x94: {  	_ =	strace s3  }
0x95: {  	s3 =	sld [smem:$0x3FFD];
	_ =	sdelay $0x3  }
0x96: {  	_ =	strace s3  }
0x97: {  	_ =	strace $0x8FFFFFFF  }
0x98: {  	s19 =	sld [smem:$0x3FDB];
	_ =	sdelay $0x1  }
0x99: {  	s4 =	simm.s32 $_scs_section_size  }
0x9a: {  	s5 =	simm.s32 $_size__tile_overlayer_lowered;
	s6 =	simm.s32 $_tile_overlayer_lowered  }
0x9b: {  	s22 =	simm.s32 $0x1BFF;
	s21 =	sshll.u32 s6, $0x1;
	s3 =	sadd.s32 s4, s19  }
0x9c: {  	s7 =	simm.s32 $0x0;
	s20 =	sshll.u32 s5, $0x1;
	s5 =	sadd.s32 s21, s3  }
0x9d: {  	[timem:s7], [sflag:s22] =	dma.local [hbm:s5], s20  }
0x9e: {  	_ =	swait.ge [sflag:s22], s20  }
0x9f: {  	s4 =	ssub.s32 $0x0, s20;
	[sflag:s22] =	ssyncset.done $0x0  }
0xa0: {  	[sflag:s22] =	ssyncadd.s32 s4;
	_ =	sdelay $0x1  }
0xa1: {  	s23 =	simm.s32 $0x1B8B  }
0xa2: {  	_ =	swait.ge [sflag:s23], $0x1  }
0xa3: {  	[sflag:s23] =	ssyncset.done $0x0  }
0xa4: {  	s25 =	simm.s32 $0x1B8E;
	s24 =	sld [smem:$0x3FFE];
	[sflag:s23] =	ssyncadd.s32 $0xFFFFFFFF  }
0xa5: {  	s26 =	simm.s32 $execute0_lowered;
	[smem:$0x3FD2] =	sst s25  }
0xa6: {  	s5 =	sshll.u32 s26, $0x1;
	_ =	strace $0x80000046;
	[dreg:$0x1] =	wrdreg $0xFFFFFFFF  }
0xa7: {  	s28 =	simm.s32 $_size_execute0_lowered;
	s3 =	sadd.s32 s3, s5;
	[dreg:$0x0] =	wrdreg $0x0  }
0xa8: {  	s5 =	sshll.u32 s28, $0x1;
	[dreg:$0x2] =	wrdreg s3  }
0xa9: {  	[dreg:$0x3] =	wrdreg s5  }
0xaa: {  	[dreg:$0x4] =	wrdreg $0xC0  }
0xab: {  	_ =	task [dreg:s7], $0x5FFFF  }
0xac: {  	[dreg:$0x1] =	wrdreg $0xFFFFFFFF  }
0xad: {  	[dreg:$0x0] =	wrdreg $0x60  }
0xae: {  	[dreg:$0x2] =	wrdreg s24  }
0xaf: {  	[dreg:$0x3] =	wrdreg s2  }
0xb0: {  	[dreg:$0x4] =	wrdreg $0x7B200  }
0xb1: {  	[dreg:$0x5] =	wrdreg $0xA3200  }
0xb2: {  	[dreg:$0x6] =	wrdreg $0x9  }
0xb3: {  	_ =	task.clear_ibuf [dreg:s7], $0x7FFFF;
	_ =	strace $0x90000046  }
0xb4: {  	s29 =	simm.s32 $0x9;
	_ =	strace $0x80000048  }
0xb5: {  	_ =	swait.ge [sflag:s29], $0x1  }
0xb6: {  	[sflag:s29] =	ssyncadd.s32 $0xFFFFFFFF  }
0xb7: {  	_ =	strace $0x90000048  }
0xb8: {  	_ =	sfence  }
0xb9: {  	s30 =	sld [smem:$0x0];
	_ =	sdelay $0x2  }
0xba: {  	s31 =	sshll.u32 s1, $0xD;
	s1 =	sshrl.u32 s1, $0x2  }
0xbb: {  	s3 =	sand.u32 $0x4000, s31;
	s1 =	sadd.s32 s1, s30  }
0xbc: {  	s0 =	sor.u32 s3, s0;
	s1 =	sshll.u32 s1, $0x11  }
0xbd: {  	s0 =	sor.u32 s1, s0  }
0xbe: {  	s0 =	sadd.s32 $0x8F2B, s0  }
0xbf: {  	[sflag:s0] =	ssyncadd.remote.s32 $0x1  }
0xc0: {  	_ =	sfence.sel $0xFFFF  }
0xc1: {  	[dreg:$0x0] =	wrdreg $0xFFFFFFFF;
	(pc) =	sbr.abs _section_cstart, $3  }
0xc2: {  	[dreg:$0x1] =	wrdreg $0xFFFFFFFF  }
0xc3: {  	_ =	task.clear_ibuf [dreg:s7], $0x2FFFF;
	_ =	strace $0x9FFFFFFF  }
0xc4: {  	(tm) =	ssettm $0x7FFFFFFF  }
0xc5: {  	_ =	shalt  }
tec
execute0_lowered:
.L_overlay_start_1:
0x0: {  	(tag) =	ssettag $0x1  }
0x1: {  	s7 =	rddreg [dreg:$0x0]  }
0x2: {  	s11 =	rddreg [dreg:$0x1]  }
0x3: {  	s2 =	rddreg [dreg:$0x2]  }
0x4: {  	s0 =	srdreg.scid;
	s3 =	rddreg [dreg:$0x3];
	s4 =	simm.s32 $0x0  }
0x5: {  	s15 =	simm.s32 $0x2710;
	s16 =	simm.s32 $0x4E20;
	s17 =	simm.s32 $0x5320  }
0x6: {  	s18 =	simm.s32 $0x50;
	s6 =	sand.u32 $0x1, s0;
	s0 =	stileid.u32  }
0x7: {  	s22 =	simm.s32 $0x0;
	[smem:$0x7FF] =	sst s4;
	s10 =	smul.u32 $0x2800, s0  }
0x8: {  	s1 =	sshll.u32 s6, $0x4;
	s8 =	smul.u32 $0x28000, s6;
	s30 =	ssub.s32 $0x2, s6  }
0x9: {  	s6 =	sadd.s32 $0x17000, s7;
	s19 =	sshll.u32 s0, $0x6;
	s1 =	sor.u32 s0, s1  }
0xa: {  	s31 =	sshrl.u32 s30, $0x1;
	s19 =	sor.u32 $0x1C01, s19;
	s5 =	smul.u32 $0x4E2, s1  }
0xb: {  	s1 =	rddreg [dreg:$0x4];
	_ =	strace $0x80000047;
	s8 =	sadd.s32 s10, s8  }
0xc: {  	s14 =	ssub.s32 s30, s31;
	s12 =	sshrl.u32 s8, $0x3;
	s9 =	sadd.s32 s5, s7  }
0xd: {  	s5 =	sadd.s32 $0x17600, s7;
	s13 =	sadd.s32 s12, s7;
	s11 =	sadd.s32 s11, s12  }
0xe: {  	s7 =	sadd.s32 $0xD200, s9;
	s8 =	sadd.s32 $0x3400, s9;
	s9 =	sadd.s32 s10, s2  }
0xf: {  	s10 =	sadd.s32 s10, s3;
	s12 =	sadd.s32 $0x17800, s13;
	s13 =	smax.u32 s14, $0x1  }
0x10: {  	s14 =	simm.s32 $0x1;
	s20 =	sshrl.u32 s9, $0x3;
	s21 =	sshrl.u32 s10, $0x3  }
.LBB2_1:
0x11: {  	[tilespmem:s4], [sflag:$0x1] =	stream.linear.gather [hbm4b:s7+s4], $0x2710, $0x38;
	[tilespmem:$0xCB20] =	vst v63  }
0x12: {  	_ =	swait.ge [sflag:s14], $0x2710  }
0x13: {  	[sflag:s14] =	ssyncset.done $0x0  }
0x14: {  	[sflag:s14] =	ssyncadd.s32 $0xFFFFD8F0  }
0x15: {  	[tilespmem:s15], [sflag:$0x1] =	stream.linear.gather [hbm4b:s8+s4], $0x2710, $0x38;
	[tilespmem:$0xCB20] =	vst v63  }
0x16: {  	_ =	swait.ge [sflag:s14], $0x2710  }
0x17: {  	[sflag:s14] =	ssyncset.done $0x0  }
0x18: {  	[sflag:s14] =	ssyncadd.s32 $0xFFFFD8F0  }
0x19: {  	[tilespmem:s16], [sflag:$0x1] =	stream.linear.gather [hbm4b:s5+s4], $0x500, $0x38;
	[tilespmem:$0xCB20] =	vst v63  }
0x1a: {  	_ =	swait.ge [sflag:s14], $0x500  }
0x1b: {  	[sflag:s14] =	ssyncset.done $0x0  }
0x1c: {  	[sflag:s14] =	ssyncadd.s32 $0xFFFFFB00  }
0x1d: {  	[tilespmem:s17], [sflag:$0x1] =	stream.linear.gather [hbm4b:s6+s4], $0x2800, $0x38;
	[tilespmem:$0xCB20] =	vst v63  }
0x1e: {  	_ =	swait.ge [sflag:s14], $0x2800  }
0x1f: {  	[sflag:s14] =	ssyncset.done $0x0  }
0x20: {  	[sflag:s14] =	ssyncadd.s32 $0xFFFFD800  }
0x21: {  	[spmem:s9] =	stream.linear.scatter [tilespmem:s17], [sflag:$0x1], $0x2800, $0x38;
	[tilespmem:$0xCB20] =	vst v63  }
0x22: {  	_ =	swait.ge [sflag:s14], $0x2800  }
0x23: {  	[sflag:s14] =	ssyncset.done $0x0  }
0x24: {  	[sflag:s14] =	ssyncadd.s32 $0xFFFFD800  }
0x25: {  	[spmem:s10] =	stream.linear.scatter [tilespmem:s17], [sflag:$0x1], $0x2800, $0x38;
	[tilespmem:$0xCB20] =	vst v63  }
0x26: {  	_ =	swait.ge [sflag:s14], $0x2800  }
0x27: {  	[sflag:s14] =	ssyncset.done $0x0  }
0x28: {  	[sflag:s14] =	ssyncadd.s32 $0xFFFFD800  }
0x29: {  	s23 =	simm.s32 $0x0;
	[bflag:$0x0] =	sbarrier.arrive $0xFFFF  }
0x2a: {  	[spmem:s2] =	stream.indirect.scatter.add.f32 [tilespmem:s16], [sflag:$0x1], $0x10, s23, s18, $0xb8;
	[tilespmem:$0xCB20] =	vst v63  }
0x2b: {  	_ =	swait.ge [sflag:s14], $0x500  }
0x2c: {  	[sflag:s14] =	ssyncset.done $0x0  }
0x2d: {  	s31 =	simm.s32 $0x2710;
	[sflag:s14] =	ssyncadd.s32 $0xFFFFFB00  }
0x2e: {  	[spmem:s3] =	stream.indirect.scatter.add.f32 [tilespmem:s16], [sflag:$0x1], $0x10, s31, s18, $0xb8;
	[tilespmem:$0xCB20] =	vst v63  }
0x2f: {  	_ =	swait.ge [sflag:s14], $0x500  }
0x30: {  	s24 =	simm.s32 $0x280;
	s23 =	simm.s32 $0x140;
	[sflag:s14] =	ssyncset.done $0x0  }
.LBB2_2:
0x31: {  	s25 =	sshra.s32 s23, $0x2  }
0x32: {  	[sflag:s14] =	ssyncadd.s32 $0xFFFFFB00;
	s23 =	smov.u32 s24;
	s26 =	sadd.s32 $0x140, s24  }
0x33: {  	[spmem:s2] =	stream.indirect.scatter.add.f32 [tilespmem:s16], [sflag:$0x1], $0x10, s25, s18, $0xb8;
	[tilespmem:$0xCB20] =	vst v63  }
0x34: {  	p0 =	sne.s32 s24, $0x9B00;
	_ =	swait.ge [sflag:s14], $0x500  }
.Ltmp0:
0x35: {  	[sflag:s14] =	ssyncset.done $0x0;
	(pc) =	sbr.rel @p0 .LBB2_2-.Ltmp0, $4  }
0x36: {  	s24 =	sadd.s32 $0x2710, s25;
	[sflag:s14] =	ssyncadd.s32 $0xFFFFFB00  }
0x37: {  	[spmem:s3] =	stream.indirect.scatter.add.f32 [tilespmem:s16], [sflag:$0x1], $0x10, s24, s18, $0xb8;
	[tilespmem:$0xCB20] =	vst v63  }
0x38: {  	_ =	swait.ge [sflag:s14], $0x500  }
0x39: {  	s24 =	smov.u32 s26;
	[sflag:s14] =	ssyncset.done $0x0  }
0x3a: {  	s23 =	sshra.s32 s23, $0x2;
	[sflag:s14] =	ssyncadd.s32 $0xFFFFFB00  }
0x3b: {  	[spmem:s2] =	stream.indirect.scatter.add.f32 [tilespmem:s16], [sflag:$0x1], $0x10, s23, s18, $0xb8;
	[tilespmem:$0xCB20] =	vst v63  }
0x3c: {  	_ =	swait.ge [sflag:s14], $0x500  }
0x3d: {  	[sflag:s14] =	ssyncset.done $0x0  }
0x3e: {  	s23 =	sadd.s32 $0x2710, s23;
	[sflag:s14] =	ssyncadd.s32 $0xFFFFFB00  }
0x3f: {  	[spmem:s3] =	stream.indirect.scatter.add.f32 [tilespmem:s16], [sflag:$0x1], $0x10, s23, s18, $0xb8;
	[tilespmem:$0xCB20] =	vst v63  }
0x40: {  	_ =	swait.ge [sflag:s14], $0x500  }
0x41: {  	[sflag:s14] =	ssyncset.done $0x0  }
0x42: {  	[sflag:s14] =	ssyncadd.s32 $0xFFFFFB00  }
0x43: {  	[bflag:$0x0] =	sbarrier.arrive $0xFFFF  }
0x44: {  	[hbm:s11], [sflag:s19] =	dma.local [spmem:s20], $0x500  }
0x45: {  	s22 =	sadd.s32 $0x1, s22;
	_ =	swait.ge [sflag:s14], $0x500  }
0x46: {  	p0 =	sne.s32 s22, s13;
	[sflag:s14] =	ssyncset.done $0x0  }
.Ltmp1:
0x47: {  	[sflag:s14] =	ssyncadd.s32 $0xFFFFFB00;
	(pc) =	sbr.rel @p0 .LBB2_1-.Ltmp1, $4  }
0x48: {  	[hbm:s12], [sflag:s19] =	dma.local [spmem:s21], $0x500  }
0x49: {  	_ =	swait.ge [sflag:s14], $0x500  }
0x4a: {  	[sflag:s14] =	ssyncset.done $0x0  }
0x4b: {  	[sflag:s14] =	ssyncadd.s32 $0xFFFFFB00  }
0x4c: {  	_ =	sfence.sel $0x180000  }
0x4d: {  	[bflag:$0x0] =	sbarrier.arrive $0xFFFF  }
0x4e: {  	p0 =	sne.s32 s0, $0x0;
	_ =	strace $0x90000047  }
0x4f: {  	s0 =	sadd.s32 @!p0 $0x100000, s1;
	[bflag:$0x2] =	sbarrier.arrive $0xFFFF  }
0x50: {  	[sflag:s0] =	ssyncadd.tile.s32 @!p0 $0x1;
	_ =	shalt  }
.Lfunc_end2:
_tile_overlayer_lowered:
.L_overlay_start_2:
0x51: {  	(tag) =	ssettag $0x2  }
0x52: {  	s0 =	rddreg [dreg:$0x0];
	s2 =	stileid.u32  }
0x53: {  	s1 =	rddreg [dreg:$0x1];
	p0 =	sne.s32 s2, $0x0  }
0x54: {  	s3 =	rddreg [dreg:$0x2];
	[bflag:$0x3] =	sbarrier.arrive $0xFFFF;
	s2 =	simm.s32 @!p0 $0x1C01  }
0x55: {  	[timem:s3], [sflag:s2] =	dma.local @!p0 [hbm:s0], s1  }
0x56: {  	s0 =	simm.s32 @!p0 $0x1  }
0x57: {  	_ =	swait.ge @!p0 [sflag:s0], s1  }
0x58: {  	s1 =	ssub.s32 @!p0 $0x0, s1;
	[sflag:s0] =	ssyncset.done @!p0 $0x0  }
0x59: {  	[sflag:s0] =	ssyncadd.s32 @!p0 s1  }
0x5a: {  	[bflag:$0x3] =	sbarrier.arrive $0xFFFF  }
0x5b: {  	_ =	shalt  }

// kernel: kernel.13.cloned.1.call-start
scs
__scs_entry_jumppad:
0x0: {  	(pc) =	sbr.rel $0x88, $3  }
0x1: {  	(tag) =	ssettag $0x0;
	lr =	simm.s32 $0x1  }
0x2: {  	[smem:$0x3F99] =	sst lr;
	_ =	strace $0xD0000000  }
0x3: {  	_ = 	snop  }
0x4: {  	_ = 	snop  }
0x5: {  	_ = 	snop  }
0x6: {  	_ = 	snop  }
0x7: {  	_ = 	snop  }
__scs_overlays_trampoline_lowered:
0x8: {  	[smem:$0x3FA8] =	sst s0  }
0x9: {  	[smem:$0x3FA9] =	sst s1  }
0xa: {  	[smem:$0x3FAA] =	sst s2  }
0xb: {  	[smem:$0x3FAB] =	sst s3  }
0xc: {  	[smem:$0x3FAC] =	sst s4  }
0xd: {  	[smem:$0x3FAD] =	sst s5  }
0xe: {  	[smem:$0x3FAE] =	sst s6  }
0xf: {  	[smem:$0x3FAF] =	sst s7  }
0x10: {  	[smem:$0x3FB0] =	sst s8  }
0x11: {  	[smem:$0x3FB1] =	sst s9;
	s0 =	simm.s32 @!p0 $0x0  }
0x12: {  	s1 =	sld [smem:$0x3F97];
	s0 =	simm.s32 @p0 $0x1  }
0x13: {  	[smem:$0x3FB2] =	sst s0;
	s0 =	simm.s32 @!p1 $0x0  }
0x14: {  	s2 =	sld [smem:$0x3F96];
	s0 =	simm.s32 @p1 $0x1  }
0x15: {  	[smem:$0x3FB3] =	sst s0;
	s0 =	simm.s32 @!p2 $0x0  }
0x16: {  	s3 =	sld [smem:$0x3FDB];
	s0 =	simm.s32 @p2 $0x1  }
0x17: {  	s4 =	simm.s32 $0x1BF5;
	[smem:$0x3FB5] =	sst s0  }
0x18: {  	s0 =	sld [smem:$0x3F98];
	_ =	swait.ge [sflag:s4], $0x0  }
0x19: {  	s7 =	sld [smem:$0x3F99]  }
0x1a: {  	s8 =	sadd.s32 $0xFFFFE003, lr  }
0x1b: {  	s9 =	sadd.s32 $0xFFFFFEF7, lr;
	s5 =	simm.s32 $0xFFFFFFFF;
	p2 =	slt.u32 s8, $0xFFFFF086  }
0x1c: {  	p1 =	slt.u32 s9, $0xF7A;
	s5 =	simm.s32 @!p2 $0x0  }
0x1d: {  	s5 =	simm.s32 @p1 $0x1;
	p0 =	seq.s32 s7, s2  }
0x1e: {  	s7 =	smul.u32 @!p0 $0xF7A, s2;
	p2 =	seq.s32 @!p0 s5, $0x0  }
0x1f: {  	s9 =	smul.u32 $0xF7A, s1;
	s8 =	simm.s32 @!p0 $0x1BF5;
	p2 =	por !p2, p0  }
0x20: {  	[sflag:s8] =	ssyncset.s32 @!p0 $0xFFFFF086;
	s6 =	sadd.s32 @!p0 s3, s7;
	s7 =	simm.s32 @!p0 $0x108  }
0x21: {  	s3 =	sadd.s32 s3, s9;
	s6 =	sadd.s32 @!p0 $0x88, s6;
	s7 =	simm.s32 @p2 $0x1082  }
0x22: {  	[simem:s7], [sflag:s8] =	dma.local @!p0 [hbm:s6], $0xF7A  }
0x23: {  	s9 =	sor.u32 $0xD0000000, s2;
	s6 =	simm.s32 $0x108;
	_ =	swait.ge @!p0 [sflag:s8], $0x0  }
0x24: {  	s3 =	sadd.s32 $0x88, s3;
	s6 =	simm.s32 @!p1 $0x1082;
	[sflag:s4] =	ssyncset.s32 $0xFFFFF086  }
0x25: {  	[simem:s6], [sflag:s4] =	dma.local [hbm:s3], $0xF7A  }
0x26: {  	[smem:$0x3F99] =	sst s1;
	(tag) =	ssettag s2;
	_ =	strace s9  }
0x27: {  	s1 =	sld [smem:$0x3FA9]  }
0x28: {  	s2 =	sld [smem:$0x3FAA]  }
0x29: {  	s4 =	sld [smem:$0x3FAC]  }
0x2a: {  	p0 =	seq.s32 s5, $0x0;
	s5 =	sld [smem:$0x3FAD]  }
0x2b: {  	s6 =	sld [smem:$0x3FAE]  }
0x2c: {  	s7 =	sld [smem:$0x3FAF]  }
0x2d: {  	s3 =	simm.s32 $0x108;
	s8 =	sld [smem:$0x3FB0]  }
0x2e: {  	s3 =	simm.s32 @!p0 $0x1082;
	s9 =	sld [smem:$0x3FB1]  }
0x2f: {  	lr =	sadd.s32 s0, s3;
	s0 =	sld [smem:$0x3FA8]  }
0x30: {  	s3 =	sld [smem:$0x3FAB]  }
0x31: {  	[smem:$0x3FB4] =	sst s10  }
0x32: {  	s10 =	sld [smem:$0x3FB2];
	_ =	sdelay $0x3  }
0x33: {  	p0 =	seq.s32 s10, $0x1;
	s10 =	sld [smem:$0x3FB4];
	_ =	sdelay $0x3  }
0x34: {  	[smem:$0x3FB4] =	sst s10  }
0x35: {  	s10 =	sld [smem:$0x3FB3];
	_ =	sdelay $0x3  }
0x36: {  	p1 =	seq.s32 s10, $0x1;
	s10 =	sld [smem:$0x3FB4];
	_ =	sdelay $0x3  }
0x37: {  	[smem:$0x3FB4] =	sst s10  }
0x38: {  	s10 =	sld [smem:$0x3FB5]  }
0x39: {  	_ = 	snop;
	(pc) =	sbr.ind lr, $3  }
0x3a: {  	_ = 	snop  }
0x3b: {  	_ = 	snop  }
0x3c: {  	p2 =	seq.s32 s10, $0x1;
	s10 =	sld [smem:$0x3FB4]  }
0x3d: {  	_ =	shalt  }
0x3e: {  	_ =	shalt  }
0x3f: {  	_ =	shalt  }
0x40: {  	_ =	shalt  }
0x41: {  	_ =	shalt  }
0x42: {  	_ =	shalt  }
0x43: {  	_ =	shalt  }
0x44: {  	_ =	shalt  }
0x45: {  	_ =	shalt  }
0x46: {  	_ =	shalt  }
0x47: {  	_ =	shalt  }
0x48: {  	_ =	shalt  }
0x49: {  	_ =	shalt  }
0x4a: {  	_ =	shalt  }
0x4b: {  	_ =	shalt  }
0x4c: {  	_ =	shalt  }
0x4d: {  	_ =	shalt  }
0x4e: {  	_ =	shalt  }
0x4f: {  	_ =	shalt  }
0x50: {  	_ =	shalt  }
0x51: {  	_ =	shalt  }
0x52: {  	_ =	shalt  }
0x53: {  	_ =	shalt  }
0x54: {  	_ =	shalt  }
0x55: {  	_ =	shalt  }
0x56: {  	_ =	shalt  }
0x57: {  	_ =	shalt  }
0x58: {  	_ =	shalt  }
0x59: {  	_ =	shalt  }
0x5a: {  	_ =	shalt  }
0x5b: {  	_ =	shalt  }
0x5c: {  	_ =	shalt  }
0x5d: {  	_ =	shalt  }
0x5e: {  	_ =	shalt  }
0x5f: {  	_ =	shalt  }
0x60: {  	_ =	shalt  }
0x61: {  	_ =	shalt  }
0x62: {  	_ =	shalt  }
0x63: {  	_ =	shalt  }
0x64: {  	_ =	shalt  }
0x65: {  	_ =	shalt  }
0x66: {  	_ =	shalt  }
0x67: {  	_ =	shalt  }
0x68: {  	_ =	shalt  }
0x69: {  	_ =	shalt  }
0x6a: {  	_ =	shalt  }
0x6b: {  	_ =	shalt  }
0x6c: {  	_ =	shalt  }
0x6d: {  	_ =	shalt  }
0x6e: {  	_ =	shalt  }
0x6f: {  	_ =	shalt  }
0x70: {  	_ =	shalt  }
0x71: {  	_ =	shalt  }
0x72: {  	_ =	shalt  }
0x73: {  	_ =	shalt  }
0x74: {  	_ =	shalt  }
0x75: {  	_ =	shalt  }
0x76: {  	_ =	shalt  }
0x77: {  	_ =	shalt  }
0x78: {  	_ =	shalt  }
0x79: {  	_ =	shalt  }
0x7a: {  	_ =	shalt  }
0x7b: {  	_ =	shalt  }
0x7c: {  	_ =	shalt  }
0x7d: {  	_ =	shalt  }
0x7e: {  	_ =	shalt  }
0x7f: {  	_ =	shalt  }
0x80: {  	_ =	shalt  }
0x81: {  	_ =	shalt  }
0x82: {  	_ =	shalt  }
0x83: {  	_ =	shalt  }
0x84: {  	_ =	shalt  }
0x85: {  	_ =	shalt  }
0x86: {  	_ =	shalt  }
0x87: {  	_ =	shalt  }
.Lfunc_end0:
.L_simem_size_0:
called_computation.1_lowered:
.L_overlay_start_0:
0x88: {  	s2 =	sld [smem:$0x3FD9]  }
0x89: {  	s3 =	sld [smem:$0x3FFE];
	_ =	sdelay $0x1  }
0x8a: {  	s1 =	srdreg.scid  }
0x8b: {  	s0 =	sand.u32 $0x1, s1  }
0x8c: {  	s17 =	sshll.u32 s0, $0xA;
	s2 =	sadd.s32 s3, s2  }
0x8d: {  	s2 =	sadd.s32 s2, s17  }
0x8e: {  	[smem:$0x3FC0] =	sst s2  }
0x8f: {  	_ = 	snop  }
0x90: {  	s2 =	sld [smem:$0x3FD0];
	(tm) =	ssettm $0x1  }
0x91: {  	s18 =	sld [smem:$0x3FFB];
	_ =	sdelay $0x3  }
0x92: {  	_ =	strace s18  }
0x93: {  	s3 =	sld [smem:$0x3FFC];
	_ =	sdelay $0x3  }
0x94: {  	_ =	strace s3  }
0x95: {  	s3 =	sld [smem:$0x3FFD];
	_ =	sdelay $0x3  }
0x96: {  	_ =	strace s3  }
0x97: {  	_ =	strace $0x8FFFFFFF  }
0x98: {  	s19 =	sld [smem:$0x3FDB];
	_ =	sdelay $0x1  }
0x99: {  	s4 =	simm.s32 $_scs_section_size  }
0x9a: {  	s5 =	simm.s32 $_size__tile_overlayer_lowered;
	s6 =	simm.s32 $_tile_overlayer_lowered  }
0x9b: {  	s22 =	simm.s32 $0x1BFF;
	s21 =	sshll.u32 s6, $0x1;
	s3 =	sadd.s32 s4, s19  }
0x9c: {  	s7 =	simm.s32 $0x0;
	s20 =	sshll.u32 s5, $0x1;
	s5 =	sadd.s32 s21, s3  }
0x9d: {  	[timem:s7], [sflag:s22] =	dma.local [hbm:s5], s20  }
0x9e: {  	_ =	swait.ge [sflag:s22], s20  }
0x9f: {  	s4 =	ssub.s32 $0x0, s20;
	[sflag:s22] =	ssyncset.done $0x0  }
0xa0: {  	[sflag:s22] =	ssyncadd.s32 s4;
	_ =	sdelay $0x1  }
0xa1: {  	s23 =	simm.s32 $0x1B8B  }
0xa2: {  	_ =	swait.ge [sflag:s23], $0x1  }
0xa3: {  	[sflag:s23] =	ssyncset.done $0x0  }
0xa4: {  	s25 =	simm.s32 $0x1B8E;
	s24 =	sld [smem:$0x3FFE];
	[sflag:s23] =	ssyncadd.s32 $0xFFFFFFFF  }
0xa5: {  	s26 =	simm.s32 $execute0_lowered;
	[smem:$0x3FD2] =	sst s25  }
0xa6: {  	s5 =	sshll.u32 s26, $0x1;
	_ =	strace $0x80000049;
	[dreg:$0x1] =	wrdreg $0xFFFFFFFF  }
0xa7: {  	s28 =	simm.s32 $_size_execute0_lowered;
	s3 =	sadd.s32 s3, s5;
	[dreg:$0x0] =	wrdreg $0x0  }
0xa8: {  	s5 =	sshll.u32 s28, $0x1;
	[dreg:$0x2] =	wrdreg s3  }
0xa9: {  	[dreg:$0x3] =	wrdreg s5  }
0xaa: {  	[dreg:$0x4] =	wrdreg $0xC0  }
0xab: {  	_ =	task [dreg:s7], $0x5FFFF  }
0xac: {  	[dreg:$0x1] =	wrdreg $0xFFFFFFFF  }
0xad: {  	[dreg:$0x0] =	wrdreg $0x60  }
0xae: {  	[dreg:$0x2] =	wrdreg s24  }
0xaf: {  	[dreg:$0x3] =	wrdreg s2  }
0xb0: {  	[dreg:$0x4] =	wrdreg $0x9E200  }
0xb1: {  	[dreg:$0x5] =	wrdreg $0x9  }
0xb2: {  	_ =	task.clear_ibuf [dreg:s7], $0x6FFFF;
	_ =	strace $0x90000049  }
0xb3: {  	s29 =	simm.s32 $0x9;
	_ =	strace $0x8000004B  }
0xb4: {  	_ =	swait.ge [sflag:s29], $0x1  }
0xb5: {  	[sflag:s29] =	ssyncadd.s32 $0xFFFFFFFF  }
0xb6: {  	_ =	strace $0x9000004B  }
0xb7: {  	_ =	sfence  }
0xb8: {  	s30 =	sld [smem:$0x0];
	_ =	sdelay $0x2  }
0xb9: {  	s31 =	sshll.u32 s1, $0xD;
	s1 =	sshrl.u32 s1, $0x2  }
0xba: {  	s3 =	sand.u32 $0x4000, s31;
	s1 =	sadd.s32 s1, s30  }
0xbb: {  	s0 =	sor.u32 s3, s0;
	s1 =	sshll.u32 s1, $0x11  }
0xbc: {  	s0 =	sor.u32 s1, s0  }
0xbd: {  	s0 =	sadd.s32 $0x8F2B, s0  }
0xbe: {  	[sflag:s0] =	ssyncadd.remote.s32 $0x1  }
0xbf: {  	_ =	sfence.sel $0xFFFF  }
0xc0: {  	[dreg:$0x0] =	wrdreg $0xFFFFFFFF;
	(pc) =	sbr.abs _section_cstart, $3  }
0xc1: {  	[dreg:$0x1] =	wrdreg $0xFFFFFFFF  }
0xc2: {  	_ =	task.clear_ibuf [dreg:s7], $0x2FFFF;
	_ =	strace $0x9FFFFFFF  }
0xc3: {  	(tm) =	ssettm $0x7FFFFFFF  }
tec
execute0_lowered:
.L_overlay_start_1:
0x0: {  	(tag) =	ssettag $0x1  }
0x1: {  	s0 =	rddreg [dreg:$0x0]  }
0x2: {  	s3 =	rddreg [dreg:$0x2]  }
0x3: {  	s1 =	srdreg.scid;
	s7 =	stileid.u32  }
0x4: {  	s4 =	simm.s32 $0x0;
	s18 =	simm.s32 $0x5000;
	s19 =	simm.s32 $0x5  }
0x5: {  	s20 =	simm.s32 $0x7710;
	s21 =	simm.s32 $0x50;
	s23 =	simm.s32 $0x2800  }
0x6: {  	s24 =	simm.s32 $0x1;
	s28 =	simm.s32 $0x3;
	s29 =	simm.s32 $0x4  }
0x7: {  	s30 =	simm.s32 $0x76C0;
	s31 =	simm.s32 $0x9DD0;
	s1 =	sand.u32 $0x1, s1  }
0x8: {  	s8 =	smul.u32 $0x14000, s7;
	[smem:$0x7FF] =	sst s4;
	s5 =	sadd.s32 $0x71800, s0  }
0x9: {  	s2 =	sshll.u32 s1, $0x4;
	s6 =	smul.u32 $0x140000, s1;
	_ =	strace $0x8000004A  }
0xa: {  	s1 =	ssub.s32 $0x2, s1;
	s2 =	sor.u32 s7, s2;
	s7 =	smul.u32 $0x50000, s7  }
0xb: {  	s9 =	sshrl.u32 s1, $0x1;
	s2 =	smul.u32 $0x4E2, s2;
	s6 =	sadd.s32 s8, s6  }
0xc: {  	s1 =	ssub.s32 s1, s9;
	s8 =	sadd.s32 s8, s3;
	s6 =	sshrl.u32 s6, $0x3  }
0xd: {  	s25 =	sshrl.u32 s7, $0x2;
	s17 =	smax.u32 s1, $0x1;
	s2 =	sadd.s32 s2, s0  }
0xe: {  	s0 =	sadd.s32 s6, s0;
	s26 =	sadd.s32 s25, s3;
	s25 =	simm.s32 $0x2  }
0xf: {  	s6 =	sadd.s32 $0xD200, s2;
	s7 =	sadd.s32 $0x3400, s2;
	s9 =	sadd.s32 $0x2800, s26  }
0x10: {  	s10 =	sadd.s32 $0x5000, s26;
	s11 =	sadd.s32 $0x7800, s26;
	s12 =	sadd.s32 $0xA000, s26  }
0x11: {  	s13 =	sadd.s32 $0xC800, s26;
	s14 =	sadd.s32 $0xF000, s26;
	s15 =	sadd.s32 $0x11800, s26  }
0x12: {  	s16 =	sadd.s32 $0x99800, s0;
	s26 =	simm.s32 $0x7760;
	s0 =	simm.s32 $0x0  }
.LBB2_1:
0x13: {  	[tilespmem:s18], [sflag:$0x5] =	stream.linear.gather [hbm4b:s6+s4], $0x2710, $0x38;
	[tilespmem:$0x1DE20] =	vst v63  }
0x14: {  	_ =	swait.ge [sflag:s19], $0x2710  }
0x15: {  	[sflag:s19] =	ssyncset.done $0x0  }
0x16: {  	[sflag:s19] =	ssyncadd.s32 $0xFFFFD8F0  }
0x17: {  	[tilespmem:s20], [sflag:$0x5] =	stream.linear.gather [hbm4b:s7+s4], $0x2710, $0x38;
	[tilespmem:$0x1DE20] =	vst v63  }
0x18: {  	_ =	swait.ge [sflag:s19], $0x2710  }
0x19: {  	[sflag:s19] =	ssyncset.done $0x0  }
0x1a: {  	[sflag:s19] =	ssyncadd.s32 $0xFFFFD8F0  }
0x1b: {  	s1 =	rddreg [dreg:$0x1]  }
0x1c: {  	[tilespmem:s4], [sflag:$0x5] =	stream.linear.gather [hbm4b:s1+s4], $0x2800, $0x38;
	[tilespmem:$0x1DE20] =	vst v63  }
0x1d: {  	_ =	swait.ge [sflag:s19], $0x2800  }
0x1e: {  	[sflag:s19] =	ssyncset.done $0x0  }
0x1f: {  	[sflag:s19] =	ssyncadd.s32 $0xFFFFD800  }
0x20: {  	[spmem:s8] =	stream.linear.scatter [tilespmem:s4], [sflag:$0x5], $0x2800, $0x38;
	[tilespmem:$0x1DE20] =	vst v63  }
0x21: {  	_ =	swait.ge [sflag:s19], $0x2800  }
0x22: {  	[sflag:s19] =	ssyncset.done $0x0  }
0x23: {  	[sflag:s19] =	ssyncadd.s32 $0xFFFFD800  }
0x24: {  	[spmem:s9] =	stream.linear.scatter [tilespmem:s4], [sflag:$0x5], $0x2800, $0x38;
	[tilespmem:$0x1DE20] =	vst v63  }
0x25: {  	_ =	swait.ge [sflag:s19], $0x2800  }
0x26: {  	[sflag:s19] =	ssyncset.done $0x0  }
0x27: {  	[sflag:s19] =	ssyncadd.s32 $0xFFFFD800  }
0x28: {  	[spmem:s10] =	stream.linear.scatter [tilespmem:s4], [sflag:$0x5], $0x2800, $0x38;
	[tilespmem:$0x1DE20] =	vst v63  }
0x29: {  	_ =	swait.ge [sflag:s19], $0x2800  }
0x2a: {  	[sflag:s19] =	ssyncset.done $0x0  }
0x2b: {  	[sflag:s19] =	ssyncadd.s32 $0xFFFFD800  }
0x2c: {  	[spmem:s11] =	stream.linear.scatter [tilespmem:s4], [sflag:$0x5], $0x2800, $0x38;
	[tilespmem:$0x1DE20] =	vst v63  }
0x2d: {  	_ =	swait.ge [sflag:s19], $0x2800  }
0x2e: {  	[sflag:s19] =	ssyncset.done $0x0  }
0x2f: {  	[sflag:s19] =	ssyncadd.s32 $0xFFFFD800  }
0x30: {  	[spmem:s12] =	stream.linear.scatter [tilespmem:s4], [sflag:$0x5], $0x2800, $0x38;
	[tilespmem:$0x1DE20] =	vst v63  }
0x31: {  	_ =	swait.ge [sflag:s19], $0x2800  }
0x32: {  	[sflag:s19] =	ssyncset.done $0x0  }
0x33: {  	[sflag:s19] =	ssyncadd.s32 $0xFFFFD800  }
0x34: {  	[spmem:s13] =	stream.linear.scatter [tilespmem:s4], [sflag:$0x5], $0x2800, $0x38;
	[tilespmem:$0x1DE20] =	vst v63  }
0x35: {  	_ =	swait.ge [sflag:s19], $0x2800  }
0x36: {  	[sflag:s19] =	ssyncset.done $0x0  }
0x37: {  	[sflag:s19] =	ssyncadd.s32 $0xFFFFD800  }
0x38: {  	[spmem:s14] =	stream.linear.scatter [tilespmem:s4], [sflag:$0x5], $0x2800, $0x38;
	[tilespmem:$0x1DE20] =	vst v63  }
0x39: {  	_ =	swait.ge [sflag:s19], $0x2800  }
0x3a: {  	[sflag:s19] =	ssyncset.done $0x0  }
0x3b: {  	[sflag:s19] =	ssyncadd.s32 $0xFFFFD800  }
0x3c: {  	[spmem:s15] =	stream.linear.scatter [tilespmem:s4], [sflag:$0x5], $0x2800, $0x38;
	[tilespmem:$0x1DE20] =	vst v63  }
0x3d: {  	_ =	swait.ge [sflag:s19], $0x2800  }
0x3e: {  	[sflag:s19] =	ssyncset.done $0x0  }
0x3f: {  	[sflag:s19] =	ssyncadd.s32 $0xFFFFD800  }
0x40: {  	[bflag:$0x0] =	sbarrier.arrive $0xFFFF  }
0x41: {  	[tilespmem:s4], [sflag:$0x1] =	stream.indirect.gather [hbm4b:s5+s21], $0x80, s18, s21, $0xb8;
	[tilespmem:$0x1DE20] =	vst v63  }
0x42: {  	s2 =	simm.s32 $0x5050  }
0x43: {  	[tilespmem:s23], [sflag:$0x2] =	stream.indirect.gather [hbm4b:s5+s21], $0x80, s2, s21, $0xb8;
	[tilespmem:$0x1DE20] =	vst v63  }
0x44: {  	_ =	swait.ge [sflag:s24], $0x2800  }
0x45: {  	[sflag:s24] =	ssyncset.done $0x0  }
0x46: {  	[sflag:s24] =	ssyncadd.s32 $0xFFFFD800  }
0x47: {  	[spmem:s3] =	stream.indirect.scatter.add.f32 [tilespmem:s4], [sflag:$0x3], $0x80, s20, s21, $0xb8;
	[tilespmem:$0x1DE20] =	vst v63  }
0x48: {  	_ =	swait.ge [sflag:s25], $0x2800  }
0x49: {  	[sflag:s25] =	ssyncset.done $0x0  }
0x4a: {  	[sflag:s25] =	ssyncadd.s32 $0xFFFFD800  }
0x4b: {  	[spmem:s3] =	stream.indirect.scatter.add.f32 [tilespmem:s23], [sflag:$0x4], $0x80, s26, s21, $0xb8;
	[tilespmem:$0x1DE20] =	vst v63  }
0x4c: {  	_ =	swait.ge [sflag:s28], $0x2800  }
0x4d: {  	[sflag:s28] =	ssyncset.done $0x0  }
0x4e: {  	[sflag:s28] =	ssyncadd.s32 $0xFFFFD800  }
0x4f: {  	_ =	swait.ge [sflag:s29], $0x2800  }
0x50: {  	[sflag:s29] =	ssyncset.done $0x0  }
0x51: {  	s22 =	simm.s32 $0x50A0;
	[sflag:s29] =	ssyncadd.s32 $0xFFFFD800  }
0x52: {  	[tilespmem:s4], [sflag:$0x1] =	stream.indirect.gather [hbm4b:s5+s21], $0x80, s22, s21, $0xb8;
	[tilespmem:$0x1DE20] =	vst v63  }
0x53: {  	s2 =	simm.s32 $0x50F0  }
0x54: {  	[tilespmem:s23], [sflag:$0x2] =	stream.indirect.gather [hbm4b:s5+s21], $0x80, s2, s21, $0xb8;
	[tilespmem:$0x1DE20] =	vst v63  }
0x55: {  	_ =	swait.ge [sflag:s24], $0x2800  }
0x56: {  	[sflag:s24] =	ssyncset.done $0x0  }
0x57: {  	s22 =	simm.s32 $0x77B0;
	[sflag:s24] =	ssyncadd.s32 $0xFFFFD800  }
0x58: {  	[spmem:s3] =	stream.indirect.scatter.add.f32 [tilespmem:s4], [sflag:$0x3], $0x80, s22, s21, $0xb8;
	[tilespmem:$0x1DE20] =	vst v63  }
0x59: {  	_ =	swait.ge [sflag:s25], $0x2800  }
0x5a: {  	[sflag:s25] =	ssyncset.done $0x0  }
0x5b: {  	s1 =	simm.s32 $0x7800;
	s2 =	simm.s32 $0xFFFF6A00;
	[sflag:s25] =	ssyncadd.s32 $0xFFFFD800  }
.LBB2_2:
0x5c: {  	[spmem:s3] =	stream.indirect.scatter.add.f32 [tilespmem:s23], [sflag:$0x4], $0x80, s1, s21, $0xb8;
	[tilespmem:$0x1DE20] =	vst v63  }
0x5d: {  	s1 =	smov.u32 s2  }
0x5e: {  	p0 =	sne.s32 s2, $0xFFFFFD80;
	s2 =	sadd.s32 $0x280, s2;
	_ =	swait.ge [sflag:s28], $0x2800  }
0x5f: {  	[sflag:s28] =	ssyncset.done $0x0  }
0x60: {  	[sflag:s28] =	ssyncadd.s32 $0xFFFFD800  }
0x61: {  	_ =	swait.ge [sflag:s29], $0x2800  }
0x62: {  	s1 =	sshra.s32 s1, $0x2;
	[sflag:s29] =	ssyncset.done $0x0  }
0x63: {  	s22 =	sadd.s32 $0x76C0, s1;
	[sflag:s29] =	ssyncadd.s32 $0xFFFFD800  }
0x64: {  	[tilespmem:s4], [sflag:$0x1] =	stream.indirect.gather [hbm4b:s5+s21], $0x80, s22, s21, $0xb8;
	[tilespmem:$0x1DE20] =	vst v63  }
0x65: {  	s22 =	sadd.s32 $0x7710, s1  }
0x66: {  	[tilespmem:s23], [sflag:$0x2] =	stream.indirect.gather [hbm4b:s5+s21], $0x80, s22, s21, $0xb8;
	[tilespmem:$0x1DE20] =	vst v63  }
0x67: {  	_ =	swait.ge [sflag:s24], $0x2800  }
0x68: {  	[sflag:s24] =	ssyncset.done $0x0  }
.Ltmp0:
0x69: {  	s22 =	sadd.s32 $0x9DD0, s1;
	[sflag:s24] =	ssyncadd.s32 $0xFFFFD800;
	(pc) =	sbr.rel @p0 .LBB2_2-.Ltmp0, $4  }
0x6a: {  	[spmem:s3] =	stream.indirect.scatter.add.f32 [tilespmem:s4], [sflag:$0x3], $0x80, s22, s21, $0xb8;
	[tilespmem:$0x1DE20] =	vst v63  }
0x6b: {  	_ =	swait.ge [sflag:s25], $0x2800  }
0x6c: {  	[sflag:s25] =	ssyncset.done $0x0  }
0x6d: {  	s1 =	sadd.s32 $0x9E20, s1;
	[sflag:s25] =	ssyncadd.s32 $0xFFFFD800  }
0x6e: {  	[spmem:s3] =	stream.indirect.scatter.add.f32 [tilespmem:s23], [sflag:$0x4], $0x80, s1, s21, $0xb8;
	[tilespmem:$0x1DE20] =	vst v63  }
0x6f: {  	_ =	swait.ge [sflag:s28], $0x2800  }
0x70: {  	[sflag:s28] =	ssyncset.done $0x0  }
0x71: {  	[sflag:s28] =	ssyncadd.s32 $0xFFFFD800  }
0x72: {  	_ =	swait.ge [sflag:s29], $0x2800  }
0x73: {  	[sflag:s29] =	ssyncset.done $0x0  }
0x74: {  	[sflag:s29] =	ssyncadd.s32 $0xFFFFD800  }
0x75: {  	[tilespmem:s4], [sflag:$0x1] =	stream.indirect.gather [hbm4b:s5+s21], $0x80, s30, s21, $0xb8;
	[tilespmem:$0x1DE20] =	vst v63  }
0x76: {  	_ =	swait.ge [sflag:s24], $0x2800  }
0x77: {  	[sflag:s24] =	ssyncset.done $0x0  }
0x78: {  	[sflag:s24] =	ssyncadd.s32 $0xFFFFD800  }
0x79: {  	[spmem:s3] =	stream.indirect.scatter.add.f32 [tilespmem:s4], [sflag:$0x5], $0x80, s31, s21, $0xb8;
	[tilespmem:$0x1DE20] =	vst v63  }
0x7a: {  	s22 =	stileid.u32;
	_ =	swait.ge [sflag:s19], $0x2800  }
0x7b: {  	s2 =	sshrl.u32 s8, $0x3;
	s0 =	sadd.s32 $0x1, s0;
	[sflag:s19] =	ssyncset.done $0x0  }
0x7c: {  	s1 =	sshll.u32 s22, $0x6;
	p0 =	sne.s32 s0, s17;
	[sflag:s19] =	ssyncadd.s32 $0xFFFFD800  }
.Ltmp1:
0x7d: {  	s1 =	sor.u32 $0x1C05, s1;
	[bflag:$0x0] =	sbarrier.arrive $0xFFFF;
	(pc) =	sbr.rel @p0 .LBB2_1-.Ltmp1, $4  }
0x7e: {  	[hbm:s16], [sflag:s1] =	dma.local [spmem:s2], $0x2800  }
0x7f: {  	_ =	swait.ge [sflag:s19], $0x2800  }
0x80: {  	[sflag:s19] =	ssyncset.done $0x0  }
0x81: {  	[sflag:s19] =	ssyncadd.s32 $0xFFFFD800  }
0x82: {  	_ =	sfence.sel $0x180000  }
0x83: {  	[bflag:$0x0] =	sbarrier.arrive $0xFFFF  }
0x84: {  	_ =	strace $0x9000004A  }
0x85: {  	s0 =	stileid.u32;
	[bflag:$0x2] =	sbarrier.arrive $0xFFFF  }
0x86: {  	p0 =	sne.s32 s0, $0x0;
	s0 =	rddreg [dreg:$0x3]  }
0x87: {  	s0 =	sadd.s32 @!p0 $0x100000, s0  }
0x88: {  	[sflag:s0] =	ssyncadd.tile.s32 @!p0 $0x1;
	_ =	shalt  }
.Lfunc_end2:
_tile_overlayer_lowered:
.L_overlay_start_2:
0x89: {  	(tag) =	ssettag $0x2  }
0x8a: {  	s0 =	rddreg [dreg:$0x0];
	s2 =	stileid.u32  }
0x8b: {  	s1 =	rddreg [dreg:$0x1];
	p0 =	sne.s32 s2, $0x0  }
0x8c: {  	s3 =	rddreg [dreg:$0x2];
	[bflag:$0x3] =	sbarrier.arrive $0xFFFF;
	s2 =	simm.s32 @!p0 $0x1C05  }
0x8d: {  	[timem:s3], [sflag:s2] =	dma.local @!p0 [hbm:s0], s1  }
0x8e: {  	s0 =	simm.s32 @!p0 $0x5  }
0x8f: {  	_ =	swait.ge @!p0 [sflag:s0], s1  }
0x90: {  	s1 =	ssub.s32 @!p0 $0x0, s1;
	[sflag:s0] =	ssyncset.done @!p0 $0x0  }
0x91: {  	[sflag:s0] =	ssyncadd.s32 @!p0 s1  }
0x92: {  	[bflag:$0x3] =	sbarrier.arrive $0xFFFF  }
0x93: {  	_ =	shalt  }

// kernel: kernel.16.cloned.1.call-start
scs
__scs_entry_jumppad:
0x0: {  	(pc) =	sbr.rel $0x88, $3  }
0x1: {  	(tag) =	ssettag $0x0;
	lr =	simm.s32 $0x1  }
0x2: {  	[smem:$0x3F99] =	sst lr;
	_ =	strace $0xD0000000  }
0x3: {  	_ = 	snop  }
0x4: {  	_ = 	snop  }
0x5: {  	_ = 	snop  }
0x6: {  	_ = 	snop  }
0x7: {  	_ = 	snop  }
__scs_overlays_trampoline_lowered:
0x8: {  	[smem:$0x3FA8] =	sst s0  }
0x9: {  	[smem:$0x3FA9] =	sst s1  }
0xa: {  	[smem:$0x3FAA] =	sst s2  }
0xb: {  	[smem:$0x3FAB] =	sst s3  }
0xc: {  	[smem:$0x3FAC] =	sst s4  }
0xd: {  	[smem:$0x3FAD] =	sst s5  }
0xe: {  	[smem:$0x3FAE] =	sst s6  }
0xf: {  	[smem:$0x3FAF] =	sst s7  }
0x10: {  	[smem:$0x3FB0] =	sst s8  }
0x11: {  	[smem:$0x3FB1] =	sst s9;
	s0 =	simm.s32 @!p0 $0x0  }
0x12: {  	s1 =	sld [smem:$0x3F97];
	s0 =	simm.s32 @p0 $0x1  }
0x13: {  	[smem:$0x3FB2] =	sst s0;
	s0 =	simm.s32 @!p1 $0x0  }
0x14: {  	s2 =	sld [smem:$0x3F96];
	s0 =	simm.s32 @p1 $0x1  }
0x15: {  	[smem:$0x3FB3] =	sst s0;
	s0 =	simm.s32 @!p2 $0x0  }
0x16: {  	s3 =	sld [smem:$0x3FDB];
	s0 =	simm.s32 @p2 $0x1  }
0x17: {  	s4 =	simm.s32 $0x1BF5;
	[smem:$0x3FB5] =	sst s0  }
0x18: {  	s0 =	sld [smem:$0x3F98];
	_ =	swait.ge [sflag:s4], $0x0  }
0x19: {  	s7 =	sld [smem:$0x3F99]  }
0x1a: {  	s8 =	sadd.s32 $0xFFFFE003, lr  }
0x1b: {  	s9 =	sadd.s32 $0xFFFFFEF7, lr;
	s5 =	simm.s32 $0xFFFFFFFF;
	p2 =	slt.u32 s8, $0xFFFFF086  }
0x1c: {  	p1 =	slt.u32 s9, $0xF7A;
	s5 =	simm.s32 @!p2 $0x0  }
0x1d: {  	s5 =	simm.s32 @p1 $0x1;
	p0 =	seq.s32 s7, s2  }
0x1e: {  	s7 =	smul.u32 @!p0 $0xF7A, s2;
	p2 =	seq.s32 @!p0 s5, $0x0  }
0x1f: {  	s9 =	smul.u32 $0xF7A, s1;
	s8 =	simm.s32 @!p0 $0x1BF5;
	p2 =	por !p2, p0  }
0x20: {  	[sflag:s8] =	ssyncset.s32 @!p0 $0xFFFFF086;
	s6 =	sadd.s32 @!p0 s3, s7;
	s7 =	simm.s32 @!p0 $0x108  }
0x21: {  	s3 =	sadd.s32 s3, s9;
	s6 =	sadd.s32 @!p0 $0x88, s6;
	s7 =	simm.s32 @p2 $0x1082  }
0x22: {  	[simem:s7], [sflag:s8] =	dma.local @!p0 [hbm:s6], $0xF7A  }
0x23: {  	s9 =	sor.u32 $0xD0000000, s2;
	s6 =	simm.s32 $0x108;
	_ =	swait.ge @!p0 [sflag:s8], $0x0  }
0x24: {  	s3 =	sadd.s32 $0x88, s3;
	s6 =	simm.s32 @!p1 $0x1082;
	[sflag:s4] =	ssyncset.s32 $0xFFFFF086  }
0x25: {  	[simem:s6], [sflag:s4] =	dma.local [hbm:s3], $0xF7A  }
0x26: {  	[smem:$0x3F99] =	sst s1;
	(tag) =	ssettag s2;
	_ =	strace s9  }
0x27: {  	s1 =	sld [smem:$0x3FA9]  }
0x28: {  	s2 =	sld [smem:$0x3FAA]  }
0x29: {  	s4 =	sld [smem:$0x3FAC]  }
0x2a: {  	p0 =	seq.s32 s5, $0x0;
	s5 =	sld [smem:$0x3FAD]  }
0x2b: {  	s6 =	sld [smem:$0x3FAE]  }
0x2c: {  	s7 =	sld [smem:$0x3FAF]  }
0x2d: {  	s3 =	simm.s32 $0x108;
	s8 =	sld [smem:$0x3FB0]  }
0x2e: {  	s3 =	simm.s32 @!p0 $0x1082;
	s9 =	sld [smem:$0x3FB1]  }
0x2f: {  	lr =	sadd.s32 s0, s3;
	s0 =	sld [smem:$0x3FA8]  }
0x30: {  	s3 =	sld [smem:$0x3FAB]  }
0x31: {  	[smem:$0x3FB4] =	sst s10  }
0x32: {  	s10 =	sld [smem:$0x3FB2];
	_ =	sdelay $0x3  }
0x33: {  	p0 =	seq.s32 s10, $0x1;
	s10 =	sld [smem:$0x3FB4];
	_ =	sdelay $0x3  }
0x34: {  	[smem:$0x3FB4] =	sst s10  }
0x35: {  	s10 =	sld [smem:$0x3FB3];
	_ =	sdelay $0x3  }
0x36: {  	p1 =	seq.s32 s10, $0x1;
	s10 =	sld [smem:$0x3FB4];
	_ =	sdelay $0x3  }
0x37: {  	[smem:$0x3FB4] =	sst s10  }
0x38: {  	s10 =	sld [smem:$0x3FB5]  }
0x39: {  	_ = 	snop;
	(pc) =	sbr.ind lr, $3  }
0x3a: {  	_ = 	snop  }
0x3b: {  	_ = 	snop  }
0x3c: {  	p2 =	seq.s32 s10, $0x1;
	s10 =	sld [smem:$0x3FB4]  }
0x3d: {  	_ =	shalt  }
0x3e: {  	_ =	shalt  }
0x3f: {  	_ =	shalt  }
0x40: {  	_ =	shalt  }
0x41: {  	_ =	shalt  }
0x42: {  	_ =	shalt  }
0x43: {  	_ =	shalt  }
0x44: {  	_ =	shalt  }
0x45: {  	_ =	shalt  }
0x46: {  	_ =	shalt  }
0x47: {  	_ =	shalt  }
0x48: {  	_ =	shalt  }
0x49: {  	_ =	shalt  }
0x4a: {  	_ =	shalt  }
0x4b: {  	_ =	shalt  }
0x4c: {  	_ =	shalt  }
0x4d: {  	_ =	shalt  }
0x4e: {  	_ =	shalt  }
0x4f: {  	_ =	shalt  }
0x50: {  	_ =	shalt  }
0x51: {  	_ =	shalt  }
0x52: {  	_ =	shalt  }
0x53: {  	_ =	shalt  }
0x54: {  	_ =	shalt  }
0x55: {  	_ =	shalt  }
0x56: {  	_ =	shalt  }
0x57: {  	_ =	shalt  }
0x58: {  	_ =	shalt  }
0x59: {  	_ =	shalt  }
0x5a: {  	_ =	shalt  }
0x5b: {  	_ =	shalt  }
0x5c: {  	_ =	shalt  }
0x5d: {  	_ =	shalt  }
0x5e: {  	_ =	shalt  }
0x5f: {  	_ =	shalt  }
0x60: {  	_ =	shalt  }
0x61: {  	_ =	shalt  }
0x62: {  	_ =	shalt  }
0x63: {  	_ =	shalt  }
0x64: {  	_ =	shalt  }
0x65: {  	_ =	shalt  }
0x66: {  	_ =	shalt  }
0x67: {  	_ =	shalt  }
0x68: {  	_ =	shalt  }
0x69: {  	_ =	shalt  }
0x6a: {  	_ =	shalt  }
0x6b: {  	_ =	shalt  }
0x6c: {  	_ =	shalt  }
0x6d: {  	_ =	shalt  }
0x6e: {  	_ =	shalt  }
0x6f: {  	_ =	shalt  }
0x70: {  	_ =	shalt  }
0x71: {  	_ =	shalt  }
0x72: {  	_ =	shalt  }
0x73: {  	_ =	shalt  }
0x74: {  	_ =	shalt  }
0x75: {  	_ =	shalt  }
0x76: {  	_ =	shalt  }
0x77: {  	_ =	shalt  }
0x78: {  	_ =	shalt  }
0x79: {  	_ =	shalt  }
0x7a: {  	_ =	shalt  }
0x7b: {  	_ =	shalt  }
0x7c: {  	_ =	shalt  }
0x7d: {  	_ =	shalt  }
0x7e: {  	_ =	shalt  }
0x7f: {  	_ =	shalt  }
0x80: {  	_ =	shalt  }
0x81: {  	_ =	shalt  }
0x82: {  	_ =	shalt  }
0x83: {  	_ =	shalt  }
0x84: {  	_ =	shalt  }
0x85: {  	_ =	shalt  }
0x86: {  	_ =	shalt  }
0x87: {  	_ =	shalt  }
.Lfunc_end0:
.L_simem_size_0:
called_computation.2_lowered:
.L_overlay_start_0:
0x88: {  	s2 =	sld [smem:$0x3FD9]  }
0x89: {  	s3 =	sld [smem:$0x3FFE];
	_ =	sdelay $0x1  }
0x8a: {  	s1 =	srdreg.scid  }
0x8b: {  	s0 =	sand.u32 $0x1, s1  }
0x8c: {  	s17 =	sshll.u32 s0, $0xA;
	s2 =	sadd.s32 s3, s2  }
0x8d: {  	s2 =	sadd.s32 s2, s17  }
0x8e: {  	[smem:$0x3FC0] =	sst s2  }
0x8f: {  	_ = 	snop  }
0x90: {  	s2 =	sld [smem:$0x3FD0];
	(tm) =	ssettm $0x1  }
0x91: {  	s18 =	sld [smem:$0x3FFB];
	_ =	sdelay $0x3  }
0x92: {  	_ =	strace s18  }
0x93: {  	s3 =	sld [smem:$0x3FFC];
	_ =	sdelay $0x3  }
0x94: {  	_ =	strace s3  }
0x95: {  	s3 =	sld [smem:$0x3FFD];
	_ =	sdelay $0x3  }
0x96: {  	_ =	strace s3  }
0x97: {  	_ =	strace $0x8FFFFFFF  }
0x98: {  	s19 =	sld [smem:$0x3FDB];
	_ =	sdelay $0x1  }
0x99: {  	s4 =	simm.s32 $_scs_section_size  }
0x9a: {  	s5 =	simm.s32 $_size__tile_overlayer_lowered;
	s6 =	simm.s32 $_tile_overlayer_lowered  }
0x9b: {  	s22 =	simm.s32 $0x1BFF;
	s21 =	sshll.u32 s6, $0x1;
	s3 =	sadd.s32 s4, s19  }
0x9c: {  	s7 =	simm.s32 $0x0;
	s20 =	sshll.u32 s5, $0x1;
	s5 =	sadd.s32 s21, s3  }
0x9d: {  	[timem:s7], [sflag:s22] =	dma.local [hbm:s5], s20  }
0x9e: {  	_ =	swait.ge [sflag:s22], s20  }
0x9f: {  	s4 =	ssub.s32 $0x0, s20;
	[sflag:s22] =	ssyncset.done $0x0  }
0xa0: {  	[sflag:s22] =	ssyncadd.s32 s4;
	_ =	sdelay $0x1  }
0xa1: {  	s23 =	simm.s32 $0x1B8B  }
0xa2: {  	_ =	swait.ge [sflag:s23], $0x1  }
0xa3: {  	[sflag:s23] =	ssyncset.done $0x0  }
0xa4: {  	s25 =	simm.s32 $0x1B8E;
	s24 =	sld [smem:$0x3FFE];
	[sflag:s23] =	ssyncadd.s32 $0xFFFFFFFF  }
0xa5: {  	s26 =	simm.s32 $execute0_lowered;
	[smem:$0x3FD2] =	sst s25  }
0xa6: {  	s5 =	sshll.u32 s26, $0x1;
	_ =	strace $0x8000004C;
	[dreg:$0x1] =	wrdreg $0xFFFFFFFF  }
0xa7: {  	s28 =	simm.s32 $_size_execute0_lowered;
	s3 =	sadd.s32 s3, s5;
	[dreg:$0x0] =	wrdreg $0x0  }
0xa8: {  	s5 =	sshll.u32 s28, $0x1;
	[dreg:$0x2] =	wrdreg s3  }
0xa9: {  	[dreg:$0x3] =	wrdreg s5  }
0xaa: {  	[dreg:$0x4] =	wrdreg $0xC0  }
0xab: {  	_ =	task [dreg:s7], $0x5FFFF  }
0xac: {  	[dreg:$0x1] =	wrdreg $0xFFFFFFFF  }
0xad: {  	[dreg:$0x0] =	wrdreg $0x60  }
0xae: {  	[dreg:$0x2] =	wrdreg s24  }
0xaf: {  	[dreg:$0x3] =	wrdreg s2  }
0xb0: {  	[dreg:$0x4] =	wrdreg $0x9E200  }
0xb1: {  	[dreg:$0x5] =	wrdreg $0x9  }
0xb2: {  	_ =	task.clear_ibuf [dreg:s7], $0x6FFFF;
	_ =	strace $0x9000004C  }
0xb3: {  	s29 =	simm.s32 $0x9;
	_ =	strace $0x8000004E  }
0xb4: {  	_ =	swait.ge [sflag:s29], $0x1  }
0xb5: {  	[sflag:s29] =	ssyncadd.s32 $0xFFFFFFFF  }
0xb6: {  	_ =	strace $0x9000004E  }
0xb7: {  	_ =	sfence  }
0xb8: {  	s30 =	sld [smem:$0x0];
	_ =	sdelay $0x2  }
0xb9: {  	s31 =	sshll.u32 s1, $0xD;
	s1 =	sshrl.u32 s1, $0x2  }
0xba: {  	s3 =	sand.u32 $0x4000, s31;
	s1 =	sadd.s32 s1, s30  }
0xbb: {  	s0 =	sor.u32 s3, s0;
	s1 =	sshll.u32 s1, $0x11  }
0xbc: {  	s0 =	sor.u32 s1, s0  }
0xbd: {  	s0 =	sadd.s32 $0x8F2B, s0  }
0xbe: {  	[sflag:s0] =	ssyncadd.remote.s32 $0x1  }
0xbf: {  	_ =	sfence.sel $0xFFFF  }
0xc0: {  	[dreg:$0x0] =	wrdreg $0xFFFFFFFF;
	(pc) =	sbr.abs _section_cstart, $3  }
0xc1: {  	[dreg:$0x1] =	wrdreg $0xFFFFFFFF  }
0xc2: {  	_ =	task.clear_ibuf [dreg:s7], $0x2FFFF;
	_ =	strace $0x9FFFFFFF  }
0xc3: {  	(tm) =	ssettm $0x7FFFFFFF  }
tec
execute0_lowered:
.L_overlay_start_1:
0x0: {  	(tag) =	ssettag $0x1  }
0x1: {  	s0 =	srdreg.scid;
	s1 =	rddreg [dreg:$0x0]  }
0x2: {  	s18 =	rddreg [dreg:$0x1];
	s9 =	stileid.u32  }
0x3: {  	s3 =	rddreg [dreg:$0x2];
	s4 =	simm.s32 $0x0;
	s20 =	simm.s32 $0x5000  }
0x4: {  	s21 =	simm.s32 $0x5;
	s22 =	simm.s32 $0x7710;
	s23 =	simm.s32 $0x50  }
0x5: {  	s19 =	simm.s32 $0x5050;
	s28 =	simm.s32 $0x2;
	s29 =	simm.s32 $0x7760  }
0x6: {  	s30 =	simm.s32 $0x3;
	s31 =	simm.s32 $0x4;
	s0 =	sand.u32 $0x1, s0  }
0x7: {  	[smem:$0x7FF] =	sst s4;
	s7 =	smul.u32 $0x14000, s9;
	s5 =	sadd.s32 $0x71800, s1  }
0x8: {  	s6 =	sadd.s32 $0x99800, s1;
	s2 =	sshll.u32 s0, $0x4;
	_ =	strace $0x8000004D  }
0x9: {  	s8 =	smul.u32 $0x140000, s0;
	s0 =	ssub.s32 $0x2, s0;
	s2 =	sor.u32 s9, s2  }
0xa: {  	s9 =	smul.u32 $0x50000, s9;
	s10 =	sshrl.u32 s0, $0x1;
	s16 =	sadd.s32 s7, s3  }
0xb: {  	s2 =	smul.u32 $0x4E2, s2;
	s8 =	sadd.s32 s7, s8;
	s0 =	ssub.s32 s0, s10  }
0xc: {  	s8 =	sshrl.u32 s8, $0x3;
	s9 =	sshrl.u32 s9, $0x2;
	s0 =	smax.u32 s0, $0x1  }
0xd: {  	s2 =	sadd.s32 s2, s1;
	s1 =	sadd.s32 s8, s1;
	s24 =	sadd.s32 s9, s3  }
0xe: {  	[dreg:$0x8] =	wrdreg s0;
	s0 =	simm.s32 $0x9DD0;
	s25 =	sadd.s32 $0xD200, s2  }
0xf: {  	s2 =	sadd.s32 $0x3400, s2;
	s9 =	sadd.s32 $0x2800, s24;
	s10 =	sadd.s32 $0x5000, s24  }
0x10: {  	s11 =	sadd.s32 $0x7800, s24;
	s12 =	sadd.s32 $0xA000, s24;
	[dreg:$0x4] =	wrdreg s25  }
0x11: {  	s13 =	sadd.s32 $0xC800, s24;
	s26 =	sadd.s32 $0x139800, s1;
	[dreg:$0x5] =	wrdreg s2  }
0x12: {  	s14 =	sadd.s32 $0xF000, s24;
	s1 =	sadd.s32 $0x189800, s1;
	[dreg:$0x6] =	wrdreg s26  }
0x13: {  	s15 =	sadd.s32 $0x11800, s24;
	[dreg:$0x7] =	wrdreg s1;
	s25 =	simm.s32 $0x2800  }
0x14: {  	s26 =	simm.s32 $0x1;
	s1 =	simm.s32 $0x76C0;
	s2 =	simm.s32 $0x0  }
.LBB2_1:
0x15: {  	s7 =	rddreg [dreg:$0x4]  }
0x16: {  	[tilespmem:s20], [sflag:$0x5] =	stream.linear.gather [hbm4b:s7+s4], $0x2710, $0x38;
	[tilespmem:$0x1DE20] =	vst v63  }
0x17: {  	_ =	swait.ge [sflag:s21], $0x2710  }
0x18: {  	[sflag:s21] =	ssyncset.done $0x0  }
0x19: {  	s24 =	rddreg [dreg:$0x5];
	[sflag:s21] =	ssyncadd.s32 $0xFFFFD8F0  }
0x1a: {  	[tilespmem:s22], [sflag:$0x5] =	stream.linear.gather [hbm4b:s24+s4], $0x2710, $0x38;
	[tilespmem:$0x1DE20] =	vst v63  }
0x1b: {  	_ =	swait.ge [sflag:s21], $0x2710  }
0x1c: {  	[sflag:s21] =	ssyncset.done $0x0  }
0x1d: {  	[sflag:s21] =	ssyncadd.s32 $0xFFFFD8F0  }
0x1e: {  	[tilespmem:s4], [sflag:$0x5] =	stream.linear.gather [hbm4b:s18+s4], $0x2800, $0x38;
	[tilespmem:$0x1DE20] =	vst v63  }
0x1f: {  	_ =	swait.ge [sflag:s21], $0x2800  }
0x20: {  	[sflag:s21] =	ssyncset.done $0x0  }
0x21: {  	[sflag:s21] =	ssyncadd.s32 $0xFFFFD800  }
0x22: {  	[spmem:s16] =	stream.linear.scatter [tilespmem:s4], [sflag:$0x5], $0x2800, $0x38;
	[tilespmem:$0x1DE20] =	vst v63  }
0x23: {  	_ =	swait.ge [sflag:s21], $0x2800  }
0x24: {  	[sflag:s21] =	ssyncset.done $0x0  }
0x25: {  	[sflag:s21] =	ssyncadd.s32 $0xFFFFD800  }
0x26: {  	[spmem:s9] =	stream.linear.scatter [tilespmem:s4], [sflag:$0x5], $0x2800, $0x38;
	[tilespmem:$0x1DE20] =	vst v63  }
0x27: {  	_ =	swait.ge [sflag:s21], $0x2800  }
0x28: {  	[sflag:s21] =	ssyncset.done $0x0  }
0x29: {  	[sflag:s21] =	ssyncadd.s32 $0xFFFFD800  }
0x2a: {  	[spmem:s10] =	stream.linear.scatter [tilespmem:s4], [sflag:$0x5], $0x2800, $0x38;
	[tilespmem:$0x1DE20] =	vst v63  }
0x2b: {  	_ =	swait.ge [sflag:s21], $0x2800  }
0x2c: {  	[sflag:s21] =	ssyncset.done $0x0  }
0x2d: {  	[sflag:s21] =	ssyncadd.s32 $0xFFFFD800  }
0x2e: {  	[spmem:s11] =	stream.linear.scatter [tilespmem:s4], [sflag:$0x5], $0x2800, $0x38;
	[tilespmem:$0x1DE20] =	vst v63  }
0x2f: {  	_ =	swait.ge [sflag:s21], $0x2800  }
0x30: {  	[sflag:s21] =	ssyncset.done $0x0  }
0x31: {  	[sflag:s21] =	ssyncadd.s32 $0xFFFFD800  }
0x32: {  	[spmem:s12] =	stream.linear.scatter [tilespmem:s4], [sflag:$0x5], $0x2800, $0x38;
	[tilespmem:$0x1DE20] =	vst v63  }
0x33: {  	_ =	swait.ge [sflag:s21], $0x2800  }
0x34: {  	[sflag:s21] =	ssyncset.done $0x0  }
0x35: {  	[sflag:s21] =	ssyncadd.s32 $0xFFFFD800  }
0x36: {  	[spmem:s13] =	stream.linear.scatter [tilespmem:s4], [sflag:$0x5], $0x2800, $0x38;
	[tilespmem:$0x1DE20] =	vst v63  }
0x37: {  	_ =	swait.ge [sflag:s21], $0x2800  }
0x38: {  	[sflag:s21] =	ssyncset.done $0x0  }
0x39: {  	[sflag:s21] =	ssyncadd.s32 $0xFFFFD800  }
0x3a: {  	[spmem:s14] =	stream.linear.scatter [tilespmem:s4], [sflag:$0x5], $0x2800, $0x38;
	[tilespmem:$0x1DE20] =	vst v63  }
0x3b: {  	_ =	swait.ge [sflag:s21], $0x2800  }
0x3c: {  	[sflag:s21] =	ssyncset.done $0x0  }
0x3d: {  	[sflag:s21] =	ssyncadd.s32 $0xFFFFD800  }
0x3e: {  	[spmem:s15] =	stream.linear.scatter [tilespmem:s4], [sflag:$0x5], $0x2800, $0x38;
	[tilespmem:$0x1DE20] =	vst v63  }
0x3f: {  	_ =	swait.ge [sflag:s21], $0x2800  }
0x40: {  	[sflag:s21] =	ssyncset.done $0x0  }
0x41: {  	[sflag:s21] =	ssyncadd.s32 $0xFFFFD800  }
0x42: {  	[bflag:$0x0] =	sbarrier.arrive $0xFFFF  }
0x43: {  	[tilespmem:s4], [sflag:$0x1] =	stream.indirect.gather [hbm4b:s5+s23], $0x80, s20, s23, $0xb8;
	[tilespmem:$0x1DE20] =	vst v63  }
0x44: {  	_ = 	snop  }
0x45: {  	[tilespmem:s25], [sflag:$0x2] =	stream.indirect.gather [hbm4b:s5+s23], $0x80, s19, s23, $0xb8;
	[tilespmem:$0x1DE20] =	vst v63  }
0x46: {  	_ =	swait.ge [sflag:s26], $0x2800  }
0x47: {  	[sflag:s26] =	ssyncset.done $0x0  }
0x48: {  	[sflag:s26] =	ssyncadd.s32 $0xFFFFD800  }
0x49: {  	[spmem:s3] =	stream.indirect.scatter.add.f32 [tilespmem:s4], [sflag:$0x3], $0x80, s22, s23, $0xb8;
	[tilespmem:$0x1DE20] =	vst v63  }
0x4a: {  	_ =	swait.ge [sflag:s28], $0x2800  }
0x4b: {  	[sflag:s28] =	ssyncset.done $0x0  }
0x4c: {  	[sflag:s28] =	ssyncadd.s32 $0xFFFFD800  }
0x4d: {  	[spmem:s3] =	stream.indirect.scatter.add.f32 [tilespmem:s25], [sflag:$0x4], $0x80, s29, s23, $0xb8;
	[tilespmem:$0x1DE20] =	vst v63  }
0x4e: {  	_ =	swait.ge [sflag:s30], $0x2800  }
0x4f: {  	[sflag:s30] =	ssyncset.done $0x0  }
0x50: {  	[sflag:s30] =	ssyncadd.s32 $0xFFFFD800  }
0x51: {  	_ =	swait.ge [sflag:s31], $0x2800  }
0x52: {  	[sflag:s31] =	ssyncset.done $0x0  }
0x53: {  	s8 =	simm.s32 $0x50A0;
	[sflag:s31] =	ssyncadd.s32 $0xFFFFD800  }
0x54: {  	[tilespmem:s4], [sflag:$0x1] =	stream.indirect.gather [hbm4b:s5+s23], $0x80, s8, s23, $0xb8;
	[tilespmem:$0x1DE20] =	vst v63  }
0x55: {  	s17 =	simm.s32 $0x50F0  }
0x56: {  	[tilespmem:s25], [sflag:$0x2] =	stream.indirect.gather [hbm4b:s5+s23], $0x80, s17, s23, $0xb8;
	[tilespmem:$0x1DE20] =	vst v63  }
0x57: {  	_ =	swait.ge [sflag:s26], $0x2800  }
0x58: {  	[sflag:s26] =	ssyncset.done $0x0  }
0x59: {  	s24 =	simm.s32 $0x77B0;
	[sflag:s26] =	ssyncadd.s32 $0xFFFFD800  }
0x5a: {  	[spmem:s3] =	stream.indirect.scatter.add.f32 [tilespmem:s4], [sflag:$0x3], $0x80, s24, s23, $0xb8;
	[tilespmem:$0x1DE20] =	vst v63  }
0x5b: {  	_ =	swait.ge [sflag:s28], $0x2800  }
0x5c: {  	[sflag:s28] =	ssyncset.done $0x0  }
0x5d: {  	s7 =	simm.s32 $0xFFFF6A00;
	s8 =	simm.s32 $0x7800;
	[sflag:s28] =	ssyncadd.s32 $0xFFFFD800  }
.LBB2_2:
0x5e: {  	[spmem:s3] =	stream.indirect.scatter.add.f32 [tilespmem:s25], [sflag:$0x4], $0x80, s8, s23, $0xb8;
	[tilespmem:$0x1DE20] =	vst v63  }
0x5f: {  	s8 =	smov.u32 s7  }
0x60: {  	p0 =	sne.s32 s7, $0xFFFFFD80;
	s7 =	sadd.s32 $0x280, s7;
	_ =	swait.ge [sflag:s30], $0x2800  }
0x61: {  	[sflag:s30] =	ssyncset.done $0x0  }
0x62: {  	[sflag:s30] =	ssyncadd.s32 $0xFFFFD800  }
0x63: {  	_ =	swait.ge [sflag:s31], $0x2800  }
0x64: {  	s8 =	sshra.s32 s8, $0x2;
	[sflag:s31] =	ssyncset.done $0x0  }
0x65: {  	s17 =	sadd.s32 $0x76C0, s8;
	[sflag:s31] =	ssyncadd.s32 $0xFFFFD800  }
0x66: {  	[tilespmem:s4], [sflag:$0x1] =	stream.indirect.gather [hbm4b:s5+s23], $0x80, s17, s23, $0xb8;
	[tilespmem:$0x1DE20] =	vst v63  }
0x67: {  	s17 =	sadd.s32 $0x7710, s8  }
0x68: {  	[tilespmem:s25], [sflag:$0x2] =	stream.indirect.gather [hbm4b:s5+s23], $0x80, s17, s23, $0xb8;
	[tilespmem:$0x1DE20] =	vst v63  }
0x69: {  	_ =	swait.ge [sflag:s26], $0x2800  }
0x6a: {  	[sflag:s26] =	ssyncset.done $0x0  }
.Ltmp0:
0x6b: {  	s17 =	sadd.s32 $0x9DD0, s8;
	[sflag:s26] =	ssyncadd.s32 $0xFFFFD800;
	(pc) =	sbr.rel @p0 .LBB2_2-.Ltmp0, $4  }
0x6c: {  	[spmem:s3] =	stream.indirect.scatter.add.f32 [tilespmem:s4], [sflag:$0x3], $0x80, s17, s23, $0xb8;
	[tilespmem:$0x1DE20] =	vst v63  }
0x6d: {  	_ =	swait.ge [sflag:s28], $0x2800  }
0x6e: {  	[sflag:s28] =	ssyncset.done $0x0  }
0x6f: {  	s8 =	sadd.s32 $0x9E20, s8;
	[sflag:s28] =	ssyncadd.s32 $0xFFFFD800  }
0x70: {  	[spmem:s3] =	stream.indirect.scatter.add.f32 [tilespmem:s25], [sflag:$0x4], $0x80, s8, s23, $0xb8;
	[tilespmem:$0x1DE20] =	vst v63  }
0x71: {  	_ =	swait.ge [sflag:s30], $0x2800  }
0x72: {  	[sflag:s30] =	ssyncset.done $0x0  }
0x73: {  	[sflag:s30] =	ssyncadd.s32 $0xFFFFD800  }
0x74: {  	_ =	swait.ge [sflag:s31], $0x2800  }
0x75: {  	[sflag:s31] =	ssyncset.done $0x0  }
0x76: {  	[sflag:s31] =	ssyncadd.s32 $0xFFFFD800  }
0x77: {  	[tilespmem:s4], [sflag:$0x1] =	stream.indirect.gather [hbm4b:s5+s23], $0x80, s1, s23, $0xb8;
	[tilespmem:$0x1DE20] =	vst v63  }
0x78: {  	_ =	swait.ge [sflag:s26], $0x2800  }
0x79: {  	[sflag:s26] =	ssyncset.done $0x0  }
0x7a: {  	[sflag:s26] =	ssyncadd.s32 $0xFFFFD800  }
0x7b: {  	[spmem:s3] =	stream.indirect.scatter.add.f32 [tilespmem:s4], [sflag:$0x5], $0x80, s0, s23, $0xb8;
	[tilespmem:$0x1DE20] =	vst v63  }
0x7c: {  	_ =	swait.ge [sflag:s21], $0x2800  }
0x7d: {  	[sflag:s21] =	ssyncset.done $0x0  }
0x7e: {  	s7 =	stileid.u32;
	[sflag:s21] =	ssyncadd.s32 $0xFFFFD800  }
0x7f: {  	s7 =	sshll.u32 s7, $0x6;
	[bflag:$0x0] =	sbarrier.arrive $0xFFFF  }
0x80: {  	s8 =	sshrl.u32 s16, $0x3;
	s7 =	sor.u32 $0x1C05, s7;
	s17 =	rddreg [dreg:$0x6]  }
0x81: {  	[hbm:s17], [sflag:s7] =	dma.local [spmem:s8], $0x2800  }
0x82: {  	_ =	swait.ge [sflag:s21], $0x2800  }
0x83: {  	[sflag:s21] =	ssyncset.done $0x0  }
0x84: {  	[sflag:s21] =	ssyncadd.s32 $0xFFFFD800  }
0x85: {  	[bflag:$0x0] =	sbarrier.arrive $0xFFFF  }
0x86: {  	[tilespmem:s4], [sflag:$0x5] =	stream.linear.gather [hbm4b:s18+s4], $0x2800, $0x38;
	[tilespmem:$0x1DE20] =	vst v63  }
0x87: {  	_ =	swait.ge [sflag:s21], $0x2800  }
0x88: {  	[sflag:s21] =	ssyncset.done $0x0  }
0x89: {  	[sflag:s21] =	ssyncadd.s32 $0xFFFFD800  }
0x8a: {  	[spmem:s16] =	stream.linear.scatter [tilespmem:s4], [sflag:$0x5], $0x2800, $0x38;
	[tilespmem:$0x1DE20] =	vst v63  }
0x8b: {  	_ =	swait.ge [sflag:s21], $0x2800  }
0x8c: {  	[sflag:s21] =	ssyncset.done $0x0  }
0x8d: {  	[sflag:s21] =	ssyncadd.s32 $0xFFFFD800  }
0x8e: {  	[spmem:s9] =	stream.linear.scatter [tilespmem:s4], [sflag:$0x5], $0x2800, $0x38;
	[tilespmem:$0x1DE20] =	vst v63  }
0x8f: {  	_ =	swait.ge [sflag:s21], $0x2800  }
0x90: {  	[sflag:s21] =	ssyncset.done $0x0  }
0x91: {  	[sflag:s21] =	ssyncadd.s32 $0xFFFFD800  }
0x92: {  	[spmem:s10] =	stream.linear.scatter [tilespmem:s4], [sflag:$0x5], $0x2800, $0x38;
	[tilespmem:$0x1DE20] =	vst v63  }
0x93: {  	_ =	swait.ge [sflag:s21], $0x2800  }
0x94: {  	[sflag:s21] =	ssyncset.done $0x0  }
0x95: {  	[sflag:s21] =	ssyncadd.s32 $0xFFFFD800  }
0x96: {  	[spmem:s11] =	stream.linear.scatter [tilespmem:s4], [sflag:$0x5], $0x2800, $0x38;
	[tilespmem:$0x1DE20] =	vst v63  }
0x97: {  	_ =	swait.ge [sflag:s21], $0x2800  }
0x98: {  	[sflag:s21] =	ssyncset.done $0x0  }
0x99: {  	[sflag:s21] =	ssyncadd.s32 $0xFFFFD800  }
0x9a: {  	[spmem:s12] =	stream.linear.scatter [tilespmem:s4], [sflag:$0x5], $0x2800, $0x38;
	[tilespmem:$0x1DE20] =	vst v63  }
0x9b: {  	_ =	swait.ge [sflag:s21], $0x2800  }
0x9c: {  	[sflag:s21] =	ssyncset.done $0x0  }
0x9d: {  	[sflag:s21] =	ssyncadd.s32 $0xFFFFD800  }
0x9e: {  	[spmem:s13] =	stream.linear.scatter [tilespmem:s4], [sflag:$0x5], $0x2800, $0x38;
	[tilespmem:$0x1DE20] =	vst v63  }
0x9f: {  	_ =	swait.ge [sflag:s21], $0x2800  }
0xa0: {  	[sflag:s21] =	ssyncset.done $0x0  }
0xa1: {  	[sflag:s21] =	ssyncadd.s32 $0xFFFFD800  }
0xa2: {  	[spmem:s14] =	stream.linear.scatter [tilespmem:s4], [sflag:$0x5], $0x2800, $0x38;
	[tilespmem:$0x1DE20] =	vst v63  }
0xa3: {  	_ =	swait.ge [sflag:s21], $0x2800  }
0xa4: {  	[sflag:s21] =	ssyncset.done $0x0  }
0xa5: {  	[sflag:s21] =	ssyncadd.s32 $0xFFFFD800  }
0xa6: {  	[spmem:s15] =	stream.linear.scatter [tilespmem:s4], [sflag:$0x5], $0x2800, $0x38;
	[tilespmem:$0x1DE20] =	vst v63  }
0xa7: {  	_ =	swait.ge [sflag:s21], $0x2800  }
0xa8: {  	[sflag:s21] =	ssyncset.done $0x0  }
0xa9: {  	[sflag:s21] =	ssyncadd.s32 $0xFFFFD800  }
0xaa: {  	[bflag:$0x0] =	sbarrier.arrive $0xFFFF  }
0xab: {  	[tilespmem:s4], [sflag:$0x1] =	stream.indirect.gather [hbm4b:s6+s23], $0x80, s20, s23, $0xb8;
	[tilespmem:$0x1DE20] =	vst v63  }
0xac: {  	_ = 	snop  }
0xad: {  	[tilespmem:s25], [sflag:$0x2] =	stream.indirect.gather [hbm4b:s6+s23], $0x80, s19, s23, $0xb8;
	[tilespmem:$0x1DE20] =	vst v63  }
0xae: {  	_ =	swait.ge [sflag:s26], $0x2800  }
0xaf: {  	[sflag:s26] =	ssyncset.done $0x0  }
0xb0: {  	[sflag:s26] =	ssyncadd.s32 $0xFFFFD800  }
0xb1: {  	[spmem:s3] =	stream.indirect.scatter.add.f32 [tilespmem:s4], [sflag:$0x3], $0x80, s22, s23, $0xb8;
	[tilespmem:$0x1DE20] =	vst v63  }
0xb2: {  	_ =	swait.ge [sflag:s28], $0x2800  }
0xb3: {  	[sflag:s28] =	ssyncset.done $0x0  }
0xb4: {  	[sflag:s28] =	ssyncadd.s32 $0xFFFFD800  }
0xb5: {  	[spmem:s3] =	stream.indirect.scatter.add.f32 [tilespmem:s25], [sflag:$0x4], $0x80, s29, s23, $0xb8;
	[tilespmem:$0x1DE20] =	vst v63  }
0xb6: {  	_ =	swait.ge [sflag:s30], $0x2800  }
0xb7: {  	[sflag:s30] =	ssyncset.done $0x0  }
0xb8: {  	[sflag:s30] =	ssyncadd.s32 $0xFFFFD800  }
0xb9: {  	_ =	swait.ge [sflag:s31], $0x2800  }
0xba: {  	[sflag:s31] =	ssyncset.done $0x0  }
0xbb: {  	s19 =	simm.s32 $0x50A0;
	[sflag:s31] =	ssyncadd.s32 $0xFFFFD800  }
0xbc: {  	[tilespmem:s4], [sflag:$0x1] =	stream.indirect.gather [hbm4b:s6+s23], $0x80, s19, s23, $0xb8;
	[tilespmem:$0x1DE20] =	vst v63  }
0xbd: {  	s24 =	smov.u32 s18;
	s18 =	simm.s32 $0x50F0  }
0xbe: {  	[tilespmem:s25], [sflag:$0x2] =	stream.indirect.gather [hbm4b:s6+s23], $0x80, s18, s23, $0xb8;
	[tilespmem:$0x1DE20] =	vst v63  }
0xbf: {  	_ =	swait.ge [sflag:s26], $0x2800  }
0xc0: {  	[sflag:s26] =	ssyncset.done $0x0  }
0xc1: {  	s19 =	simm.s32 $0x77B0;
	[sflag:s26] =	ssyncadd.s32 $0xFFFFD800  }
0xc2: {  	[spmem:s3] =	stream.indirect.scatter.add.f32 [tilespmem:s4], [sflag:$0x3], $0x80, s19, s23, $0xb8;
	[tilespmem:$0x1DE20] =	vst v63  }
0xc3: {  	_ =	swait.ge [sflag:s28], $0x2800  }
0xc4: {  	[sflag:s28] =	ssyncset.done $0x0  }
0xc5: {  	s17 =	simm.s32 $0xFFFF6A00;
	s18 =	simm.s32 $0x7800;
	[sflag:s28] =	ssyncadd.s32 $0xFFFFD800  }
.LBB2_4:
0xc6: {  	[spmem:s3] =	stream.indirect.scatter.add.f32 [tilespmem:s25], [sflag:$0x4], $0x80, s18, s23, $0xb8;
	[tilespmem:$0x1DE20] =	vst v63  }
0xc7: {  	s18 =	smov.u32 s17  }
0xc8: {  	p0 =	sne.s32 s17, $0xFFFFFD80;
	s17 =	sadd.s32 $0x280, s17;
	_ =	swait.ge [sflag:s30], $0x2800  }
0xc9: {  	[sflag:s30] =	ssyncset.done $0x0  }
0xca: {  	[sflag:s30] =	ssyncadd.s32 $0xFFFFD800  }
0xcb: {  	_ =	swait.ge [sflag:s31], $0x2800  }
0xcc: {  	s18 =	sshra.s32 s18, $0x2;
	[sflag:s31] =	ssyncset.done $0x0  }
0xcd: {  	s19 =	sadd.s32 $0x76C0, s18;
	[sflag:s31] =	ssyncadd.s32 $0xFFFFD800  }
0xce: {  	[tilespmem:s4], [sflag:$0x1] =	stream.indirect.gather [hbm4b:s6+s23], $0x80, s19, s23, $0xb8;
	[tilespmem:$0x1DE20] =	vst v63  }
0xcf: {  	s19 =	sadd.s32 $0x7710, s18  }
0xd0: {  	[tilespmem:s25], [sflag:$0x2] =	stream.indirect.gather [hbm4b:s6+s23], $0x80, s19, s23, $0xb8;
	[tilespmem:$0x1DE20] =	vst v63  }
0xd1: {  	_ =	swait.ge [sflag:s26], $0x2800  }
0xd2: {  	[sflag:s26] =	ssyncset.done $0x0  }
.Ltmp1:
0xd3: {  	s19 =	sadd.s32 $0x9DD0, s18;
	[sflag:s26] =	ssyncadd.s32 $0xFFFFD800;
	(pc) =	sbr.rel @p0 .LBB2_4-.Ltmp1, $4  }
0xd4: {  	[spmem:s3] =	stream.indirect.scatter.add.f32 [tilespmem:s4], [sflag:$0x3], $0x80, s19, s23, $0xb8;
	[tilespmem:$0x1DE20] =	vst v63  }
0xd5: {  	_ =	swait.ge [sflag:s28], $0x2800  }
0xd6: {  	[sflag:s28] =	ssyncset.done $0x0  }
0xd7: {  	s18 =	sadd.s32 $0x9E20, s18;
	[sflag:s28] =	ssyncadd.s32 $0xFFFFD800  }
0xd8: {  	[spmem:s3] =	stream.indirect.scatter.add.f32 [tilespmem:s25], [sflag:$0x4], $0x80, s18, s23, $0xb8;
	[tilespmem:$0x1DE20] =	vst v63  }
0xd9: {  	_ =	swait.ge [sflag:s30], $0x2800  }
0xda: {  	[sflag:s30] =	ssyncset.done $0x0  }
0xdb: {  	[sflag:s30] =	ssyncadd.s32 $0xFFFFD800  }
0xdc: {  	_ =	swait.ge [sflag:s31], $0x2800  }
0xdd: {  	[sflag:s31] =	ssyncset.done $0x0  }
0xde: {  	[sflag:s31] =	ssyncadd.s32 $0xFFFFD800  }
0xdf: {  	[tilespmem:s4], [sflag:$0x1] =	stream.indirect.gather [hbm4b:s6+s23], $0x80, s1, s23, $0xb8;
	[tilespmem:$0x1DE20] =	vst v63  }
0xe0: {  	_ =	swait.ge [sflag:s26], $0x2800  }
0xe1: {  	[sflag:s26] =	ssyncset.done $0x0  }
0xe2: {  	[sflag:s26] =	ssyncadd.s32 $0xFFFFD800  }
0xe3: {  	[spmem:s3] =	stream.indirect.scatter.add.f32 [tilespmem:s4], [sflag:$0x5], $0x80, s0, s23, $0xb8;
	[tilespmem:$0x1DE20] =	vst v63  }
0xe4: {  	_ =	swait.ge [sflag:s21], $0x2800  }
0xe5: {  	[sflag:s21] =	ssyncset.done $0x0  }
0xe6: {  	[sflag:s21] =	ssyncadd.s32 $0xFFFFD800  }
0xe7: {  	[bflag:$0x0] =	sbarrier.arrive $0xFFFF  }
0xe8: {  	s17 =	rddreg [dreg:$0x7]  }
0xe9: {  	[hbm:s17], [sflag:s7] =	dma.local [spmem:s8], $0x2800  }
0xea: {  	_ =	swait.ge [sflag:s21], $0x2800  }
0xeb: {  	s2 =	sadd.s32 $0x1, s2;
	s19 =	rddreg [dreg:$0x8]  }
0xec: {  	p0 =	sne.s32 s2, s19  }
.Ltmp2:
0xed: {  	_ = 	snop;
	(pc) =	sbr.rel @p0 .LBB2_1-.Ltmp2, $3  }
0xee: {  	_ =	sdelay $0x1  }
0xef: {  	[sflag:s21] =	ssyncset.done $0x0  }
0xf0: {  	s18 =	smov.u32 s24;
	[sflag:s21] =	ssyncadd.s32 $0xFFFFD800;
	s19 =	simm.s32 $0x5050  }
0xf1: {  	_ =	sfence.sel $0x180000  }
0xf2: {  	[bflag:$0x0] =	sbarrier.arrive $0xFFFF  }
0xf3: {  	_ =	strace $0x9000004D  }
0xf4: {  	s0 =	stileid.u32;
	[bflag:$0x2] =	sbarrier.arrive $0xFFFF  }
0xf5: {  	p0 =	sne.s32 s0, $0x0;
	s0 =	rddreg [dreg:$0x3]  }
0xf6: {  	s0 =	sadd.s32 @!p0 $0x100000, s0  }
0xf7: {  	[sflag:s0] =	ssyncadd.tile.s32 @!p0 $0x1;
	_ =	shalt  }
.Lfunc_end2:
_tile_overlayer_lowered:
.L_overlay_start_2:
0xf8: {  	(tag) =	ssettag $0x2  }
0xf9: {  	s0 =	rddreg [dreg:$0x0];
	s2 =	stileid.u32  }
0xfa: {  	s1 =	rddreg [dreg:$0x1];
	p0 =	sne.s32 s2, $0x0  }
0xfb: {  	s3 =	rddreg [dreg:$0x2];
	[bflag:$0x3] =	sbarrier.arrive $0xFFFF;
	s2 =	simm.s32 @!p0 $0x1C05  }
0xfc: {  	[timem:s3], [sflag:s2] =	dma.local @!p0 [hbm:s0], s1  }
0xfd: {  	s0 =	simm.s32 @!p0 $0x5  }
0xfe: {  	_ =	swait.ge @!p0 [sflag:s0], s1  }
0xff: {  	s1 =	ssub.s32 @!p0 $0x0, s1;
	[sflag:s0] =	ssyncset.done @!p0 $0x0  }
0x100: {  	[sflag:s0] =	ssyncadd.s32 @!p0 s1  }
0x101: {  	[bflag:$0x3] =	sbarrier.arrive $0xFFFF  }
0x102: {  	_ =	shalt  }

// kernel: kernel.19.cloned.1.call-start
scs
__scs_entry_jumppad:
0x0: {  	(pc) =	sbr.rel $0x88, $3  }
0x1: {  	(tag) =	ssettag $0x0;
	lr =	simm.s32 $0x1  }
0x2: {  	[smem:$0x3F99] =	sst lr;
	_ =	strace $0xD0000000  }
0x3: {  	_ = 	snop  }
0x4: {  	_ = 	snop  }
0x5: {  	_ = 	snop  }
0x6: {  	_ = 	snop  }
0x7: {  	_ = 	snop  }
__scs_overlays_trampoline_lowered:
0x8: {  	[smem:$0x3FA8] =	sst s0  }
0x9: {  	[smem:$0x3FA9] =	sst s1  }
0xa: {  	[smem:$0x3FAA] =	sst s2  }
0xb: {  	[smem:$0x3FAB] =	sst s3  }
0xc: {  	[smem:$0x3FAC] =	sst s4  }
0xd: {  	[smem:$0x3FAD] =	sst s5  }
0xe: {  	[smem:$0x3FAE] =	sst s6  }
0xf: {  	[smem:$0x3FAF] =	sst s7  }
0x10: {  	[smem:$0x3FB0] =	sst s8  }
0x11: {  	[smem:$0x3FB1] =	sst s9;
	s0 =	simm.s32 @!p0 $0x0  }
0x12: {  	s1 =	sld [smem:$0x3F97];
	s0 =	simm.s32 @p0 $0x1  }
0x13: {  	[smem:$0x3FB2] =	sst s0;
	s0 =	simm.s32 @!p1 $0x0  }
0x14: {  	s2 =	sld [smem:$0x3F96];
	s0 =	simm.s32 @p1 $0x1  }
0x15: {  	[smem:$0x3FB3] =	sst s0;
	s0 =	simm.s32 @!p2 $0x0  }
0x16: {  	s3 =	sld [smem:$0x3FDB];
	s0 =	simm.s32 @p2 $0x1  }
0x17: {  	s4 =	simm.s32 $0x1BF5;
	[smem:$0x3FB5] =	sst s0  }
0x18: {  	s0 =	sld [smem:$0x3F98];
	_ =	swait.ge [sflag:s4], $0x0  }
0x19: {  	s7 =	sld [smem:$0x3F99]  }
0x1a: {  	s8 =	sadd.s32 $0xFFFFE003, lr  }
0x1b: {  	s9 =	sadd.s32 $0xFFFFFEF7, lr;
	s5 =	simm.s32 $0xFFFFFFFF;
	p2 =	slt.u32 s8, $0xFFFFF086  }
0x1c: {  	p1 =	slt.u32 s9, $0xF7A;
	s5 =	simm.s32 @!p2 $0x0  }
0x1d: {  	s5 =	simm.s32 @p1 $0x1;
	p0 =	seq.s32 s7, s2  }
0x1e: {  	s7 =	smul.u32 @!p0 $0xF7A, s2;
	p2 =	seq.s32 @!p0 s5, $0x0  }
0x1f: {  	s9 =	smul.u32 $0xF7A, s1;
	s8 =	simm.s32 @!p0 $0x1BF5;
	p2 =	por !p2, p0  }
0x20: {  	[sflag:s8] =	ssyncset.s32 @!p0 $0xFFFFF086;
	s6 =	sadd.s32 @!p0 s3, s7;
	s7 =	simm.s32 @!p0 $0x108  }
0x21: {  	s3 =	sadd.s32 s3, s9;
	s6 =	sadd.s32 @!p0 $0x88, s6;
	s7 =	simm.s32 @p2 $0x1082  }
0x22: {  	[simem:s7], [sflag:s8] =	dma.local @!p0 [hbm:s6], $0xF7A  }
0x23: {  	s9 =	sor.u32 $0xD0000000, s2;
	s6 =	simm.s32 $0x108;
	_ =	swait.ge @!p0 [sflag:s8], $0x0  }
0x24: {  	s3 =	sadd.s32 $0x88, s3;
	s6 =	simm.s32 @!p1 $0x1082;
	[sflag:s4] =	ssyncset.s32 $0xFFFFF086  }
0x25: {  	[simem:s6], [sflag:s4] =	dma.local [hbm:s3], $0xF7A  }
0x26: {  	[smem:$0x3F99] =	sst s1;
	(tag) =	ssettag s2;
	_ =	strace s9  }
0x27: {  	s1 =	sld [smem:$0x3FA9]  }
0x28: {  	s2 =	sld [smem:$0x3FAA]  }
0x29: {  	s4 =	sld [smem:$0x3FAC]  }
0x2a: {  	p0 =	seq.s32 s5, $0x0;
	s5 =	sld [smem:$0x3FAD]  }
0x2b: {  	s6 =	sld [smem:$0x3FAE]  }
0x2c: {  	s7 =	sld [smem:$0x3FAF]  }
0x2d: {  	s3 =	simm.s32 $0x108;
	s8 =	sld [smem:$0x3FB0]  }
0x2e: {  	s3 =	simm.s32 @!p0 $0x1082;
	s9 =	sld [smem:$0x3FB1]  }
0x2f: {  	lr =	sadd.s32 s0, s3;
	s0 =	sld [smem:$0x3FA8]  }
0x30: {  	s3 =	sld [smem:$0x3FAB]  }
0x31: {  	[smem:$0x3FB4] =	sst s10  }
0x32: {  	s10 =	sld [smem:$0x3FB2];
	_ =	sdelay $0x3  }
0x33: {  	p0 =	seq.s32 s10, $0x1;
	s10 =	sld [smem:$0x3FB4];
	_ =	sdelay $0x3  }
0x34: {  	[smem:$0x3FB4] =	sst s10  }
0x35: {  	s10 =	sld [smem:$0x3FB3];
	_ =	sdelay $0x3  }
0x36: {  	p1 =	seq.s32 s10, $0x1;
	s10 =	sld [smem:$0x3FB4];
	_ =	sdelay $0x3  }
0x37: {  	[smem:$0x3FB4] =	sst s10  }
0x38: {  	s10 =	sld [smem:$0x3FB5]  }
0x39: {  	_ = 	snop;
	(pc) =	sbr.ind lr, $3  }
0x3a: {  	_ = 	snop  }
0x3b: {  	_ = 	snop  }
0x3c: {  	p2 =	seq.s32 s10, $0x1;
	s10 =	sld [smem:$0x3FB4]  }
0x3d: {  	_ =	shalt  }
0x3e: {  	_ =	shalt  }
0x3f: {  	_ =	shalt  }
0x40: {  	_ =	shalt  }
0x41: {  	_ =	shalt  }
0x42: {  	_ =	shalt  }
0x43: {  	_ =	shalt  }
0x44: {  	_ =	shalt  }
0x45: {  	_ =	shalt  }
0x46: {  	_ =	shalt  }
0x47: {  	_ =	shalt  }
0x48: {  	_ =	shalt  }
0x49: {  	_ =	shalt  }
0x4a: {  	_ =	shalt  }
0x4b: {  	_ =	shalt  }
0x4c: {  	_ =	shalt  }
0x4d: {  	_ =	shalt  }
0x4e: {  	_ =	shalt  }
0x4f: {  	_ =	shalt  }
0x50: {  	_ =	shalt  }
0x51: {  	_ =	shalt  }
0x52: {  	_ =	shalt  }
0x53: {  	_ =	shalt  }
0x54: {  	_ =	shalt  }
0x55: {  	_ =	shalt  }
0x56: {  	_ =	shalt  }
0x57: {  	_ =	shalt  }
0x58: {  	_ =	shalt  }
0x59: {  	_ =	shalt  }
0x5a: {  	_ =	shalt  }
0x5b: {  	_ =	shalt  }
0x5c: {  	_ =	shalt  }
0x5d: {  	_ =	shalt  }
0x5e: {  	_ =	shalt  }
0x5f: {  	_ =	shalt  }
0x60: {  	_ =	shalt  }
0x61: {  	_ =	shalt  }
0x62: {  	_ =	shalt  }
0x63: {  	_ =	shalt  }
0x64: {  	_ =	shalt  }
0x65: {  	_ =	shalt  }
0x66: {  	_ =	shalt  }
0x67: {  	_ =	shalt  }
0x68: {  	_ =	shalt  }
0x69: {  	_ =	shalt  }
0x6a: {  	_ =	shalt  }
0x6b: {  	_ =	shalt  }
0x6c: {  	_ =	shalt  }
0x6d: {  	_ =	shalt  }
0x6e: {  	_ =	shalt  }
0x6f: {  	_ =	shalt  }
0x70: {  	_ =	shalt  }
0x71: {  	_ =	shalt  }
0x72: {  	_ =	shalt  }
0x73: {  	_ =	shalt  }
0x74: {  	_ =	shalt  }
0x75: {  	_ =	shalt  }
0x76: {  	_ =	shalt  }
0x77: {  	_ =	shalt  }
0x78: {  	_ =	shalt  }
0x79: {  	_ =	shalt  }
0x7a: {  	_ =	shalt  }
0x7b: {  	_ =	shalt  }
0x7c: {  	_ =	shalt  }
0x7d: {  	_ =	shalt  }
0x7e: {  	_ =	shalt  }
0x7f: {  	_ =	shalt  }
0x80: {  	_ =	shalt  }
0x81: {  	_ =	shalt  }
0x82: {  	_ =	shalt  }
0x83: {  	_ =	shalt  }
0x84: {  	_ =	shalt  }
0x85: {  	_ =	shalt  }
0x86: {  	_ =	shalt  }
0x87: {  	_ =	shalt  }
.Lfunc_end0:
.L_simem_size_0:
called_computation.3_lowered:
.L_overlay_start_0:
0x88: {  	s2 =	sld [smem:$0x3FD9]  }
0x89: {  	s3 =	sld [smem:$0x3FFE];
	_ =	sdelay $0x1  }
0x8a: {  	s1 =	srdreg.scid  }
0x8b: {  	s0 =	sand.u32 $0x1, s1  }
0x8c: {  	s17 =	sshll.u32 s0, $0xA;
	s2 =	sadd.s32 s3, s2  }
0x8d: {  	s2 =	sadd.s32 s2, s17  }
0x8e: {  	[smem:$0x3FC0] =	sst s2  }
0x8f: {  	_ = 	snop  }
0x90: {  	s2 =	sld [smem:$0x3FD0];
	(tm) =	ssettm $0x1  }
0x91: {  	s18 =	sld [smem:$0x3FFB];
	_ =	sdelay $0x3  }
0x92: {  	_ =	strace s18  }
0x93: {  	s3 =	sld [smem:$0x3FFC];
	_ =	sdelay $0x3  }
0x94: {  	_ =	strace s3  }
0x95: {  	s3 =	sld [smem:$0x3FFD];
	_ =	sdelay $0x3  }
0x96: {  	_ =	strace s3  }
0x97: {  	_ =	strace $0x8FFFFFFF  }
0x98: {  	s19 =	sld [smem:$0x3FDB];
	_ =	sdelay $0x1  }
0x99: {  	s4 =	simm.s32 $_scs_section_size  }
0x9a: {  	s5 =	simm.s32 $_size__tile_overlayer_lowered;
	s6 =	simm.s32 $_tile_overlayer_lowered  }
0x9b: {  	s22 =	simm.s32 $0x1BFF;
	s21 =	sshll.u32 s6, $0x1;
	s3 =	sadd.s32 s4, s19  }
0x9c: {  	s7 =	simm.s32 $0x0;
	s20 =	sshll.u32 s5, $0x1;
	s5 =	sadd.s32 s21, s3  }
0x9d: {  	[timem:s7], [sflag:s22] =	dma.local [hbm:s5], s20  }
0x9e: {  	_ =	swait.ge [sflag:s22], s20  }
0x9f: {  	s4 =	ssub.s32 $0x0, s20;
	[sflag:s22] =	ssyncset.done $0x0  }
0xa0: {  	[sflag:s22] =	ssyncadd.s32 s4;
	_ =	sdelay $0x1  }
0xa1: {  	s23 =	simm.s32 $0x1B8B  }
0xa2: {  	_ =	swait.ge [sflag:s23], $0x1  }
0xa3: {  	[sflag:s23] =	ssyncset.done $0x0  }
0xa4: {  	s25 =	simm.s32 $0x1B8E;
	s24 =	sld [smem:$0x3FFE];
	[sflag:s23] =	ssyncadd.s32 $0xFFFFFFFF  }
0xa5: {  	s26 =	simm.s32 $execute0_lowered;
	[smem:$0x3FD2] =	sst s25  }
0xa6: {  	s5 =	sshll.u32 s26, $0x1;
	_ =	strace $0x8000004F;
	[dreg:$0x1] =	wrdreg $0xFFFFFFFF  }
0xa7: {  	s28 =	simm.s32 $_size_execute0_lowered;
	s3 =	sadd.s32 s3, s5;
	[dreg:$0x0] =	wrdreg $0x0  }
0xa8: {  	s5 =	sshll.u32 s28, $0x1;
	[dreg:$0x2] =	wrdreg s3  }
0xa9: {  	[dreg:$0x3] =	wrdreg s5  }
0xaa: {  	[dreg:$0x4] =	wrdreg $0xC0  }
0xab: {  	_ =	task [dreg:s7], $0x5FFFF  }
0xac: {  	[dreg:$0x1] =	wrdreg $0xFFFFFFFF  }
0xad: {  	[dreg:$0x0] =	wrdreg $0x60  }
0xae: {  	[dreg:$0x2] =	wrdreg s24  }
0xaf: {  	[dreg:$0x3] =	wrdreg s2  }
0xb0: {  	[dreg:$0x4] =	wrdreg $0xB2200  }
0xb1: {  	[dreg:$0x5] =	wrdreg $0x9  }
0xb2: {  	_ =	task.clear_ibuf [dreg:s7], $0x6FFFF;
	_ =	strace $0x9000004F  }
0xb3: {  	s29 =	simm.s32 $0x9;
	_ =	strace $0x80000051  }
0xb4: {  	_ =	swait.ge [sflag:s29], $0x1  }
0xb5: {  	[sflag:s29] =	ssyncadd.s32 $0xFFFFFFFF  }
0xb6: {  	_ =	strace $0x90000051  }
0xb7: {  	_ =	sfence  }
0xb8: {  	s30 =	sld [smem:$0x0];
	_ =	sdelay $0x2  }
0xb9: {  	s31 =	sshll.u32 s1, $0xD;
	s1 =	sshrl.u32 s1, $0x2  }
0xba: {  	s3 =	sand.u32 $0x4000, s31;
	s1 =	sadd.s32 s1, s30  }
0xbb: {  	s0 =	sor.u32 s3, s0;
	s1 =	sshll.u32 s1, $0x11  }
0xbc: {  	s0 =	sor.u32 s1, s0  }
0xbd: {  	s0 =	sadd.s32 $0x8F2B, s0  }
0xbe: {  	[sflag:s0] =	ssyncadd.remote.s32 $0x1  }
0xbf: {  	_ =	sfence.sel $0xFFFF  }
0xc0: {  	[dreg:$0x0] =	wrdreg $0xFFFFFFFF;
	(pc) =	sbr.abs _section_cstart, $3  }
0xc1: {  	[dreg:$0x1] =	wrdreg $0xFFFFFFFF  }
0xc2: {  	_ =	task.clear_ibuf [dreg:s7], $0x2FFFF;
	_ =	strace $0x9FFFFFFF  }
0xc3: {  	(tm) =	ssettm $0x7FFFFFFF  }
tec
execute0_lowered:
.L_overlay_start_1:
0x0: {  	(tag) =	ssettag $0x1  }
0x1: {  	s0 =	rddreg [dreg:$0x0]  }
0x2: {  	s3 =	rddreg [dreg:$0x2]  }
0x3: {  	s1 =	srdreg.scid;
	s8 =	stileid.u32  }
0x4: {  	s4 =	simm.s32 $0x0;
	s18 =	simm.s32 $0x6400;
	s19 =	simm.s32 $0xB  }
0x5: {  	s28 =	simm.s32 $0x3C00;
	s30 =	simm.s32 $0x5000;
	s31 =	simm.s32 $0x1  }
0x6: {  	s29 =	simm.s32 $0x5;
	s9 =	simm.s32 $0x0;
	s1 =	sand.u32 $0x1, s1  }
0x7: {  	s2 =	smul.u32 $0xA000, s8;
	[smem:$0x7FF] =	sst s4;
	s5 =	sshll.u32 s1, $0x4  }
0x8: {  	s6 =	smul.u32 $0xA0000, s1;
	_ =	strace $0x80000050;
	s1 =	ssub.s32 $0x2, s1  }
0x9: {  	s7 =	sor.u32 s8, s5;
	s5 =	sadd.s32 $0x17000, s0;
	s8 =	smul.u32 $0x28000, s8  }
0xa: {  	s20 =	sshrl.u32 s1, $0x1;
	s7 =	smul.u32 $0x4E2, s7;
	s6 =	sadd.s32 s2, s6  }
0xb: {  	s1 =	ssub.s32 s1, s20;
	s20 =	simm.s32 $0x8B10;
	s6 =	sshrl.u32 s6, $0x3  }
0xc: {  	s22 =	sshrl.u32 s8, $0x2;
	s8 =	sadd.s32 s2, s3;
	s17 =	smax.u32 s1, $0x1  }
0xd: {  	s1 =	simm.s32 $0x3;
	s2 =	simm.s32 $0x8;
	s7 =	sadd.s32 s7, s0  }
0xe: {  	s0 =	sadd.s32 s6, s0;
	s23 =	sadd.s32 s22, s3;
	s21 =	sadd.s32 $0xD200, s7  }
0xf: {  	s22 =	simm.s32 $0x6;
	s7 =	sadd.s32 $0x3400, s7;
	[dreg:$0x4] =	wrdreg s21  }
0x10: {  	s6 =	sadd.s32 $0x1400, s23;
	s24 =	sadd.s32 $0x2800, s23;
	[dreg:$0x5] =	wrdreg s7  }
0x11: {  	s25 =	sadd.s32 $0x3C00, s23;
	s26 =	sadd.s32 $0x5000, s23;
	[dreg:$0x6] =	wrdreg s6  }
0x12: {  	s13 =	sadd.s32 $0x6400, s23;
	s14 =	sadd.s32 $0x7800, s23;
	[dreg:$0x7] =	wrdreg s24  }
0x13: {  	s15 =	sadd.s32 $0x8C00, s23;
	s16 =	sadd.s32 $0x2B000, s0;
	[dreg:$0x8] =	wrdreg s25  }
0x14: {  	s23 =	simm.s32 $0x1400;
	s0 =	simm.s32 $0x2;
	[dreg:$0x9] =	wrdreg s26  }
0x15: {  	s21 =	simm.s32 $0x50;
	s25 =	simm.s32 $0x2800;
	s24 =	simm.s32 $0x4  }
0x16: {  	s26 =	simm.s32 $0x7;
	s6 =	simm.s32 $0x9;
	s7 =	simm.s32 $0xA  }
.LBB2_1:
0x17: {  	s10 =	rddreg [dreg:$0x4]  }
0x18: {  	[tilespmem:s18], [sflag:$0xB] =	stream.linear.gather [hbm4b:s10+s4], $0x2710, $0x38;
	[tilespmem:$0x15220] =	vst v63  }
0x19: {  	_ =	swait.ge [sflag:s19], $0x2710  }
0x1a: {  	[sflag:s19] =	ssyncset.done $0x0  }
0x1b: {  	s12 =	rddreg [dreg:$0x5];
	[sflag:s19] =	ssyncadd.s32 $0xFFFFD8F0  }
0x1c: {  	[tilespmem:s20], [sflag:$0xB] =	stream.linear.gather [hbm4b:s12+s4], $0x2710, $0x38;
	[tilespmem:$0x15220] =	vst v63  }
0x1d: {  	_ =	swait.ge [sflag:s19], $0x2710  }
0x1e: {  	[sflag:s19] =	ssyncset.done $0x0  }
0x1f: {  	[sflag:s19] =	ssyncadd.s32 $0xFFFFD8F0  }
0x20: {  	s11 =	rddreg [dreg:$0x1]  }
0x21: {  	[tilespmem:s4], [sflag:$0xB] =	stream.linear.gather [hbm4b:s11+s4], $0x1400, $0x38;
	[tilespmem:$0x15220] =	vst v63  }
0x22: {  	_ =	swait.ge [sflag:s19], $0x1400  }
0x23: {  	[sflag:s19] =	ssyncset.done $0x0  }
0x24: {  	[sflag:s19] =	ssyncadd.s32 $0xFFFFEC00  }
0x25: {  	[spmem:s8] =	stream.linear.scatter [tilespmem:s4], [sflag:$0xB], $0x1400, $0x38;
	[tilespmem:$0x15220] =	vst v63  }
0x26: {  	_ =	swait.ge [sflag:s19], $0x1400  }
0x27: {  	[sflag:s19] =	ssyncset.done $0x0  }
0x28: {  	s12 =	rddreg [dreg:$0x6];
	[sflag:s19] =	ssyncadd.s32 $0xFFFFEC00  }
0x29: {  	[spmem:s12] =	stream.linear.scatter [tilespmem:s4], [sflag:$0xB], $0x1400, $0x38;
	[tilespmem:$0x15220] =	vst v63  }
0x2a: {  	_ =	swait.ge [sflag:s19], $0x1400  }
0x2b: {  	[sflag:s19] =	ssyncset.done $0x0  }
0x2c: {  	s11 =	rddreg [dreg:$0x7];
	[sflag:s19] =	ssyncadd.s32 $0xFFFFEC00  }
0x2d: {  	[spmem:s11] =	stream.linear.scatter [tilespmem:s4], [sflag:$0xB], $0x1400, $0x38;
	[tilespmem:$0x15220] =	vst v63  }
0x2e: {  	_ =	swait.ge [sflag:s19], $0x1400  }
0x2f: {  	[sflag:s19] =	ssyncset.done $0x0  }
0x30: {  	s12 =	rddreg [dreg:$0x8];
	[sflag:s19] =	ssyncadd.s32 $0xFFFFEC00  }
0x31: {  	[spmem:s12] =	stream.linear.scatter [tilespmem:s4], [sflag:$0xB], $0x1400, $0x38;
	[tilespmem:$0x15220] =	vst v63  }
0x32: {  	_ =	swait.ge [sflag:s19], $0x1400  }
0x33: {  	[sflag:s19] =	ssyncset.done $0x0  }
0x34: {  	s11 =	rddreg [dreg:$0x9];
	[sflag:s19] =	ssyncadd.s32 $0xFFFFEC00  }
0x35: {  	[spmem:s11] =	stream.linear.scatter [tilespmem:s4], [sflag:$0xB], $0x1400, $0x38;
	[tilespmem:$0x15220] =	vst v63  }
0x36: {  	_ =	swait.ge [sflag:s19], $0x1400  }
0x37: {  	[sflag:s19] =	ssyncset.done $0x0  }
0x38: {  	[sflag:s19] =	ssyncadd.s32 $0xFFFFEC00  }
0x39: {  	[spmem:s13] =	stream.linear.scatter [tilespmem:s4], [sflag:$0xB], $0x1400, $0x38;
	[tilespmem:$0x15220] =	vst v63  }
0x3a: {  	_ =	swait.ge [sflag:s19], $0x1400  }
0x3b: {  	[sflag:s19] =	ssyncset.done $0x0  }
0x3c: {  	[sflag:s19] =	ssyncadd.s32 $0xFFFFEC00  }
0x3d: {  	[spmem:s14] =	stream.linear.scatter [tilespmem:s4], [sflag:$0xB], $0x1400, $0x38;
	[tilespmem:$0x15220] =	vst v63  }
0x3e: {  	_ =	swait.ge [sflag:s19], $0x1400  }
0x3f: {  	[sflag:s19] =	ssyncset.done $0x0  }
0x40: {  	[sflag:s19] =	ssyncadd.s32 $0xFFFFEC00  }
0x41: {  	[spmem:s15] =	stream.linear.scatter [tilespmem:s4], [sflag:$0xB], $0x1400, $0x38;
	[tilespmem:$0x15220] =	vst v63  }
0x42: {  	_ =	swait.ge [sflag:s19], $0x1400  }
0x43: {  	[sflag:s19] =	ssyncset.done $0x0  }
0x44: {  	[sflag:s19] =	ssyncadd.s32 $0xFFFFEC00  }
0x45: {  	[bflag:$0x0] =	sbarrier.arrive $0xFFFF  }
0x46: {  	[tilespmem:s4], [sflag:$0x1] =	stream.indirect.gather [hbm4b:s5+s21], $0x40, s18, s21, $0xb8;
	[tilespmem:$0x15220] =	vst v63  }
0x47: {  	s12 =	simm.s32 $0x6450  }
0x48: {  	[tilespmem:s23], [sflag:$0x2] =	stream.indirect.gather [hbm4b:s5+s21], $0x40, s12, s21, $0xb8;
	[tilespmem:$0x15220] =	vst v63  }
0x49: {  	s11 =	simm.s32 $0x64A0  }
0x4a: {  	[tilespmem:s25], [sflag:$0x3] =	stream.indirect.gather [hbm4b:s5+s21], $0x40, s11, s21, $0xb8;
	[tilespmem:$0x15220] =	vst v63  }
0x4b: {  	s12 =	simm.s32 $0x64F0  }
0x4c: {  	[tilespmem:s28], [sflag:$0x4] =	stream.indirect.gather [hbm4b:s5+s21], $0x40, s12, s21, $0xb8;
	[tilespmem:$0x15220] =	vst v63  }
0x4d: {  	s11 =	simm.s32 $0x6540  }
0x4e: {  	[tilespmem:s30], [sflag:$0x5] =	stream.indirect.gather [hbm4b:s5+s21], $0x40, s11, s21, $0xb8;
	[tilespmem:$0x15220] =	vst v63  }
0x4f: {  	_ =	swait.ge [sflag:s31], $0x1400  }
0x50: {  	[sflag:s31] =	ssyncset.done $0x0  }
0x51: {  	[sflag:s31] =	ssyncadd.s32 $0xFFFFEC00  }
0x52: {  	[spmem:s3] =	stream.indirect.scatter.add.f32 [tilespmem:s4], [sflag:$0x6], $0x40, s20, s21, $0xb8;
	[tilespmem:$0x15220] =	vst v63  }
0x53: {  	_ =	swait.ge [sflag:s0], $0x1400  }
0x54: {  	[sflag:s0] =	ssyncset.done $0x0  }
0x55: {  	s12 =	simm.s32 $0x8B60;
	[sflag:s0] =	ssyncadd.s32 $0xFFFFEC00  }
0x56: {  	[spmem:s3] =	stream.indirect.scatter.add.f32 [tilespmem:s23], [sflag:$0x7], $0x40, s12, s21, $0xb8;
	[tilespmem:$0x15220] =	vst v63  }
0x57: {  	_ =	swait.ge [sflag:s1], $0x1400  }
0x58: {  	[sflag:s1] =	ssyncset.done $0x0  }
0x59: {  	s11 =	simm.s32 $0x8BB0;
	[sflag:s1] =	ssyncadd.s32 $0xFFFFEC00  }
0x5a: {  	[spmem:s3] =	stream.indirect.scatter.add.f32 [tilespmem:s25], [sflag:$0x8], $0x40, s11, s21, $0xb8;
	[tilespmem:$0x15220] =	vst v63  }
0x5b: {  	_ =	swait.ge [sflag:s24], $0x1400  }
0x5c: {  	[sflag:s24] =	ssyncset.done $0x0  }
0x5d: {  	s12 =	simm.s32 $0x8C00;
	[sflag:s24] =	ssyncadd.s32 $0xFFFFEC00  }
0x5e: {  	[spmem:s3] =	stream.indirect.scatter.add.f32 [tilespmem:s28], [sflag:$0x9], $0x40, s12, s21, $0xb8;
	[tilespmem:$0x15220] =	vst v63  }
0x5f: {  	_ =	swait.ge [sflag:s29], $0x1400  }
0x60: {  	[sflag:s29] =	ssyncset.done $0x0  }
0x61: {  	s11 =	simm.s32 $0x8C50;
	[sflag:s29] =	ssyncadd.s32 $0xFFFFEC00  }
0x62: {  	[spmem:s3] =	stream.indirect.scatter.add.f32 [tilespmem:s30], [sflag:$0xA], $0x40, s11, s21, $0xb8;
	[tilespmem:$0x15220] =	vst v63  }
0x63: {  	_ =	swait.ge [sflag:s22], $0x1400  }
0x64: {  	[sflag:s22] =	ssyncset.done $0x0  }
0x65: {  	[sflag:s22] =	ssyncadd.s32 $0xFFFFEC00  }
0x66: {  	_ =	swait.ge [sflag:s26], $0x1400  }
0x67: {  	[sflag:s26] =	ssyncset.done $0x0  }
0x68: {  	[sflag:s26] =	ssyncadd.s32 $0xFFFFEC00  }
0x69: {  	_ =	swait.ge [sflag:s2], $0x1400  }
0x6a: {  	[sflag:s2] =	ssyncset.done $0x0  }
0x6b: {  	[sflag:s2] =	ssyncadd.s32 $0xFFFFEC00  }
0x6c: {  	_ =	swait.ge [sflag:s6], $0x1400  }
0x6d: {  	[sflag:s6] =	ssyncset.done $0x0  }
0x6e: {  	[sflag:s6] =	ssyncadd.s32 $0xFFFFEC00  }
0x6f: {  	_ =	swait.ge [sflag:s7], $0x1400  }
0x70: {  	[sflag:s7] =	ssyncset.done $0x0  }
0x71: {  	s12 =	simm.s32 $0x6590;
	[sflag:s7] =	ssyncadd.s32 $0xFFFFEC00  }
0x72: {  	[tilespmem:s4], [sflag:$0x1] =	stream.indirect.gather [hbm4b:s5+s21], $0x40, s12, s21, $0xb8;
	[tilespmem:$0x15220] =	vst v63  }
0x73: {  	s11 =	simm.s32 $0x65E0  }
0x74: {  	[tilespmem:s23], [sflag:$0x2] =	stream.indirect.gather [hbm4b:s5+s21], $0x40, s11, s21, $0xb8;
	[tilespmem:$0x15220] =	vst v63  }
0x75: {  	s12 =	simm.s32 $0x6630  }
0x76: {  	[tilespmem:s25], [sflag:$0x3] =	stream.indirect.gather [hbm4b:s5+s21], $0x40, s12, s21, $0xb8;
	[tilespmem:$0x15220] =	vst v63  }
0x77: {  	s11 =	simm.s32 $0x6680  }
0x78: {  	[tilespmem:s28], [sflag:$0x4] =	stream.indirect.gather [hbm4b:s5+s21], $0x40, s11, s21, $0xb8;
	[tilespmem:$0x15220] =	vst v63  }
0x79: {  	s12 =	simm.s32 $0x66D0  }
0x7a: {  	[tilespmem:s30], [sflag:$0x5] =	stream.indirect.gather [hbm4b:s5+s21], $0x40, s12, s21, $0xb8;
	[tilespmem:$0x15220] =	vst v63  }
0x7b: {  	_ =	swait.ge [sflag:s31], $0x1400  }
0x7c: {  	[sflag:s31] =	ssyncset.done $0x0  }
0x7d: {  	s11 =	simm.s32 $0x8CA0;
	[sflag:s31] =	ssyncadd.s32 $0xFFFFEC00  }
0x7e: {  	[spmem:s3] =	stream.indirect.scatter.add.f32 [tilespmem:s4], [sflag:$0x6], $0x40, s11, s21, $0xb8;
	[tilespmem:$0x15220] =	vst v63  }
0x7f: {  	_ =	swait.ge [sflag:s0], $0x1400  }
0x80: {  	[sflag:s0] =	ssyncset.done $0x0  }
0x81: {  	s12 =	simm.s32 $0x8CF0;
	[sflag:s0] =	ssyncadd.s32 $0xFFFFEC00  }
0x82: {  	[spmem:s3] =	stream.indirect.scatter.add.f32 [tilespmem:s23], [sflag:$0x7], $0x40, s12, s21, $0xb8;
	[tilespmem:$0x15220] =	vst v63  }
0x83: {  	_ =	swait.ge [sflag:s1], $0x1400  }
0x84: {  	[sflag:s1] =	ssyncset.done $0x0  }
0x85: {  	s11 =	simm.s32 $0x8D40;
	[sflag:s1] =	ssyncadd.s32 $0xFFFFEC00  }
0x86: {  	[spmem:s3] =	stream.indirect.scatter.add.f32 [tilespmem:s25], [sflag:$0x8], $0x40, s11, s21, $0xb8;
	[tilespmem:$0x15220] =	vst v63  }
0x87: {  	_ =	swait.ge [sflag:s24], $0x1400  }
0x88: {  	[sflag:s24] =	ssyncset.done $0x0  }
0x89: {  	s12 =	simm.s32 $0x8D90;
	[sflag:s24] =	ssyncadd.s32 $0xFFFFEC00  }
0x8a: {  	[spmem:s3] =	stream.indirect.scatter.add.f32 [tilespmem:s28], [sflag:$0x9], $0x40, s12, s21, $0xb8;
	[tilespmem:$0x15220] =	vst v63  }
0x8b: {  	_ =	swait.ge [sflag:s29], $0x1400  }
0x8c: {  	[sflag:s29] =	ssyncset.done $0x0  }
0x8d: {  	s10 =	simm.s32 $0x640;
	s11 =	simm.s32 $0x8DE0;
	[sflag:s29] =	ssyncadd.s32 $0xFFFFEC00  }
.LBB2_2:
0x8e: {  	[spmem:s3] =	stream.indirect.scatter.add.f32 [tilespmem:s30], [sflag:$0xA], $0x40, s11, s21, $0xb8;
	[tilespmem:$0x15220] =	vst v63  }
0x8f: {  	s11 =	smov.u32 s10  }
0x90: {  	p0 =	sne.s32 s10, $0x8FC0;
	s10 =	sadd.s32 $0x640, s10;
	_ =	swait.ge [sflag:s22], $0x1400  }
0x91: {  	[sflag:s22] =	ssyncset.done $0x0  }
0x92: {  	[sflag:s22] =	ssyncadd.s32 $0xFFFFEC00  }
0x93: {  	_ =	swait.ge [sflag:s26], $0x1400  }
0x94: {  	[sflag:s26] =	ssyncset.done $0x0  }
0x95: {  	[sflag:s26] =	ssyncadd.s32 $0xFFFFEC00  }
0x96: {  	_ =	swait.ge [sflag:s2], $0x1400  }
0x97: {  	[sflag:s2] =	ssyncset.done $0x0  }
0x98: {  	[sflag:s2] =	ssyncadd.s32 $0xFFFFEC00  }
0x99: {  	_ =	swait.ge [sflag:s6], $0x1400  }
0x9a: {  	[sflag:s6] =	ssyncset.done $0x0  }
0x9b: {  	[sflag:s6] =	ssyncadd.s32 $0xFFFFEC00  }
0x9c: {  	_ =	swait.ge [sflag:s7], $0x1400  }
0x9d: {  	s11 =	sshra.s32 s11, $0x2;
	[sflag:s7] =	ssyncset.done $0x0  }
0x9e: {  	s12 =	sadd.s32 $0x6590, s11;
	[sflag:s7] =	ssyncadd.s32 $0xFFFFEC00  }
0x9f: {  	[tilespmem:s4], [sflag:$0x1] =	stream.indirect.gather [hbm4b:s5+s21], $0x40, s12, s21, $0xb8;
	[tilespmem:$0x15220] =	vst v63  }
0xa0: {  	s12 =	sadd.s32 $0x65E0, s11  }
0xa1: {  	[tilespmem:s23], [sflag:$0x2] =	stream.indirect.gather [hbm4b:s5+s21], $0x40, s12, s21, $0xb8;
	[tilespmem:$0x15220] =	vst v63  }
0xa2: {  	s12 =	sadd.s32 $0x6630, s11  }
0xa3: {  	[tilespmem:s25], [sflag:$0x3] =	stream.indirect.gather [hbm4b:s5+s21], $0x40, s12, s21, $0xb8;
	[tilespmem:$0x15220] =	vst v63  }
0xa4: {  	s12 =	sadd.s32 $0x6680, s11  }
0xa5: {  	[tilespmem:s28], [sflag:$0x4] =	stream.indirect.gather [hbm4b:s5+s21], $0x40, s12, s21, $0xb8;
	[tilespmem:$0x15220] =	vst v63  }
0xa6: {  	s12 =	sadd.s32 $0x66D0, s11  }
0xa7: {  	[tilespmem:s30], [sflag:$0x5] =	stream.indirect.gather [hbm4b:s5+s21], $0x40, s12, s21, $0xb8;
	[tilespmem:$0x15220] =	vst v63  }
0xa8: {  	_ =	swait.ge [sflag:s31], $0x1400  }
0xa9: {  	[sflag:s31] =	ssyncset.done $0x0  }
0xaa: {  	s12 =	sadd.s32 $0x8CA0, s11;
	[sflag:s31] =	ssyncadd.s32 $0xFFFFEC00  }
0xab: {  	[spmem:s3] =	stream.indirect.scatter.add.f32 [tilespmem:s4], [sflag:$0x6], $0x40, s12, s21, $0xb8;
	[tilespmem:$0x15220] =	vst v63  }
0xac: {  	_ =	swait.ge [sflag:s0], $0x1400  }
0xad: {  	[sflag:s0] =	ssyncset.done $0x0  }
0xae: {  	s12 =	sadd.s32 $0x8CF0, s11;
	[sflag:s0] =	ssyncadd.s32 $0xFFFFEC00  }
0xaf: {  	[spmem:s3] =	stream.indirect.scatter.add.f32 [tilespmem:s23], [sflag:$0x7], $0x40, s12, s21, $0xb8;
	[tilespmem:$0x15220] =	vst v63  }
0xb0: {  	_ =	swait.ge [sflag:s1], $0x1400  }
0xb1: {  	[sflag:s1] =	ssyncset.done $0x0  }
0xb2: {  	s12 =	sadd.s32 $0x8D40, s11;
	[sflag:s1] =	ssyncadd.s32 $0xFFFFEC00  }
0xb3: {  	[spmem:s3] =	stream.indirect.scatter.add.f32 [tilespmem:s25], [sflag:$0x8], $0x40, s12, s21, $0xb8;
	[tilespmem:$0x15220] =	vst v63  }
0xb4: {  	_ =	swait.ge [sflag:s24], $0x1400  }
0xb5: {  	[sflag:s24] =	ssyncset.done $0x0  }
.Ltmp0:
0xb6: {  	s12 =	sadd.s32 $0x8D90, s11;
	[sflag:s24] =	ssyncadd.s32 $0xFFFFEC00;
	(pc) =	sbr.rel @p0 .LBB2_2-.Ltmp0, $4  }
0xb7: {  	[spmem:s3] =	stream.indirect.scatter.add.f32 [tilespmem:s28], [sflag:$0x9], $0x40, s12, s21, $0xb8;
	[tilespmem:$0x15220] =	vst v63  }
0xb8: {  	_ =	swait.ge [sflag:s29], $0x1400  }
0xb9: {  	[sflag:s29] =	ssyncset.done $0x0  }
0xba: {  	s11 =	sadd.s32 $0x8DE0, s11;
	[sflag:s29] =	ssyncadd.s32 $0xFFFFEC00  }
0xbb: {  	[spmem:s3] =	stream.indirect.scatter.add.f32 [tilespmem:s30], [sflag:$0xA], $0x40, s11, s21, $0xb8;
	[tilespmem:$0x15220] =	vst v63  }
0xbc: {  	_ =	swait.ge [sflag:s22], $0x1400  }
0xbd: {  	[sflag:s22] =	ssyncset.done $0x0  }
0xbe: {  	[sflag:s22] =	ssyncadd.s32 $0xFFFFEC00  }
0xbf: {  	_ =	swait.ge [sflag:s26], $0x1400  }
0xc0: {  	[sflag:s26] =	ssyncset.done $0x0  }
0xc1: {  	[sflag:s26] =	ssyncadd.s32 $0xFFFFEC00  }
0xc2: {  	_ =	swait.ge [sflag:s2], $0x1400  }
0xc3: {  	[sflag:s2] =	ssyncset.done $0x0  }
0xc4: {  	[sflag:s2] =	ssyncadd.s32 $0xFFFFEC00  }
0xc5: {  	_ =	swait.ge [sflag:s6], $0x1400  }
0xc6: {  	[sflag:s6] =	ssyncset.done $0x0  }
0xc7: {  	[sflag:s6] =	ssyncadd.s32 $0xFFFFEC00  }
0xc8: {  	s10 =	stileid.u32;
	_ =	swait.ge [sflag:s7], $0x1400  }
0xc9: {  	s12 =	sshrl.u32 s8, $0x3;
	s9 =	sadd.s32 $0x1, s9;
	[sflag:s7] =	ssyncset.done $0x0  }
0xca: {  	s10 =	sshll.u32 s10, $0x6;
	p0 =	sne.s32 s9, s17;
	[sflag:s7] =	ssyncadd.s32 $0xFFFFEC00  }
.Ltmp1:
0xcb: {  	s10 =	sor.u32 $0x1C0B, s10;
	[bflag:$0x0] =	sbarrier.arrive $0xFFFF;
	(pc) =	sbr.rel @p0 .LBB2_1-.Ltmp1, $4  }
0xcc: {  	[hbm:s16], [sflag:s10] =	dma.local [spmem:s12], $0x1400  }
0xcd: {  	_ =	swait.ge [sflag:s19], $0x1400  }
0xce: {  	[sflag:s19] =	ssyncset.done $0x0  }
0xcf: {  	[sflag:s19] =	ssyncadd.s32 $0xFFFFEC00  }
0xd0: {  	_ =	sfence.sel $0x180000  }
0xd1: {  	[bflag:$0x0] =	sbarrier.arrive $0xFFFF  }
0xd2: {  	_ =	strace $0x90000050  }
0xd3: {  	s0 =	stileid.u32;
	[bflag:$0x2] =	sbarrier.arrive $0xFFFF  }
0xd4: {  	p0 =	sne.s32 s0, $0x0;
	s0 =	rddreg [dreg:$0x3]  }
0xd5: {  	s0 =	sadd.s32 @!p0 $0x100000, s0  }
0xd6: {  	[sflag:s0] =	ssyncadd.tile.s32 @!p0 $0x1;
	_ =	shalt  }
.Lfunc_end2:
_tile_overlayer_lowered:
.L_overlay_start_2:
0xd7: {  	(tag) =	ssettag $0x2  }
0xd8: {  	s0 =	rddreg [dreg:$0x0];
	s2 =	stileid.u32  }
0xd9: {  	s1 =	rddreg [dreg:$0x1];
	p0 =	sne.s32 s2, $0x0  }
0xda: {  	s3 =	rddreg [dreg:$0x2];
	[bflag:$0x3] =	sbarrier.arrive $0xFFFF;
	s2 =	simm.s32 @!p0 $0x1C0B  }
0xdb: {  	[timem:s3], [sflag:s2] =	dma.local @!p0 [hbm:s0], s1  }
0xdc: {  	s0 =	simm.s32 @!p0 $0xB  }
0xdd: {  	_ =	swait.ge @!p0 [sflag:s0], s1  }
0xde: {  	s1 =	ssub.s32 @!p0 $0x0, s1;
	[sflag:s0] =	ssyncset.done @!p0 $0x0  }
0xdf: {  	[sflag:s0] =	ssyncadd.s32 @!p0 s1  }
0xe0: {  	[bflag:$0x3] =	sbarrier.arrive $0xFFFF  }
0xe1: {  	_ =	shalt  }

</sc_bundles>
